<compile_context>
chip_gen: v7x
topology: tpu7x:2x2x1
jax: 0.10.2.dev20260603
libtpu: 0.0.44.dev20260713+nightly
codegen_flags: <defaults>
</compile_context>

<pallas_src>
import jax
import jax.numpy as jnp
import numpy as np
from jax import lax
from jax.experimental import pallas as pl
from jax.experimental.pallas import tpu as pltpu
from jax.experimental.pallas import tpu_sc as plsc

_N_NODES = 100000
_D = 128
_BATCH = 1024
_F0 = 25
_F1 = 10

_NC = 2
_NS = 16
_NW = _NC * _NS
_BW = _BATCH // _NW
_NT = _BW // 16
_QS = [(0, 128), (128, 128), (256, 64)]
_QMAP = {j1: next((q, qs) for q, (qs, ql) in enumerate(_QS)
                 if qs <= j1 * _BW < qs + ql)
         for j1 in range(_F1)}
_Q1 = [(o, min(128, _F0 * _BW - o)) for o in range(0, _F0 * _BW, 128)]


def _sc_body(inputs_hbm, features_hbm, nbrflat_hbm,
             g0_hbm, g1_hbm, agg1_hbm,
             in_idx_v, g0_v, acc_v, s1all_v, *rest):
    nq = len(_QS)
    n1 = len(_Q1)
    i = 0
    s1idx7 = rest[i:i + n1]; i += n1
    s1ids7 = rest[i:i + n1]; i += n1
    s1c = rest[i:i + 2]; i += 2
    s2idx = [rest[i:i + nq], rest[i + nq:i + 2 * nq]]; i += 2 * nq
    s2ids = [rest[i:i + nq], rest[i + nq:i + 2 * nq]]; i += 2 * nq
    featc = [rest[i:i + nq], rest[i + nq:i + 2 * nq]]; i += 2 * nq
    g1c = rest[i:i + 2]; i += 2
    sem_g0 = rest[i]; i += 1
    sem_f1 = rest[i]; i += 1
    sem_f2 = rest[i:i + 2]; i += 2
    sem_f3 = rest[i:i + 2]; i += 2
    sem_g1 = rest[i:i + 2]; i += 2

    wid = lax.axis_index("s") * _NC + lax.axis_index("c")
    base = wid * _BW

    def fill_s1c(j2, b):
        for t in range(_NT):
            s1c[b][pl.ds(t * 16, 16)] = s1all_v[pl.ds(j2 * _BW + t * 16, 16)]

    def fire_f2(b):
        for q, (qs, ql) in enumerate(_QS):
            for t in range(ql // 16):
                g = qs + t * 16
                j1 = g // _BW
                tt = (g % _BW) // 16
                v = s1c[b][pl.ds(tt * 16, 16)]
                s2idx[b][q][pl.ds(t * 16, 16)] = v + j1 * _N_NODES
        for q in range(nq):
            pltpu.async_copy(nbrflat_hbm.at[s2idx[b][q]], s2ids[b][q],
                             sem_f2[b])

    def wait_f2(b):
        for q in range(nq):
            pltpu.make_async_copy(
                nbrflat_hbm.at[s2idx[b][q]], s2ids[b][q], sem_f2[b]).wait()

    def fire_f3(b):
        for q in range(nq):
            pltpu.async_copy(features_hbm.at[s2ids[b][q]], featc[b][q],
                             sem_f3[b])

    def wait_f3(b):
        for q in range(nq):
            pltpu.make_async_copy(
                features_hbm.at[s2ids[b][q]], featc[b][q], sem_f3[b]).wait()

    def fire_g1(b):
        pltpu.async_copy(features_hbm.at[s1c[b]], g1c[b], sem_g1[b])

    def wait_g1(b):
        pltpu.make_async_copy(
            features_hbm.at[s1c[b]], g1c[b], sem_g1[b]).wait()

    def write_g1(j2, b):
        pltpu.sync_copy(g1c[b], g1_hbm.at[pl.ds(j2 * _BATCH + base, _BW)])

    def segsum_write(j2, b):
        def p_body(p, carry):
            for k in range(_D // 16):
                a = None
                for j1 in range(_F1):
                    g = j1 * _BW
                    q, qoff = _QMAP[j1]
                    x = featc[b][q][g - qoff + p, pl.ds(k * 16, 16)]
                    a = x if a is None else a + x
                acc_v[p, pl.ds(k * 16, 16)] = a * (1.0 / _F1)
            return carry
        lax.fori_loop(0, _BW, p_body, 0)
        pltpu.sync_copy(acc_v, agg1_hbm.at[pl.ds(j2 * _BATCH + base, _BW)])

    pltpu.sync_copy(inputs_hbm.at[pl.ds(base, _BW)], in_idx_v)
    cp_g0 = pltpu.async_copy(features_hbm.at[in_idx_v], g0_v, sem_g0)
    for q, (qs, ql) in enumerate(_Q1):
        for t in range(ql // 16):
            g = qs + t * 16
            j2 = g // _BW
            tt = (g % _BW) // 16
            v = in_idx_v[pl.ds(tt * 16, 16)]
            s1idx7[q][pl.ds(t * 16, 16)] = v + j2 * _N_NODES
    for q in range(n1):
        pltpu.async_copy(nbrflat_hbm.at[s1idx7[q]], s1ids7[q], sem_f1)
    cp_g0.wait()
    pltpu.sync_copy(g0_v, g0_hbm.at[pl.ds(base, _BW)])
    for q in range(n1):
        pltpu.make_async_copy(
            nbrflat_hbm.at[s1idx7[q]], s1ids7[q], sem_f1).wait()
    for q, (qs, ql) in enumerate(_Q1):
        for t in range(ql // 16):
            s1all_v[pl.ds(qs + t * 16, 16)] = s1ids7[q][pl.ds(t * 16, 16)]

    fill_s1c(0, 0)
    fire_f2(0)
    fill_s1c(1, 1)
    fire_f2(1)
    wait_f2(0)
    fire_f3(0)
    fire_g1(0)

    def step(jc, b, guard):
        nb = 1 - b
        wait_g1(b)
        write_g1(jc, b)
        wait_f2(nb)
        fire_f3(nb)
        fire_g1(nb)
        wait_f3(b)
        if guard is None:
            fill_s1c(jc + 2, b)
            fire_f2(b)
        else:
            @pl.when(guard)
            def _():
                fill_s1c(jc + 2, b)
                fire_f2(b)
        segsum_write(jc, b)

    def pair_body(m, carry):
        jc0 = m * 2
        step(jc0, 0, None)
        step(jc0 + 1, 1, m < (_F0 - 1) // 2 - 1)
        return carry

    lax.fori_loop(0, (_F0 - 1) // 2, pair_body, 0)
    wait_g1(0)
    write_g1(_F0 - 1, 0)
    wait_f3(0)
    segsum_write(_F0 - 1, 0)


def _sc_gather(inputs, features, neighbor_table):
    mesh = plsc.VectorSubcoreMesh(core_axis_name="c", subcore_axis_name="s")
    f32 = jnp.float32
    scratch = [
        pltpu.VMEM((_BW,), jnp.int32),
        pltpu.VMEM((_BW, _D), f32),
        pltpu.VMEM((_BW, _D), f32),
        pltpu.VMEM((_F0 * _BW,), jnp.int32),
    ]
    scratch += [pltpu.VMEM((ql,), jnp.int32) for _, ql in _Q1]
    scratch += [pltpu.VMEM((ql,), jnp.int32) for _, ql in _Q1]
    scratch += [pltpu.VMEM((_BW,), jnp.int32) for _ in range(2)]
    for _ in range(2):
        scratch += [pltpu.VMEM((ql,), jnp.int32) for _, ql in _QS]
    for _ in range(2):
        scratch += [pltpu.VMEM((ql,), jnp.int32) for _, ql in _QS]
    for _ in range(2):
        scratch += [pltpu.VMEM((ql, _D), f32) for _, ql in _QS]
    scratch += [pltpu.VMEM((_BW, _D), f32) for _ in range(2)]
    scratch += [pltpu.SemaphoreType.DMA] * 8
    k = pl.kernel(
        _sc_body,
        out_type=(
            jax.ShapeDtypeStruct((_BATCH, _D), f32),
            jax.ShapeDtypeStruct((_F0 * _BATCH, _D), f32),
            jax.ShapeDtypeStruct((_F0 * _BATCH, _D), f32),
        ),
        mesh=mesh,
        compiler_params=pltpu.CompilerParams(use_tc_tiling_on_sc=True),
        scratch_types=scratch,
    )
    nbr_flat = neighbor_table.T.reshape(-1)
    return k(inputs, features, nbr_flat)


_P = 256


def _tc1_body(g1_ref, agg1_ref, ws_ref, wn_ref, aggo_ref, agg0_ref):
    x = g1_ref[...].reshape(_F0 * _P, _D)
    a = agg1_ref[...].reshape(_F0 * _P, _D)
    out1 = jnp.maximum(
        jnp.dot(x, ws_ref[...], preferred_element_type=jnp.float32)
        + jnp.dot(a, wn_ref[...], preferred_element_type=jnp.float32), 0.0)
    aggo = out1[0:_P]
    agg0 = x[0:_P]
    for j2 in range(1, _F0):
        aggo = aggo + out1[j2 * _P:(j2 + 1) * _P]
        agg0 = agg0 + x[j2 * _P:(j2 + 1) * _P]
    aggo_ref[...] = aggo * (1.0 / _F0)
    agg0_ref[...] = agg0 * (1.0 / _F0)


def _tc1(g1cm, agg1cm, W_self0, W_neigh0):
    n_blk = _BATCH // _P
    return pl.pallas_call(
        _tc1_body,
        grid=(n_blk,),
        in_specs=[
            pl.BlockSpec((_F0, _P, _D), lambda i: (0, i, 0)),
            pl.BlockSpec((_F0, _P, _D), lambda i: (0, i, 0)),
            pl.BlockSpec((_D, _D), lambda i: (0, 0)),
            pl.BlockSpec((_D, _D), lambda i: (0, 0)),
        ],
        out_specs=[
            pl.BlockSpec((_P, _D), lambda i: (i, 0)),
            pl.BlockSpec((_P, _D), lambda i: (i, 0)),
        ],
        out_shape=[
            jax.ShapeDtypeStruct((_BATCH, _D), jnp.float32),
            jax.ShapeDtypeStruct((_BATCH, _D), jnp.float32),
        ],
    )(g1cm, agg1cm, W_self0, W_neigh0)


def _tc2_body(g0_ref, agg0_ref, aggo_ref, ws0_ref, wn0_ref, ws1_ref, wn1_ref,
              out_ref):
    out0 = jnp.maximum(
        jnp.dot(g0_ref[...], ws0_ref[...], preferred_element_type=jnp.float32)
        + jnp.dot(agg0_ref[...], wn0_ref[...], preferred_element_type=jnp.float32),
        0.0)
    out_ref[...] = (
        jnp.dot(out0, ws1_ref[...], preferred_element_type=jnp.float32)
        + jnp.dot(aggo_ref[...], wn1_ref[...], preferred_element_type=jnp.float32))


def _tc2(g0, agg0, aggo, W_self0, W_neigh0, W_self1, W_neigh1):
    return pl.pallas_call(
        _tc2_body,
        out_shape=jax.ShapeDtypeStruct((_BATCH, _D), jnp.float32),
    )(g0, agg0, aggo, W_self0, W_neigh0, W_self1, W_neigh1)


def kernel(inputs, features, neighbor_table, W_self0, W_neigh0, W_self1,
           W_neigh1):
    inputs = inputs.astype(jnp.int32)
    neighbor_table = neighbor_table.astype(jnp.int32)
    g0, g1cm, agg1cm = _sc_gather(inputs, features, neighbor_table)
    g1cm = g1cm.reshape(_F0, _BATCH, _D)
    agg1cm = agg1cm.reshape(_F0, _BATCH, _D)
    aggo1, agg0 = _tc1(g1cm, agg1cm, W_self0, W_neigh0)
    return _tc2(g0, agg0, aggo1, W_self0, W_neigh0, W_self1, W_neigh1)

# --- scband reference (transcript-rebuilt; emitter-appended) ---
"""Pipeline reference for scband-sage-encoder-78735340470386 (READ-ONLY COPY).

The authoritative reference and input builder live on the scoring server;
editing this copy changes nothing except your own understanding.
"""

import jax, jax.numpy as jnp
import numpy as np

N_NODES = 100000
FEAT_DIM = 128
DIM = 128
FANOUTS = [25, 10]
BATCH = 1024


def setup_inputs(seed: int = 0) -> dict:
    key = jax.random.key(seed)
    ks = jax.random.split(key, 7)
    inputs = jax.random.randint(ks[0], (BATCH,), 0, N_NODES)
    neighbor_table = jax.random.randint(ks[1], (N_NODES, max(FANOUTS)), 0, N_NODES)
    features = jax.random.normal(ks[2], (N_NODES, FEAT_DIM), dtype=jnp.float32) * 0.1
    s0 = 1.0 / np.sqrt(FEAT_DIM)
    s1 = 1.0 / np.sqrt(DIM)
    W_self0 = jax.random.normal(ks[3], (FEAT_DIM, DIM), dtype=jnp.float32) * s0
    W_neigh0 = jax.random.normal(ks[4], (FEAT_DIM, DIM), dtype=jnp.float32) * s0
    W_self1 = jax.random.normal(ks[5], (DIM, DIM), dtype=jnp.float32) * s1
    W_neigh1 = jax.random.normal(ks[6], (DIM, DIM), dtype=jnp.float32) * s1
    return {
        "inputs": inputs,
        "features": features,
        "neighbor_table": neighbor_table,
        "W_self0": W_self0,
        "W_neigh0": W_neigh0,
        "W_self1": W_self1,
        "W_neigh1": W_neigh1,
    }


def reference(inputs, features, neighbor_table, W_self0, W_neigh0, W_self1, W_neigh1):
    # Emulates euler_ops.sample_fanout: multi-hop neighbor sampling from a
    # precomputed neighbor table (gather), and euler_ops.get_dense_feature:
    # feature gather from the node feature table.
    dims = [FEAT_DIM, DIM, DIM]
    num_layers = 2
    samples = [inputs]
    for f in FANOUTS:
        neigh = jnp.take(neighbor_table, samples[-1], axis=0)[:, :f].reshape(-1)
        samples.append(neigh)
    # node_encoder: dense feature lookup (use_feature=True, use_id=False)
    hidden = [jnp.take(features, s, axis=0) for s in samples]
    Ws = [(W_self0, W_neigh0), (W_self1, W_neigh1)]
    for layer in range(num_layers):
        W_self, W_neigh = Ws[layer]
        next_hidden = []
        for hop in range(num_layers - layer):
            self_embed = hidden[hop]
            neigh_embed = hidden[hop + 1].reshape(-1, FANOUTS[hop], dims[layer])
            # MeanAggregator: mean over neighbors, two dense projections, add (concat=False)
            agg = jnp.mean(neigh_embed, axis=1)
            out = self_embed @ W_self + agg @ W_neigh
            if layer < num_layers - 1:
                out = jax.nn.relu(out)
            next_hidden.append(out)
        hidden = next_hidden
    return hidden[0].reshape(inputs.shape[0], dims[-1])

if __name__ == "__main__":
    import jax
    _d = setup_inputs()
    print(jax.jit(kernel)(*tuple(_d.values())))

</pallas_src>

<mosaic_0001>
#map = affine_map<(d0, d1) -> (0)>
#map1 = affine_map<(d0, d1) -> (0, 0)>
module attributes {stable_mosaic.version = 14 : i64} {
  func.func @_sc_body(%arg0: i32, %arg1: i32, %arg2: memref<1024xi32, #tpu.memory_space<hbm>>, %arg3: memref<100000x128xf32, #tpu.memory_space<hbm>>, %arg4: memref<2500000xi32, #tpu.memory_space<hbm>>, %arg5: memref<1024x128xf32, #tpu.memory_space<hbm>>, %arg6: memref<25600x128xf32, #tpu.memory_space<hbm>>, %arg7: memref<25600x128xf32, #tpu.memory_space<hbm>>, %arg8: memref<32xi32, #tpu.memory_space<vmem>>, %arg9: memref<32x128xf32, #tpu.memory_space<vmem>>, %arg10: memref<32x128xf32, #tpu.memory_space<vmem>>, %arg11: memref<800xi32, #tpu.memory_space<vmem>>, %arg12: memref<128xi32, #tpu.memory_space<vmem>>, %arg13: memref<128xi32, #tpu.memory_space<vmem>>, %arg14: memref<128xi32, #tpu.memory_space<vmem>>, %arg15: memref<128xi32, #tpu.memory_space<vmem>>, %arg16: memref<128xi32, #tpu.memory_space<vmem>>, %arg17: memref<128xi32, #tpu.memory_space<vmem>>, %arg18: memref<32xi32, #tpu.memory_space<vmem>>, %arg19: memref<128xi32, #tpu.memory_space<vmem>>, %arg20: memref<128xi32, #tpu.memory_space<vmem>>, %arg21: memref<128xi32, #tpu.memory_space<vmem>>, %arg22: memref<128xi32, #tpu.memory_space<vmem>>, %arg23: memref<128xi32, #tpu.memory_space<vmem>>, %arg24: memref<128xi32, #tpu.memory_space<vmem>>, %arg25: memref<32xi32, #tpu.memory_space<vmem>>, %arg26: memref<32xi32, #tpu.memory_space<vmem>>, %arg27: memref<32xi32, #tpu.memory_space<vmem>>, %arg28: memref<128xi32, #tpu.memory_space<vmem>>, %arg29: memref<128xi32, #tpu.memory_space<vmem>>, %arg30: memref<64xi32, #tpu.memory_space<vmem>>, %arg31: memref<128xi32, #tpu.memory_space<vmem>>, %arg32: memref<128xi32, #tpu.memory_space<vmem>>, %arg33: memref<64xi32, #tpu.memory_space<vmem>>, %arg34: memref<128xi32, #tpu.memory_space<vmem>>, %arg35: memref<128xi32, #tpu.memory_space<vmem>>, %arg36: memref<64xi32, #tpu.memory_space<vmem>>, %arg37: memref<128xi32, #tpu.memory_space<vmem>>, %arg38: memref<128xi32, #tpu.memory_space<vmem>>, %arg39: memref<64xi32, #tpu.memory_space<vmem>>, %arg40: memref<128x128xf32, #tpu.memory_space<vmem>>, %arg41: memref<128x128xf32, #tpu.memory_space<vmem>>, %arg42: memref<64x128xf32, #tpu.memory_space<vmem>>, %arg43: memref<128x128xf32, #tpu.memory_space<vmem>>, %arg44: memref<128x128xf32, #tpu.memory_space<vmem>>, %arg45: memref<64x128xf32, #tpu.memory_space<vmem>>, %arg46: memref<32x128xf32, #tpu.memory_space<vmem>>, %arg47: memref<32x128xf32, #tpu.memory_space<vmem>>, %arg48: memref<!tpu.dma_semaphore, #tpu.memory_space<semaphore_mem>>, %arg49: memref<!tpu.dma_semaphore, #tpu.memory_space<semaphore_mem>>, %arg50: memref<!tpu.dma_semaphore, #tpu.memory_space<semaphore_mem>>, %arg51: memref<!tpu.dma_semaphore, #tpu.memory_space<semaphore_mem>>, %arg52: memref<!tpu.dma_semaphore, #tpu.memory_space<semaphore_mem>>, %arg53: memref<!tpu.dma_semaphore, #tpu.memory_space<semaphore_mem>>, %arg54: memref<!tpu.dma_semaphore, #tpu.memory_space<semaphore_mem>>, %arg55: memref<!tpu.dma_semaphore, #tpu.memory_space<semaphore_mem>>) attributes {dimension_semantics = [#tpu.dimension_semantics<core_parallel>, #tpu.dimension_semantics<subcore_parallel>], iteration_bounds = array<i64: 2, 16>, scalar_prefetch = 0 : i64, scratch_operands = 48 : i64, tpu.core_type = #tpu.core_type<sc_vector_subcore>, window_params = [{transform_indices = #map}, {transform_indices = #map1}, {transform_indices = #map}, {transform_indices = #map1}, {transform_indices = #map1}, {transform_indices = #map1}]} {
    %mul3A = arith.constant 2 : i32
    %mul3A_0 = arith.muli %arg1, %mul3A : i32
    %add3A = arith.addi %mul3A_0, %arg0 : i32
    %mul3A_1 = arith.constant 32 : i32
    %mul3A_2 = arith.muli %add3A, %mul3A_1 : i32
    "tpu.region"() ({
      %run_scoped3A = tpu.sem_alloc : memref<!tpu.dma_semaphore, #tpu.memory_space<semaphore_mem>>
      %dma_start3A_1368 = tpu.memref_slice %arg2[%mul3A_2] : memref<1024xi32, #tpu.memory_space<hbm>> -> memref<32xi32, #tpu.memory_space<hbm>>
      %dma_start3A_1369 = tpu.memref_slice %arg2[%mul3A_2] : memref<1024xi32, #tpu.memory_space<hbm>> -> memref<32xi32, #tpu.memory_space<hbm>>
      tpu.enqueue_dma source(%dma_start3A_1369 : memref<32xi32, #tpu.memory_space<hbm>>) target(%arg8 : memref<32xi32, #tpu.memory_space<vmem>>) target_semaphore(%run_scoped3A : memref<!tpu.dma_semaphore, #tpu.memory_space<semaphore_mem>>)
      %dma_wait3A_1370 = tpu.memref_slice %arg2[%mul3A_2] : memref<1024xi32, #tpu.memory_space<hbm>> -> memref<32xi32, #tpu.memory_space<hbm>>
      %dma_wait3A_1371 = tpu.memref_slice %arg2[%mul3A_2] : memref<1024xi32, #tpu.memory_space<hbm>> -> memref<32xi32, #tpu.memory_space<hbm>>
      tpu.wait_dma2 semaphore(%run_scoped3A : memref<!tpu.dma_semaphore, #tpu.memory_space<semaphore_mem>>) src(%dma_wait3A_1371 : memref<32xi32, #tpu.memory_space<hbm>>) dst(%arg8 : memref<32xi32, #tpu.memory_space<vmem>>)
      tpu.yield
    }) : () -> ()
    %dma_start3A = arith.constant 0 : i32
    %dma_start3A_3 = arith.constant 0 : i32
    %dma_start3A_4 = tpu.memref_slice %arg3[%dma_start3A, %dma_start3A_3] : memref<100000x128xf32, #tpu.memory_space<hbm>> -> memref<100000x128xf32, #tpu.memory_space<hbm>>
    tpu.enqueue_indirect_dma source(%dma_start3A_4 : memref<100000x128xf32, #tpu.memory_space<hbm>>) target(%arg9 : memref<32x128xf32, #tpu.memory_space<vmem>>) offsets(%arg8 : memref<32xi32, #tpu.memory_space<vmem>>) semaphore(%arg48 : memref<!tpu.dma_semaphore, #tpu.memory_space<semaphore_mem>>)
    %get3A = arith.constant 0 : index
    %get3A_5 = tpu.vector_load %arg8[%get3A] {strides = array<i32>} : memref<32xi32, #tpu.memory_space<vmem>>, vector<16xi32>,
    %get3A_6 = vector.shape_cast %get3A_5 : vector<16xi32> to vector<16xi32>
    %add3A_7 = arith.constant 0 : i32
    %add3A_8 = vector.broadcast %add3A_7 : i32 to vector<16xi32>
    %add3A_9 = arith.addi %get3A_6, %add3A_8 : vector<16xi32>
    %swap3A = arith.constant 0 : index
    %swap3A_10 = tpu.vector_load %arg12[%swap3A] {strides = array<i32>} : memref<128xi32, #tpu.memory_space<vmem>>, vector<16xi32>,
    %swap3A_11 = vector.shape_cast %swap3A_10 : vector<16xi32> to vector<16xi32>
    %swap3A_12 = vector.shape_cast %add3A_9 : vector<16xi32> to vector<16xi32>
    tpu.vector_store %arg12[%swap3A], %swap3A_12 {strides = array<i32>} : memref<128xi32, #tpu.memory_space<vmem>>, vector<16xi32>,
    %get3A_13 = arith.constant 16 : index
    %get3A_14 = tpu.vector_load %arg8[%get3A_13] {strides = array<i32>} : memref<32xi32, #tpu.memory_space<vmem>>, vector<16xi32>,
    %get3A_15 = vector.shape_cast %get3A_14 : vector<16xi32> to vector<16xi32>
    %add3A_16 = arith.constant 0 : i32
    %add3A_17 = vector.broadcast %add3A_16 : i32 to vector<16xi32>
    %add3A_18 = arith.addi %get3A_15, %add3A_17 : vector<16xi32>
    %swap3A_19 = arith.constant 16 : index
    %swap3A_20 = tpu.vector_load %arg12[%swap3A_19] {strides = array<i32>} : memref<128xi32, #tpu.memory_space<vmem>>, vector<16xi32>,
    %swap3A_21 = vector.shape_cast %swap3A_20 : vector<16xi32> to vector<16xi32>
    %swap3A_22 = vector.shape_cast %add3A_18 : vector<16xi32> to vector<16xi32>
    tpu.vector_store %arg12[%swap3A_19], %swap3A_22 {strides = array<i32>} : memref<128xi32, #tpu.memory_space<vmem>>, vector<16xi32>,
    %get3A_23 = arith.constant 0 : index
    %get3A_24 = tpu.vector_load %arg8[%get3A_23] {strides = array<i32>} : memref<32xi32, #tpu.memory_space<vmem>>, vector<16xi32>,
    %get3A_25 = vector.shape_cast %get3A_24 : vector<16xi32> to vector<16xi32>
    %add3A_26 = arith.constant 100000 : i32
    %add3A_27 = vector.broadcast %add3A_26 : i32 to vector<16xi32>
    %add3A_28 = arith.addi %get3A_25, %add3A_27 : vector<16xi32>
    %swap3A_29 = arith.constant 32 : index
    %swap3A_30 = tpu.vector_load %arg12[%swap3A_29] {strides = array<i32>} : memref<128xi32, #tpu.memory_space<vmem>>, vector<16xi32>,
    %swap3A_31 = vector.shape_cast %swap3A_30 : vector<16xi32> to vector<16xi32>
    %swap3A_32 = vector.shape_cast %add3A_28 : vector<16xi32> to vector<16xi32>
    tpu.vector_store %arg12[%swap3A_29], %swap3A_32 {strides = array<i32>} : memref<128xi32, #tpu.memory_space<vmem>>, vector<16xi32>,
    %get3A_33 = arith.constant 16 : index
    %get3A_34 = tpu.vector_load %arg8[%get3A_33] {strides = array<i32>} : memref<32xi32, #tpu.memory_space<vmem>>, vector<16xi32>,
    %get3A_35 = vector.shape_cast %get3A_34 : vector<16xi32> to vector<16xi32>
    %add3A_36 = arith.constant 100000 : i32
    %add3A_37 = vector.broadcast %add3A_36 : i32 to vector<16xi32>
    %add3A_38 = arith.addi %get3A_35, %add3A_37 : vector<16xi32>
    %swap3A_39 = arith.constant 48 : index
    %swap3A_40 = tpu.vector_load %arg12[%swap3A_39] {strides = array<i32>} : memref<128xi32, #tpu.memory_space<vmem>>, vector<16xi32>,
    %swap3A_41 = vector.shape_cast %swap3A_40 : vector<16xi32> to vector<16xi32>
    %swap3A_42 = vector.shape_cast %add3A_38 : vector<16xi32> to vector<16xi32>
    tpu.vector_store %arg12[%swap3A_39], %swap3A_42 {strides = array<i32>} : memref<128xi32, #tpu.memory_space<vmem>>, vector<16xi32>,
    %get3A_43 = arith.constant 0 : index
    %get3A_44 = tpu.vector_load %arg8[%get3A_43] {strides = array<i32>} : memref<32xi32, #tpu.memory_space<vmem>>, vector<16xi32>,
    %get3A_45 = vector.shape_cast %get3A_44 : vector<16xi32> to vector<16xi32>
    %add3A_46 = arith.constant 200000 : i32
    %add3A_47 = vector.broadcast %add3A_46 : i32 to vector<16xi32>
    %add3A_48 = arith.addi %get3A_45, %add3A_47 : vector<16xi32>
    %swap3A_49 = arith.constant 64 : index
    %swap3A_50 = tpu.vector_load %arg12[%swap3A_49] {strides = array<i32>} : memref<128xi32, #tpu.memory_space<vmem>>, vector<16xi32>,
    %swap3A_51 = vector.shape_cast %swap3A_50 : vector<16xi32> to vector<16xi32>
    %swap3A_52 = vector.shape_cast %add3A_48 : vector<16xi32> to vector<16xi32>
    tpu.vector_store %arg12[%swap3A_49], %swap3A_52 {strides = array<i32>} : memref<128xi32, #tpu.memory_space<vmem>>, vector<16xi32>,
    %get3A_53 = arith.constant 16 : index
    %get3A_54 = tpu.vector_load %arg8[%get3A_53] {strides = array<i32>} : memref<32xi32, #tpu.memory_space<vmem>>, vector<16xi32>,
    %get3A_55 = vector.shape_cast %get3A_54 : vector<16xi32> to vector<16xi32>
    %add3A_56 = arith.constant 200000 : i32
    %add3A_57 = vector.broadcast %add3A_56 : i32 to vector<16xi32>
    %add3A_58 = arith.addi %get3A_55, %add3A_57 : vector<16xi32>
    %swap3A_59 = arith.constant 80 : index
    %swap3A_60 = tpu.vector_load %arg12[%swap3A_59] {strides = array<i32>} : memref<128xi32, #tpu.memory_space<vmem>>, vector<16xi32>,
    %swap3A_61 = vector.shape_cast %swap3A_60 : vector<16xi32> to vector<16xi32>
    %swap3A_62 = vector.shape_cast %add3A_58 : vector<16xi32> to vector<16xi32>
    tpu.vector_store %arg12[%swap3A_59], %swap3A_62 {strides = array<i32>} : memref<128xi32, #tpu.memory_space<vmem>>, vector<16xi32>,
    %get3A_63 = arith.constant 0 : index
    %get3A_64 = tpu.vector_load %arg8[%get3A_63] {strides = array<i32>} : memref<32xi32, #tpu.memory_space<vmem>>, vector<16xi32>,
    %get3A_65 = vector.shape_cast %get3A_64 : vector<16xi32> to vector<16xi32>
    %add3A_66 = arith.constant 300000 : i32
    %add3A_67 = vector.broadcast %add3A_66 : i32 to vector<16xi32>
    %add3A_68 = arith.addi %get3A_65, %add3A_67 : vector<16xi32>
    %swap3A_69 = arith.constant 96 : index
    %swap3A_70 = tpu.vector_load %arg12[%swap3A_69] {strides = array<i32>} : memref<128xi32, #tpu.memory_space<vmem>>, vector<16xi32>,
    %swap3A_71 = vector.shape_cast %swap3A_70 : vector<16xi32> to vector<16xi32>
    %swap3A_72 = vector.shape_cast %add3A_68 : vector<16xi32> to vector<16xi32>
    tpu.vector_store %arg12[%swap3A_69], %swap3A_72 {strides = array<i32>} : memref<128xi32, #tpu.memory_space<vmem>>, vector<16xi32>,
    %get3A_73 = arith.constant 16 : index
    %get3A_74 = tpu.vector_load %arg8[%get3A_73] {strides = array<i32>} : memref<32xi32, #tpu.memory_space<vmem>>, vector<16xi32>,
    %get3A_75 = vector.shape_cast %get3A_74 : vector<16xi32> to vector<16xi32>
    %add3A_76 = arith.constant 300000 : i32
    %add3A_77 = vector.broadcast %add3A_76 : i32 to vector<16xi32>
    %add3A_78 = arith.addi %get3A_75, %add3A_77 : vector<16xi32>
    %swap3A_79 = arith.constant 112 : index
    %swap3A_80 = tpu.vector_load %arg12[%swap3A_79] {strides = array<i32>} : memref<128xi32, #tpu.memory_space<vmem>>, vector<16xi32>,
    %swap3A_81 = vector.shape_cast %swap3A_80 : vector<16xi32> to vector<16xi32>
    %swap3A_82 = vector.shape_cast %add3A_78 : vector<16xi32> to vector<16xi32>
    tpu.vector_store %arg12[%swap3A_79], %swap3A_82 {strides = array<i32>} : memref<128xi32, #tpu.memory_space<vmem>>, vector<16xi32>,
    %get3A_83 = arith.constant 0 : index
    %get3A_84 = tpu.vector_load %arg8[%get3A_83] {strides = array<i32>} : memref<32xi32, #tpu.memory_space<vmem>>, vector<16xi32>,
    %get3A_85 = vector.shape_cast %get3A_84 : vector<16xi32> to vector<16xi32>
    %add3A_86 = arith.constant 400000 : i32
    %add3A_87 = vector.broadcast %add3A_86 : i32 to vector<16xi32>
    %add3A_88 = arith.addi %get3A_85, %add3A_87 : vector<16xi32>
    %swap3A_89 = arith.constant 0 : index
    %swap3A_90 = tpu.vector_load %arg13[%swap3A_89] {strides = array<i32>} : memref<128xi32, #tpu.memory_space<vmem>>, vector<16xi32>,
    %swap3A_91 = vector.shape_cast %swap3A_90 : vector<16xi32> to vector<16xi32>
    %swap3A_92 = vector.shape_cast %add3A_88 : vector<16xi32> to vector<16xi32>
    tpu.vector_store %arg13[%swap3A_89], %swap3A_92 {strides = array<i32>} : memref<128xi32, #tpu.memory_space<vmem>>, vector<16xi32>,
    %get3A_93 = arith.constant 16 : index
    %get3A_94 = tpu.vector_load %arg8[%get3A_93] {strides = array<i32>} : memref<32xi32, #tpu.memory_space<vmem>>, vector<16xi32>,
    %get3A_95 = vector.shape_cast %get3A_94 : vector<16xi32> to vector<16xi32>
    %add3A_96 = arith.constant 400000 : i32
    %add3A_97 = vector.broadcast %add3A_96 : i32 to vector<16xi32>
    %add3A_98 = arith.addi %get3A_95, %add3A_97 : vector<16xi32>
    %swap3A_99 = arith.constant 16 : index
    %swap3A_100 = tpu.vector_load %arg13[%swap3A_99] {strides = array<i32>} : memref<128xi32, #tpu.memory_space<vmem>>, vector<16xi32>,
    %swap3A_101 = vector.shape_cast %swap3A_100 : vector<16xi32> to vector<16xi32>
    %swap3A_102 = vector.shape_cast %add3A_98 : vector<16xi32> to vector<16xi32>
    tpu.vector_store %arg13[%swap3A_99], %swap3A_102 {strides = array<i32>} : memref<128xi32, #tpu.memory_space<vmem>>, vector<16xi32>,
    %get3A_103 = arith.constant 0 : index
    %get3A_104 = tpu.vector_load %arg8[%get3A_103] {strides = array<i32>} : memref<32xi32, #tpu.memory_space<vmem>>, vector<16xi32>,
    %get3A_105 = vector.shape_cast %get3A_104 : vector<16xi32> to vector<16xi32>
    %add3A_106 = arith.constant 500000 : i32
    %add3A_107 = vector.broadcast %add3A_106 : i32 to vector<16xi32>
    %add3A_108 = arith.addi %get3A_105, %add3A_107 : vector<16xi32>
    %swap3A_109 = arith.constant 32 : index
    %swap3A_110 = tpu.vector_load %arg13[%swap3A_109] {strides = array<i32>} : memref<128xi32, #tpu.memory_space<vmem>>, vector<16xi32>,
    %swap3A_111 = vector.shape_cast %swap3A_110 : vector<16xi32> to vector<16xi32>
    %swap3A_112 = vector.shape_cast %add3A_108 : vector<16xi32> to vector<16xi32>
    tpu.vector_store %arg13[%swap3A_109], %swap3A_112 {strides = array<i32>} : memref<128xi32, #tpu.memory_space<vmem>>, vector<16xi32>,
    %get3A_113 = arith.constant 16 : index
    %get3A_114 = tpu.vector_load %arg8[%get3A_113] {strides = array<i32>} : memref<32xi32, #tpu.memory_space<vmem>>, vector<16xi32>,
    %get3A_115 = vector.shape_cast %get3A_114 : vector<16xi32> to vector<16xi32>
    %add3A_116 = arith.constant 500000 : i32
    %add3A_117 = vector.broadcast %add3A_116 : i32 to vector<16xi32>
    %add3A_118 = arith.addi %get3A_115, %add3A_117 : vector<16xi32>
    %swap3A_119 = arith.constant 48 : index
    %swap3A_120 = tpu.vector_load %arg13[%swap3A_119] {strides = array<i32>} : memref<128xi32, #tpu.memory_space<vmem>>, vector<16xi32>,
    %swap3A_121 = vector.shape_cast %swap3A_120 : vector<16xi32> to vector<16xi32>
    %swap3A_122 = vector.shape_cast %add3A_118 : vector<16xi32> to vector<16xi32>
    tpu.vector_store %arg13[%swap3A_119], %swap3A_122 {strides = array<i32>} : memref<128xi32, #tpu.memory_space<vmem>>, vector<16xi32>,
    %get3A_123 = arith.constant 0 : index
    %get3A_124 = tpu.vector_load %arg8[%get3A_123] {strides = array<i32>} : memref<32xi32, #tpu.memory_space<vmem>>, vector<16xi32>,
    %get3A_125 = vector.shape_cast %get3A_124 : vector<16xi32> to vector<16xi32>
    %add3A_126 = arith.constant 600000 : i32
    %add3A_127 = vector.broadcast %add3A_126 : i32 to vector<16xi32>
    %add3A_128 = arith.addi %get3A_125, %add3A_127 : vector<16xi32>
    %swap3A_129 = arith.constant 64 : index
    %swap3A_130 = tpu.vector_load %arg13[%swap3A_129] {strides = array<i32>} : memref<128xi32, #tpu.memory_space<vmem>>, vector<16xi32>,
    %swap3A_131 = vector.shape_cast %swap3A_130 : vector<16xi32> to vector<16xi32>
    %swap3A_132 = vector.shape_cast %add3A_128 : vector<16xi32> to vector<16xi32>
    tpu.vector_store %arg13[%swap3A_129], %swap3A_132 {strides = array<i32>} : memref<128xi32, #tpu.memory_space<vmem>>, vector<16xi32>,
    %get3A_133 = arith.constant 16 : index
    %get3A_134 = tpu.vector_load %arg8[%get3A_133] {strides = array<i32>} : memref<32xi32, #tpu.memory_space<vmem>>, vector<16xi32>,
    %get3A_135 = vector.shape_cast %get3A_134 : vector<16xi32> to vector<16xi32>
    %add3A_136 = arith.constant 600000 : i32
    %add3A_137 = vector.broadcast %add3A_136 : i32 to vector<16xi32>
    %add3A_138 = arith.addi %get3A_135, %add3A_137 : vector<16xi32>
    %swap3A_139 = arith.constant 80 : index
    %swap3A_140 = tpu.vector_load %arg13[%swap3A_139] {strides = array<i32>} : memref<128xi32, #tpu.memory_space<vmem>>, vector<16xi32>,
    %swap3A_141 = vector.shape_cast %swap3A_140 : vector<16xi32> to vector<16xi32>
    %swap3A_142 = vector.shape_cast %add3A_138 : vector<16xi32> to vector<16xi32>
    tpu.vector_store %arg13[%swap3A_139], %swap3A_142 {strides = array<i32>} : memref<128xi32, #tpu.memory_space<vmem>>, vector<16xi32>,
    %get3A_143 = arith.constant 0 : index
    %get3A_144 = tpu.vector_load %arg8[%get3A_143] {strides = array<i32>} : memref<32xi32, #tpu.memory_space<vmem>>, vector<16xi32>,
    %get3A_145 = vector.shape_cast %get3A_144 : vector<16xi32> to vector<16xi32>
    %add3A_146 = arith.constant 700000 : i32
    %add3A_147 = vector.broadcast %add3A_146 : i32 to vector<16xi32>
    %add3A_148 = arith.addi %get3A_145, %add3A_147 : vector<16xi32>
    %swap3A_149 = arith.constant 96 : index
    %swap3A_150 = tpu.vector_load %arg13[%swap3A_149] {strides = array<i32>} : memref<128xi32, #tpu.memory_space<vmem>>, vector<16xi32>,
    %swap3A_151 = vector.shape_cast %swap3A_150 : vector<16xi32> to vector<16xi32>
    %swap3A_152 = vector.shape_cast %add3A_148 : vector<16xi32> to vector<16xi32>
    tpu.vector_store %arg13[%swap3A_149], %swap3A_152 {strides = array<i32>} : memref<128xi32, #tpu.memory_space<vmem>>, vector<16xi32>,
    %get3A_153 = arith.constant 16 : index
    %get3A_154 = tpu.vector_load %arg8[%get3A_153] {strides = array<i32>} : memref<32xi32, #tpu.memory_space<vmem>>, vector<16xi32>,
    %get3A_155 = vector.shape_cast %get3A_154 : vector<16xi32> to vector<16xi32>
    %add3A_156 = arith.constant 700000 : i32
    %add3A_157 = vector.broadcast %add3A_156 : i32 to vector<16xi32>
    %add3A_158 = arith.addi %get3A_155, %add3A_157 : vector<16xi32>
    %swap3A_159 = arith.constant 112 : index
    %swap3A_160 = tpu.vector_load %arg13[%swap3A_159] {strides = array<i32>} : memref<128xi32, #tpu.memory_space<vmem>>, vector<16xi32>,
    %swap3A_161 = vector.shape_cast %swap3A_160 : vector<16xi32> to vector<16xi32>
    %swap3A_162 = vector.shape_cast %add3A_158 : vector<16xi32> to vector<16xi32>
    tpu.vector_store %arg13[%swap3A_159], %swap3A_162 {strides = array<i32>} : memref<128xi32, #tpu.memory_space<vmem>>, vector<16xi32>,
    %get3A_163 = arith.constant 0 : index
    %get3A_164 = tpu.vector_load %arg8[%get3A_163] {strides = array<i32>} : memref<32xi32, #tpu.memory_space<vmem>>, vector<16xi32>,
    %get3A_165 = vector.shape_cast %get3A_164 : vector<16xi32> to vector<16xi32>
    %add3A_166 = arith.constant 800000 : i32
    %add3A_167 = vector.broadcast %add3A_166 : i32 to vector<16xi32>
    %add3A_168 = arith.addi %get3A_165, %add3A_167 : vector<16xi32>
    %swap3A_169 = arith.constant 0 : index
    %swap3A_170 = tpu.vector_load %arg14[%swap3A_169] {strides = array<i32>} : memref<128xi32, #tpu.memory_space<vmem>>, vector<16xi32>,
    %swap3A_171 = vector.shape_cast %swap3A_170 : vector<16xi32> to vector<16xi32>
    %swap3A_172 = vector.shape_cast %add3A_168 : vector<16xi32> to vector<16xi32>
    tpu.vector_store %arg14[%swap3A_169], %swap3A_172 {strides = array<i32>} : memref<128xi32, #tpu.memory_space<vmem>>, vector<16xi32>,
    %get3A_173 = arith.constant 16 : index
    %get3A_174 = tpu.vector_load %arg8[%get3A_173] {strides = array<i32>} : memref<32xi32, #tpu.memory_space<vmem>>, vector<16xi32>,
    %get3A_175 = vector.shape_cast %get3A_174 : vector<16xi32> to vector<16xi32>
    %add3A_176 = arith.constant 800000 : i32
    %add3A_177 = vector.broadcast %add3A_176 : i32 to vector<16xi32>
    %add3A_178 = arith.addi %get3A_175, %add3A_177 : vector<16xi32>
    %swap3A_179 = arith.constant 16 : index
    %swap3A_180 = tpu.vector_load %arg14[%swap3A_179] {strides = array<i32>} : memref<128xi32, #tpu.memory_space<vmem>>, vector<16xi32>,
    %swap3A_181 = vector.shape_cast %swap3A_180 : vector<16xi32> to vector<16xi32>
    %swap3A_182 = vector.shape_cast %add3A_178 : vector<16xi32> to vector<16xi32>
    tpu.vector_store %arg14[%swap3A_179], %swap3A_182 {strides = array<i32>} : memref<128xi32, #tpu.memory_space<vmem>>, vector<16xi32>,
    %get3A_183 = arith.constant 0 : index
    %get3A_184 = tpu.vector_load %arg8[%get3A_183] {strides = array<i32>} : memref<32xi32, #tpu.memory_space<vmem>>, vector<16xi32>,
    %get3A_185 = vector.shape_cast %get3A_184 : vector<16xi32> to vector<16xi32>
    %add3A_186 = arith.constant 900000 : i32
    %add3A_187 = vector.broadcast %add3A_186 : i32 to vector<16xi32>
    %add3A_188 = arith.addi %get3A_185, %add3A_187 : vector<16xi32>
    %swap3A_189 = arith.constant 32 : index
    %swap3A_190 = tpu.vector_load %arg14[%swap3A_189] {strides = array<i32>} : memref<128xi32, #tpu.memory_space<vmem>>, vector<16xi32>,
    %swap3A_191 = vector.shape_cast %swap3A_190 : vector<16xi32> to vector<16xi32>
    %swap3A_192 = vector.shape_cast %add3A_188 : vector<16xi32> to vector<16xi32>
    tpu.vector_store %arg14[%swap3A_189], %swap3A_192 {strides = array<i32>} : memref<128xi32, #tpu.memory_space<vmem>>, vector<16xi32>,
    %get3A_193 = arith.constant 16 : index
    %get3A_194 = tpu.vector_load %arg8[%get3A_193] {strides = array<i32>} : memref<32xi32, #tpu.memory_space<vmem>>, vector<16xi32>,
    %get3A_195 = vector.shape_cast %get3A_194 : vector<16xi32> to vector<16xi32>
    %add3A_196 = arith.constant 900000 : i32
    %add3A_197 = vector.broadcast %add3A_196 : i32 to vector<16xi32>
    %add3A_198 = arith.addi %get3A_195, %add3A_197 : vector<16xi32>
    %swap3A_199 = arith.constant 48 : index
    %swap3A_200 = tpu.vector_load %arg14[%swap3A_199] {strides = array<i32>} : memref<128xi32, #tpu.memory_space<vmem>>, vector<16xi32>,
    %swap3A_201 = vector.shape_cast %swap3A_200 : vector<16xi32> to vector<16xi32>
    %swap3A_202 = vector.shape_cast %add3A_198 : vector<16xi32> to vector<16xi32>
    tpu.vector_store %arg14[%swap3A_199], %swap3A_202 {strides = array<i32>} : memref<128xi32, #tpu.memory_space<vmem>>, vector<16xi32>,
    %get3A_203 = arith.constant 0 : index
    %get3A_204 = tpu.vector_load %arg8[%get3A_203] {strides = array<i32>} : memref<32xi32, #tpu.memory_space<vmem>>, vector<16xi32>,
    %get3A_205 = vector.shape_cast %get3A_204 : vector<16xi32> to vector<16xi32>
    %add3A_206 = arith.constant 1000000 : i32
    %add3A_207 = vector.broadcast %add3A_206 : i32 to vector<16xi32>
    %add3A_208 = arith.addi %get3A_205, %add3A_207 : vector<16xi32>
    %swap3A_209 = arith.constant 64 : index
    %swap3A_210 = tpu.vector_load %arg14[%swap3A_209] {strides = array<i32>} : memref<128xi32, #tpu.memory_space<vmem>>, vector<16xi32>,
    %swap3A_211 = vector.shape_cast %swap3A_210 : vector<16xi32> to vector<16xi32>
    %swap3A_212 = vector.shape_cast %add3A_208 : vector<16xi32> to vector<16xi32>
    tpu.vector_store %arg14[%swap3A_209], %swap3A_212 {strides = array<i32>} : memref<128xi32, #tpu.memory_space<vmem>>, vector<16xi32>,
    %get3A_213 = arith.constant 16 : index
    %get3A_214 = tpu.vector_load %arg8[%get3A_213] {strides = array<i32>} : memref<32xi32, #tpu.memory_space<vmem>>, vector<16xi32>,
    %get3A_215 = vector.shape_cast %get3A_214 : vector<16xi32> to vector<16xi32>
    %add3A_216 = arith.constant 1000000 : i32
    %add3A_217 = vector.broadcast %add3A_216 : i32 to vector<16xi32>
    %add3A_218 = arith.addi %get3A_215, %add3A_217 : vector<16xi32>
    %swap3A_219 = arith.constant 80 : index
    %swap3A_220 = tpu.vector_load %arg14[%swap3A_219] {strides = array<i32>} : memref<128xi32, #tpu.memory_space<vmem>>, vector<16xi32>,
    %swap3A_221 = vector.shape_cast %swap3A_220 : vector<16xi32> to vector<16xi32>
    %swap3A_222 = vector.shape_cast %add3A_218 : vector<16xi32> to vector<16xi32>
    tpu.vector_store %arg14[%swap3A_219], %swap3A_222 {strides = array<i32>} : memref<128xi32, #tpu.memory_space<vmem>>, vector<16xi32>,
    %get3A_223 = arith.constant 0 : index
    %get3A_224 = tpu.vector_load %arg8[%get3A_223] {strides = array<i32>} : memref<32xi32, #tpu.memory_space<vmem>>, vector<16xi32>,
    %get3A_225 = vector.shape_cast %get3A_224 : vector<16xi32> to vector<16xi32>
    %add3A_226 = arith.constant 1100000 : i32
    %add3A_227 = vector.broadcast %add3A_226 : i32 to vector<16xi32>
    %add3A_228 = arith.addi %get3A_225, %add3A_227 : vector<16xi32>
    %swap3A_229 = arith.constant 96 : index
    %swap3A_230 = tpu.vector_load %arg14[%swap3A_229] {strides = array<i32>} : memref<128xi32, #tpu.memory_space<vmem>>, vector<16xi32>,
    %swap3A_231 = vector.shape_cast %swap3A_230 : vector<16xi32> to vector<16xi32>
    %swap3A_232 = vector.shape_cast %add3A_228 : vector<16xi32> to vector<16xi32>
    tpu.vector_store %arg14[%swap3A_229], %swap3A_232 {strides = array<i32>} : memref<128xi32, #tpu.memory_space<vmem>>, vector<16xi32>,
    %get3A_233 = arith.constant 16 : index
    %get3A_234 = tpu.vector_load %arg8[%get3A_233] {strides = array<i32>} : memref<32xi32, #tpu.memory_space<vmem>>, vector<16xi32>,
    %get3A_235 = vector.shape_cast %get3A_234 : vector<16xi32> to vector<16xi32>
    %add3A_236 = arith.constant 1100000 : i32
    %add3A_237 = vector.broadcast %add3A_236 : i32 to vector<16xi32>
    %add3A_238 = arith.addi %get3A_235, %add3A_237 : vector<16xi32>
    %swap3A_239 = arith.constant 112 : index
    %swap3A_240 = tpu.vector_load %arg14[%swap3A_239] {strides = array<i32>} : memref<128xi32, #tpu.memory_space<vmem>>, vector<16xi32>,
    %swap3A_241 = vector.shape_cast %swap3A_240 : vector<16xi32> to vector<16xi32>
    %swap3A_242 = vector.shape_cast %add3A_238 : vector<16xi32> to vector<16xi32>
    tpu.vector_store %arg14[%swap3A_239], %swap3A_242 {strides = array<i32>} : memref<128xi32, #tpu.memory_space<vmem>>, vector<16xi32>,
    %get3A_243 = arith.constant 0 : index
    %get3A_244 = tpu.vector_load %arg8[%get3A_243] {strides = array<i32>} : memref<32xi32, #tpu.memory_space<vmem>>, vector<16xi32>,
    %get3A_245 = vector.shape_cast %get3A_244 : vector<16xi32> to vector<16xi32>
    %add3A_246 = arith.constant 1200000 : i32
    %add3A_247 = vector.broadcast %add3A_246 : i32 to vector<16xi32>
    %add3A_248 = arith.addi %get3A_245, %add3A_247 : vector<16xi32>
    %swap3A_249 = arith.constant 0 : index
    %swap3A_250 = tpu.vector_load %arg15[%swap3A_249] {strides = array<i32>} : memref<128xi32, #tpu.memory_space<vmem>>, vector<16xi32>,
    %swap3A_251 = vector.shape_cast %swap3A_250 : vector<16xi32> to vector<16xi32>
    %swap3A_252 = vector.shape_cast %add3A_248 : vector<16xi32> to vector<16xi32>
    tpu.vector_store %arg15[%swap3A_249], %swap3A_252 {strides = array<i32>} : memref<128xi32, #tpu.memory_space<vmem>>, vector<16xi32>,
    %get3A_253 = arith.constant 16 : index
    %get3A_254 = tpu.vector_load %arg8[%get3A_253] {strides = array<i32>} : memref<32xi32, #tpu.memory_space<vmem>>, vector<16xi32>,
    %get3A_255 = vector.shape_cast %get3A_254 : vector<16xi32> to vector<16xi32>
    %add3A_256 = arith.constant 1200000 : i32
    %add3A_257 = vector.broadcast %add3A_256 : i32 to vector<16xi32>
    %add3A_258 = arith.addi %get3A_255, %add3A_257 : vector<16xi32>
    %swap3A_259 = arith.constant 16 : index
    %swap3A_260 = tpu.vector_load %arg15[%swap3A_259] {strides = array<i32>} : memref<128xi32, #tpu.memory_space<vmem>>, vector<16xi32>,
    %swap3A_261 = vector.shape_cast %swap3A_260 : vector<16xi32> to vector<16xi32>
    %swap3A_262 = vector.shape_cast %add3A_258 : vector<16xi32> to vector<16xi32>
    tpu.vector_store %arg15[%swap3A_259], %swap3A_262 {strides = array<i32>} : memref<128xi32, #tpu.memory_space<vmem>>, vector<16xi32>,
    %get3A_263 = arith.constant 0 : index
    %get3A_264 = tpu.vector_load %arg8[%get3A_263] {strides = array<i32>} : memref<32xi32, #tpu.memory_space<vmem>>, vector<16xi32>,
    %get3A_265 = vector.shape_cast %get3A_264 : vector<16xi32> to vector<16xi32>
    %add3A_266 = arith.constant 1300000 : i32
    %add3A_267 = vector.broadcast %add3A_266 : i32 to vector<16xi32>
    %add3A_268 = arith.addi %get3A_265, %add3A_267 : vector<16xi32>
    %swap3A_269 = arith.constant 32 : index
    %swap3A_270 = tpu.vector_load %arg15[%swap3A_269] {strides = array<i32>} : memref<128xi32, #tpu.memory_space<vmem>>, vector<16xi32>,
    %swap3A_271 = vector.shape_cast %swap3A_270 : vector<16xi32> to vector<16xi32>
    %swap3A_272 = vector.shape_cast %add3A_268 : vector<16xi32> to vector<16xi32>
    tpu.vector_store %arg15[%swap3A_269], %swap3A_272 {strides = array<i32>} : memref<128xi32, #tpu.memory_space<vmem>>, vector<16xi32>,
    %get3A_273 = arith.constant 16 : index
    %get3A_274 = tpu.vector_load %arg8[%get3A_273] {strides = array<i32>} : memref<32xi32, #tpu.memory_space<vmem>>, vector<16xi32>,
    %get3A_275 = vector.shape_cast %get3A_274 : vector<16xi32> to vector<16xi32>
    %add3A_276 = arith.constant 1300000 : i32
    %add3A_277 = vector.broadcast %add3A_276 : i32 to vector<16xi32>
    %add3A_278 = arith.addi %get3A_275, %add3A_277 : vector<16xi32>
    %swap3A_279 = arith.constant 48 : index
    %swap3A_280 = tpu.vector_load %arg15[%swap3A_279] {strides = array<i32>} : memref<128xi32, #tpu.memory_space<vmem>>, vector<16xi32>,
    %swap3A_281 = vector.shape_cast %swap3A_280 : vector<16xi32> to vector<16xi32>
    %swap3A_282 = vector.shape_cast %add3A_278 : vector<16xi32> to vector<16xi32>
    tpu.vector_store %arg15[%swap3A_279], %swap3A_282 {strides = array<i32>} : memref<128xi32, #tpu.memory_space<vmem>>, vector<16xi32>,
    %get3A_283 = arith.constant 0 : index
    %get3A_284 = tpu.vector_load %arg8[%get3A_283] {strides = array<i32>} : memref<32xi32, #tpu.memory_space<vmem>>, vector<16xi32>,
    %get3A_285 = vector.shape_cast %get3A_284 : vector<16xi32> to vector<16xi32>
    %add3A_286 = arith.constant 1400000 : i32
    %add3A_287 = vector.broadcast %add3A_286 : i32 to vector<16xi32>
    %add3A_288 = arith.addi %get3A_285, %add3A_287 : vector<16xi32>
    %swap3A_289 = arith.constant 64 : index
    %swap3A_290 = tpu.vector_load %arg15[%swap3A_289] {strides = array<i32>} : memref<128xi32, #tpu.memory_space<vmem>>, vector<16xi32>,
    %swap3A_291 = vector.shape_cast %swap3A_290 : vector<16xi32> to vector<16xi32>
    %swap3A_292 = vector.shape_cast %add3A_288 : vector<16xi32> to vector<16xi32>
    tpu.vector_store %arg15[%swap3A_289], %swap3A_292 {strides = array<i32>} : memref<128xi32, #tpu.memory_space<vmem>>, vector<16xi32>,
    %get3A_293 = arith.constant 16 : index
    %get3A_294 = tpu.vector_load %arg8[%get3A_293] {strides = array<i32>} : memref<32xi32, #tpu.memory_space<vmem>>, vector<16xi32>,
    %get3A_295 = vector.shape_cast %get3A_294 : vector<16xi32> to vector<16xi32>
    %add3A_296 = arith.constant 1400000 : i32
    %add3A_297 = vector.broadcast %add3A_296 : i32 to vector<16xi32>
    %add3A_298 = arith.addi %get3A_295, %add3A_297 : vector<16xi32>
    %swap3A_299 = arith.constant 80 : index
    %swap3A_300 = tpu.vector_load %arg15[%swap3A_299] {strides = array<i32>} : memref<128xi32, #tpu.memory_space<vmem>>, vector<16xi32>,
    %swap3A_301 = vector.shape_cast %swap3A_300 : vector<16xi32> to vector<16xi32>
    %swap3A_302 = vector.shape_cast %add3A_298 : vector<16xi32> to vector<16xi32>
    tpu.vector_store %arg15[%swap3A_299], %swap3A_302 {strides = array<i32>} : memref<128xi32, #tpu.memory_space<vmem>>, vector<16xi32>,
    %get3A_303 = arith.constant 0 : index
    %get3A_304 = tpu.vector_load %arg8[%get3A_303] {strides = array<i32>} : memref<32xi32, #tpu.memory_space<vmem>>, vector<16xi32>,
    %get3A_305 = vector.shape_cast %get3A_304 : vector<16xi32> to vector<16xi32>
    %add3A_306 = arith.constant 1500000 : i32
    %add3A_307 = vector.broadcast %add3A_306 : i32 to vector<16xi32>
    %add3A_308 = arith.addi %get3A_305, %add3A_307 : vector<16xi32>
    %swap3A_309 = arith.constant 96 : index
    %swap3A_310 = tpu.vector_load %arg15[%swap3A_309] {strides = array<i32>} : memref<128xi32, #tpu.memory_space<vmem>>, vector<16xi32>,
    %swap3A_311 = vector.shape_cast %swap3A_310 : vector<16xi32> to vector<16xi32>
    %swap3A_312 = vector.shape_cast %add3A_308 : vector<16xi32> to vector<16xi32>
    tpu.vector_store %arg15[%swap3A_309], %swap3A_312 {strides = array<i32>} : memref<128xi32, #tpu.memory_space<vmem>>, vector<16xi32>,
    %get3A_313 = arith.constant 16 : index
    %get3A_314 = tpu.vector_load %arg8[%get3A_313] {strides = array<i32>} : memref<32xi32, #tpu.memory_space<vmem>>, vector<16xi32>,
    %get3A_315 = vector.shape_cast %get3A_314 : vector<16xi32> to vector<16xi32>
    %add3A_316 = arith.constant 1500000 : i32
    %add3A_317 = vector.broadcast %add3A_316 : i32 to vector<16xi32>
    %add3A_318 = arith.addi %get3A_315, %add3A_317 : vector<16xi32>
    %swap3A_319 = arith.constant 112 : index
    %swap3A_320 = tpu.vector_load %arg15[%swap3A_319] {strides = array<i32>} : memref<128xi32, #tpu.memory_space<vmem>>, vector<16xi32>,
    %swap3A_321 = vector.shape_cast %swap3A_320 : vector<16xi32> to vector<16xi32>
    %swap3A_322 = vector.shape_cast %add3A_318 : vector<16xi32> to vector<16xi32>
    tpu.vector_store %arg15[%swap3A_319], %swap3A_322 {strides = array<i32>} : memref<128xi32, #tpu.memory_space<vmem>>, vector<16xi32>,
    %get3A_323 = arith.constant 0 : index
    %get3A_324 = tpu.vector_load %arg8[%get3A_323] {strides = array<i32>} : memref<32xi32, #tpu.memory_space<vmem>>, vector<16xi32>,
    %get3A_325 = vector.shape_cast %get3A_324 : vector<16xi32> to vector<16xi32>
    %add3A_326 = arith.constant 1600000 : i32
    %add3A_327 = vector.broadcast %add3A_326 : i32 to vector<16xi32>
    %add3A_328 = arith.addi %get3A_325, %add3A_327 : vector<16xi32>
    %swap3A_329 = arith.constant 0 : index
    %swap3A_330 = tpu.vector_load %arg16[%swap3A_329] {strides = array<i32>} : memref<128xi32, #tpu.memory_space<vmem>>, vector<16xi32>,
    %swap3A_331 = vector.shape_cast %swap3A_330 : vector<16xi32> to vector<16xi32>
    %swap3A_332 = vector.shape_cast %add3A_328 : vector<16xi32> to vector<16xi32>
    tpu.vector_store %arg16[%swap3A_329], %swap3A_332 {strides = array<i32>} : memref<128xi32, #tpu.memory_space<vmem>>, vector<16xi32>,
    %get3A_333 = arith.constant 16 : index
    %get3A_334 = tpu.vector_load %arg8[%get3A_333] {strides = array<i32>} : memref<32xi32, #tpu.memory_space<vmem>>, vector<16xi32>,
    %get3A_335 = vector.shape_cast %get3A_334 : vector<16xi32> to vector<16xi32>
    %add3A_336 = arith.constant 1600000 : i32
    %add3A_337 = vector.broadcast %add3A_336 : i32 to vector<16xi32>
    %add3A_338 = arith.addi %get3A_335, %add3A_337 : vector<16xi32>
    %swap3A_339 = arith.constant 16 : index
    %swap3A_340 = tpu.vector_load %arg16[%swap3A_339] {strides = array<i32>} : memref<128xi32, #tpu.memory_space<vmem>>, vector<16xi32>,
    %swap3A_341 = vector.shape_cast %swap3A_340 : vector<16xi32> to vector<16xi32>
    %swap3A_342 = vector.shape_cast %add3A_338 : vector<16xi32> to vector<16xi32>
    tpu.vector_store %arg16[%swap3A_339], %swap3A_342 {strides = array<i32>} : memref<128xi32, #tpu.memory_space<vmem>>, vector<16xi32>,
    %get3A_343 = arith.constant 0 : index
    %get3A_344 = tpu.vector_load %arg8[%get3A_343] {strides = array<i32>} : memref<32xi32, #tpu.memory_space<vmem>>, vector<16xi32>,
    %get3A_345 = vector.shape_cast %get3A_344 : vector<16xi32> to vector<16xi32>
    %add3A_346 = arith.constant 1700000 : i32
    %add3A_347 = vector.broadcast %add3A_346 : i32 to vector<16xi32>
    %add3A_348 = arith.addi %get3A_345, %add3A_347 : vector<16xi32>
    %swap3A_349 = arith.constant 32 : index
    %swap3A_350 = tpu.vector_load %arg16[%swap3A_349] {strides = array<i32>} : memref<128xi32, #tpu.memory_space<vmem>>, vector<16xi32>,
    %swap3A_351 = vector.shape_cast %swap3A_350 : vector<16xi32> to vector<16xi32>
    %swap3A_352 = vector.shape_cast %add3A_348 : vector<16xi32> to vector<16xi32>
    tpu.vector_store %arg16[%swap3A_349], %swap3A_352 {strides = array<i32>} : memref<128xi32, #tpu.memory_space<vmem>>, vector<16xi32>,
    %get3A_353 = arith.constant 16 : index
    %get3A_354 = tpu.vector_load %arg8[%get3A_353] {strides = array<i32>} : memref<32xi32, #tpu.memory_space<vmem>>, vector<16xi32>,
    %get3A_355 = vector.shape_cast %get3A_354 : vector<16xi32> to vector<16xi32>
    %add3A_356 = arith.constant 1700000 : i32
    %add3A_357 = vector.broadcast %add3A_356 : i32 to vector<16xi32>
    %add3A_358 = arith.addi %get3A_355, %add3A_357 : vector<16xi32>
    %swap3A_359 = arith.constant 48 : index
    %swap3A_360 = tpu.vector_load %arg16[%swap3A_359] {strides = array<i32>} : memref<128xi32, #tpu.memory_space<vmem>>, vector<16xi32>,
    %swap3A_361 = vector.shape_cast %swap3A_360 : vector<16xi32> to vector<16xi32>
    %swap3A_362 = vector.shape_cast %add3A_358 : vector<16xi32> to vector<16xi32>
    tpu.vector_store %arg16[%swap3A_359], %swap3A_362 {strides = array<i32>} : memref<128xi32, #tpu.memory_space<vmem>>, vector<16xi32>,
    %get3A_363 = arith.constant 0 : index
    %get3A_364 = tpu.vector_load %arg8[%get3A_363] {strides = array<i32>} : memref<32xi32, #tpu.memory_space<vmem>>, vector<16xi32>,
    %get3A_365 = vector.shape_cast %get3A_364 : vector<16xi32> to vector<16xi32>
    %add3A_366 = arith.constant 1800000 : i32
    %add3A_367 = vector.broadcast %add3A_366 : i32 to vector<16xi32>
    %add3A_368 = arith.addi %get3A_365, %add3A_367 : vector<16xi32>
    %swap3A_369 = arith.constant 64 : index
    %swap3A_370 = tpu.vector_load %arg16[%swap3A_369] {strides = array<i32>} : memref<128xi32, #tpu.memory_space<vmem>>, vector<16xi32>,
    %swap3A_371 = vector.shape_cast %swap3A_370 : vector<16xi32> to vector<16xi32>
    %swap3A_372 = vector.shape_cast %add3A_368 : vector<16xi32> to vector<16xi32>
    tpu.vector_store %arg16[%swap3A_369], %swap3A_372 {strides = array<i32>} : memref<128xi32, #tpu.memory_space<vmem>>, vector<16xi32>,
    %get3A_373 = arith.constant 16 : index
    %get3A_374 = tpu.vector_load %arg8[%get3A_373] {strides = array<i32>} : memref<32xi32, #tpu.memory_space<vmem>>, vector<16xi32>,
    %get3A_375 = vector.shape_cast %get3A_374 : vector<16xi32> to vector<16xi32>
    %add3A_376 = arith.constant 1800000 : i32
    %add3A_377 = vector.broadcast %add3A_376 : i32 to vector<16xi32>
    %add3A_378 = arith.addi %get3A_375, %add3A_377 : vector<16xi32>
    %swap3A_379 = arith.constant 80 : index
    %swap3A_380 = tpu.vector_load %arg16[%swap3A_379] {strides = array<i32>} : memref<128xi32, #tpu.memory_space<vmem>>, vector<16xi32>,
    %swap3A_381 = vector.shape_cast %swap3A_380 : vector<16xi32> to vector<16xi32>
    %swap3A_382 = vector.shape_cast %add3A_378 : vector<16xi32> to vector<16xi32>
    tpu.vector_store %arg16[%swap3A_379], %swap3A_382 {strides = array<i32>} : memref<128xi32, #tpu.memory_space<vmem>>, vector<16xi32>,
    %get3A_383 = arith.constant 0 : index
    %get3A_384 = tpu.vector_load %arg8[%get3A_383] {strides = array<i32>} : memref<32xi32, #tpu.memory_space<vmem>>, vector<16xi32>,
    %get3A_385 = vector.shape_cast %get3A_384 : vector<16xi32> to vector<16xi32>
    %add3A_386 = arith.constant 1900000 : i32
    %add3A_387 = vector.broadcast %add3A_386 : i32 to vector<16xi32>
    %add3A_388 = arith.addi %get3A_385, %add3A_387 : vector<16xi32>
    %swap3A_389 = arith.constant 96 : index
    %swap3A_390 = tpu.vector_load %arg16[%swap3A_389] {strides = array<i32>} : memref<128xi32, #tpu.memory_space<vmem>>, vector<16xi32>,
    %swap3A_391 = vector.shape_cast %swap3A_390 : vector<16xi32> to vector<16xi32>
    %swap3A_392 = vector.shape_cast %add3A_388 : vector<16xi32> to vector<16xi32>
    tpu.vector_store %arg16[%swap3A_389], %swap3A_392 {strides = array<i32>} : memref<128xi32, #tpu.memory_space<vmem>>, vector<16xi32>,
    %get3A_393 = arith.constant 16 : index
    %get3A_394 = tpu.vector_load %arg8[%get3A_393] {strides = array<i32>} : memref<32xi32, #tpu.memory_space<vmem>>, vector<16xi32>,
    %get3A_395 = vector.shape_cast %get3A_394 : vector<16xi32> to vector<16xi32>
    %add3A_396 = arith.constant 1900000 : i32
    %add3A_397 = vector.broadcast %add3A_396 : i32 to vector<16xi32>
    %add3A_398 = arith.addi %get3A_395, %add3A_397 : vector<16xi32>
    %swap3A_399 = arith.constant 112 : index
    %swap3A_400 = tpu.vector_load %arg16[%swap3A_399] {strides = array<i32>} : memref<128xi32, #tpu.memory_space<vmem>>, vector<16xi32>,
    %swap3A_401 = vector.shape_cast %swap3A_400 : vector<16xi32> to vector<16xi32>
    %swap3A_402 = vector.shape_cast %add3A_398 : vector<16xi32> to vector<16xi32>
    tpu.vector_store %arg16[%swap3A_399], %swap3A_402 {strides = array<i32>} : memref<128xi32, #tpu.memory_space<vmem>>, vector<16xi32>,
    %get3A_403 = arith.constant 0 : index
    %get3A_404 = tpu.vector_load %arg8[%get3A_403] {strides = array<i32>} : memref<32xi32, #tpu.memory_space<vmem>>, vector<16xi32>,
    %get3A_405 = vector.shape_cast %get3A_404 : vector<16xi32> to vector<16xi32>
    %add3A_406 = arith.constant 2000000 : i32
    %add3A_407 = vector.broadcast %add3A_406 : i32 to vector<16xi32>
    %add3A_408 = arith.addi %get3A_405, %add3A_407 : vector<16xi32>
    %swap3A_409 = arith.constant 0 : index
    %swap3A_410 = tpu.vector_load %arg17[%swap3A_409] {strides = array<i32>} : memref<128xi32, #tpu.memory_space<vmem>>, vector<16xi32>,
    %swap3A_411 = vector.shape_cast %swap3A_410 : vector<16xi32> to vector<16xi32>
    %swap3A_412 = vector.shape_cast %add3A_408 : vector<16xi32> to vector<16xi32>
    tpu.vector_store %arg17[%swap3A_409], %swap3A_412 {strides = array<i32>} : memref<128xi32, #tpu.memory_space<vmem>>, vector<16xi32>,
    %get3A_413 = arith.constant 16 : index
    %get3A_414 = tpu.vector_load %arg8[%get3A_413] {strides = array<i32>} : memref<32xi32, #tpu.memory_space<vmem>>, vector<16xi32>,
    %get3A_415 = vector.shape_cast %get3A_414 : vector<16xi32> to vector<16xi32>
    %add3A_416 = arith.constant 2000000 : i32
    %add3A_417 = vector.broadcast %add3A_416 : i32 to vector<16xi32>
    %add3A_418 = arith.addi %get3A_415, %add3A_417 : vector<16xi32>
    %swap3A_419 = arith.constant 16 : index
    %swap3A_420 = tpu.vector_load %arg17[%swap3A_419] {strides = array<i32>} : memref<128xi32, #tpu.memory_space<vmem>>, vector<16xi32>,
    %swap3A_421 = vector.shape_cast %swap3A_420 : vector<16xi32> to vector<16xi32>
    %swap3A_422 = vector.shape_cast %add3A_418 : vector<16xi32> to vector<16xi32>
    tpu.vector_store %arg17[%swap3A_419], %swap3A_422 {strides = array<i32>} : memref<128xi32, #tpu.memory_space<vmem>>, vector<16xi32>,
    %get3A_423 = arith.constant 0 : index
    %get3A_424 = tpu.vector_load %arg8[%get3A_423] {strides = array<i32>} : memref<32xi32, #tpu.memory_space<vmem>>, vector<16xi32>,
    %get3A_425 = vector.shape_cast %get3A_424 : vector<16xi32> to vector<16xi32>
    %add3A_426 = arith.constant 2100000 : i32
    %add3A_427 = vector.broadcast %add3A_426 : i32 to vector<16xi32>
    %add3A_428 = arith.addi %get3A_425, %add3A_427 : vector<16xi32>
    %swap3A_429 = arith.constant 32 : index
    %swap3A_430 = tpu.vector_load %arg17[%swap3A_429] {strides = array<i32>} : memref<128xi32, #tpu.memory_space<vmem>>, vector<16xi32>,
    %swap3A_431 = vector.shape_cast %swap3A_430 : vector<16xi32> to vector<16xi32>
    %swap3A_432 = vector.shape_cast %add3A_428 : vector<16xi32> to vector<16xi32>
    tpu.vector_store %arg17[%swap3A_429], %swap3A_432 {strides = array<i32>} : memref<128xi32, #tpu.memory_space<vmem>>, vector<16xi32>,
    %get3A_433 = arith.constant 16 : index
    %get3A_434 = tpu.vector_load %arg8[%get3A_433] {strides = array<i32>} : memref<32xi32, #tpu.memory_space<vmem>>, vector<16xi32>,
    %get3A_435 = vector.shape_cast %get3A_434 : vector<16xi32> to vector<16xi32>
    %add3A_436 = arith.constant 2100000 : i32
    %add3A_437 = vector.broadcast %add3A_436 : i32 to vector<16xi32>
    %add3A_438 = arith.addi %get3A_435, %add3A_437 : vector<16xi32>
    %swap3A_439 = arith.constant 48 : index
    %swap3A_440 = tpu.vector_load %arg17[%swap3A_439] {strides = array<i32>} : memref<128xi32, #tpu.memory_space<vmem>>, vector<16xi32>,
    %swap3A_441 = vector.shape_cast %swap3A_440 : vector<16xi32> to vector<16xi32>
    %swap3A_442 = vector.shape_cast %add3A_438 : vector<16xi32> to vector<16xi32>
    tpu.vector_store %arg17[%swap3A_439], %swap3A_442 {strides = array<i32>} : memref<128xi32, #tpu.memory_space<vmem>>, vector<16xi32>,
    %get3A_443 = arith.constant 0 : index
    %get3A_444 = tpu.vector_load %arg8[%get3A_443] {strides = array<i32>} : memref<32xi32, #tpu.memory_space<vmem>>, vector<16xi32>,
    %get3A_445 = vector.shape_cast %get3A_444 : vector<16xi32> to vector<16xi32>
    %add3A_446 = arith.constant 2200000 : i32
    %add3A_447 = vector.broadcast %add3A_446 : i32 to vector<16xi32>
    %add3A_448 = arith.addi %get3A_445, %add3A_447 : vector<16xi32>
    %swap3A_449 = arith.constant 64 : index
    %swap3A_450 = tpu.vector_load %arg17[%swap3A_449] {strides = array<i32>} : memref<128xi32, #tpu.memory_space<vmem>>, vector<16xi32>,
    %swap3A_451 = vector.shape_cast %swap3A_450 : vector<16xi32> to vector<16xi32>
    %swap3A_452 = vector.shape_cast %add3A_448 : vector<16xi32> to vector<16xi32>
    tpu.vector_store %arg17[%swap3A_449], %swap3A_452 {strides = array<i32>} : memref<128xi32, #tpu.memory_space<vmem>>, vector<16xi32>,
    %get3A_453 = arith.constant 16 : index
    %get3A_454 = tpu.vector_load %arg8[%get3A_453] {strides = array<i32>} : memref<32xi32, #tpu.memory_space<vmem>>, vector<16xi32>,
    %get3A_455 = vector.shape_cast %get3A_454 : vector<16xi32> to vector<16xi32>
    %add3A_456 = arith.constant 2200000 : i32
    %add3A_457 = vector.broadcast %add3A_456 : i32 to vector<16xi32>
    %add3A_458 = arith.addi %get3A_455, %add3A_457 : vector<16xi32>
    %swap3A_459 = arith.constant 80 : index
    %swap3A_460 = tpu.vector_load %arg17[%swap3A_459] {strides = array<i32>} : memref<128xi32, #tpu.memory_space<vmem>>, vector<16xi32>,
    %swap3A_461 = vector.shape_cast %swap3A_460 : vector<16xi32> to vector<16xi32>
    %swap3A_462 = vector.shape_cast %add3A_458 : vector<16xi32> to vector<16xi32>
    tpu.vector_store %arg17[%swap3A_459], %swap3A_462 {strides = array<i32>} : memref<128xi32, #tpu.memory_space<vmem>>, vector<16xi32>,
    %get3A_463 = arith.constant 0 : index
    %get3A_464 = tpu.vector_load %arg8[%get3A_463] {strides = array<i32>} : memref<32xi32, #tpu.memory_space<vmem>>, vector<16xi32>,
    %get3A_465 = vector.shape_cast %get3A_464 : vector<16xi32> to vector<16xi32>
    %add3A_466 = arith.constant 2300000 : i32
    %add3A_467 = vector.broadcast %add3A_466 : i32 to vector<16xi32>
    %add3A_468 = arith.addi %get3A_465, %add3A_467 : vector<16xi32>
    %swap3A_469 = arith.constant 96 : index
    %swap3A_470 = tpu.vector_load %arg17[%swap3A_469] {strides = array<i32>} : memref<128xi32, #tpu.memory_space<vmem>>, vector<16xi32>,
    %swap3A_471 = vector.shape_cast %swap3A_470 : vector<16xi32> to vector<16xi32>
    %swap3A_472 = vector.shape_cast %add3A_468 : vector<16xi32> to vector<16xi32>
    tpu.vector_store %arg17[%swap3A_469], %swap3A_472 {strides = array<i32>} : memref<128xi32, #tpu.memory_space<vmem>>, vector<16xi32>,
    %get3A_473 = arith.constant 16 : index
    %get3A_474 = tpu.vector_load %arg8[%get3A_473] {strides = array<i32>} : memref<32xi32, #tpu.memory_space<vmem>>, vector<16xi32>,
    %get3A_475 = vector.shape_cast %get3A_474 : vector<16xi32> to vector<16xi32>
    %add3A_476 = arith.constant 2300000 : i32
    %add3A_477 = vector.broadcast %add3A_476 : i32 to vector<16xi32>
    %add3A_478 = arith.addi %get3A_475, %add3A_477 : vector<16xi32>
    %swap3A_479 = arith.constant 112 : index
    %swap3A_480 = tpu.vector_load %arg17[%swap3A_479] {strides = array<i32>} : memref<128xi32, #tpu.memory_space<vmem>>, vector<16xi32>,
    %swap3A_481 = vector.shape_cast %swap3A_480 : vector<16xi32> to vector<16xi32>
    %swap3A_482 = vector.shape_cast %add3A_478 : vector<16xi32> to vector<16xi32>
    tpu.vector_store %arg17[%swap3A_479], %swap3A_482 {strides = array<i32>} : memref<128xi32, #tpu.memory_space<vmem>>, vector<16xi32>,
    %get3A_483 = arith.constant 0 : index
    %get3A_484 = tpu.vector_load %arg8[%get3A_483] {strides = array<i32>} : memref<32xi32, #tpu.memory_space<vmem>>, vector<16xi32>,
    %get3A_485 = vector.shape_cast %get3A_484 : vector<16xi32> to vector<16xi32>
    %add3A_486 = arith.constant 2400000 : i32
    %add3A_487 = vector.broadcast %add3A_486 : i32 to vector<16xi32>
    %add3A_488 = arith.addi %get3A_485, %add3A_487 : vector<16xi32>
    %swap3A_489 = arith.constant 0 : index
    %swap3A_490 = tpu.vector_load %arg18[%swap3A_489] {strides = array<i32>} : memref<32xi32, #tpu.memory_space<vmem>>, vector<16xi32>,
    %swap3A_491 = vector.shape_cast %swap3A_490 : vector<16xi32> to vector<16xi32>
    %swap3A_492 = vector.shape_cast %add3A_488 : vector<16xi32> to vector<16xi32>
    tpu.vector_store %arg18[%swap3A_489], %swap3A_492 {strides = array<i32>} : memref<32xi32, #tpu.memory_space<vmem>>, vector<16xi32>,
    %get3A_493 = arith.constant 16 : index
    %get3A_494 = tpu.vector_load %arg8[%get3A_493] {strides = array<i32>} : memref<32xi32, #tpu.memory_space<vmem>>, vector<16xi32>,
    %get3A_495 = vector.shape_cast %get3A_494 : vector<16xi32> to vector<16xi32>
    %add3A_496 = arith.constant 2400000 : i32
    %add3A_497 = vector.broadcast %add3A_496 : i32 to vector<16xi32>
    %add3A_498 = arith.addi %get3A_495, %add3A_497 : vector<16xi32>
    %swap3A_499 = arith.constant 16 : index
    %swap3A_500 = tpu.vector_load %arg18[%swap3A_499] {strides = array<i32>} : memref<32xi32, #tpu.memory_space<vmem>>, vector<16xi32>,
    %swap3A_501 = vector.shape_cast %swap3A_500 : vector<16xi32> to vector<16xi32>
    %swap3A_502 = vector.shape_cast %add3A_498 : vector<16xi32> to vector<16xi32>
    tpu.vector_store %arg18[%swap3A_499], %swap3A_502 {strides = array<i32>} : memref<32xi32, #tpu.memory_space<vmem>>, vector<16xi32>,
    %dma_start3A_503 = arith.constant 0 : i32
    %dma_start3A_504 = tpu.memref_slice %arg4[%dma_start3A_503] : memref<2500000xi32, #tpu.memory_space<hbm>> -> memref<2500000xi32, #tpu.memory_space<hbm>>
    tpu.enqueue_indirect_dma source(%dma_start3A_504 : memref<2500000xi32, #tpu.memory_space<hbm>>) target(%arg19 : memref<128xi32, #tpu.memory_space<vmem>>) offsets(%arg12 : memref<128xi32, #tpu.memory_space<vmem>>) semaphore(%arg49 : memref<!tpu.dma_semaphore, #tpu.memory_space<semaphore_mem>>)
    %dma_start3A_505 = arith.constant 0 : i32
    %dma_start3A_506 = tpu.memref_slice %arg4[%dma_start3A_505] : memref<2500000xi32, #tpu.memory_space<hbm>> -> memref<2500000xi32, #tpu.memory_space<hbm>>
    tpu.enqueue_indirect_dma source(%dma_start3A_506 : memref<2500000xi32, #tpu.memory_space<hbm>>) target(%arg20 : memref<128xi32, #tpu.memory_space<vmem>>) offsets(%arg13 : memref<128xi32, #tpu.memory_space<vmem>>) semaphore(%arg49 : memref<!tpu.dma_semaphore, #tpu.memory_space<semaphore_mem>>)
    %dma_start3A_507 = arith.constant 0 : i32
    %dma_start3A_508 = tpu.memref_slice %arg4[%dma_start3A_507] : memref<2500000xi32, #tpu.memory_space<hbm>> -> memref<2500000xi32, #tpu.memory_space<hbm>>
    tpu.enqueue_indirect_dma source(%dma_start3A_508 : memref<2500000xi32, #tpu.memory_space<hbm>>) target(%arg21 : memref<128xi32, #tpu.memory_space<vmem>>) offsets(%arg14 : memref<128xi32, #tpu.memory_space<vmem>>) semaphore(%arg49 : memref<!tpu.dma_semaphore, #tpu.memory_space<semaphore_mem>>)
    %dma_start3A_509 = arith.constant 0 : i32
    %dma_start3A_510 = tpu.memref_slice %arg4[%dma_start3A_509] : memref<2500000xi32, #tpu.memory_space<hbm>> -> memref<2500000xi32, #tpu.memory_space<hbm>>
    tpu.enqueue_indirect_dma source(%dma_start3A_510 : memref<2500000xi32, #tpu.memory_space<hbm>>) target(%arg22 : memref<128xi32, #tpu.memory_space<vmem>>) offsets(%arg15 : memref<128xi32, #tpu.memory_space<vmem>>) semaphore(%arg49 : memref<!tpu.dma_semaphore, #tpu.memory_space<semaphore_mem>>)
    %dma_start3A_511 = arith.constant 0 : i32
    %dma_start3A_512 = tpu.memref_slice %arg4[%dma_start3A_511] : memref<2500000xi32, #tpu.memory_space<hbm>> -> memref<2500000xi32, #tpu.memory_space<hbm>>
    tpu.enqueue_indirect_dma source(%dma_start3A_512 : memref<2500000xi32, #tpu.memory_space<hbm>>) target(%arg23 : memref<128xi32, #tpu.memory_space<vmem>>) offsets(%arg16 : memref<128xi32, #tpu.memory_space<vmem>>) semaphore(%arg49 : memref<!tpu.dma_semaphore, #tpu.memory_space<semaphore_mem>>)
    %dma_start3A_513 = arith.constant 0 : i32
    %dma_start3A_514 = tpu.memref_slice %arg4[%dma_start3A_513] : memref<2500000xi32, #tpu.memory_space<hbm>> -> memref<2500000xi32, #tpu.memory_space<hbm>>
    tpu.enqueue_indirect_dma source(%dma_start3A_514 : memref<2500000xi32, #tpu.memory_space<hbm>>) target(%arg24 : memref<128xi32, #tpu.memory_space<vmem>>) offsets(%arg17 : memref<128xi32, #tpu.memory_space<vmem>>) semaphore(%arg49 : memref<!tpu.dma_semaphore, #tpu.memory_space<semaphore_mem>>)
    %dma_start3A_515 = arith.constant 0 : i32
    %dma_start3A_516 = tpu.memref_slice %arg4[%dma_start3A_515] : memref<2500000xi32, #tpu.memory_space<hbm>> -> memref<2500000xi32, #tpu.memory_space<hbm>>
    tpu.enqueue_indirect_dma source(%dma_start3A_516 : memref<2500000xi32, #tpu.memory_space<hbm>>) target(%arg25 : memref<32xi32, #tpu.memory_space<vmem>>) offsets(%arg18 : memref<32xi32, #tpu.memory_space<vmem>>) semaphore(%arg49 : memref<!tpu.dma_semaphore, #tpu.memory_space<semaphore_mem>>)
    %dma_wait3A = arith.constant 0 : i32
    %dma_wait3A_517 = arith.constant 0 : i32
    %dma_wait3A_518 = tpu.memref_slice %arg3[%dma_wait3A, %dma_wait3A_517] : memref<100000x128xf32, #tpu.memory_space<hbm>> -> memref<100000x128xf32, #tpu.memory_space<hbm>>
    tpu.wait_indirect_dma semaphore(%arg48 : memref<!tpu.dma_semaphore, #tpu.memory_space<semaphore_mem>>) src(%dma_wait3A_518 : memref<100000x128xf32, #tpu.memory_space<hbm>>) dst(%arg9 : memref<32x128xf32, #tpu.memory_space<vmem>>)
    "tpu.region"() ({
      %run_scoped3A = tpu.sem_alloc : memref<!tpu.dma_semaphore, #tpu.memory_space<semaphore_mem>>
      %dma_start3A_1368 = arith.constant 0 : i32
      %dma_start3A_1369 = tpu.memref_slice %arg5[%mul3A_2, %dma_start3A_1368] : memref<1024x128xf32, #tpu.memory_space<hbm>> -> memref<32x128xf32, #tpu.memory_space<hbm>>
      %dma_start3A_1370 = arith.constant 0 : i32
      %dma_start3A_1371 = tpu.memref_slice %arg5[%mul3A_2, %dma_start3A_1370] : memref<1024x128xf32, #tpu.memory_space<hbm>> -> memref<32x128xf32, #tpu.memory_space<hbm>>
      tpu.enqueue_dma source(%arg9 : memref<32x128xf32, #tpu.memory_space<vmem>>) target(%dma_start3A_1371 : memref<32x128xf32, #tpu.memory_space<hbm>>) target_semaphore(%run_scoped3A : memref<!tpu.dma_semaphore, #tpu.memory_space<semaphore_mem>>)
      %dma_wait3A_1372 = arith.constant 0 : i32
      %dma_wait3A_1373 = tpu.memref_slice %arg5[%mul3A_2, %dma_wait3A_1372] : memref<1024x128xf32, #tpu.memory_space<hbm>> -> memref<32x128xf32, #tpu.memory_space<hbm>>
      %dma_wait3A_1374 = arith.constant 0 : i32
      %dma_wait3A_1375 = tpu.memref_slice %arg5[%mul3A_2, %dma_wait3A_1374] : memref<1024x128xf32, #tpu.memory_space<hbm>> -> memref<32x128xf32, #tpu.memory_space<hbm>>
      tpu.wait_dma2 semaphore(%run_scoped3A : memref<!tpu.dma_semaphore, #tpu.memory_space<semaphore_mem>>) src(%arg9 : memref<32x128xf32, #tpu.memory_space<vmem>>) dst(%dma_wait3A_1375 : memref<32x128xf32, #tpu.memory_space<hbm>>)
      tpu.yield
    }) : () -> ()
    %dma_wait3A_519 = arith.constant 0 : i32
    %dma_wait3A_520 = tpu.memref_slice %arg4[%dma_wait3A_519] : memref<2500000xi32, #tpu.memory_space<hbm>> -> memref<2500000xi32, #tpu.memory_space<hbm>>
    tpu.wait_indirect_dma semaphore(%arg49 : memref<!tpu.dma_semaphore, #tpu.memory_space<semaphore_mem>>) src(%dma_wait3A_520 : memref<2500000xi32, #tpu.memory_space<hbm>>) dst(%arg19 : memref<128xi32, #tpu.memory_space<vmem>>)
    %dma_wait3A_521 = arith.constant 0 : i32
    %dma_wait3A_522 = tpu.memref_slice %arg4[%dma_wait3A_521] : memref<2500000xi32, #tpu.memory_space<hbm>> -> memref<2500000xi32, #tpu.memory_space<hbm>>
    tpu.wait_indirect_dma semaphore(%arg49 : memref<!tpu.dma_semaphore, #tpu.memory_space<semaphore_mem>>) src(%dma_wait3A_522 : memref<2500000xi32, #tpu.memory_space<hbm>>) dst(%arg20 : memref<128xi32, #tpu.memory_space<vmem>>)
    %dma_wait3A_523 = arith.constant 0 : i32
    %dma_wait3A_524 = tpu.memref_slice %arg4[%dma_wait3A_523] : memref<2500000xi32, #tpu.memory_space<hbm>> -> memref<2500000xi32, #tpu.memory_space<hbm>>
    tpu.wait_indirect_dma semaphore(%arg49 : memref<!tpu.dma_semaphore, #tpu.memory_space<semaphore_mem>>) src(%dma_wait3A_524 : memref<2500000xi32, #tpu.memory_space<hbm>>) dst(%arg21 : memref<128xi32, #tpu.memory_space<vmem>>)
    %dma_wait3A_525 = arith.constant 0 : i32
    %dma_wait3A_526 = tpu.memref_slice %arg4[%dma_wait3A_525] : memref<2500000xi32, #tpu.memory_space<hbm>> -> memref<2500000xi32, #tpu.memory_space<hbm>>
    tpu.wait_indirect_dma semaphore(%arg49 : memref<!tpu.dma_semaphore, #tpu.memory_space<semaphore_mem>>) src(%dma_wait3A_526 : memref<2500000xi32, #tpu.memory_space<hbm>>) dst(%arg22 : memref<128xi32, #tpu.memory_space<vmem>>)
    %dma_wait3A_527 = arith.constant 0 : i32
    %dma_wait3A_528 = tpu.memref_slice %arg4[%dma_wait3A_527] : memref<2500000xi32, #tpu.memory_space<hbm>> -> memref<2500000xi32, #tpu.memory_space<hbm>>
    tpu.wait_indirect_dma semaphore(%arg49 : memref<!tpu.dma_semaphore, #tpu.memory_space<semaphore_mem>>) src(%dma_wait3A_528 : memref<2500000xi32, #tpu.memory_space<hbm>>) dst(%arg23 : memref<128xi32, #tpu.memory_space<vmem>>)
    %dma_wait3A_529 = arith.constant 0 : i32
    %dma_wait3A_530 = tpu.memref_slice %arg4[%dma_wait3A_529] : memref<2500000xi32, #tpu.memory_space<hbm>> -> memref<2500000xi32, #tpu.memory_space<hbm>>
    tpu.wait_indirect_dma semaphore(%arg49 : memref<!tpu.dma_semaphore, #tpu.memory_space<semaphore_mem>>) src(%dma_wait3A_530 : memref<2500000xi32, #tpu.memory_space<hbm>>) dst(%arg24 : memref<128xi32, #tpu.memory_space<vmem>>)
    %dma_wait3A_531 = arith.constant 0 : i32
    %dma_wait3A_532 = tpu.memref_slice %arg4[%dma_wait3A_531] : memref<2500000xi32, #tpu.memory_space<hbm>> -> memref<2500000xi32, #tpu.memory_space<hbm>>
    tpu.wait_indirect_dma semaphore(%arg49 : memref<!tpu.dma_semaphore, #tpu.memory_space<semaphore_mem>>) src(%dma_wait3A_532 : memref<2500000xi32, #tpu.memory_space<hbm>>) dst(%arg25 : memref<32xi32, #tpu.memory_space<vmem>>)
    %get3A_533 = arith.constant 0 : index
    %get3A_534 = tpu.vector_load %arg19[%get3A_533] {strides = array<i32>} : memref<128xi32, #tpu.memory_space<vmem>>, vector<16xi32>,
    %get3A_535 = vector.shape_cast %get3A_534 : vector<16xi32> to vector<16xi32>
    %swap3A_536 = arith.constant 0 : index
    %swap3A_537 = tpu.vector_load %arg11[%swap3A_536] {strides = array<i32>} : memref<800xi32, #tpu.memory_space<vmem>>, vector<16xi32>,
    %swap3A_538 = vector.shape_cast %swap3A_537 : vector<16xi32> to vector<16xi32>
    %swap3A_539 = vector.shape_cast %get3A_535 : vector<16xi32> to vector<16xi32>
    tpu.vector_store %arg11[%swap3A_536], %swap3A_539 {strides = array<i32>} : memref<800xi32, #tpu.memory_space<vmem>>, vector<16xi32>,
    %get3A_540 = arith.constant 16 : index
    %get3A_541 = tpu.vector_load %arg19[%get3A_540] {strides = array<i32>} : memref<128xi32, #tpu.memory_space<vmem>>, vector<16xi32>,
    %get3A_542 = vector.shape_cast %get3A_541 : vector<16xi32> to vector<16xi32>
    %swap3A_543 = arith.constant 16 : index
    %swap3A_544 = tpu.vector_load %arg11[%swap3A_543] {strides = array<i32>} : memref<800xi32, #tpu.memory_space<vmem>>, vector<16xi32>,
    %swap3A_545 = vector.shape_cast %swap3A_544 : vector<16xi32> to vector<16xi32>
    %swap3A_546 = vector.shape_cast %get3A_542 : vector<16xi32> to vector<16xi32>
    tpu.vector_store %arg11[%swap3A_543], %swap3A_546 {strides = array<i32>} : memref<800xi32, #tpu.memory_space<vmem>>, vector<16xi32>,
    %get3A_547 = arith.constant 32 : index
    %get3A_548 = tpu.vector_load %arg19[%get3A_547] {strides = array<i32>} : memref<128xi32, #tpu.memory_space<vmem>>, vector<16xi32>,
    %get3A_549 = vector.shape_cast %get3A_548 : vector<16xi32> to vector<16xi32>
    %swap3A_550 = arith.constant 32 : index
    %swap3A_551 = tpu.vector_load %arg11[%swap3A_550] {strides = array<i32>} : memref<800xi32, #tpu.memory_space<vmem>>, vector<16xi32>,
    %swap3A_552 = vector.shape_cast %swap3A_551 : vector<16xi32> to vector<16xi32>
    %swap3A_553 = vector.shape_cast %get3A_549 : vector<16xi32> to vector<16xi32>
    tpu.vector_store %arg11[%swap3A_550], %swap3A_553 {strides = array<i32>} : memref<800xi32, #tpu.memory_space<vmem>>, vector<16xi32>,
    %get3A_554 = arith.constant 48 : index
    %get3A_555 = tpu.vector_load %arg19[%get3A_554] {strides = array<i32>} : memref<128xi32, #tpu.memory_space<vmem>>, vector<16xi32>,
    %get3A_556 = vector.shape_cast %get3A_555 : vector<16xi32> to vector<16xi32>
    %swap3A_557 = arith.constant 48 : index
    %swap3A_558 = tpu.vector_load %arg11[%swap3A_557] {strides = array<i32>} : memref<800xi32, #tpu.memory_space<vmem>>, vector<16xi32>,
    %swap3A_559 = vector.shape_cast %swap3A_558 : vector<16xi32> to vector<16xi32>
    %swap3A_560 = vector.shape_cast %get3A_556 : vector<16xi32> to vector<16xi32>
    tpu.vector_store %arg11[%swap3A_557], %swap3A_560 {strides = array<i32>} : memref<800xi32, #tpu.memory_space<vmem>>, vector<16xi32>,
    %get3A_561 = arith.constant 64 : index
    %get3A_562 = tpu.vector_load %arg19[%get3A_561] {strides = array<i32>} : memref<128xi32, #tpu.memory_space<vmem>>, vector<16xi32>,
    %get3A_563 = vector.shape_cast %get3A_562 : vector<16xi32> to vector<16xi32>
    %swap3A_564 = arith.constant 64 : index
    %swap3A_565 = tpu.vector_load %arg11[%swap3A_564] {strides = array<i32>} : memref<800xi32, #tpu.memory_space<vmem>>, vector<16xi32>,
    %swap3A_566 = vector.shape_cast %swap3A_565 : vector<16xi32> to vector<16xi32>
    %swap3A_567 = vector.shape_cast %get3A_563 : vector<16xi32> to vector<16xi32>
    tpu.vector_store %arg11[%swap3A_564], %swap3A_567 {strides = array<i32>} : memref<800xi32, #tpu.memory_space<vmem>>, vector<16xi32>,
    %get3A_568 = arith.constant 80 : index
    %get3A_569 = tpu.vector_load %arg19[%get3A_568] {strides = array<i32>} : memref<128xi32, #tpu.memory_space<vmem>>, vector<16xi32>,
    %get3A_570 = vector.shape_cast %get3A_569 : vector<16xi32> to vector<16xi32>
    %swap3A_571 = arith.constant 80 : index
    %swap3A_572 = tpu.vector_load %arg11[%swap3A_571] {strides = array<i32>} : memref<800xi32, #tpu.memory_space<vmem>>, vector<16xi32>,
    %swap3A_573 = vector.shape_cast %swap3A_572 : vector<16xi32> to vector<16xi32>
    %swap3A_574 = vector.shape_cast %get3A_570 : vector<16xi32> to vector<16xi32>
    tpu.vector_store %arg11[%swap3A_571], %swap3A_574 {strides = array<i32>} : memref<800xi32, #tpu.memory_space<vmem>>, vector<16xi32>,
    %get3A_575 = arith.constant 96 : index
    %get3A_576 = tpu.vector_load %arg19[%get3A_575] {strides = array<i32>} : memref<128xi32, #tpu.memory_space<vmem>>, vector<16xi32>,
    %get3A_577 = vector.shape_cast %get3A_576 : vector<16xi32> to vector<16xi32>
    %swap3A_578 = arith.constant 96 : index
    %swap3A_579 = tpu.vector_load %arg11[%swap3A_578] {strides = array<i32>} : memref<800xi32, #tpu.memory_space<vmem>>, vector<16xi32>,
    %swap3A_580 = vector.shape_cast %swap3A_579 : vector<16xi32> to vector<16xi32>
    %swap3A_581 = vector.shape_cast %get3A_577 : vector<16xi32> to vector<16xi32>
    tpu.vector_store %arg11[%swap3A_578], %swap3A_581 {strides = array<i32>} : memref<800xi32, #tpu.memory_space<vmem>>, vector<16xi32>,
    %get3A_582 = arith.constant 112 : index
    %get3A_583 = tpu.vector_load %arg19[%get3A_582] {strides = array<i32>} : memref<128xi32, #tpu.memory_space<vmem>>, vector<16xi32>,
    %get3A_584 = vector.shape_cast %get3A_583 : vector<16xi32> to vector<16xi32>
    %swap3A_585 = arith.constant 112 : index
    %swap3A_586 = tpu.vector_load %arg11[%swap3A_585] {strides = array<i32>} : memref<800xi32, #tpu.memory_space<vmem>>, vector<16xi32>,
    %swap3A_587 = vector.shape_cast %swap3A_586 : vector<16xi32> to vector<16xi32>
    %swap3A_588 = vector.shape_cast %get3A_584 : vector<16xi32> to vector<16xi32>
    tpu.vector_store %arg11[%swap3A_585], %swap3A_588 {strides = array<i32>} : memref<800xi32, #tpu.memory_space<vmem>>, vector<16xi32>,
    %get3A_589 = arith.constant 0 : index
    %get3A_590 = tpu.vector_load %arg20[%get3A_589] {strides = array<i32>} : memref<128xi32, #tpu.memory_space<vmem>>, vector<16xi32>,
    %get3A_591 = vector.shape_cast %get3A_590 : vector<16xi32> to vector<16xi32>
    %swap3A_592 = arith.constant 128 : index
    %swap3A_593 = tpu.vector_load %arg11[%swap3A_592] {strides = array<i32>} : memref<800xi32, #tpu.memory_space<vmem>>, vector<16xi32>,
    %swap3A_594 = vector.shape_cast %swap3A_593 : vector<16xi32> to vector<16xi32>
    %swap3A_595 = vector.shape_cast %get3A_591 : vector<16xi32> to vector<16xi32>
    tpu.vector_store %arg11[%swap3A_592], %swap3A_595 {strides = array<i32>} : memref<800xi32, #tpu.memory_space<vmem>>, vector<16xi32>,
    %get3A_596 = arith.constant 16 : index
    %get3A_597 = tpu.vector_load %arg20[%get3A_596] {strides = array<i32>} : memref<128xi32, #tpu.memory_space<vmem>>, vector<16xi32>,
    %get3A_598 = vector.shape_cast %get3A_597 : vector<16xi32> to vector<16xi32>
    %swap3A_599 = arith.constant 144 : index
    %swap3A_600 = tpu.vector_load %arg11[%swap3A_599] {strides = array<i32>} : memref<800xi32, #tpu.memory_space<vmem>>, vector<16xi32>,
    %swap3A_601 = vector.shape_cast %swap3A_600 : vector<16xi32> to vector<16xi32>
    %swap3A_602 = vector.shape_cast %get3A_598 : vector<16xi32> to vector<16xi32>
    tpu.vector_store %arg11[%swap3A_599], %swap3A_602 {strides = array<i32>} : memref<800xi32, #tpu.memory_space<vmem>>, vector<16xi32>,
    %get3A_603 = arith.constant 32 : index
    %get3A_604 = tpu.vector_load %arg20[%get3A_603] {strides = array<i32>} : memref<128xi32, #tpu.memory_space<vmem>>, vector<16xi32>,
    %get3A_605 = vector.shape_cast %get3A_604 : vector<16xi32> to vector<16xi32>
    %swap3A_606 = arith.constant 160 : index
    %swap3A_607 = tpu.vector_load %arg11[%swap3A_606] {strides = array<i32>} : memref<800xi32, #tpu.memory_space<vmem>>, vector<16xi32>,
    %swap3A_608 = vector.shape_cast %swap3A_607 : vector<16xi32> to vector<16xi32>
    %swap3A_609 = vector.shape_cast %get3A_605 : vector<16xi32> to vector<16xi32>
    tpu.vector_store %arg11[%swap3A_606], %swap3A_609 {strides = array<i32>} : memref<800xi32, #tpu.memory_space<vmem>>, vector<16xi32>,
    %get3A_610 = arith.constant 48 : index
    %get3A_611 = tpu.vector_load %arg20[%get3A_610] {strides = array<i32>} : memref<128xi32, #tpu.memory_space<vmem>>, vector<16xi32>,
    %get3A_612 = vector.shape_cast %get3A_611 : vector<16xi32> to vector<16xi32>
    %swap3A_613 = arith.constant 176 : index
    %swap3A_614 = tpu.vector_load %arg11[%swap3A_613] {strides = array<i32>} : memref<800xi32, #tpu.memory_space<vmem>>, vector<16xi32>,
    %swap3A_615 = vector.shape_cast %swap3A_614 : vector<16xi32> to vector<16xi32>
    %swap3A_616 = vector.shape_cast %get3A_612 : vector<16xi32> to vector<16xi32>
    tpu.vector_store %arg11[%swap3A_613], %swap3A_616 {strides = array<i32>} : memref<800xi32, #tpu.memory_space<vmem>>, vector<16xi32>,
    %get3A_617 = arith.constant 64 : index
    %get3A_618 = tpu.vector_load %arg20[%get3A_617] {strides = array<i32>} : memref<128xi32, #tpu.memory_space<vmem>>, vector<16xi32>,
    %get3A_619 = vector.shape_cast %get3A_618 : vector<16xi32> to vector<16xi32>
    %swap3A_620 = arith.constant 192 : index
    %swap3A_621 = tpu.vector_load %arg11[%swap3A_620] {strides = array<i32>} : memref<800xi32, #tpu.memory_space<vmem>>, vector<16xi32>,
    %swap3A_622 = vector.shape_cast %swap3A_621 : vector<16xi32> to vector<16xi32>
    %swap3A_623 = vector.shape_cast %get3A_619 : vector<16xi32> to vector<16xi32>
    tpu.vector_store %arg11[%swap3A_620], %swap3A_623 {strides = array<i32>} : memref<800xi32, #tpu.memory_space<vmem>>, vector<16xi32>,
    %get3A_624 = arith.constant 80 : index
    %get3A_625 = tpu.vector_load %arg20[%get3A_624] {strides = array<i32>} : memref<128xi32, #tpu.memory_space<vmem>>, vector<16xi32>,
    %get3A_626 = vector.shape_cast %get3A_625 : vector<16xi32> to vector<16xi32>
    %swap3A_627 = arith.constant 208 : index
    %swap3A_628 = tpu.vector_load %arg11[%swap3A_627] {strides = array<i32>} : memref<800xi32, #tpu.memory_space<vmem>>, vector<16xi32>,
    %swap3A_629 = vector.shape_cast %swap3A_628 : vector<16xi32> to vector<16xi32>
    %swap3A_630 = vector.shape_cast %get3A_626 : vector<16xi32> to vector<16xi32>
    tpu.vector_store %arg11[%swap3A_627], %swap3A_630 {strides = array<i32>} : memref<800xi32, #tpu.memory_space<vmem>>, vector<16xi32>,
    %get3A_631 = arith.constant 96 : index
    %get3A_632 = tpu.vector_load %arg20[%get3A_631] {strides = array<i32>} : memref<128xi32, #tpu.memory_space<vmem>>, vector<16xi32>,
    %get3A_633 = vector.shape_cast %get3A_632 : vector<16xi32> to vector<16xi32>
    %swap3A_634 = arith.constant 224 : index
    %swap3A_635 = tpu.vector_load %arg11[%swap3A_634] {strides = array<i32>} : memref<800xi32, #tpu.memory_space<vmem>>, vector<16xi32>,
    %swap3A_636 = vector.shape_cast %swap3A_635 : vector<16xi32> to vector<16xi32>
    %swap3A_637 = vector.shape_cast %get3A_633 : vector<16xi32> to vector<16xi32>
    tpu.vector_store %arg11[%swap3A_634], %swap3A_637 {strides = array<i32>} : memref<800xi32, #tpu.memory_space<vmem>>, vector<16xi32>,
    %get3A_638 = arith.constant 112 : index
    %get3A_639 = tpu.vector_load %arg20[%get3A_638] {strides = array<i32>} : memref<128xi32, #tpu.memory_space<vmem>>, vector<16xi32>,
    %get3A_640 = vector.shape_cast %get3A_639 : vector<16xi32> to vector<16xi32>
    %swap3A_641 = arith.constant 240 : index
    %swap3A_642 = tpu.vector_load %arg11[%swap3A_641] {strides = array<i32>} : memref<800xi32, #tpu.memory_space<vmem>>, vector<16xi32>,
    %swap3A_643 = vector.shape_cast %swap3A_642 : vector<16xi32> to vector<16xi32>
    %swap3A_644 = vector.shape_cast %get3A_640 : vector<16xi32> to vector<16xi32>
    tpu.vector_store %arg11[%swap3A_641], %swap3A_644 {strides = array<i32>} : memref<800xi32, #tpu.memory_space<vmem>>, vector<16xi32>,
    %get3A_645 = arith.constant 0 : index
    %get3A_646 = tpu.vector_load %arg21[%get3A_645] {strides = array<i32>} : memref<128xi32, #tpu.memory_space<vmem>>, vector<16xi32>,
    %get3A_647 = vector.shape_cast %get3A_646 : vector<16xi32> to vector<16xi32>
    %swap3A_648 = arith.constant 256 : index
    %swap3A_649 = tpu.vector_load %arg11[%swap3A_648] {strides = array<i32>} : memref<800xi32, #tpu.memory_space<vmem>>, vector<16xi32>,
    %swap3A_650 = vector.shape_cast %swap3A_649 : vector<16xi32> to vector<16xi32>
    %swap3A_651 = vector.shape_cast %get3A_647 : vector<16xi32> to vector<16xi32>
    tpu.vector_store %arg11[%swap3A_648], %swap3A_651 {strides = array<i32>} : memref<800xi32, #tpu.memory_space<vmem>>, vector<16xi32>,
    %get3A_652 = arith.constant 16 : index
    %get3A_653 = tpu.vector_load %arg21[%get3A_652] {strides = array<i32>} : memref<128xi32, #tpu.memory_space<vmem>>, vector<16xi32>,
    %get3A_654 = vector.shape_cast %get3A_653 : vector<16xi32> to vector<16xi32>
    %swap3A_655 = arith.constant 272 : index
    %swap3A_656 = tpu.vector_load %arg11[%swap3A_655] {strides = array<i32>} : memref<800xi32, #tpu.memory_space<vmem>>, vector<16xi32>,
    %swap3A_657 = vector.shape_cast %swap3A_656 : vector<16xi32> to vector<16xi32>
    %swap3A_658 = vector.shape_cast %get3A_654 : vector<16xi32> to vector<16xi32>
    tpu.vector_store %arg11[%swap3A_655], %swap3A_658 {strides = array<i32>} : memref<800xi32, #tpu.memory_space<vmem>>, vector<16xi32>,
    %get3A_659 = arith.constant 32 : index
    %get3A_660 = tpu.vector_load %arg21[%get3A_659] {strides = array<i32>} : memref<128xi32, #tpu.memory_space<vmem>>, vector<16xi32>,
    %get3A_661 = vector.shape_cast %get3A_660 : vector<16xi32> to vector<16xi32>
    %swap3A_662 = arith.constant 288 : index
    %swap3A_663 = tpu.vector_load %arg11[%swap3A_662] {strides = array<i32>} : memref<800xi32, #tpu.memory_space<vmem>>, vector<16xi32>,
    %swap3A_664 = vector.shape_cast %swap3A_663 : vector<16xi32> to vector<16xi32>
    %swap3A_665 = vector.shape_cast %get3A_661 : vector<16xi32> to vector<16xi32>
    tpu.vector_store %arg11[%swap3A_662], %swap3A_665 {strides = array<i32>} : memref<800xi32, #tpu.memory_space<vmem>>, vector<16xi32>,
    %get3A_666 = arith.constant 48 : index
    %get3A_667 = tpu.vector_load %arg21[%get3A_666] {strides = array<i32>} : memref<128xi32, #tpu.memory_space<vmem>>, vector<16xi32>,
    %get3A_668 = vector.shape_cast %get3A_667 : vector<16xi32> to vector<16xi32>
    %swap3A_669 = arith.constant 304 : index
    %swap3A_670 = tpu.vector_load %arg11[%swap3A_669] {strides = array<i32>} : memref<800xi32, #tpu.memory_space<vmem>>, vector<16xi32>,
    %swap3A_671 = vector.shape_cast %swap3A_670 : vector<16xi32> to vector<16xi32>
    %swap3A_672 = vector.shape_cast %get3A_668 : vector<16xi32> to vector<16xi32>
    tpu.vector_store %arg11[%swap3A_669], %swap3A_672 {strides = array<i32>} : memref<800xi32, #tpu.memory_space<vmem>>, vector<16xi32>,
    %get3A_673 = arith.constant 64 : index
    %get3A_674 = tpu.vector_load %arg21[%get3A_673] {strides = array<i32>} : memref<128xi32, #tpu.memory_space<vmem>>, vector<16xi32>,
    %get3A_675 = vector.shape_cast %get3A_674 : vector<16xi32> to vector<16xi32>
    %swap3A_676 = arith.constant 320 : index
    %swap3A_677 = tpu.vector_load %arg11[%swap3A_676] {strides = array<i32>} : memref<800xi32, #tpu.memory_space<vmem>>, vector<16xi32>,
    %swap3A_678 = vector.shape_cast %swap3A_677 : vector<16xi32> to vector<16xi32>
    %swap3A_679 = vector.shape_cast %get3A_675 : vector<16xi32> to vector<16xi32>
    tpu.vector_store %arg11[%swap3A_676], %swap3A_679 {strides = array<i32>} : memref<800xi32, #tpu.memory_space<vmem>>, vector<16xi32>,
    %get3A_680 = arith.constant 80 : index
    %get3A_681 = tpu.vector_load %arg21[%get3A_680] {strides = array<i32>} : memref<128xi32, #tpu.memory_space<vmem>>, vector<16xi32>,
    %get3A_682 = vector.shape_cast %get3A_681 : vector<16xi32> to vector<16xi32>
    %swap3A_683 = arith.constant 336 : index
    %swap3A_684 = tpu.vector_load %arg11[%swap3A_683] {strides = array<i32>} : memref<800xi32, #tpu.memory_space<vmem>>, vector<16xi32>,
    %swap3A_685 = vector.shape_cast %swap3A_684 : vector<16xi32> to vector<16xi32>
    %swap3A_686 = vector.shape_cast %get3A_682 : vector<16xi32> to vector<16xi32>
    tpu.vector_store %arg11[%swap3A_683], %swap3A_686 {strides = array<i32>} : memref<800xi32, #tpu.memory_space<vmem>>, vector<16xi32>,
    %get3A_687 = arith.constant 96 : index
    %get3A_688 = tpu.vector_load %arg21[%get3A_687] {strides = array<i32>} : memref<128xi32, #tpu.memory_space<vmem>>, vector<16xi32>,
    %get3A_689 = vector.shape_cast %get3A_688 : vector<16xi32> to vector<16xi32>
    %swap3A_690 = arith.constant 352 : index
    %swap3A_691 = tpu.vector_load %arg11[%swap3A_690] {strides = array<i32>} : memref<800xi32, #tpu.memory_space<vmem>>, vector<16xi32>,
    %swap3A_692 = vector.shape_cast %swap3A_691 : vector<16xi32> to vector<16xi32>
    %swap3A_693 = vector.shape_cast %get3A_689 : vector<16xi32> to vector<16xi32>
    tpu.vector_store %arg11[%swap3A_690], %swap3A_693 {strides = array<i32>} : memref<800xi32, #tpu.memory_space<vmem>>, vector<16xi32>,
    %get3A_694 = arith.constant 112 : index
    %get3A_695 = tpu.vector_load %arg21[%get3A_694] {strides = array<i32>} : memref<128xi32, #tpu.memory_space<vmem>>, vector<16xi32>,
    %get3A_696 = vector.shape_cast %get3A_695 : vector<16xi32> to vector<16xi32>
    %swap3A_697 = arith.constant 368 : index
    %swap3A_698 = tpu.vector_load %arg11[%swap3A_697] {strides = array<i32>} : memref<800xi32, #tpu.memory_space<vmem>>, vector<16xi32>,
    %swap3A_699 = vector.shape_cast %swap3A_698 : vector<16xi32> to vector<16xi32>
    %swap3A_700 = vector.shape_cast %get3A_696 : vector<16xi32> to vector<16xi32>
    tpu.vector_store %arg11[%swap3A_697], %swap3A_700 {strides = array<i32>} : memref<800xi32, #tpu.memory_space<vmem>>, vector<16xi32>,
    %get3A_701 = arith.constant 0 : index
    %get3A_702 = tpu.vector_load %arg22[%get3A_701] {strides = array<i32>} : memref<128xi32, #tpu.memory_space<vmem>>, vector<16xi32>,
    %get3A_703 = vector.shape_cast %get3A_702 : vector<16xi32> to vector<16xi32>
    %swap3A_704 = arith.constant 384 : index
    %swap3A_705 = tpu.vector_load %arg11[%swap3A_704] {strides = array<i32>} : memref<800xi32, #tpu.memory_space<vmem>>, vector<16xi32>,
    %swap3A_706 = vector.shape_cast %swap3A_705 : vector<16xi32> to vector<16xi32>
    %swap3A_707 = vector.shape_cast %get3A_703 : vector<16xi32> to vector<16xi32>
    tpu.vector_store %arg11[%swap3A_704], %swap3A_707 {strides = array<i32>} : memref<800xi32, #tpu.memory_space<vmem>>, vector<16xi32>,
    %get3A_708 = arith.constant 16 : index
    %get3A_709 = tpu.vector_load %arg22[%get3A_708] {strides = array<i32>} : memref<128xi32, #tpu.memory_space<vmem>>, vector<16xi32>,
    %get3A_710 = vector.shape_cast %get3A_709 : vector<16xi32> to vector<16xi32>
    %swap3A_711 = arith.constant 400 : index
    %swap3A_712 = tpu.vector_load %arg11[%swap3A_711] {strides = array<i32>} : memref<800xi32, #tpu.memory_space<vmem>>, vector<16xi32>,
    %swap3A_713 = vector.shape_cast %swap3A_712 : vector<16xi32> to vector<16xi32>
    %swap3A_714 = vector.shape_cast %get3A_710 : vector<16xi32> to vector<16xi32>
    tpu.vector_store %arg11[%swap3A_711], %swap3A_714 {strides = array<i32>} : memref<800xi32, #tpu.memory_space<vmem>>, vector<16xi32>,
    %get3A_715 = arith.constant 32 : index
    %get3A_716 = tpu.vector_load %arg22[%get3A_715] {strides = array<i32>} : memref<128xi32, #tpu.memory_space<vmem>>, vector<16xi32>,
    %get3A_717 = vector.shape_cast %get3A_716 : vector<16xi32> to vector<16xi32>
    %swap3A_718 = arith.constant 416 : index
    %swap3A_719 = tpu.vector_load %arg11[%swap3A_718] {strides = array<i32>} : memref<800xi32, #tpu.memory_space<vmem>>, vector<16xi32>,
    %swap3A_720 = vector.shape_cast %swap3A_719 : vector<16xi32> to vector<16xi32>
    %swap3A_721 = vector.shape_cast %get3A_717 : vector<16xi32> to vector<16xi32>
    tpu.vector_store %arg11[%swap3A_718], %swap3A_721 {strides = array<i32>} : memref<800xi32, #tpu.memory_space<vmem>>, vector<16xi32>,
    %get3A_722 = arith.constant 48 : index
    %get3A_723 = tpu.vector_load %arg22[%get3A_722] {strides = array<i32>} : memref<128xi32, #tpu.memory_space<vmem>>, vector<16xi32>,
    %get3A_724 = vector.shape_cast %get3A_723 : vector<16xi32> to vector<16xi32>
    %swap3A_725 = arith.constant 432 : index
    %swap3A_726 = tpu.vector_load %arg11[%swap3A_725] {strides = array<i32>} : memref<800xi32, #tpu.memory_space<vmem>>, vector<16xi32>,
    %swap3A_727 = vector.shape_cast %swap3A_726 : vector<16xi32> to vector<16xi32>
    %swap3A_728 = vector.shape_cast %get3A_724 : vector<16xi32> to vector<16xi32>
    tpu.vector_store %arg11[%swap3A_725], %swap3A_728 {strides = array<i32>} : memref<800xi32, #tpu.memory_space<vmem>>, vector<16xi32>,
    %get3A_729 = arith.constant 64 : index
    %get3A_730 = tpu.vector_load %arg22[%get3A_729] {strides = array<i32>} : memref<128xi32, #tpu.memory_space<vmem>>, vector<16xi32>,
    %get3A_731 = vector.shape_cast %get3A_730 : vector<16xi32> to vector<16xi32>
    %swap3A_732 = arith.constant 448 : index
    %swap3A_733 = tpu.vector_load %arg11[%swap3A_732] {strides = array<i32>} : memref<800xi32, #tpu.memory_space<vmem>>, vector<16xi32>,
    %swap3A_734 = vector.shape_cast %swap3A_733 : vector<16xi32> to vector<16xi32>
    %swap3A_735 = vector.shape_cast %get3A_731 : vector<16xi32> to vector<16xi32>
    tpu.vector_store %arg11[%swap3A_732], %swap3A_735 {strides = array<i32>} : memref<800xi32, #tpu.memory_space<vmem>>, vector<16xi32>,
    %get3A_736 = arith.constant 80 : index
    %get3A_737 = tpu.vector_load %arg22[%get3A_736] {strides = array<i32>} : memref<128xi32, #tpu.memory_space<vmem>>, vector<16xi32>,
    %get3A_738 = vector.shape_cast %get3A_737 : vector<16xi32> to vector<16xi32>
    %swap3A_739 = arith.constant 464 : index
    %swap3A_740 = tpu.vector_load %arg11[%swap3A_739] {strides = array<i32>} : memref<800xi32, #tpu.memory_space<vmem>>, vector<16xi32>,
    %swap3A_741 = vector.shape_cast %swap3A_740 : vector<16xi32> to vector<16xi32>
    %swap3A_742 = vector.shape_cast %get3A_738 : vector<16xi32> to vector<16xi32>
    tpu.vector_store %arg11[%swap3A_739], %swap3A_742 {strides = array<i32>} : memref<800xi32, #tpu.memory_space<vmem>>, vector<16xi32>,
    %get3A_743 = arith.constant 96 : index
    %get3A_744 = tpu.vector_load %arg22[%get3A_743] {strides = array<i32>} : memref<128xi32, #tpu.memory_space<vmem>>, vector<16xi32>,
    %get3A_745 = vector.shape_cast %get3A_744 : vector<16xi32> to vector<16xi32>
    %swap3A_746 = arith.constant 480 : index
    %swap3A_747 = tpu.vector_load %arg11[%swap3A_746] {strides = array<i32>} : memref<800xi32, #tpu.memory_space<vmem>>, vector<16xi32>,
    %swap3A_748 = vector.shape_cast %swap3A_747 : vector<16xi32> to vector<16xi32>
    %swap3A_749 = vector.shape_cast %get3A_745 : vector<16xi32> to vector<16xi32>
    tpu.vector_store %arg11[%swap3A_746], %swap3A_749 {strides = array<i32>} : memref<800xi32, #tpu.memory_space<vmem>>, vector<16xi32>,
    %get3A_750 = arith.constant 112 : index
    %get3A_751 = tpu.vector_load %arg22[%get3A_750] {strides = array<i32>} : memref<128xi32, #tpu.memory_space<vmem>>, vector<16xi32>,
    %get3A_752 = vector.shape_cast %get3A_751 : vector<16xi32> to vector<16xi32>
    %swap3A_753 = arith.constant 496 : index
    %swap3A_754 = tpu.vector_load %arg11[%swap3A_753] {strides = array<i32>} : memref<800xi32, #tpu.memory_space<vmem>>, vector<16xi32>,
    %swap3A_755 = vector.shape_cast %swap3A_754 : vector<16xi32> to vector<16xi32>
    %swap3A_756 = vector.shape_cast %get3A_752 : vector<16xi32> to vector<16xi32>
    tpu.vector_store %arg11[%swap3A_753], %swap3A_756 {strides = array<i32>} : memref<800xi32, #tpu.memory_space<vmem>>, vector<16xi32>,
    %get3A_757 = arith.constant 0 : index
    %get3A_758 = tpu.vector_load %arg23[%get3A_757] {strides = array<i32>} : memref<128xi32, #tpu.memory_space<vmem>>, vector<16xi32>,
    %get3A_759 = vector.shape_cast %get3A_758 : vector<16xi32> to vector<16xi32>
    %swap3A_760 = arith.constant 512 : index
    %swap3A_761 = tpu.vector_load %arg11[%swap3A_760] {strides = array<i32>} : memref<800xi32, #tpu.memory_space<vmem>>, vector<16xi32>,
    %swap3A_762 = vector.shape_cast %swap3A_761 : vector<16xi32> to vector<16xi32>
    %swap3A_763 = vector.shape_cast %get3A_759 : vector<16xi32> to vector<16xi32>
    tpu.vector_store %arg11[%swap3A_760], %swap3A_763 {strides = array<i32>} : memref<800xi32, #tpu.memory_space<vmem>>, vector<16xi32>,
    %get3A_764 = arith.constant 16 : index
    %get3A_765 = tpu.vector_load %arg23[%get3A_764] {strides = array<i32>} : memref<128xi32, #tpu.memory_space<vmem>>, vector<16xi32>,
    %get3A_766 = vector.shape_cast %get3A_765 : vector<16xi32> to vector<16xi32>
    %swap3A_767 = arith.constant 528 : index
    %swap3A_768 = tpu.vector_load %arg11[%swap3A_767] {strides = array<i32>} : memref<800xi32, #tpu.memory_space<vmem>>, vector<16xi32>,
    %swap3A_769 = vector.shape_cast %swap3A_768 : vector<16xi32> to vector<16xi32>
    %swap3A_770 = vector.shape_cast %get3A_766 : vector<16xi32> to vector<16xi32>
    tpu.vector_store %arg11[%swap3A_767], %swap3A_770 {strides = array<i32>} : memref<800xi32, #tpu.memory_space<vmem>>, vector<16xi32>,
    %get3A_771 = arith.constant 32 : index
    %get3A_772 = tpu.vector_load %arg23[%get3A_771] {strides = array<i32>} : memref<128xi32, #tpu.memory_space<vmem>>, vector<16xi32>,
    %get3A_773 = vector.shape_cast %get3A_772 : vector<16xi32> to vector<16xi32>
    %swap3A_774 = arith.constant 544 : index
    %swap3A_775 = tpu.vector_load %arg11[%swap3A_774] {strides = array<i32>} : memref<800xi32, #tpu.memory_space<vmem>>, vector<16xi32>,
    %swap3A_776 = vector.shape_cast %swap3A_775 : vector<16xi32> to vector<16xi32>
    %swap3A_777 = vector.shape_cast %get3A_773 : vector<16xi32> to vector<16xi32>
    tpu.vector_store %arg11[%swap3A_774], %swap3A_777 {strides = array<i32>} : memref<800xi32, #tpu.memory_space<vmem>>, vector<16xi32>,
    %get3A_778 = arith.constant 48 : index
    %get3A_779 = tpu.vector_load %arg23[%get3A_778] {strides = array<i32>} : memref<128xi32, #tpu.memory_space<vmem>>, vector<16xi32>,
    %get3A_780 = vector.shape_cast %get3A_779 : vector<16xi32> to vector<16xi32>
    %swap3A_781 = arith.constant 560 : index
    %swap3A_782 = tpu.vector_load %arg11[%swap3A_781] {strides = array<i32>} : memref<800xi32, #tpu.memory_space<vmem>>, vector<16xi32>,
    %swap3A_783 = vector.shape_cast %swap3A_782 : vector<16xi32> to vector<16xi32>
    %swap3A_784 = vector.shape_cast %get3A_780 : vector<16xi32> to vector<16xi32>
    tpu.vector_store %arg11[%swap3A_781], %swap3A_784 {strides = array<i32>} : memref<800xi32, #tpu.memory_space<vmem>>, vector<16xi32>,
    %get3A_785 = arith.constant 64 : index
    %get3A_786 = tpu.vector_load %arg23[%get3A_785] {strides = array<i32>} : memref<128xi32, #tpu.memory_space<vmem>>, vector<16xi32>,
    %get3A_787 = vector.shape_cast %get3A_786 : vector<16xi32> to vector<16xi32>
    %swap3A_788 = arith.constant 576 : index
    %swap3A_789 = tpu.vector_load %arg11[%swap3A_788] {strides = array<i32>} : memref<800xi32, #tpu.memory_space<vmem>>, vector<16xi32>,
    %swap3A_790 = vector.shape_cast %swap3A_789 : vector<16xi32> to vector<16xi32>
    %swap3A_791 = vector.shape_cast %get3A_787 : vector<16xi32> to vector<16xi32>
    tpu.vector_store %arg11[%swap3A_788], %swap3A_791 {strides = array<i32>} : memref<800xi32, #tpu.memory_space<vmem>>, vector<16xi32>,
    %get3A_792 = arith.constant 80 : index
    %get3A_793 = tpu.vector_load %arg23[%get3A_792] {strides = array<i32>} : memref<128xi32, #tpu.memory_space<vmem>>, vector<16xi32>,
    %get3A_794 = vector.shape_cast %get3A_793 : vector<16xi32> to vector<16xi32>
    %swap3A_795 = arith.constant 592 : index
    %swap3A_796 = tpu.vector_load %arg11[%swap3A_795] {strides = array<i32>} : memref<800xi32, #tpu.memory_space<vmem>>, vector<16xi32>,
    %swap3A_797 = vector.shape_cast %swap3A_796 : vector<16xi32> to vector<16xi32>
    %swap3A_798 = vector.shape_cast %get3A_794 : vector<16xi32> to vector<16xi32>
    tpu.vector_store %arg11[%swap3A_795], %swap3A_798 {strides = array<i32>} : memref<800xi32, #tpu.memory_space<vmem>>, vector<16xi32>,
    %get3A_799 = arith.constant 96 : index
    %get3A_800 = tpu.vector_load %arg23[%get3A_799] {strides = array<i32>} : memref<128xi32, #tpu.memory_space<vmem>>, vector<16xi32>,
    %get3A_801 = vector.shape_cast %get3A_800 : vector<16xi32> to vector<16xi32>
    %swap3A_802 = arith.constant 608 : index
    %swap3A_803 = tpu.vector_load %arg11[%swap3A_802] {strides = array<i32>} : memref<800xi32, #tpu.memory_space<vmem>>, vector<16xi32>,
    %swap3A_804 = vector.shape_cast %swap3A_803 : vector<16xi32> to vector<16xi32>
    %swap3A_805 = vector.shape_cast %get3A_801 : vector<16xi32> to vector<16xi32>
    tpu.vector_store %arg11[%swap3A_802], %swap3A_805 {strides = array<i32>} : memref<800xi32, #tpu.memory_space<vmem>>, vector<16xi32>,
    %get3A_806 = arith.constant 112 : index
    %get3A_807 = tpu.vector_load %arg23[%get3A_806] {strides = array<i32>} : memref<128xi32, #tpu.memory_space<vmem>>, vector<16xi32>,
    %get3A_808 = vector.shape_cast %get3A_807 : vector<16xi32> to vector<16xi32>
    %swap3A_809 = arith.constant 624 : index
    %swap3A_810 = tpu.vector_load %arg11[%swap3A_809] {strides = array<i32>} : memref<800xi32, #tpu.memory_space<vmem>>, vector<16xi32>,
    %swap3A_811 = vector.shape_cast %swap3A_810 : vector<16xi32> to vector<16xi32>
    %swap3A_812 = vector.shape_cast %get3A_808 : vector<16xi32> to vector<16xi32>
    tpu.vector_store %arg11[%swap3A_809], %swap3A_812 {strides = array<i32>} : memref<800xi32, #tpu.memory_space<vmem>>, vector<16xi32>,
    %get3A_813 = arith.constant 0 : index
    %get3A_814 = tpu.vector_load %arg24[%get3A_813] {strides = array<i32>} : memref<128xi32, #tpu.memory_space<vmem>>, vector<16xi32>,
    %get3A_815 = vector.shape_cast %get3A_814 : vector<16xi32> to vector<16xi32>
    %swap3A_816 = arith.constant 640 : index
    %swap3A_817 = tpu.vector_load %arg11[%swap3A_816] {strides = array<i32>} : memref<800xi32, #tpu.memory_space<vmem>>, vector<16xi32>,
    %swap3A_818 = vector.shape_cast %swap3A_817 : vector<16xi32> to vector<16xi32>
    %swap3A_819 = vector.shape_cast %get3A_815 : vector<16xi32> to vector<16xi32>
    tpu.vector_store %arg11[%swap3A_816], %swap3A_819 {strides = array<i32>} : memref<800xi32, #tpu.memory_space<vmem>>, vector<16xi32>,
    %get3A_820 = arith.constant 16 : index
    %get3A_821 = tpu.vector_load %arg24[%get3A_820] {strides = array<i32>} : memref<128xi32, #tpu.memory_space<vmem>>, vector<16xi32>,
    %get3A_822 = vector.shape_cast %get3A_821 : vector<16xi32> to vector<16xi32>
    %swap3A_823 = arith.constant 656 : index
    %swap3A_824 = tpu.vector_load %arg11[%swap3A_823] {strides = array<i32>} : memref<800xi32, #tpu.memory_space<vmem>>, vector<16xi32>,
    %swap3A_825 = vector.shape_cast %swap3A_824 : vector<16xi32> to vector<16xi32>
    %swap3A_826 = vector.shape_cast %get3A_822 : vector<16xi32> to vector<16xi32>
    tpu.vector_store %arg11[%swap3A_823], %swap3A_826 {strides = array<i32>} : memref<800xi32, #tpu.memory_space<vmem>>, vector<16xi32>,
    %get3A_827 = arith.constant 32 : index
    %get3A_828 = tpu.vector_load %arg24[%get3A_827] {strides = array<i32>} : memref<128xi32, #tpu.memory_space<vmem>>, vector<16xi32>,
    %get3A_829 = vector.shape_cast %get3A_828 : vector<16xi32> to vector<16xi32>
    %swap3A_830 = arith.constant 672 : index
    %swap3A_831 = tpu.vector_load %arg11[%swap3A_830] {strides = array<i32>} : memref<800xi32, #tpu.memory_space<vmem>>, vector<16xi32>,
    %swap3A_832 = vector.shape_cast %swap3A_831 : vector<16xi32> to vector<16xi32>
    %swap3A_833 = vector.shape_cast %get3A_829 : vector<16xi32> to vector<16xi32>
    tpu.vector_store %arg11[%swap3A_830], %swap3A_833 {strides = array<i32>} : memref<800xi32, #tpu.memory_space<vmem>>, vector<16xi32>,
    %get3A_834 = arith.constant 48 : index
    %get3A_835 = tpu.vector_load %arg24[%get3A_834] {strides = array<i32>} : memref<128xi32, #tpu.memory_space<vmem>>, vector<16xi32>,
    %get3A_836 = vector.shape_cast %get3A_835 : vector<16xi32> to vector<16xi32>
    %swap3A_837 = arith.constant 688 : index
    %swap3A_838 = tpu.vector_load %arg11[%swap3A_837] {strides = array<i32>} : memref<800xi32, #tpu.memory_space<vmem>>, vector<16xi32>,
    %swap3A_839 = vector.shape_cast %swap3A_838 : vector<16xi32> to vector<16xi32>
    %swap3A_840 = vector.shape_cast %get3A_836 : vector<16xi32> to vector<16xi32>
    tpu.vector_store %arg11[%swap3A_837], %swap3A_840 {strides = array<i32>} : memref<800xi32, #tpu.memory_space<vmem>>, vector<16xi32>,
    %get3A_841 = arith.constant 64 : index
    %get3A_842 = tpu.vector_load %arg24[%get3A_841] {strides = array<i32>} : memref<128xi32, #tpu.memory_space<vmem>>, vector<16xi32>,
    %get3A_843 = vector.shape_cast %get3A_842 : vector<16xi32> to vector<16xi32>
    %swap3A_844 = arith.constant 704 : index
    %swap3A_845 = tpu.vector_load %arg11[%swap3A_844] {strides = array<i32>} : memref<800xi32, #tpu.memory_space<vmem>>, vector<16xi32>,
    %swap3A_846 = vector.shape_cast %swap3A_845 : vector<16xi32> to vector<16xi32>
    %swap3A_847 = vector.shape_cast %get3A_843 : vector<16xi32> to vector<16xi32>
    tpu.vector_store %arg11[%swap3A_844], %swap3A_847 {strides = array<i32>} : memref<800xi32, #tpu.memory_space<vmem>>, vector<16xi32>,
    %get3A_848 = arith.constant 80 : index
    %get3A_849 = tpu.vector_load %arg24[%get3A_848] {strides = array<i32>} : memref<128xi32, #tpu.memory_space<vmem>>, vector<16xi32>,
    %get3A_850 = vector.shape_cast %get3A_849 : vector<16xi32> to vector<16xi32>
    %swap3A_851 = arith.constant 720 : index
    %swap3A_852 = tpu.vector_load %arg11[%swap3A_851] {strides = array<i32>} : memref<800xi32, #tpu.memory_space<vmem>>, vector<16xi32>,
    %swap3A_853 = vector.shape_cast %swap3A_852 : vector<16xi32> to vector<16xi32>
    %swap3A_854 = vector.shape_cast %get3A_850 : vector<16xi32> to vector<16xi32>
    tpu.vector_store %arg11[%swap3A_851], %swap3A_854 {strides = array<i32>} : memref<800xi32, #tpu.memory_space<vmem>>, vector<16xi32>,
    %get3A_855 = arith.constant 96 : index
    %get3A_856 = tpu.vector_load %arg24[%get3A_855] {strides = array<i32>} : memref<128xi32, #tpu.memory_space<vmem>>, vector<16xi32>,
    %get3A_857 = vector.shape_cast %get3A_856 : vector<16xi32> to vector<16xi32>
    %swap3A_858 = arith.constant 736 : index
    %swap3A_859 = tpu.vector_load %arg11[%swap3A_858] {strides = array<i32>} : memref<800xi32, #tpu.memory_space<vmem>>, vector<16xi32>,
    %swap3A_860 = vector.shape_cast %swap3A_859 : vector<16xi32> to vector<16xi32>
    %swap3A_861 = vector.shape_cast %get3A_857 : vector<16xi32> to vector<16xi32>
    tpu.vector_store %arg11[%swap3A_858], %swap3A_861 {strides = array<i32>} : memref<800xi32, #tpu.memory_space<vmem>>, vector<16xi32>,
    %get3A_862 = arith.constant 112 : index
    %get3A_863 = tpu.vector_load %arg24[%get3A_862] {strides = array<i32>} : memref<128xi32, #tpu.memory_space<vmem>>, vector<16xi32>,
    %get3A_864 = vector.shape_cast %get3A_863 : vector<16xi32> to vector<16xi32>
    %swap3A_865 = arith.constant 752 : index
    %swap3A_866 = tpu.vector_load %arg11[%swap3A_865] {strides = array<i32>} : memref<800xi32, #tpu.memory_space<vmem>>, vector<16xi32>,
    %swap3A_867 = vector.shape_cast %swap3A_866 : vector<16xi32> to vector<16xi32>
    %swap3A_868 = vector.shape_cast %get3A_864 : vector<16xi32> to vector<16xi32>
    tpu.vector_store %arg11[%swap3A_865], %swap3A_868 {strides = array<i32>} : memref<800xi32, #tpu.memory_space<vmem>>, vector<16xi32>,
    %get3A_869 = arith.constant 0 : index
    %get3A_870 = tpu.vector_load %arg25[%get3A_869] {strides = array<i32>} : memref<32xi32, #tpu.memory_space<vmem>>, vector<16xi32>,
    %get3A_871 = vector.shape_cast %get3A_870 : vector<16xi32> to vector<16xi32>
    %swap3A_872 = arith.constant 768 : index
    %swap3A_873 = tpu.vector_load %arg11[%swap3A_872] {strides = array<i32>} : memref<800xi32, #tpu.memory_space<vmem>>, vector<16xi32>,
    %swap3A_874 = vector.shape_cast %swap3A_873 : vector<16xi32> to vector<16xi32>
    %swap3A_875 = vector.shape_cast %get3A_871 : vector<16xi32> to vector<16xi32>
    tpu.vector_store %arg11[%swap3A_872], %swap3A_875 {strides = array<i32>} : memref<800xi32, #tpu.memory_space<vmem>>, vector<16xi32>,
    %get3A_876 = arith.constant 16 : index
    %get3A_877 = tpu.vector_load %arg25[%get3A_876] {strides = array<i32>} : memref<32xi32, #tpu.memory_space<vmem>>, vector<16xi32>,
    %get3A_878 = vector.shape_cast %get3A_877 : vector<16xi32> to vector<16xi32>
    %swap3A_879 = arith.constant 784 : index
    %swap3A_880 = tpu.vector_load %arg11[%swap3A_879] {strides = array<i32>} : memref<800xi32, #tpu.memory_space<vmem>>, vector<16xi32>,
    %swap3A_881 = vector.shape_cast %swap3A_880 : vector<16xi32> to vector<16xi32>
    %swap3A_882 = vector.shape_cast %get3A_878 : vector<16xi32> to vector<16xi32>
    tpu.vector_store %arg11[%swap3A_879], %swap3A_882 {strides = array<i32>} : memref<800xi32, #tpu.memory_space<vmem>>, vector<16xi32>,
    %get3A_883 = arith.constant 0 : index
    %get3A_884 = tpu.vector_load %arg11[%get3A_883] {strides = array<i32>} : memref<800xi32, #tpu.memory_space<vmem>>, vector<16xi32>,
    %get3A_885 = vector.shape_cast %get3A_884 : vector<16xi32> to vector<16xi32>
    %swap3A_886 = arith.constant 0 : index
    %swap3A_887 = tpu.vector_load %arg26[%swap3A_886] {strides = array<i32>} : memref<32xi32, #tpu.memory_space<vmem>>, vector<16xi32>,
    %swap3A_888 = vector.shape_cast %swap3A_887 : vector<16xi32> to vector<16xi32>
    %swap3A_889 = vector.shape_cast %get3A_885 : vector<16xi32> to vector<16xi32>
    tpu.vector_store %arg26[%swap3A_886], %swap3A_889 {strides = array<i32>} : memref<32xi32, #tpu.memory_space<vmem>>, vector<16xi32>,
    %get3A_890 = arith.constant 16 : index
    %get3A_891 = tpu.vector_load %arg11[%get3A_890] {strides = array<i32>} : memref<800xi32, #tpu.memory_space<vmem>>, vector<16xi32>,
    %get3A_892 = vector.shape_cast %get3A_891 : vector<16xi32> to vector<16xi32>
    %swap3A_893 = arith.constant 16 : index
    %swap3A_894 = tpu.vector_load %arg26[%swap3A_893] {strides = array<i32>} : memref<32xi32, #tpu.memory_space<vmem>>, vector<16xi32>,
    %swap3A_895 = vector.shape_cast %swap3A_894 : vector<16xi32> to vector<16xi32>
    %swap3A_896 = vector.shape_cast %get3A_892 : vector<16xi32> to vector<16xi32>
    tpu.vector_store %arg26[%swap3A_893], %swap3A_896 {strides = array<i32>} : memref<32xi32, #tpu.memory_space<vmem>>, vector<16xi32>,
    %get3A_897 = arith.constant 0 : index
    %get3A_898 = tpu.vector_load %arg26[%get3A_897] {strides = array<i32>} : memref<32xi32, #tpu.memory_space<vmem>>, vector<16xi32>,
    %get3A_899 = vector.shape_cast %get3A_898 : vector<16xi32> to vector<16xi32>
    %add3A_900 = arith.constant 0 : i32
    %add3A_901 = vector.broadcast %add3A_900 : i32 to vector<16xi32>
    %add3A_902 = arith.addi %get3A_899, %add3A_901 : vector<16xi32>
    %swap3A_903 = arith.constant 0 : index
    %swap3A_904 = tpu.vector_load %arg28[%swap3A_903] {strides = array<i32>} : memref<128xi32, #tpu.memory_space<vmem>>, vector<16xi32>,
    %swap3A_905 = vector.shape_cast %swap3A_904 : vector<16xi32> to vector<16xi32>
    %swap3A_906 = vector.shape_cast %add3A_902 : vector<16xi32> to vector<16xi32>
    tpu.vector_store %arg28[%swap3A_903], %swap3A_906 {strides = array<i32>} : memref<128xi32, #tpu.memory_space<vmem>>, vector<16xi32>,
    %get3A_907 = arith.constant 16 : index
    %get3A_908 = tpu.vector_load %arg26[%get3A_907] {strides = array<i32>} : memref<32xi32, #tpu.memory_space<vmem>>, vector<16xi32>,
    %get3A_909 = vector.shape_cast %get3A_908 : vector<16xi32> to vector<16xi32>
    %add3A_910 = arith.constant 0 : i32
    %add3A_911 = vector.broadcast %add3A_910 : i32 to vector<16xi32>
    %add3A_912 = arith.addi %get3A_909, %add3A_911 : vector<16xi32>
    %swap3A_913 = arith.constant 16 : index
    %swap3A_914 = tpu.vector_load %arg28[%swap3A_913] {strides = array<i32>} : memref<128xi32, #tpu.memory_space<vmem>>, vector<16xi32>,
    %swap3A_915 = vector.shape_cast %swap3A_914 : vector<16xi32> to vector<16xi32>
    %swap3A_916 = vector.shape_cast %add3A_912 : vector<16xi32> to vector<16xi32>
    tpu.vector_store %arg28[%swap3A_913], %swap3A_916 {strides = array<i32>} : memref<128xi32, #tpu.memory_space<vmem>>, vector<16xi32>,
    %get3A_917 = arith.constant 0 : index
    %get3A_918 = tpu.vector_load %arg26[%get3A_917] {strides = array<i32>} : memref<32xi32, #tpu.memory_space<vmem>>, vector<16xi32>,
    %get3A_919 = vector.shape_cast %get3A_918 : vector<16xi32> to vector<16xi32>
    %add3A_920 = arith.constant 100000 : i32
    %add3A_921 = vector.broadcast %add3A_920 : i32 to vector<16xi32>
    %add3A_922 = arith.addi %get3A_919, %add3A_921 : vector<16xi32>
    %swap3A_923 = arith.constant 32 : index
    %swap3A_924 = tpu.vector_load %arg28[%swap3A_923] {strides = array<i32>} : memref<128xi32, #tpu.memory_space<vmem>>, vector<16xi32>,
    %swap3A_925 = vector.shape_cast %swap3A_924 : vector<16xi32> to vector<16xi32>
    %swap3A_926 = vector.shape_cast %add3A_922 : vector<16xi32> to vector<16xi32>
    tpu.vector_store %arg28[%swap3A_923], %swap3A_926 {strides = array<i32>} : memref<128xi32, #tpu.memory_space<vmem>>, vector<16xi32>,
    %get3A_927 = arith.constant 16 : index
    %get3A_928 = tpu.vector_load %arg26[%get3A_927] {strides = array<i32>} : memref<32xi32, #tpu.memory_space<vmem>>, vector<16xi32>,
    %get3A_929 = vector.shape_cast %get3A_928 : vector<16xi32> to vector<16xi32>
    %add3A_930 = arith.constant 100000 : i32
    %add3A_931 = vector.broadcast %add3A_930 : i32 to vector<16xi32>
    %add3A_932 = arith.addi %get3A_929, %add3A_931 : vector<16xi32>
    %swap3A_933 = arith.constant 48 : index
    %swap3A_934 = tpu.vector_load %arg28[%swap3A_933] {strides = array<i32>} : memref<128xi32, #tpu.memory_space<vmem>>, vector<16xi32>,
    %swap3A_935 = vector.shape_cast %swap3A_934 : vector<16xi32> to vector<16xi32>
    %swap3A_936 = vector.shape_cast %add3A_932 : vector<16xi32> to vector<16xi32>
    tpu.vector_store %arg28[%swap3A_933], %swap3A_936 {strides = array<i32>} : memref<128xi32, #tpu.memory_space<vmem>>, vector<16xi32>,
    %get3A_937 = arith.constant 0 : index
    %get3A_938 = tpu.vector_load %arg26[%get3A_937] {strides = array<i32>} : memref<32xi32, #tpu.memory_space<vmem>>, vector<16xi32>,
    %get3A_939 = vector.shape_cast %get3A_938 : vector<16xi32> to vector<16xi32>
    %add3A_940 = arith.constant 200000 : i32
    %add3A_941 = vector.broadcast %add3A_940 : i32 to vector<16xi32>
    %add3A_942 = arith.addi %get3A_939, %add3A_941 : vector<16xi32>
    %swap3A_943 = arith.constant 64 : index
    %swap3A_944 = tpu.vector_load %arg28[%swap3A_943] {strides = array<i32>} : memref<128xi32, #tpu.memory_space<vmem>>, vector<16xi32>,
    %swap3A_945 = vector.shape_cast %swap3A_944 : vector<16xi32> to vector<16xi32>
    %swap3A_946 = vector.shape_cast %add3A_942 : vector<16xi32> to vector<16xi32>
    tpu.vector_store %arg28[%swap3A_943], %swap3A_946 {strides = array<i32>} : memref<128xi32, #tpu.memory_space<vmem>>, vector<16xi32>,
    %get3A_947 = arith.constant 16 : index
    %get3A_948 = tpu.vector_load %arg26[%get3A_947] {strides = array<i32>} : memref<32xi32, #tpu.memory_space<vmem>>, vector<16xi32>,
    %get3A_949 = vector.shape_cast %get3A_948 : vector<16xi32> to vector<16xi32>
    %add3A_950 = arith.constant 200000 : i32
    %add3A_951 = vector.broadcast %add3A_950 : i32 to vector<16xi32>
    %add3A_952 = arith.addi %get3A_949, %add3A_951 : vector<16xi32>
    %swap3A_953 = arith.constant 80 : index
    %swap3A_954 = tpu.vector_load %arg28[%swap3A_953] {strides = array<i32>} : memref<128xi32, #tpu.memory_space<vmem>>, vector<16xi32>,
    %swap3A_955 = vector.shape_cast %swap3A_954 : vector<16xi32> to vector<16xi32>
    %swap3A_956 = vector.shape_cast %add3A_952 : vector<16xi32> to vector<16xi32>
    tpu.vector_store %arg28[%swap3A_953], %swap3A_956 {strides = array<i32>} : memref<128xi32, #tpu.memory_space<vmem>>, vector<16xi32>,
    %get3A_957 = arith.constant 0 : index
    %get3A_958 = tpu.vector_load %arg26[%get3A_957] {strides = array<i32>} : memref<32xi32, #tpu.memory_space<vmem>>, vector<16xi32>,
    %get3A_959 = vector.shape_cast %get3A_958 : vector<16xi32> to vector<16xi32>
    %add3A_960 = arith.constant 300000 : i32
    %add3A_961 = vector.broadcast %add3A_960 : i32 to vector<16xi32>
    %add3A_962 = arith.addi %get3A_959, %add3A_961 : vector<16xi32>
    %swap3A_963 = arith.constant 96 : index
    %swap3A_964 = tpu.vector_load %arg28[%swap3A_963] {strides = array<i32>} : memref<128xi32, #tpu.memory_space<vmem>>, vector<16xi32>,
    %swap3A_965 = vector.shape_cast %swap3A_964 : vector<16xi32> to vector<16xi32>
    %swap3A_966 = vector.shape_cast %add3A_962 : vector<16xi32> to vector<16xi32>
    tpu.vector_store %arg28[%swap3A_963], %swap3A_966 {strides = array<i32>} : memref<128xi32, #tpu.memory_space<vmem>>, vector<16xi32>,
    %get3A_967 = arith.constant 16 : index
    %get3A_968 = tpu.vector_load %arg26[%get3A_967] {strides = array<i32>} : memref<32xi32, #tpu.memory_space<vmem>>, vector<16xi32>,
    %get3A_969 = vector.shape_cast %get3A_968 : vector<16xi32> to vector<16xi32>
    %add3A_970 = arith.constant 300000 : i32
    %add3A_971 = vector.broadcast %add3A_970 : i32 to vector<16xi32>
    %add3A_972 = arith.addi %get3A_969, %add3A_971 : vector<16xi32>
    %swap3A_973 = arith.constant 112 : index
    %swap3A_974 = tpu.vector_load %arg28[%swap3A_973] {strides = array<i32>} : memref<128xi32, #tpu.memory_space<vmem>>, vector<16xi32>,
    %swap3A_975 = vector.shape_cast %swap3A_974 : vector<16xi32> to vector<16xi32>
    %swap3A_976 = vector.shape_cast %add3A_972 : vector<16xi32> to vector<16xi32>
    tpu.vector_store %arg28[%swap3A_973], %swap3A_976 {strides = array<i32>} : memref<128xi32, #tpu.memory_space<vmem>>, vector<16xi32>,
    %get3A_977 = arith.constant 0 : index
    %get3A_978 = tpu.vector_load %arg26[%get3A_977] {strides = array<i32>} : memref<32xi32, #tpu.memory_space<vmem>>, vector<16xi32>,
    %get3A_979 = vector.shape_cast %get3A_978 : vector<16xi32> to vector<16xi32>
    %add3A_980 = arith.constant 400000 : i32
    %add3A_981 = vector.broadcast %add3A_980 : i32 to vector<16xi32>
    %add3A_982 = arith.addi %get3A_979, %add3A_981 : vector<16xi32>
    %swap3A_983 = arith.constant 0 : index
    %swap3A_984 = tpu.vector_load %arg29[%swap3A_983] {strides = array<i32>} : memref<128xi32, #tpu.memory_space<vmem>>, vector<16xi32>,
    %swap3A_985 = vector.shape_cast %swap3A_984 : vector<16xi32> to vector<16xi32>
    %swap3A_986 = vector.shape_cast %add3A_982 : vector<16xi32> to vector<16xi32>
    tpu.vector_store %arg29[%swap3A_983], %swap3A_986 {strides = array<i32>} : memref<128xi32, #tpu.memory_space<vmem>>, vector<16xi32>,
    %get3A_987 = arith.constant 16 : index
    %get3A_988 = tpu.vector_load %arg26[%get3A_987] {strides = array<i32>} : memref<32xi32, #tpu.memory_space<vmem>>, vector<16xi32>,
    %get3A_989 = vector.shape_cast %get3A_988 : vector<16xi32> to vector<16xi32>
    %add3A_990 = arith.constant 400000 : i32
    %add3A_991 = vector.broadcast %add3A_990 : i32 to vector<16xi32>
    %add3A_992 = arith.addi %get3A_989, %add3A_991 : vector<16xi32>
    %swap3A_993 = arith.constant 16 : index
    %swap3A_994 = tpu.vector_load %arg29[%swap3A_993] {strides = array<i32>} : memref<128xi32, #tpu.memory_space<vmem>>, vector<16xi32>,
    %swap3A_995 = vector.shape_cast %swap3A_994 : vector<16xi32> to vector<16xi32>
    %swap3A_996 = vector.shape_cast %add3A_992 : vector<16xi32> to vector<16xi32>
    tpu.vector_store %arg29[%swap3A_993], %swap3A_996 {strides = array<i32>} : memref<128xi32, #tpu.memory_space<vmem>>, vector<16xi32>,
    %get3A_997 = arith.constant 0 : index
    %get3A_998 = tpu.vector_load %arg26[%get3A_997] {strides = array<i32>} : memref<32xi32, #tpu.memory_space<vmem>>, vector<16xi32>,
    %get3A_999 = vector.shape_cast %get3A_998 : vector<16xi32> to vector<16xi32>
    %add3A_1000 = arith.constant 500000 : i32
    %add3A_1001 = vector.broadcast %add3A_1000 : i32 to vector<16xi32>
    %add3A_1002 = arith.addi %get3A_999, %add3A_1001 : vector<16xi32>
    %swap3A_1003 = arith.constant 32 : index
    %swap3A_1004 = tpu.vector_load %arg29[%swap3A_1003] {strides = array<i32>} : memref<128xi32, #tpu.memory_space<vmem>>, vector<16xi32>,
    %swap3A_1005 = vector.shape_cast %swap3A_1004 : vector<16xi32> to vector<16xi32>
    %swap3A_1006 = vector.shape_cast %add3A_1002 : vector<16xi32> to vector<16xi32>
    tpu.vector_store %arg29[%swap3A_1003], %swap3A_1006 {strides = array<i32>} : memref<128xi32, #tpu.memory_space<vmem>>, vector<16xi32>,
    %get3A_1007 = arith.constant 16 : index
    %get3A_1008 = tpu.vector_load %arg26[%get3A_1007] {strides = array<i32>} : memref<32xi32, #tpu.memory_space<vmem>>, vector<16xi32>,
    %get3A_1009 = vector.shape_cast %get3A_1008 : vector<16xi32> to vector<16xi32>
    %add3A_1010 = arith.constant 500000 : i32
    %add3A_1011 = vector.broadcast %add3A_1010 : i32 to vector<16xi32>
    %add3A_1012 = arith.addi %get3A_1009, %add3A_1011 : vector<16xi32>
    %swap3A_1013 = arith.constant 48 : index
    %swap3A_1014 = tpu.vector_load %arg29[%swap3A_1013] {strides = array<i32>} : memref<128xi32, #tpu.memory_space<vmem>>, vector<16xi32>,
    %swap3A_1015 = vector.shape_cast %swap3A_1014 : vector<16xi32> to vector<16xi32>
    %swap3A_1016 = vector.shape_cast %add3A_1012 : vector<16xi32> to vector<16xi32>
    tpu.vector_store %arg29[%swap3A_1013], %swap3A_1016 {strides = array<i32>} : memref<128xi32, #tpu.memory_space<vmem>>, vector<16xi32>,
    %get3A_1017 = arith.constant 0 : index
    %get3A_1018 = tpu.vector_load %arg26[%get3A_1017] {strides = array<i32>} : memref<32xi32, #tpu.memory_space<vmem>>, vector<16xi32>,
    %get3A_1019 = vector.shape_cast %get3A_1018 : vector<16xi32> to vector<16xi32>
    %add3A_1020 = arith.constant 600000 : i32
    %add3A_1021 = vector.broadcast %add3A_1020 : i32 to vector<16xi32>
    %add3A_1022 = arith.addi %get3A_1019, %add3A_1021 : vector<16xi32>
    %swap3A_1023 = arith.constant 64 : index
    %swap3A_1024 = tpu.vector_load %arg29[%swap3A_1023] {strides = array<i32>} : memref<128xi32, #tpu.memory_space<vmem>>, vector<16xi32>,
    %swap3A_1025 = vector.shape_cast %swap3A_1024 : vector<16xi32> to vector<16xi32>
    %swap3A_1026 = vector.shape_cast %add3A_1022 : vector<16xi32> to vector<16xi32>
    tpu.vector_store %arg29[%swap3A_1023], %swap3A_1026 {strides = array<i32>} : memref<128xi32, #tpu.memory_space<vmem>>, vector<16xi32>,
    %get3A_1027 = arith.constant 16 : index
    %get3A_1028 = tpu.vector_load %arg26[%get3A_1027] {strides = array<i32>} : memref<32xi32, #tpu.memory_space<vmem>>, vector<16xi32>,
    %get3A_1029 = vector.shape_cast %get3A_1028 : vector<16xi32> to vector<16xi32>
    %add3A_1030 = arith.constant 600000 : i32
    %add3A_1031 = vector.broadcast %add3A_1030 : i32 to vector<16xi32>
    %add3A_1032 = arith.addi %get3A_1029, %add3A_1031 : vector<16xi32>
    %swap3A_1033 = arith.constant 80 : index
    %swap3A_1034 = tpu.vector_load %arg29[%swap3A_1033] {strides = array<i32>} : memref<128xi32, #tpu.memory_space<vmem>>, vector<16xi32>,
    %swap3A_1035 = vector.shape_cast %swap3A_1034 : vector<16xi32> to vector<16xi32>
    %swap3A_1036 = vector.shape_cast %add3A_1032 : vector<16xi32> to vector<16xi32>
    tpu.vector_store %arg29[%swap3A_1033], %swap3A_1036 {strides = array<i32>} : memref<128xi32, #tpu.memory_space<vmem>>, vector<16xi32>,
    %get3A_1037 = arith.constant 0 : index
    %get3A_1038 = tpu.vector_load %arg26[%get3A_1037] {strides = array<i32>} : memref<32xi32, #tpu.memory_space<vmem>>, vector<16xi32>,
    %get3A_1039 = vector.shape_cast %get3A_1038 : vector<16xi32> to vector<16xi32>
    %add3A_1040 = arith.constant 700000 : i32
    %add3A_1041 = vector.broadcast %add3A_1040 : i32 to vector<16xi32>
    %add3A_1042 = arith.addi %get3A_1039, %add3A_1041 : vector<16xi32>
    %swap3A_1043 = arith.constant 96 : index
    %swap3A_1044 = tpu.vector_load %arg29[%swap3A_1043] {strides = array<i32>} : memref<128xi32, #tpu.memory_space<vmem>>, vector<16xi32>,
    %swap3A_1045 = vector.shape_cast %swap3A_1044 : vector<16xi32> to vector<16xi32>
    %swap3A_1046 = vector.shape_cast %add3A_1042 : vector<16xi32> to vector<16xi32>
    tpu.vector_store %arg29[%swap3A_1043], %swap3A_1046 {strides = array<i32>} : memref<128xi32, #tpu.memory_space<vmem>>, vector<16xi32>,
    %get3A_1047 = arith.constant 16 : index
    %get3A_1048 = tpu.vector_load %arg26[%get3A_1047] {strides = array<i32>} : memref<32xi32, #tpu.memory_space<vmem>>, vector<16xi32>,
    %get3A_1049 = vector.shape_cast %get3A_1048 : vector<16xi32> to vector<16xi32>
    %add3A_1050 = arith.constant 700000 : i32
    %add3A_1051 = vector.broadcast %add3A_1050 : i32 to vector<16xi32>
    %add3A_1052 = arith.addi %get3A_1049, %add3A_1051 : vector<16xi32>
    %swap3A_1053 = arith.constant 112 : index
    %swap3A_1054 = tpu.vector_load %arg29[%swap3A_1053] {strides = array<i32>} : memref<128xi32, #tpu.memory_space<vmem>>, vector<16xi32>,
    %swap3A_1055 = vector.shape_cast %swap3A_1054 : vector<16xi32> to vector<16xi32>
    %swap3A_1056 = vector.shape_cast %add3A_1052 : vector<16xi32> to vector<16xi32>
    tpu.vector_store %arg29[%swap3A_1053], %swap3A_1056 {strides = array<i32>} : memref<128xi32, #tpu.memory_space<vmem>>, vector<16xi32>,
    %get3A_1057 = arith.constant 0 : index
    %get3A_1058 = tpu.vector_load %arg26[%get3A_1057] {strides = array<i32>} : memref<32xi32, #tpu.memory_space<vmem>>, vector<16xi32>,
    %get3A_1059 = vector.shape_cast %get3A_1058 : vector<16xi32> to vector<16xi32>
    %add3A_1060 = arith.constant 800000 : i32
    %add3A_1061 = vector.broadcast %add3A_1060 : i32 to vector<16xi32>
    %add3A_1062 = arith.addi %get3A_1059, %add3A_1061 : vector<16xi32>
    %swap3A_1063 = arith.constant 0 : index
    %swap3A_1064 = tpu.vector_load %arg30[%swap3A_1063] {strides = array<i32>} : memref<64xi32, #tpu.memory_space<vmem>>, vector<16xi32>,
    %swap3A_1065 = vector.shape_cast %swap3A_1064 : vector<16xi32> to vector<16xi32>
    %swap3A_1066 = vector.shape_cast %add3A_1062 : vector<16xi32> to vector<16xi32>
    tpu.vector_store %arg30[%swap3A_1063], %swap3A_1066 {strides = array<i32>} : memref<64xi32, #tpu.memory_space<vmem>>, vector<16xi32>,
    %get3A_1067 = arith.constant 16 : index
    %get3A_1068 = tpu.vector_load %arg26[%get3A_1067] {strides = array<i32>} : memref<32xi32, #tpu.memory_space<vmem>>, vector<16xi32>,
    %get3A_1069 = vector.shape_cast %get3A_1068 : vector<16xi32> to vector<16xi32>
    %add3A_1070 = arith.constant 800000 : i32
    %add3A_1071 = vector.broadcast %add3A_1070 : i32 to vector<16xi32>
    %add3A_1072 = arith.addi %get3A_1069, %add3A_1071 : vector<16xi32>
    %swap3A_1073 = arith.constant 16 : index
    %swap3A_1074 = tpu.vector_load %arg30[%swap3A_1073] {strides = array<i32>} : memref<64xi32, #tpu.memory_space<vmem>>, vector<16xi32>,
    %swap3A_1075 = vector.shape_cast %swap3A_1074 : vector<16xi32> to vector<16xi32>
    %swap3A_1076 = vector.shape_cast %add3A_1072 : vector<16xi32> to vector<16xi32>
    tpu.vector_store %arg30[%swap3A_1073], %swap3A_1076 {strides = array<i32>} : memref<64xi32, #tpu.memory_space<vmem>>, vector<16xi32>,
    %get3A_1077 = arith.constant 0 : index
    %get3A_1078 = tpu.vector_load %arg26[%get3A_1077] {strides = array<i32>} : memref<32xi32, #tpu.memory_space<vmem>>, vector<16xi32>,
    %get3A_1079 = vector.shape_cast %get3A_1078 : vector<16xi32> to vector<16xi32>
    %add3A_1080 = arith.constant 900000 : i32
    %add3A_1081 = vector.broadcast %add3A_1080 : i32 to vector<16xi32>
    %add3A_1082 = arith.addi %get3A_1079, %add3A_1081 : vector<16xi32>
    %swap3A_1083 = arith.constant 32 : index
    %swap3A_1084 = tpu.vector_load %arg30[%swap3A_1083] {strides = array<i32>} : memref<64xi32, #tpu.memory_space<vmem>>, vector<16xi32>,
    %swap3A_1085 = vector.shape_cast %swap3A_1084 : vector<16xi32> to vector<16xi32>
    %swap3A_1086 = vector.shape_cast %add3A_1082 : vector<16xi32> to vector<16xi32>
    tpu.vector_store %arg30[%swap3A_1083], %swap3A_1086 {strides = array<i32>} : memref<64xi32, #tpu.memory_space<vmem>>, vector<16xi32>,
    %get3A_1087 = arith.constant 16 : index
    %get3A_1088 = tpu.vector_load %arg26[%get3A_1087] {strides = array<i32>} : memref<32xi32, #tpu.memory_space<vmem>>, vector<16xi32>,
    %get3A_1089 = vector.shape_cast %get3A_1088 : vector<16xi32> to vector<16xi32>
    %add3A_1090 = arith.constant 900000 : i32
    %add3A_1091 = vector.broadcast %add3A_1090 : i32 to vector<16xi32>
    %add3A_1092 = arith.addi %get3A_1089, %add3A_1091 : vector<16xi32>
    %swap3A_1093 = arith.constant 48 : index
    %swap3A_1094 = tpu.vector_load %arg30[%swap3A_1093] {strides = array<i32>} : memref<64xi32, #tpu.memory_space<vmem>>, vector<16xi32>,
    %swap3A_1095 = vector.shape_cast %swap3A_1094 : vector<16xi32> to vector<16xi32>
    %swap3A_1096 = vector.shape_cast %add3A_1092 : vector<16xi32> to vector<16xi32>
    tpu.vector_store %arg30[%swap3A_1093], %swap3A_1096 {strides = array<i32>} : memref<64xi32, #tpu.memory_space<vmem>>, vector<16xi32>,
    %dma_start3A_1097 = arith.constant 0 : i32
    %dma_start3A_1098 = tpu.memref_slice %arg4[%dma_start3A_1097] : memref<2500000xi32, #tpu.memory_space<hbm>> -> memref<2500000xi32, #tpu.memory_space<hbm>>
    tpu.enqueue_indirect_dma source(%dma_start3A_1098 : memref<2500000xi32, #tpu.memory_space<hbm>>) target(%arg34 : memref<128xi32, #tpu.memory_space<vmem>>) offsets(%arg28 : memref<128xi32, #tpu.memory_space<vmem>>) semaphore(%arg50 : memref<!tpu.dma_semaphore, #tpu.memory_space<semaphore_mem>>)
    %dma_start3A_1099 = arith.constant 0 : i32
    %dma_start3A_1100 = tpu.memref_slice %arg4[%dma_start3A_1099] : memref<2500000xi32, #tpu.memory_space<hbm>> -> memref<2500000xi32, #tpu.memory_space<hbm>>
    tpu.enqueue_indirect_dma source(%dma_start3A_1100 : memref<2500000xi32, #tpu.memory_space<hbm>>) target(%arg35 : memref<128xi32, #tpu.memory_space<vmem>>) offsets(%arg29 : memref<128xi32, #tpu.memory_space<vmem>>) semaphore(%arg50 : memref<!tpu.dma_semaphore, #tpu.memory_space<semaphore_mem>>)
    %dma_start3A_1101 = arith.constant 0 : i32
    %dma_start3A_1102 = tpu.memref_slice %arg4[%dma_start3A_1101] : memref<2500000xi32, #tpu.memory_space<hbm>> -> memref<2500000xi32, #tpu.memory_space<hbm>>
    tpu.enqueue_indirect_dma source(%dma_start3A_1102 : memref<2500000xi32, #tpu.memory_space<hbm>>) target(%arg36 : memref<64xi32, #tpu.memory_space<vmem>>) offsets(%arg30 : memref<64xi32, #tpu.memory_space<vmem>>) semaphore(%arg50 : memref<!tpu.dma_semaphore, #tpu.memory_space<semaphore_mem>>)
    %get3A_1103 = arith.constant 32 : index
    %get3A_1104 = tpu.vector_load %arg11[%get3A_1103] {strides = array<i32>} : memref<800xi32, #tpu.memory_space<vmem>>, vector<16xi32>,
    %get3A_1105 = vector.shape_cast %get3A_1104 : vector<16xi32> to vector<16xi32>
    %swap3A_1106 = arith.constant 0 : index
    %swap3A_1107 = tpu.vector_load %arg27[%swap3A_1106] {strides = array<i32>} : memref<32xi32, #tpu.memory_space<vmem>>, vector<16xi32>,
    %swap3A_1108 = vector.shape_cast %swap3A_1107 : vector<16xi32> to vector<16xi32>
    %swap3A_1109 = vector.shape_cast %get3A_1105 : vector<16xi32> to vector<16xi32>
    tpu.vector_store %arg27[%swap3A_1106], %swap3A_1109 {strides = array<i32>} : memref<32xi32, #tpu.memory_space<vmem>>, vector<16xi32>,
    %get3A_1110 = arith.constant 48 : index
    %get3A_1111 = tpu.vector_load %arg11[%get3A_1110] {strides = array<i32>} : memref<800xi32, #tpu.memory_space<vmem>>, vector<16xi32>,
    %get3A_1112 = vector.shape_cast %get3A_1111 : vector<16xi32> to vector<16xi32>
    %swap3A_1113 = arith.constant 16 : index
    %swap3A_1114 = tpu.vector_load %arg27[%swap3A_1113] {strides = array<i32>} : memref<32xi32, #tpu.memory_space<vmem>>, vector<16xi32>,
    %swap3A_1115 = vector.shape_cast %swap3A_1114 : vector<16xi32> to vector<16xi32>
    %swap3A_1116 = vector.shape_cast %get3A_1112 : vector<16xi32> to vector<16xi32>
    tpu.vector_store %arg27[%swap3A_1113], %swap3A_1116 {strides = array<i32>} : memref<32xi32, #tpu.memory_space<vmem>>, vector<16xi32>,
    %get3A_1117 = arith.constant 0 : index
    %get3A_1118 = tpu.vector_load %arg27[%get3A_1117] {strides = array<i32>} : memref<32xi32, #tpu.memory_space<vmem>>, vector<16xi32>,
    %get3A_1119 = vector.shape_cast %get3A_1118 : vector<16xi32> to vector<16xi32>
    %add3A_1120 = arith.constant 0 : i32
    %add3A_1121 = vector.broadcast %add3A_1120 : i32 to vector<16xi32>
    %add3A_1122 = arith.addi %get3A_1119, %add3A_1121 : vector<16xi32>
    %swap3A_1123 = arith.constant 0 : index
    %swap3A_1124 = tpu.vector_load %arg31[%swap3A_1123] {strides = array<i32>} : memref<128xi32, #tpu.memory_space<vmem>>, vector<16xi32>,
    %swap3A_1125 = vector.shape_cast %swap3A_1124 : vector<16xi32> to vector<16xi32>
    %swap3A_1126 = vector.shape_cast %add3A_1122 : vector<16xi32> to vector<16xi32>
    tpu.vector_store %arg31[%swap3A_1123], %swap3A_1126 {strides = array<i32>} : memref<128xi32, #tpu.memory_space<vmem>>, vector<16xi32>,
    %get3A_1127 = arith.constant 16 : index
    %get3A_1128 = tpu.vector_load %arg27[%get3A_1127] {strides = array<i32>} : memref<32xi32, #tpu.memory_space<vmem>>, vector<16xi32>,
    %get3A_1129 = vector.shape_cast %get3A_1128 : vector<16xi32> to vector<16xi32>
    %add3A_1130 = arith.constant 0 : i32
    %add3A_1131 = vector.broadcast %add3A_1130 : i32 to vector<16xi32>
    %add3A_1132 = arith.addi %get3A_1129, %add3A_1131 : vector<16xi32>
    %swap3A_1133 = arith.constant 16 : index
    %swap3A_1134 = tpu.vector_load %arg31[%swap3A_1133] {strides = array<i32>} : memref<128xi32, #tpu.memory_space<vmem>>, vector<16xi32>,
    %swap3A_1135 = vector.shape_cast %swap3A_1134 : vector<16xi32> to vector<16xi32>
    %swap3A_1136 = vector.shape_cast %add3A_1132 : vector<16xi32> to vector<16xi32>
    tpu.vector_store %arg31[%swap3A_1133], %swap3A_1136 {strides = array<i32>} : memref<128xi32, #tpu.memory_space<vmem>>, vector<16xi32>,
    %get3A_1137 = arith.constant 0 : index
    %get3A_1138 = tpu.vector_load %arg27[%get3A_1137] {strides = array<i32>} : memref<32xi32, #tpu.memory_space<vmem>>, vector<16xi32>,
    %get3A_1139 = vector.shape_cast %get3A_1138 : vector<16xi32> to vector<16xi32>
    %add3A_1140 = arith.constant 100000 : i32
    %add3A_1141 = vector.broadcast %add3A_1140 : i32 to vector<16xi32>
    %add3A_1142 = arith.addi %get3A_1139, %add3A_1141 : vector<16xi32>
    %swap3A_1143 = arith.constant 32 : index
    %swap3A_1144 = tpu.vector_load %arg31[%swap3A_1143] {strides = array<i32>} : memref<128xi32, #tpu.memory_space<vmem>>, vector<16xi32>,
    %swap3A_1145 = vector.shape_cast %swap3A_1144 : vector<16xi32> to vector<16xi32>
    %swap3A_1146 = vector.shape_cast %add3A_1142 : vector<16xi32> to vector<16xi32>
    tpu.vector_store %arg31[%swap3A_1143], %swap3A_1146 {strides = array<i32>} : memref<128xi32, #tpu.memory_space<vmem>>, vector<16xi32>,
    %get3A_1147 = arith.constant 16 : index
    %get3A_1148 = tpu.vector_load %arg27[%get3A_1147] {strides = array<i32>} : memref<32xi32, #tpu.memory_space<vmem>>, vector<16xi32>,
    %get3A_1149 = vector.shape_cast %get3A_1148 : vector<16xi32> to vector<16xi32>
    %add3A_1150 = arith.constant 100000 : i32
    %add3A_1151 = vector.broadcast %add3A_1150 : i32 to vector<16xi32>
    %add3A_1152 = arith.addi %get3A_1149, %add3A_1151 : vector<16xi32>
    %swap3A_1153 = arith.constant 48 : index
    %swap3A_1154 = tpu.vector_load %arg31[%swap3A_1153] {strides = array<i32>} : memref<128xi32, #tpu.memory_space<vmem>>, vector<16xi32>,
    %swap3A_1155 = vector.shape_cast %swap3A_1154 : vector<16xi32> to vector<16xi32>
    %swap3A_1156 = vector.shape_cast %add3A_1152 : vector<16xi32> to vector<16xi32>
    tpu.vector_store %arg31[%swap3A_1153], %swap3A_1156 {strides = array<i32>} : memref<128xi32, #tpu.memory_space<vmem>>, vector<16xi32>,
    %get3A_1157 = arith.constant 0 : index
    %get3A_1158 = tpu.vector_load %arg27[%get3A_1157] {strides = array<i32>} : memref<32xi32, #tpu.memory_space<vmem>>, vector<16xi32>,
    %get3A_1159 = vector.shape_cast %get3A_1158 : vector<16xi32> to vector<16xi32>
    %add3A_1160 = arith.constant 200000 : i32
    %add3A_1161 = vector.broadcast %add3A_1160 : i32 to vector<16xi32>
    %add3A_1162 = arith.addi %get3A_1159, %add3A_1161 : vector<16xi32>
    %swap3A_1163 = arith.constant 64 : index
    %swap3A_1164 = tpu.vector_load %arg31[%swap3A_1163] {strides = array<i32>} : memref<128xi32, #tpu.memory_space<vmem>>, vector<16xi32>,
    %swap3A_1165 = vector.shape_cast %swap3A_1164 : vector<16xi32> to vector<16xi32>
    %swap3A_1166 = vector.shape_cast %add3A_1162 : vector<16xi32> to vector<16xi32>
    tpu.vector_store %arg31[%swap3A_1163], %swap3A_1166 {strides = array<i32>} : memref<128xi32, #tpu.memory_space<vmem>>, vector<16xi32>,
    %get3A_1167 = arith.constant 16 : index
    %get3A_1168 = tpu.vector_load %arg27[%get3A_1167] {strides = array<i32>} : memref<32xi32, #tpu.memory_space<vmem>>, vector<16xi32>,
    %get3A_1169 = vector.shape_cast %get3A_1168 : vector<16xi32> to vector<16xi32>
    %add3A_1170 = arith.constant 200000 : i32
    %add3A_1171 = vector.broadcast %add3A_1170 : i32 to vector<16xi32>
    %add3A_1172 = arith.addi %get3A_1169, %add3A_1171 : vector<16xi32>
    %swap3A_1173 = arith.constant 80 : index
    %swap3A_1174 = tpu.vector_load %arg31[%swap3A_1173] {strides = array<i32>} : memref<128xi32, #tpu.memory_space<vmem>>, vector<16xi32>,
    %swap3A_1175 = vector.shape_cast %swap3A_1174 : vector<16xi32> to vector<16xi32>
    %swap3A_1176 = vector.shape_cast %add3A_1172 : vector<16xi32> to vector<16xi32>
    tpu.vector_store %arg31[%swap3A_1173], %swap3A_1176 {strides = array<i32>} : memref<128xi32, #tpu.memory_space<vmem>>, vector<16xi32>,
    %get3A_1177 = arith.constant 0 : index
    %get3A_1178 = tpu.vector_load %arg27[%get3A_1177] {strides = array<i32>} : memref<32xi32, #tpu.memory_space<vmem>>, vector<16xi32>,
    %get3A_1179 = vector.shape_cast %get3A_1178 : vector<16xi32> to vector<16xi32>
    %add3A_1180 = arith.constant 300000 : i32
    %add3A_1181 = vector.broadcast %add3A_1180 : i32 to vector<16xi32>
    %add3A_1182 = arith.addi %get3A_1179, %add3A_1181 : vector<16xi32>
    %swap3A_1183 = arith.constant 96 : index
    %swap3A_1184 = tpu.vector_load %arg31[%swap3A_1183] {strides = array<i32>} : memref<128xi32, #tpu.memory_space<vmem>>, vector<16xi32>,
    %swap3A_1185 = vector.shape_cast %swap3A_1184 : vector<16xi32> to vector<16xi32>
    %swap3A_1186 = vector.shape_cast %add3A_1182 : vector<16xi32> to vector<16xi32>
    tpu.vector_store %arg31[%swap3A_1183], %swap3A_1186 {strides = array<i32>} : memref<128xi32, #tpu.memory_space<vmem>>, vector<16xi32>,
    %get3A_1187 = arith.constant 16 : index
    %get3A_1188 = tpu.vector_load %arg27[%get3A_1187] {strides = array<i32>} : memref<32xi32, #tpu.memory_space<vmem>>, vector<16xi32>,
    %get3A_1189 = vector.shape_cast %get3A_1188 : vector<16xi32> to vector<16xi32>
    %add3A_1190 = arith.constant 300000 : i32
    %add3A_1191 = vector.broadcast %add3A_1190 : i32 to vector<16xi32>
    %add3A_1192 = arith.addi %get3A_1189, %add3A_1191 : vector<16xi32>
    %swap3A_1193 = arith.constant 112 : index
    %swap3A_1194 = tpu.vector_load %arg31[%swap3A_1193] {strides = array<i32>} : memref<128xi32, #tpu.memory_space<vmem>>, vector<16xi32>,
    %swap3A_1195 = vector.shape_cast %swap3A_1194 : vector<16xi32> to vector<16xi32>
    %swap3A_1196 = vector.shape_cast %add3A_1192 : vector<16xi32> to vector<16xi32>
    tpu.vector_store %arg31[%swap3A_1193], %swap3A_1196 {strides = array<i32>} : memref<128xi32, #tpu.memory_space<vmem>>, vector<16xi32>,
    %get3A_1197 = arith.constant 0 : index
    %get3A_1198 = tpu.vector_load %arg27[%get3A_1197] {strides = array<i32>} : memref<32xi32, #tpu.memory_space<vmem>>, vector<16xi32>,
    %get3A_1199 = vector.shape_cast %get3A_1198 : vector<16xi32> to vector<16xi32>
    %add3A_1200 = arith.constant 400000 : i32
    %add3A_1201 = vector.broadcast %add3A_1200 : i32 to vector<16xi32>
    %add3A_1202 = arith.addi %get3A_1199, %add3A_1201 : vector<16xi32>
    %swap3A_1203 = arith.constant 0 : index
    %swap3A_1204 = tpu.vector_load %arg32[%swap3A_1203] {strides = array<i32>} : memref<128xi32, #tpu.memory_space<vmem>>, vector<16xi32>,
    %swap3A_1205 = vector.shape_cast %swap3A_1204 : vector<16xi32> to vector<16xi32>
    %swap3A_1206 = vector.shape_cast %add3A_1202 : vector<16xi32> to vector<16xi32>
    tpu.vector_store %arg32[%swap3A_1203], %swap3A_1206 {strides = array<i32>} : memref<128xi32, #tpu.memory_space<vmem>>, vector<16xi32>,
    %get3A_1207 = arith.constant 16 : index
    %get3A_1208 = tpu.vector_load %arg27[%get3A_1207] {strides = array<i32>} : memref<32xi32, #tpu.memory_space<vmem>>, vector<16xi32>,
    %get3A_1209 = vector.shape_cast %get3A_1208 : vector<16xi32> to vector<16xi32>
    %add3A_1210 = arith.constant 400000 : i32
    %add3A_1211 = vector.broadcast %add3A_1210 : i32 to vector<16xi32>
    %add3A_1212 = arith.addi %get3A_1209, %add3A_1211 : vector<16xi32>
    %swap3A_1213 = arith.constant 16 : index
    %swap3A_1214 = tpu.vector_load %arg32[%swap3A_1213] {strides = array<i32>} : memref<128xi32, #tpu.memory_space<vmem>>, vector<16xi32>,
    %swap3A_1215 = vector.shape_cast %swap3A_1214 : vector<16xi32> to vector<16xi32>
    %swap3A_1216 = vector.shape_cast %add3A_1212 : vector<16xi32> to vector<16xi32>
    tpu.vector_store %arg32[%swap3A_1213], %swap3A_1216 {strides = array<i32>} : memref<128xi32, #tpu.memory_space<vmem>>, vector<16xi32>,
    %get3A_1217 = arith.constant 0 : index
    %get3A_1218 = tpu.vector_load %arg27[%get3A_1217] {strides = array<i32>} : memref<32xi32, #tpu.memory_space<vmem>>, vector<16xi32>,
    %get3A_1219 = vector.shape_cast %get3A_1218 : vector<16xi32> to vector<16xi32>
    %add3A_1220 = arith.constant 500000 : i32
    %add3A_1221 = vector.broadcast %add3A_1220 : i32 to vector<16xi32>
    %add3A_1222 = arith.addi %get3A_1219, %add3A_1221 : vector<16xi32>
    %swap3A_1223 = arith.constant 32 : index
    %swap3A_1224 = tpu.vector_load %arg32[%swap3A_1223] {strides = array<i32>} : memref<128xi32, #tpu.memory_space<vmem>>, vector<16xi32>,
    %swap3A_1225 = vector.shape_cast %swap3A_1224 : vector<16xi32> to vector<16xi32>
    %swap3A_1226 = vector.shape_cast %add3A_1222 : vector<16xi32> to vector<16xi32>
    tpu.vector_store %arg32[%swap3A_1223], %swap3A_1226 {strides = array<i32>} : memref<128xi32, #tpu.memory_space<vmem>>, vector<16xi32>,
    %get3A_1227 = arith.constant 16 : index
    %get3A_1228 = tpu.vector_load %arg27[%get3A_1227] {strides = array<i32>} : memref<32xi32, #tpu.memory_space<vmem>>, vector<16xi32>,
    %get3A_1229 = vector.shape_cast %get3A_1228 : vector<16xi32> to vector<16xi32>
    %add3A_1230 = arith.constant 500000 : i32
    %add3A_1231 = vector.broadcast %add3A_1230 : i32 to vector<16xi32>
    %add3A_1232 = arith.addi %get3A_1229, %add3A_1231 : vector<16xi32>
    %swap3A_1233 = arith.constant 48 : index
    %swap3A_1234 = tpu.vector_load %arg32[%swap3A_1233] {strides = array<i32>} : memref<128xi32, #tpu.memory_space<vmem>>, vector<16xi32>,
    %swap3A_1235 = vector.shape_cast %swap3A_1234 : vector<16xi32> to vector<16xi32>
    %swap3A_1236 = vector.shape_cast %add3A_1232 : vector<16xi32> to vector<16xi32>
    tpu.vector_store %arg32[%swap3A_1233], %swap3A_1236 {strides = array<i32>} : memref<128xi32, #tpu.memory_space<vmem>>, vector<16xi32>,
    %get3A_1237 = arith.constant 0 : index
    %get3A_1238 = tpu.vector_load %arg27[%get3A_1237] {strides = array<i32>} : memref<32xi32, #tpu.memory_space<vmem>>, vector<16xi32>,
    %get3A_1239 = vector.shape_cast %get3A_1238 : vector<16xi32> to vector<16xi32>
    %add3A_1240 = arith.constant 600000 : i32
    %add3A_1241 = vector.broadcast %add3A_1240 : i32 to vector<16xi32>
    %add3A_1242 = arith.addi %get3A_1239, %add3A_1241 : vector<16xi32>
    %swap3A_1243 = arith.constant 64 : index
    %swap3A_1244 = tpu.vector_load %arg32[%swap3A_1243] {strides = array<i32>} : memref<128xi32, #tpu.memory_space<vmem>>, vector<16xi32>,
    %swap3A_1245 = vector.shape_cast %swap3A_1244 : vector<16xi32> to vector<16xi32>
    %swap3A_1246 = vector.shape_cast %add3A_1242 : vector<16xi32> to vector<16xi32>
    tpu.vector_store %arg32[%swap3A_1243], %swap3A_1246 {strides = array<i32>} : memref<128xi32, #tpu.memory_space<vmem>>, vector<16xi32>,
    %get3A_1247 = arith.constant 16 : index
    %get3A_1248 = tpu.vector_load %arg27[%get3A_1247] {strides = array<i32>} : memref<32xi32, #tpu.memory_space<vmem>>, vector<16xi32>,
    %get3A_1249 = vector.shape_cast %get3A_1248 : vector<16xi32> to vector<16xi32>
    %add3A_1250 = arith.constant 600000 : i32
    %add3A_1251 = vector.broadcast %add3A_1250 : i32 to vector<16xi32>
    %add3A_1252 = arith.addi %get3A_1249, %add3A_1251 : vector<16xi32>
    %swap3A_1253 = arith.constant 80 : index
    %swap3A_1254 = tpu.vector_load %arg32[%swap3A_1253] {strides = array<i32>} : memref<128xi32, #tpu.memory_space<vmem>>, vector<16xi32>,
    %swap3A_1255 = vector.shape_cast %swap3A_1254 : vector<16xi32> to vector<16xi32>
    %swap3A_1256 = vector.shape_cast %add3A_1252 : vector<16xi32> to vector<16xi32>
    tpu.vector_store %arg32[%swap3A_1253], %swap3A_1256 {strides = array<i32>} : memref<128xi32, #tpu.memory_space<vmem>>, vector<16xi32>,
    %get3A_1257 = arith.constant 0 : index
    %get3A_1258 = tpu.vector_load %arg27[%get3A_1257] {strides = array<i32>} : memref<32xi32, #tpu.memory_space<vmem>>, vector<16xi32>,
    %get3A_1259 = vector.shape_cast %get3A_1258 : vector<16xi32> to vector<16xi32>
    %add3A_1260 = arith.constant 700000 : i32
    %add3A_1261 = vector.broadcast %add3A_1260 : i32 to vector<16xi32>
    %add3A_1262 = arith.addi %get3A_1259, %add3A_1261 : vector<16xi32>
    %swap3A_1263 = arith.constant 96 : index
    %swap3A_1264 = tpu.vector_load %arg32[%swap3A_1263] {strides = array<i32>} : memref<128xi32, #tpu.memory_space<vmem>>, vector<16xi32>,
    %swap3A_1265 = vector.shape_cast %swap3A_1264 : vector<16xi32> to vector<16xi32>
    %swap3A_1266 = vector.shape_cast %add3A_1262 : vector<16xi32> to vector<16xi32>
    tpu.vector_store %arg32[%swap3A_1263], %swap3A_1266 {strides = array<i32>} : memref<128xi32, #tpu.memory_space<vmem>>, vector<16xi32>,
    %get3A_1267 = arith.constant 16 : index
    %get3A_1268 = tpu.vector_load %arg27[%get3A_1267] {strides = array<i32>} : memref<32xi32, #tpu.memory_space<vmem>>, vector<16xi32>,
    %get3A_1269 = vector.shape_cast %get3A_1268 : vector<16xi32> to vector<16xi32>
    %add3A_1270 = arith.constant 700000 : i32
    %add3A_1271 = vector.broadcast %add3A_1270 : i32 to vector<16xi32>
    %add3A_1272 = arith.addi %get3A_1269, %add3A_1271 : vector<16xi32>
    %swap3A_1273 = arith.constant 112 : index
    %swap3A_1274 = tpu.vector_load %arg32[%swap3A_1273] {strides = array<i32>} : memref<128xi32, #tpu.memory_space<vmem>>, vector<16xi32>,
    %swap3A_1275 = vector.shape_cast %swap3A_1274 : vector<16xi32> to vector<16xi32>
    %swap3A_1276 = vector.shape_cast %add3A_1272 : vector<16xi32> to vector<16xi32>
    tpu.vector_store %arg32[%swap3A_1273], %swap3A_1276 {strides = array<i32>} : memref<128xi32, #tpu.memory_space<vmem>>, vector<16xi32>,
    %get3A_1277 = arith.constant 0 : index
    %get3A_1278 = tpu.vector_load %arg27[%get3A_1277] {strides = array<i32>} : memref<32xi32, #tpu.memory_space<vmem>>, vector<16xi32>,
    %get3A_1279 = vector.shape_cast %get3A_1278 : vector<16xi32> to vector<16xi32>
    %add3A_1280 = arith.constant 800000 : i32
    %add3A_1281 = vector.broadcast %add3A_1280 : i32 to vector<16xi32>
    %add3A_1282 = arith.addi %get3A_1279, %add3A_1281 : vector<16xi32>
    %swap3A_1283 = arith.constant 0 : index
    %swap3A_1284 = tpu.vector_load %arg33[%swap3A_1283] {strides = array<i32>} : memref<64xi32, #tpu.memory_space<vmem>>, vector<16xi32>,
    %swap3A_1285 = vector.shape_cast %swap3A_1284 : vector<16xi32> to vector<16xi32>
    %swap3A_1286 = vector.shape_cast %add3A_1282 : vector<16xi32> to vector<16xi32>
    tpu.vector_store %arg33[%swap3A_1283], %swap3A_1286 {strides = array<i32>} : memref<64xi32, #tpu.memory_space<vmem>>, vector<16xi32>,
    %get3A_1287 = arith.constant 16 : index
    %get3A_1288 = tpu.vector_load %arg27[%get3A_1287] {strides = array<i32>} : memref<32xi32, #tpu.memory_space<vmem>>, vector<16xi32>,
    %get3A_1289 = vector.shape_cast %get3A_1288 : vector<16xi32> to vector<16xi32>
    %add3A_1290 = arith.constant 800000 : i32
    %add3A_1291 = vector.broadcast %add3A_1290 : i32 to vector<16xi32>
    %add3A_1292 = arith.addi %get3A_1289, %add3A_1291 : vector<16xi32>
    %swap3A_1293 = arith.constant 16 : index
    %swap3A_1294 = tpu.vector_load %arg33[%swap3A_1293] {strides = array<i32>} : memref<64xi32, #tpu.memory_space<vmem>>, vector<16xi32>,
    %swap3A_1295 = vector.shape_cast %swap3A_1294 : vector<16xi32> to vector<16xi32>
    %swap3A_1296 = vector.shape_cast %add3A_1292 : vector<16xi32> to vector<16xi32>
    tpu.vector_store %arg33[%swap3A_1293], %swap3A_1296 {strides = array<i32>} : memref<64xi32, #tpu.memory_space<vmem>>, vector<16xi32>,
    %get3A_1297 = arith.constant 0 : index
    %get3A_1298 = tpu.vector_load %arg27[%get3A_1297] {strides = array<i32>} : memref<32xi32, #tpu.memory_space<vmem>>, vector<16xi32>,
    %get3A_1299 = vector.shape_cast %get3A_1298 : vector<16xi32> to vector<16xi32>
    %add3A_1300 = arith.constant 900000 : i32
    %add3A_1301 = vector.broadcast %add3A_1300 : i32 to vector<16xi32>
    %add3A_1302 = arith.addi %get3A_1299, %add3A_1301 : vector<16xi32>
    %swap3A_1303 = arith.constant 32 : index
    %swap3A_1304 = tpu.vector_load %arg33[%swap3A_1303] {strides = array<i32>} : memref<64xi32, #tpu.memory_space<vmem>>, vector<16xi32>,
    %swap3A_1305 = vector.shape_cast %swap3A_1304 : vector<16xi32> to vector<16xi32>
    %swap3A_1306 = vector.shape_cast %add3A_1302 : vector<16xi32> to vector<16xi32>
    tpu.vector_store %arg33[%swap3A_1303], %swap3A_1306 {strides = array<i32>} : memref<64xi32, #tpu.memory_space<vmem>>, vector<16xi32>,
    %get3A_1307 = arith.constant 16 : index
    %get3A_1308 = tpu.vector_load %arg27[%get3A_1307] {strides = array<i32>} : memref<32xi32, #tpu.memory_space<vmem>>, vector<16xi32>,
    %get3A_1309 = vector.shape_cast %get3A_1308 : vector<16xi32> to vector<16xi32>
    %add3A_1310 = arith.constant 900000 : i32
    %add3A_1311 = vector.broadcast %add3A_1310 : i32 to vector<16xi32>
    %add3A_1312 = arith.addi %get3A_1309, %add3A_1311 : vector<16xi32>
    %swap3A_1313 = arith.constant 48 : index
    %swap3A_1314 = tpu.vector_load %arg33[%swap3A_1313] {strides = array<i32>} : memref<64xi32, #tpu.memory_space<vmem>>, vector<16xi32>,
    %swap3A_1315 = vector.shape_cast %swap3A_1314 : vector<16xi32> to vector<16xi32>
    %swap3A_1316 = vector.shape_cast %add3A_1312 : vector<16xi32> to vector<16xi32>
    tpu.vector_store %arg33[%swap3A_1313], %swap3A_1316 {strides = array<i32>} : memref<64xi32, #tpu.memory_space<vmem>>, vector<16xi32>,
    %dma_start3A_1317 = arith.constant 0 : i32
    %dma_start3A_1318 = tpu.memref_slice %arg4[%dma_start3A_1317] : memref<2500000xi32, #tpu.memory_space<hbm>> -> memref<2500000xi32, #tpu.memory_space<hbm>>
    tpu.enqueue_indirect_dma source(%dma_start3A_1318 : memref<2500000xi32, #tpu.memory_space<hbm>>) target(%arg37 : memref<128xi32, #tpu.memory_space<vmem>>) offsets(%arg31 : memref<128xi32, #tpu.memory_space<vmem>>) semaphore(%arg51 : memref<!tpu.dma_semaphore, #tpu.memory_space<semaphore_mem>>)
    %dma_start3A_1319 = arith.constant 0 : i32
    %dma_start3A_1320 = tpu.memref_slice %arg4[%dma_start3A_1319] : memref<2500000xi32, #tpu.memory_space<hbm>> -> memref<2500000xi32, #tpu.memory_space<hbm>>
    tpu.enqueue_indirect_dma source(%dma_start3A_1320 : memref<2500000xi32, #tpu.memory_space<hbm>>) target(%arg38 : memref<128xi32, #tpu.memory_space<vmem>>) offsets(%arg32 : memref<128xi32, #tpu.memory_space<vmem>>) semaphore(%arg51 : memref<!tpu.dma_semaphore, #tpu.memory_space<semaphore_mem>>)
    %dma_start3A_1321 = arith.constant 0 : i32
    %dma_start3A_1322 = tpu.memref_slice %arg4[%dma_start3A_1321] : memref<2500000xi32, #tpu.memory_space<hbm>> -> memref<2500000xi32, #tpu.memory_space<hbm>>
    tpu.enqueue_indirect_dma source(%dma_start3A_1322 : memref<2500000xi32, #tpu.memory_space<hbm>>) target(%arg39 : memref<64xi32, #tpu.memory_space<vmem>>) offsets(%arg33 : memref<64xi32, #tpu.memory_space<vmem>>) semaphore(%arg51 : memref<!tpu.dma_semaphore, #tpu.memory_space<semaphore_mem>>)
    %dma_wait3A_1323 = arith.constant 0 : i32
    %dma_wait3A_1324 = tpu.memref_slice %arg4[%dma_wait3A_1323] : memref<2500000xi32, #tpu.memory_space<hbm>> -> memref<2500000xi32, #tpu.memory_space<hbm>>
    tpu.wait_indirect_dma semaphore(%arg50 : memref<!tpu.dma_semaphore, #tpu.memory_space<semaphore_mem>>) src(%dma_wait3A_1324 : memref<2500000xi32, #tpu.memory_space<hbm>>) dst(%arg34 : memref<128xi32, #tpu.memory_space<vmem>>)
    %dma_wait3A_1325 = arith.constant 0 : i32
    %dma_wait3A_1326 = tpu.memref_slice %arg4[%dma_wait3A_1325] : memref<2500000xi32, #tpu.memory_space<hbm>> -> memref<2500000xi32, #tpu.memory_space<hbm>>
    tpu.wait_indirect_dma semaphore(%arg50 : memref<!tpu.dma_semaphore, #tpu.memory_space<semaphore_mem>>) src(%dma_wait3A_1326 : memref<2500000xi32, #tpu.memory_space<hbm>>) dst(%arg35 : memref<128xi32, #tpu.memory_space<vmem>>)
    %dma_wait3A_1327 = arith.constant 0 : i32
    %dma_wait3A_1328 = tpu.memref_slice %arg4[%dma_wait3A_1327] : memref<2500000xi32, #tpu.memory_space<hbm>> -> memref<2500000xi32, #tpu.memory_space<hbm>>
    tpu.wait_indirect_dma semaphore(%arg50 : memref<!tpu.dma_semaphore, #tpu.memory_space<semaphore_mem>>) src(%dma_wait3A_1328 : memref<2500000xi32, #tpu.memory_space<hbm>>) dst(%arg36 : memref<64xi32, #tpu.memory_space<vmem>>)
    %dma_start3A_1329 = arith.constant 0 : i32
    %dma_start3A_1330 = arith.constant 0 : i32
    %dma_start3A_1331 = tpu.memref_slice %arg3[%dma_start3A_1329, %dma_start3A_1330] : memref<100000x128xf32, #tpu.memory_space<hbm>> -> memref<100000x128xf32, #tpu.memory_space<hbm>>
    tpu.enqueue_indirect_dma source(%dma_start3A_1331 : memref<100000x128xf32, #tpu.memory_space<hbm>>) target(%arg40 : memref<128x128xf32, #tpu.memory_space<vmem>>) offsets(%arg34 : memref<128xi32, #tpu.memory_space<vmem>>) semaphore(%arg52 : memref<!tpu.dma_semaphore, #tpu.memory_space<semaphore_mem>>)
    %dma_start3A_1332 = arith.constant 0 : i32
    %dma_start3A_1333 = arith.constant 0 : i32
    %dma_start3A_1334 = tpu.memref_slice %arg3[%dma_start3A_1332, %dma_start3A_1333] : memref<100000x128xf32, #tpu.memory_space<hbm>> -> memref<100000x128xf32, #tpu.memory_space<hbm>>
    tpu.enqueue_indirect_dma source(%dma_start3A_1334 : memref<100000x128xf32, #tpu.memory_space<hbm>>) target(%arg41 : memref<128x128xf32, #tpu.memory_space<vmem>>) offsets(%arg35 : memref<128xi32, #tpu.memory_space<vmem>>) semaphore(%arg52 : memref<!tpu.dma_semaphore, #tpu.memory_space<semaphore_mem>>)
    %dma_start3A_1335 = arith.constant 0 : i32
    %dma_start3A_1336 = arith.constant 0 : i32
    %dma_start3A_1337 = tpu.memref_slice %arg3[%dma_start3A_1335, %dma_start3A_1336] : memref<100000x128xf32, #tpu.memory_space<hbm>> -> memref<100000x128xf32, #tpu.memory_space<hbm>>
    tpu.enqueue_indirect_dma source(%dma_start3A_1337 : memref<100000x128xf32, #tpu.memory_space<hbm>>) target(%arg42 : memref<64x128xf32, #tpu.memory_space<vmem>>) offsets(%arg36 : memref<64xi32, #tpu.memory_space<vmem>>) semaphore(%arg52 : memref<!tpu.dma_semaphore, #tpu.memory_space<semaphore_mem>>)
    %dma_start3A_1338 = arith.constant 0 : i32
    %dma_start3A_1339 = arith.constant 0 : i32
    %dma_start3A_1340 = tpu.memref_slice %arg3[%dma_start3A_1338, %dma_start3A_1339] : memref<100000x128xf32, #tpu.memory_space<hbm>> -> memref<100000x128xf32, #tpu.memory_space<hbm>>
    tpu.enqueue_indirect_dma source(%dma_start3A_1340 : memref<100000x128xf32, #tpu.memory_space<hbm>>) target(%arg46 : memref<32x128xf32, #tpu.memory_space<vmem>>) offsets(%arg26 : memref<32xi32, #tpu.memory_space<vmem>>) semaphore(%arg54 : memref<!tpu.dma_semaphore, #tpu.memory_space<semaphore_mem>>)
    %scan3A = arith.constant 0 : i32
    %scan3A_1341 = arith.constant 0 : i32
    %scan3A_1342 = arith.constant 12 : i32
    %scan3A_1343 = arith.addi %scan3A_1341, %scan3A_1342 : i32
    %scan3A_1344 = arith.constant 1 : i32
    scf.for %scan3A_1368 = %scan3A_1341 to %scan3A_1343 step %scan3A_1344  : i32 {
      %mul3A_1369 = arith.constant 2 : i32
      %mul3A_1370 = arith.muli %scan3A_1368, %mul3A_1369 : i32
      %dma_wait3A_1371 = arith.constant 0 : i32
      %dma_wait3A_1372 = arith.constant 0 : i32
      %dma_wait3A_1373 = tpu.memref_slice %arg3[%dma_wait3A_1371, %dma_wait3A_1372] : memref<100000x128xf32, #tpu.memory_space<hbm>> -> memref<100000x128xf32, #tpu.memory_space<hbm>>
      tpu.wait_indirect_dma semaphore(%arg54 : memref<!tpu.dma_semaphore, #tpu.memory_space<semaphore_mem>>) src(%dma_wait3A_1373 : memref<100000x128xf32, #tpu.memory_space<hbm>>) dst(%arg46 : memref<32x128xf32, #tpu.memory_space<vmem>>)
      %mul3A_1374 = arith.constant 1024 : i32
      %mul3A_1375 = arith.muli %mul3A_1370, %mul3A_1374 : i32
      %add3A_1376 = arith.addi %mul3A_1375, %mul3A_2 : i32
      "tpu.region"() ({
        %run_scoped3A = tpu.sem_alloc : memref<!tpu.dma_semaphore, #tpu.memory_space<semaphore_mem>>
        %dma_start3A_1689 = arith.constant 0 : i32
        %dma_start3A_1690 = tpu.memref_slice %arg6[%add3A_1376, %dma_start3A_1689] : memref<25600x128xf32, #tpu.memory_space<hbm>> -> memref<32x128xf32, #tpu.memory_space<hbm>>
        %dma_start3A_1691 = arith.constant 0 : i32
        %dma_start3A_1692 = tpu.memref_slice %arg6[%add3A_1376, %dma_start3A_1691] : memref<25600x128xf32, #tpu.memory_space<hbm>> -> memref<32x128xf32, #tpu.memory_space<hbm>>
        tpu.enqueue_dma source(%arg46 : memref<32x128xf32, #tpu.memory_space<vmem>>) target(%dma_start3A_1692 : memref<32x128xf32, #tpu.memory_space<hbm>>) target_semaphore(%run_scoped3A : memref<!tpu.dma_semaphore, #tpu.memory_space<semaphore_mem>>)
        %dma_wait3A_1693 = arith.constant 0 : i32
        %dma_wait3A_1694 = tpu.memref_slice %arg6[%add3A_1376, %dma_wait3A_1693] : memref<25600x128xf32, #tpu.memory_space<hbm>> -> memref<32x128xf32, #tpu.memory_space<hbm>>
        %dma_wait3A_1695 = arith.constant 0 : i32
        %dma_wait3A_1696 = tpu.memref_slice %arg6[%add3A_1376, %dma_wait3A_1695] : memref<25600x128xf32, #tpu.memory_space<hbm>> -> memref<32x128xf32, #tpu.memory_space<hbm>>
        tpu.wait_dma2 semaphore(%run_scoped3A : memref<!tpu.dma_semaphore, #tpu.memory_space<semaphore_mem>>) src(%arg46 : memref<32x128xf32, #tpu.memory_space<vmem>>) dst(%dma_wait3A_1696 : memref<32x128xf32, #tpu.memory_space<hbm>>)
        tpu.yield
      }) : () -> ()
      %dma_wait3A_1377 = arith.constant 0 : i32
      %dma_wait3A_1378 = tpu.memref_slice %arg4[%dma_wait3A_1377] : memref<2500000xi32, #tpu.memory_space<hbm>> -> memref<2500000xi32, #tpu.memory_space<hbm>>
      tpu.wait_indirect_dma semaphore(%arg51 : memref<!tpu.dma_semaphore, #tpu.memory_space<semaphore_mem>>) src(%dma_wait3A_1378 : memref<2500000xi32, #tpu.memory_space<hbm>>) dst(%arg37 : memref<128xi32, #tpu.memory_space<vmem>>)
      %dma_wait3A_1379 = arith.constant 0 : i32
      %dma_wait3A_1380 = tpu.memref_slice %arg4[%dma_wait3A_1379] : memref<2500000xi32, #tpu.memory_space<hbm>> -> memref<2500000xi32, #tpu.memory_space<hbm>>
      tpu.wait_indirect_dma semaphore(%arg51 : memref<!tpu.dma_semaphore, #tpu.memory_space<semaphore_mem>>) src(%dma_wait3A_1380 : memref<2500000xi32, #tpu.memory_space<hbm>>) dst(%arg38 : memref<128xi32, #tpu.memory_space<vmem>>)
      %dma_wait3A_1381 = arith.constant 0 : i32
      %dma_wait3A_1382 = tpu.memref_slice %arg4[%dma_wait3A_1381] : memref<2500000xi32, #tpu.memory_space<hbm>> -> memref<2500000xi32, #tpu.memory_space<hbm>>
      tpu.wait_indirect_dma semaphore(%arg51 : memref<!tpu.dma_semaphore, #tpu.memory_space<semaphore_mem>>) src(%dma_wait3A_1382 : memref<2500000xi32, #tpu.memory_space<hbm>>) dst(%arg39 : memref<64xi32, #tpu.memory_space<vmem>>)
      %dma_start3A_1383 = arith.constant 0 : i32
      %dma_start3A_1384 = arith.constant 0 : i32
      %dma_start3A_1385 = tpu.memref_slice %arg3[%dma_start3A_1383, %dma_start3A_1384] : memref<100000x128xf32, #tpu.memory_space<hbm>> -> memref<100000x128xf32, #tpu.memory_space<hbm>>
      tpu.enqueue_indirect_dma source(%dma_start3A_1385 : memref<100000x128xf32, #tpu.memory_space<hbm>>) target(%arg43 : memref<128x128xf32, #tpu.memory_space<vmem>>) offsets(%arg37 : memref<128xi32, #tpu.memory_space<vmem>>) semaphore(%arg53 : memref<!tpu.dma_semaphore, #tpu.memory_space<semaphore_mem>>)
      %dma_start3A_1386 = arith.constant 0 : i32
      %dma_start3A_1387 = arith.constant 0 : i32
      %dma_start3A_1388 = tpu.memref_slice %arg3[%dma_start3A_1386, %dma_start3A_1387] : memref<100000x128xf32, #tpu.memory_space<hbm>> -> memref<100000x128xf32, #tpu.memory_space<hbm>>
      tpu.enqueue_indirect_dma source(%dma_start3A_1388 : memref<100000x128xf32, #tpu.memory_space<hbm>>) target(%arg44 : memref<128x128xf32, #tpu.memory_space<vmem>>) offsets(%arg38 : memref<128xi32, #tpu.memory_space<vmem>>) semaphore(%arg53 : memref<!tpu.dma_semaphore, #tpu.memory_space<semaphore_mem>>)
      %dma_start3A_1389 = arith.constant 0 : i32
      %dma_start3A_1390 = arith.constant 0 : i32
      %dma_start3A_1391 = tpu.memref_slice %arg3[%dma_start3A_1389, %dma_start3A_1390] : memref<100000x128xf32, #tpu.memory_space<hbm>> -> memref<100000x128xf32, #tpu.memory_space<hbm>>
      tpu.enqueue_indirect_dma source(%dma_start3A_1391 : memref<100000x128xf32, #tpu.memory_space<hbm>>) target(%arg45 : memref<64x128xf32, #tpu.memory_space<vmem>>) offsets(%arg39 : memref<64xi32, #tpu.memory_space<vmem>>) semaphore(%arg53 : memref<!tpu.dma_semaphore, #tpu.memory_space<semaphore_mem>>)
      %dma_start3A_1392 = arith.constant 0 : i32
      %dma_start3A_1393 = arith.constant 0 : i32
      %dma_start3A_1394 = tpu.memref_slice %arg3[%dma_start3A_1392, %dma_start3A_1393] : memref<100000x128xf32, #tpu.memory_space<hbm>> -> memref<100000x128xf32, #tpu.memory_space<hbm>>
      tpu.enqueue_indirect_dma source(%dma_start3A_1394 : memref<100000x128xf32, #tpu.memory_space<hbm>>) target(%arg47 : memref<32x128xf32, #tpu.memory_space<vmem>>) offsets(%arg27 : memref<32xi32, #tpu.memory_space<vmem>>) semaphore(%arg55 : memref<!tpu.dma_semaphore, #tpu.memory_space<semaphore_mem>>)
      %dma_wait3A_1395 = arith.constant 0 : i32
      %dma_wait3A_1396 = arith.constant 0 : i32
      %dma_wait3A_1397 = tpu.memref_slice %arg3[%dma_wait3A_1395, %dma_wait3A_1396] : memref<100000x128xf32, #tpu.memory_space<hbm>> -> memref<100000x128xf32, #tpu.memory_space<hbm>>
      tpu.wait_indirect_dma semaphore(%arg52 : memref<!tpu.dma_semaphore, #tpu.memory_space<semaphore_mem>>) src(%dma_wait3A_1397 : memref<100000x128xf32, #tpu.memory_space<hbm>>) dst(%arg40 : memref<128x128xf32, #tpu.memory_space<vmem>>)
      %dma_wait3A_1398 = arith.constant 0 : i32
      %dma_wait3A_1399 = arith.constant 0 : i32
      %dma_wait3A_1400 = tpu.memref_slice %arg3[%dma_wait3A_1398, %dma_wait3A_1399] : memref<100000x128xf32, #tpu.memory_space<hbm>> -> memref<100000x128xf32, #tpu.memory_space<hbm>>
      tpu.wait_indirect_dma semaphore(%arg52 : memref<!tpu.dma_semaphore, #tpu.memory_space<semaphore_mem>>) src(%dma_wait3A_1400 : memref<100000x128xf32, #tpu.memory_space<hbm>>) dst(%arg41 : memref<128x128xf32, #tpu.memory_space<vmem>>)
      %dma_wait3A_1401 = arith.constant 0 : i32
      %dma_wait3A_1402 = arith.constant 0 : i32
      %dma_wait3A_1403 = tpu.memref_slice %arg3[%dma_wait3A_1401, %dma_wait3A_1402] : memref<100000x128xf32, #tpu.memory_space<hbm>> -> memref<100000x128xf32, #tpu.memory_space<hbm>>
      tpu.wait_indirect_dma semaphore(%arg52 : memref<!tpu.dma_semaphore, #tpu.memory_space<semaphore_mem>>) src(%dma_wait3A_1403 : memref<100000x128xf32, #tpu.memory_space<hbm>>) dst(%arg42 : memref<64x128xf32, #tpu.memory_space<vmem>>)
      %add3A_1404 = arith.constant 2 : i32
      %add3A_1405 = arith.addi %mul3A_1370, %add3A_1404 : i32
      %mul3A_1406 = arith.constant 32 : i32
      %mul3A_1407 = arith.muli %add3A_1405, %mul3A_1406 : i32
      %add3A_1408 = arith.constant 0 : i32
      %add3A_1409 = arith.addi %mul3A_1407, %add3A_1408 : i32
      %get3A_1410 = arith.index_cast %add3A_1409 : i32 to index
      %get3A_1411 = tpu.vector_load %arg11[%get3A_1410] {strides = array<i32>} : memref<800xi32, #tpu.memory_space<vmem>>, vector<16xi32>,
      %get3A_1412 = vector.shape_cast %get3A_1411 : vector<16xi32> to vector<16xi32>
      %swap3A_1413 = arith.constant 0 : index
      %swap3A_1414 = tpu.vector_load %arg26[%swap3A_1413] {strides = array<i32>} : memref<32xi32, #tpu.memory_space<vmem>>, vector<16xi32>,
      %swap3A_1415 = vector.shape_cast %swap3A_1414 : vector<16xi32> to vector<16xi32>
      %swap3A_1416 = vector.shape_cast %get3A_1412 : vector<16xi32> to vector<16xi32>
      tpu.vector_store %arg26[%swap3A_1413], %swap3A_1416 {strides = array<i32>} : memref<32xi32, #tpu.memory_space<vmem>>, vector<16xi32>,
      %mul3A_1417 = arith.constant 32 : i32
      %mul3A_1418 = arith.muli %add3A_1405, %mul3A_1417 : i32
      %add3A_1419 = arith.constant 16 : i32
      %add3A_1420 = arith.addi %mul3A_1418, %add3A_1419 : i32
      %get3A_1421 = arith.index_cast %add3A_1420 : i32 to index
      %get3A_1422 = tpu.vector_load %arg11[%get3A_1421] {strides = array<i32>} : memref<800xi32, #tpu.memory_space<vmem>>, vector<16xi32>,
      %get3A_1423 = vector.shape_cast %get3A_1422 : vector<16xi32> to vector<16xi32>
      %swap3A_1424 = arith.constant 16 : index
      %swap3A_1425 = tpu.vector_load %arg26[%swap3A_1424] {strides = array<i32>} : memref<32xi32, #tpu.memory_space<vmem>>, vector<16xi32>,
      %swap3A_1426 = vector.shape_cast %swap3A_1425 : vector<16xi32> to vector<16xi32>
      %swap3A_1427 = vector.shape_cast %get3A_1423 : vector<16xi32> to vector<16xi32>
      tpu.vector_store %arg26[%swap3A_1424], %swap3A_1427 {strides = array<i32>} : memref<32xi32, #tpu.memory_space<vmem>>, vector<16xi32>,
      %get3A_1428 = arith.constant 0 : index
      %get3A_1429 = tpu.vector_load %arg26[%get3A_1428] {strides = array<i32>} : memref<32xi32, #tpu.memory_space<vmem>>, vector<16xi32>,
      %get3A_1430 = vector.shape_cast %get3A_1429 : vector<16xi32> to vector<16xi32>
      %add3A_1431 = arith.constant 0 : i32
      %add3A_1432 = vector.broadcast %add3A_1431 : i32 to vector<16xi32>
      %add3A_1433 = arith.addi %get3A_1430, %add3A_1432 : vector<16xi32>
      %swap3A_1434 = arith.constant 0 : index
      %swap3A_1435 = tpu.vector_load %arg28[%swap3A_1434] {strides = array<i32>} : memref<128xi32, #tpu.memory_space<vmem>>, vector<16xi32>,
      %swap3A_1436 = vector.shape_cast %swap3A_1435 : vector<16xi32> to vector<16xi32>
      %swap3A_1437 = vector.shape_cast %add3A_1433 : vector<16xi32> to vector<16xi32>
      tpu.vector_store %arg28[%swap3A_1434], %swap3A_1437 {strides = array<i32>} : memref<128xi32, #tpu.memory_space<vmem>>, vector<16xi32>,
      %get3A_1438 = arith.constant 16 : index
      %get3A_1439 = tpu.vector_load %arg26[%get3A_1438] {strides = array<i32>} : memref<32xi32, #tpu.memory_space<vmem>>, vector<16xi32>,
      %get3A_1440 = vector.shape_cast %get3A_1439 : vector<16xi32> to vector<16xi32>
      %add3A_1441 = arith.constant 0 : i32
      %add3A_1442 = vector.broadcast %add3A_1441 : i32 to vector<16xi32>
      %add3A_1443 = arith.addi %get3A_1440, %add3A_1442 : vector<16xi32>
      %swap3A_1444 = arith.constant 16 : index
      %swap3A_1445 = tpu.vector_load %arg28[%swap3A_1444] {strides = array<i32>} : memref<128xi32, #tpu.memory_space<vmem>>, vector<16xi32>,
      %swap3A_1446 = vector.shape_cast %swap3A_1445 : vector<16xi32> to vector<16xi32>
      %swap3A_1447 = vector.shape_cast %add3A_1443 : vector<16xi32> to vector<16xi32>
      tpu.vector_store %arg28[%swap3A_1444], %swap3A_1447 {strides = array<i32>} : memref<128xi32, #tpu.memory_space<vmem>>, vector<16xi32>,
      %get3A_1448 = arith.constant 0 : index
      %get3A_1449 = tpu.vector_load %arg26[%get3A_1448] {strides = array<i32>} : memref<32xi32, #tpu.memory_space<vmem>>, vector<16xi32>,
      %get3A_1450 = vector.shape_cast %get3A_1449 : vector<16xi32> to vector<16xi32>
      %add3A_1451 = arith.constant 100000 : i32
      %add3A_1452 = vector.broadcast %add3A_1451 : i32 to vector<16xi32>
      %add3A_1453 = arith.addi %get3A_1450, %add3A_1452 : vector<16xi32>
      %swap3A_1454 = arith.constant 32 : index
      %swap3A_1455 = tpu.vector_load %arg28[%swap3A_1454] {strides = array<i32>} : memref<128xi32, #tpu.memory_space<vmem>>, vector<16xi32>,
      %swap3A_1456 = vector.shape_cast %swap3A_1455 : vector<16xi32> to vector<16xi32>
      %swap3A_1457 = vector.shape_cast %add3A_1453 : vector<16xi32> to vector<16xi32>
      tpu.vector_store %arg28[%swap3A_1454], %swap3A_1457 {strides = array<i32>} : memref<128xi32, #tpu.memory_space<vmem>>, vector<16xi32>,
      %get3A_1458 = arith.constant 16 : index
      %get3A_1459 = tpu.vector_load %arg26[%get3A_1458] {strides = array<i32>} : memref<32xi32, #tpu.memory_space<vmem>>, vector<16xi32>,
      %get3A_1460 = vector.shape_cast %get3A_1459 : vector<16xi32> to vector<16xi32>
      %add3A_1461 = arith.constant 100000 : i32
      %add3A_1462 = vector.broadcast %add3A_1461 : i32 to vector<16xi32>
      %add3A_1463 = arith.addi %get3A_1460, %add3A_1462 : vector<16xi32>
      %swap3A_1464 = arith.constant 48 : index
      %swap3A_1465 = tpu.vector_load %arg28[%swap3A_1464] {strides = array<i32>} : memref<128xi32, #tpu.memory_space<vmem>>, vector<16xi32>,
      %swap3A_1466 = vector.shape_cast %swap3A_1465 : vector<16xi32> to vector<16xi32>
      %swap3A_1467 = vector.shape_cast %add3A_1463 : vector<16xi32> to vector<16xi32>
      tpu.vector_store %arg28[%swap3A_1464], %swap3A_1467 {strides = array<i32>} : memref<128xi32, #tpu.memory_space<vmem>>, vector<16xi32>,
      %get3A_1468 = arith.constant 0 : index
      %get3A_1469 = tpu.vector_load %arg26[%get3A_1468] {strides = array<i32>} : memref<32xi32, #tpu.memory_space<vmem>>, vector<16xi32>,
      %get3A_1470 = vector.shape_cast %get3A_1469 : vector<16xi32> to vector<16xi32>
      %add3A_1471 = arith.constant 200000 : i32
      %add3A_1472 = vector.broadcast %add3A_1471 : i32 to vector<16xi32>
      %add3A_1473 = arith.addi %get3A_1470, %add3A_1472 : vector<16xi32>
      %swap3A_1474 = arith.constant 64 : index
      %swap3A_1475 = tpu.vector_load %arg28[%swap3A_1474] {strides = array<i32>} : memref<128xi32, #tpu.memory_space<vmem>>, vector<16xi32>,
      %swap3A_1476 = vector.shape_cast %swap3A_1475 : vector<16xi32> to vector<16xi32>
      %swap3A_1477 = vector.shape_cast %add3A_1473 : vector<16xi32> to vector<16xi32>
      tpu.vector_store %arg28[%swap3A_1474], %swap3A_1477 {strides = array<i32>} : memref<128xi32, #tpu.memory_space<vmem>>, vector<16xi32>,
      %get3A_1478 = arith.constant 16 : index
      %get3A_1479 = tpu.vector_load %arg26[%get3A_1478] {strides = array<i32>} : memref<32xi32, #tpu.memory_space<vmem>>, vector<16xi32>,
      %get3A_1480 = vector.shape_cast %get3A_1479 : vector<16xi32> to vector<16xi32>
      %add3A_1481 = arith.constant 200000 : i32
      %add3A_1482 = vector.broadcast %add3A_1481 : i32 to vector<16xi32>
      %add3A_1483 = arith.addi %get3A_1480, %add3A_1482 : vector<16xi32>
      %swap3A_1484 = arith.constant 80 : index
      %swap3A_1485 = tpu.vector_load %arg28[%swap3A_1484] {strides = array<i32>} : memref<128xi32, #tpu.memory_space<vmem>>, vector<16xi32>,
      %swap3A_1486 = vector.shape_cast %swap3A_1485 : vector<16xi32> to vector<16xi32>
      %swap3A_1487 = vector.shape_cast %add3A_1483 : vector<16xi32> to vector<16xi32>
      tpu.vector_store %arg28[%swap3A_1484], %swap3A_1487 {strides = array<i32>} : memref<128xi32, #tpu.memory_space<vmem>>, vector<16xi32>,
      %get3A_1488 = arith.constant 0 : index
      %get3A_1489 = tpu.vector_load %arg26[%get3A_1488] {strides = array<i32>} : memref<32xi32, #tpu.memory_space<vmem>>, vector<16xi32>,
      %get3A_1490 = vector.shape_cast %get3A_1489 : vector<16xi32> to vector<16xi32>
      %add3A_1491 = arith.constant 300000 : i32
      %add3A_1492 = vector.broadcast %add3A_1491 : i32 to vector<16xi32>
      %add3A_1493 = arith.addi %get3A_1490, %add3A_1492 : vector<16xi32>
      %swap3A_1494 = arith.constant 96 : index
      %swap3A_1495 = tpu.vector_load %arg28[%swap3A_1494] {strides = array<i32>} : memref<128xi32, #tpu.memory_space<vmem>>, vector<16xi32>,
      %swap3A_1496 = vector.shape_cast %swap3A_1495 : vector<16xi32> to vector<16xi32>
      %swap3A_1497 = vector.shape_cast %add3A_1493 : vector<16xi32> to vector<16xi32>
      tpu.vector_store %arg28[%swap3A_1494], %swap3A_1497 {strides = array<i32>} : memref<128xi32, #tpu.memory_space<vmem>>, vector<16xi32>,
      %get3A_1498 = arith.constant 16 : index
      %get3A_1499 = tpu.vector_load %arg26[%get3A_1498] {strides = array<i32>} : memref<32xi32, #tpu.memory_space<vmem>>, vector<16xi32>,
      %get3A_1500 = vector.shape_cast %get3A_1499 : vector<16xi32> to vector<16xi32>
      %add3A_1501 = arith.constant 300000 : i32
      %add3A_1502 = vector.broadcast %add3A_1501 : i32 to vector<16xi32>
      %add3A_1503 = arith.addi %get3A_1500, %add3A_1502 : vector<16xi32>
      %swap3A_1504 = arith.constant 112 : index
      %swap3A_1505 = tpu.vector_load %arg28[%swap3A_1504] {strides = array<i32>} : memref<128xi32, #tpu.memory_space<vmem>>, vector<16xi32>,
      %swap3A_1506 = vector.shape_cast %swap3A_1505 : vector<16xi32> to vector<16xi32>
      %swap3A_1507 = vector.shape_cast %add3A_1503 : vector<16xi32> to vector<16xi32>
      tpu.vector_store %arg28[%swap3A_1504], %swap3A_1507 {strides = array<i32>} : memref<128xi32, #tpu.memory_space<vmem>>, vector<16xi32>,
      %get3A_1508 = arith.constant 0 : index
      %get3A_1509 = tpu.vector_load %arg26[%get3A_1508] {strides = array<i32>} : memref<32xi32, #tpu.memory_space<vmem>>, vector<16xi32>,
      %get3A_1510 = vector.shape_cast %get3A_1509 : vector<16xi32> to vector<16xi32>
      %add3A_1511 = arith.constant 400000 : i32
      %add3A_1512 = vector.broadcast %add3A_1511 : i32 to vector<16xi32>
      %add3A_1513 = arith.addi %get3A_1510, %add3A_1512 : vector<16xi32>
      %swap3A_1514 = arith.constant 0 : index
      %swap3A_1515 = tpu.vector_load %arg29[%swap3A_1514] {strides = array<i32>} : memref<128xi32, #tpu.memory_space<vmem>>, vector<16xi32>,
      %swap3A_1516 = vector.shape_cast %swap3A_1515 : vector<16xi32> to vector<16xi32>
      %swap3A_1517 = vector.shape_cast %add3A_1513 : vector<16xi32> to vector<16xi32>
      tpu.vector_store %arg29[%swap3A_1514], %swap3A_1517 {strides = array<i32>} : memref<128xi32, #tpu.memory_space<vmem>>, vector<16xi32>,
      %get3A_1518 = arith.constant 16 : index
      %get3A_1519 = tpu.vector_load %arg26[%get3A_1518] {strides = array<i32>} : memref<32xi32, #tpu.memory_space<vmem>>, vector<16xi32>,
      %get3A_1520 = vector.shape_cast %get3A_1519 : vector<16xi32> to vector<16xi32>
      %add3A_1521 = arith.constant 400000 : i32
      %add3A_1522 = vector.broadcast %add3A_1521 : i32 to vector<16xi32>
      %add3A_1523 = arith.addi %get3A_1520, %add3A_1522 : vector<16xi32>
      %swap3A_1524 = arith.constant 16 : index
      %swap3A_1525 = tpu.vector_load %arg29[%swap3A_1524] {strides = array<i32>} : memref<128xi32, #tpu.memory_space<vmem>>, vector<16xi32>,
      %swap3A_1526 = vector.shape_cast %swap3A_1525 : vector<16xi32> to vector<16xi32>
      %swap3A_1527 = vector.shape_cast %add3A_1523 : vector<16xi32> to vector<16xi32>
      tpu.vector_store %arg29[%swap3A_1524], %swap3A_1527 {strides = array<i32>} : memref<128xi32, #tpu.memory_space<vmem>>, vector<16xi32>,
      %get3A_1528 = arith.constant 0 : index
      %get3A_1529 = tpu.vector_load %arg26[%get3A_1528] {strides = array<i32>} : memref<32xi32, #tpu.memory_space<vmem>>, vector<16xi32>,
      %get3A_1530 = vector.shape_cast %get3A_1529 : vector<16xi32> to vector<16xi32>
      %add3A_1531 = arith.constant 500000 : i32
      %add3A_1532 = vector.broadcast %add3A_1531 : i32 to vector<16xi32>
      %add3A_1533 = arith.addi %get3A_1530, %add3A_1532 : vector<16xi32>
      %swap3A_1534 = arith.constant 32 : index
      %swap3A_1535 = tpu.vector_load %arg29[%swap3A_1534] {strides = array<i32>} : memref<128xi32, #tpu.memory_space<vmem>>, vector<16xi32>,
      %swap3A_1536 = vector.shape_cast %swap3A_1535 : vector<16xi32> to vector<16xi32>
      %swap3A_1537 = vector.shape_cast %add3A_1533 : vector<16xi32> to vector<16xi32>
      tpu.vector_store %arg29[%swap3A_1534], %swap3A_1537 {strides = array<i32>} : memref<128xi32, #tpu.memory_space<vmem>>, vector<16xi32>,
      %get3A_1538 = arith.constant 16 : index
      %get3A_1539 = tpu.vector_load %arg26[%get3A_1538] {strides = array<i32>} : memref<32xi32, #tpu.memory_space<vmem>>, vector<16xi32>,
      %get3A_1540 = vector.shape_cast %get3A_1539 : vector<16xi32> to vector<16xi32>
      %add3A_1541 = arith.constant 500000 : i32
      %add3A_1542 = vector.broadcast %add3A_1541 : i32 to vector<16xi32>
      %add3A_1543 = arith.addi %get3A_1540, %add3A_1542 : vector<16xi32>
      %swap3A_1544 = arith.constant 48 : index
      %swap3A_1545 = tpu.vector_load %arg29[%swap3A_1544] {strides = array<i32>} : memref<128xi32, #tpu.memory_space<vmem>>, vector<16xi32>,
      %swap3A_1546 = vector.shape_cast %swap3A_1545 : vector<16xi32> to vector<16xi32>
      %swap3A_1547 = vector.shape_cast %add3A_1543 : vector<16xi32> to vector<16xi32>
      tpu.vector_store %arg29[%swap3A_1544], %swap3A_1547 {strides = array<i32>} : memref<128xi32, #tpu.memory_space<vmem>>, vector<16xi32>,
      %get3A_1548 = arith.constant 0 : index
      %get3A_1549 = tpu.vector_load %arg26[%get3A_1548] {strides = array<i32>} : memref<32xi32, #tpu.memory_space<vmem>>, vector<16xi32>,
      %get3A_1550 = vector.shape_cast %get3A_1549 : vector<16xi32> to vector<16xi32>
      %add3A_1551 = arith.constant 600000 : i32
      %add3A_1552 = vector.broadcast %add3A_1551 : i32 to vector<16xi32>
      %add3A_1553 = arith.addi %get3A_1550, %add3A_1552 : vector<16xi32>
      %swap3A_1554 = arith.constant 64 : index
      %swap3A_1555 = tpu.vector_load %arg29[%swap3A_1554] {strides = array<i32>} : memref<128xi32, #tpu.memory_space<vmem>>, vector<16xi32>,
      %swap3A_1556 = vector.shape_cast %swap3A_1555 : vector<16xi32> to vector<16xi32>
      %swap3A_1557 = vector.shape_cast %add3A_1553 : vector<16xi32> to vector<16xi32>
      tpu.vector_store %arg29[%swap3A_1554], %swap3A_1557 {strides = array<i32>} : memref<128xi32, #tpu.memory_space<vmem>>, vector<16xi32>,
      %get3A_1558 = arith.constant 16 : index
      %get3A_1559 = tpu.vector_load %arg26[%get3A_1558] {strides = array<i32>} : memref<32xi32, #tpu.memory_space<vmem>>, vector<16xi32>,
      %get3A_1560 = vector.shape_cast %get3A_1559 : vector<16xi32> to vector<16xi32>
      %add3A_1561 = arith.constant 600000 : i32
      %add3A_1562 = vector.broadcast %add3A_1561 : i32 to vector<16xi32>
      %add3A_1563 = arith.addi %get3A_1560, %add3A_1562 : vector<16xi32>
      %swap3A_1564 = arith.constant 80 : index
      %swap3A_1565 = tpu.vector_load %arg29[%swap3A_1564] {strides = array<i32>} : memref<128xi32, #tpu.memory_space<vmem>>, vector<16xi32>,
      %swap3A_1566 = vector.shape_cast %swap3A_1565 : vector<16xi32> to vector<16xi32>
      %swap3A_1567 = vector.shape_cast %add3A_1563 : vector<16xi32> to vector<16xi32>
      tpu.vector_store %arg29[%swap3A_1564], %swap3A_1567 {strides = array<i32>} : memref<128xi32, #tpu.memory_space<vmem>>, vector<16xi32>,
      %get3A_1568 = arith.constant 0 : index
      %get3A_1569 = tpu.vector_load %arg26[%get3A_1568] {strides = array<i32>} : memref<32xi32, #tpu.memory_space<vmem>>, vector<16xi32>,
      %get3A_1570 = vector.shape_cast %get3A_1569 : vector<16xi32> to vector<16xi32>
      %add3A_1571 = arith.constant 700000 : i32
      %add3A_1572 = vector.broadcast %add3A_1571 : i32 to vector<16xi32>
      %add3A_1573 = arith.addi %get3A_1570, %add3A_1572 : vector<16xi32>
      %swap3A_1574 = arith.constant 96 : index
      %swap3A_1575 = tpu.vector_load %arg29[%swap3A_1574] {strides = array<i32>} : memref<128xi32, #tpu.memory_space<vmem>>, vector<16xi32>,
      %swap3A_1576 = vector.shape_cast %swap3A_1575 : vector<16xi32> to vector<16xi32>
      %swap3A_1577 = vector.shape_cast %add3A_1573 : vector<16xi32> to vector<16xi32>
      tpu.vector_store %arg29[%swap3A_1574], %swap3A_1577 {strides = array<i32>} : memref<128xi32, #tpu.memory_space<vmem>>, vector<16xi32>,
      %get3A_1578 = arith.constant 16 : index
      %get3A_1579 = tpu.vector_load %arg26[%get3A_1578] {strides = array<i32>} : memref<32xi32, #tpu.memory_space<vmem>>, vector<16xi32>,
      %get3A_1580 = vector.shape_cast %get3A_1579 : vector<16xi32> to vector<16xi32>
      %add3A_1581 = arith.constant 700000 : i32
      %add3A_1582 = vector.broadcast %add3A_1581 : i32 to vector<16xi32>
      %add3A_1583 = arith.addi %get3A_1580, %add3A_1582 : vector<16xi32>
      %swap3A_1584 = arith.constant 112 : index
      %swap3A_1585 = tpu.vector_load %arg29[%swap3A_1584] {strides = array<i32>} : memref<128xi32, #tpu.memory_space<vmem>>, vector<16xi32>,
      %swap3A_1586 = vector.shape_cast %swap3A_1585 : vector<16xi32> to vector<16xi32>
      %swap3A_1587 = vector.shape_cast %add3A_1583 : vector<16xi32> to vector<16xi32>
      tpu.vector_store %arg29[%swap3A_1584], %swap3A_1587 {strides = array<i32>} : memref<128xi32, #tpu.memory_space<vmem>>, vector<16xi32>,
      %get3A_1588 = arith.constant 0 : index
      %get3A_1589 = tpu.vector_load %arg26[%get3A_1588] {strides = array<i32>} : memref<32xi32, #tpu.memory_space<vmem>>, vector<16xi32>,
      %get3A_1590 = vector.shape_cast %get3A_1589 : vector<16xi32> to vector<16xi32>
      %add3A_1591 = arith.constant 800000 : i32
      %add3A_1592 = vector.broadcast %add3A_1591 : i32 to vector<16xi32>
      %add3A_1593 = arith.addi %get3A_1590, %add3A_1592 : vector<16xi32>
      %swap3A_1594 = arith.constant 0 : index
      %swap3A_1595 = tpu.vector_load %arg30[%swap3A_1594] {strides = array<i32>} : memref<64xi32, #tpu.memory_space<vmem>>, vector<16xi32>,
      %swap3A_1596 = vector.shape_cast %swap3A_1595 : vector<16xi32> to vector<16xi32>
      %swap3A_1597 = vector.shape_cast %add3A_1593 : vector<16xi32> to vector<16xi32>
      tpu.vector_store %arg30[%swap3A_1594], %swap3A_1597 {strides = array<i32>} : memref<64xi32, #tpu.memory_space<vmem>>, vector<16xi32>,
      %get3A_1598 = arith.constant 16 : index
      %get3A_1599 = tpu.vector_load %arg26[%get3A_1598] {strides = array<i32>} : memref<32xi32, #tpu.memory_space<vmem>>, vector<16xi32>,
      %get3A_1600 = vector.shape_cast %get3A_1599 : vector<16xi32> to vector<16xi32>
      %add3A_1601 = arith.constant 800000 : i32
      %add3A_1602 = vector.broadcast %add3A_1601 : i32 to vector<16xi32>
      %add3A_1603 = arith.addi %get3A_1600, %add3A_1602 : vector<16xi32>
      %swap3A_1604 = arith.constant 16 : index
      %swap3A_1605 = tpu.vector_load %arg30[%swap3A_1604] {strides = array<i32>} : memref<64xi32, #tpu.memory_space<vmem>>, vector<16xi32>,
      %swap3A_1606 = vector.shape_cast %swap3A_1605 : vector<16xi32> to vector<16xi32>
      %swap3A_1607 = vector.shape_cast %add3A_1603 : vector<16xi32> to vector<16xi32>
      tpu.vector_store %arg30[%swap3A_1604], %swap3A_1607 {strides = array<i32>} : memref<64xi32, #tpu.memory_space<vmem>>, vector<16xi32>,
      %get3A_1608 = arith.constant 0 : index
      %get3A_1609 = tpu.vector_load %arg26[%get3A_1608] {strides = array<i32>} : memref<32xi32, #tpu.memory_space<vmem>>, vector<16xi32>,
      %get3A_1610 = vector.shape_cast %get3A_1609 : vector<16xi32> to vector<16xi32>
      %add3A_1611 = arith.constant 900000 : i32
      %add3A_1612 = vector.broadcast %add3A_1611 : i32 to vector<16xi32>
      %add3A_1613 = arith.addi %get3A_1610, %add3A_1612 : vector<16xi32>
      %swap3A_1614 = arith.constant 32 : index
      %swap3A_1615 = tpu.vector_load %arg30[%swap3A_1614] {strides = array<i32>} : memref<64xi32, #tpu.memory_space<vmem>>, vector<16xi32>,
      %swap3A_1616 = vector.shape_cast %swap3A_1615 : vector<16xi32> to vector<16xi32>
      %swap3A_1617 = vector.shape_cast %add3A_1613 : vector<16xi32> to vector<16xi32>
      tpu.vector_store %arg30[%swap3A_1614], %swap3A_1617 {strides = array<i32>} : memref<64xi32, #tpu.memory_space<vmem>>, vector<16xi32>,
      %get3A_1618 = arith.constant 16 : index
      %get3A_1619 = tpu.vector_load %arg26[%get3A_1618] {strides = array<i32>} : memref<32xi32, #tpu.memory_space<vmem>>, vector<16xi32>,
      %get3A_1620 = vector.shape_cast %get3A_1619 : vector<16xi32> to vector<16xi32>
      %add3A_1621 = arith.constant 900000 : i32
      %add3A_1622 = vector.broadcast %add3A_1621 : i32 to vector<16xi32>
      %add3A_1623 = arith.addi %get3A_1620, %add3A_1622 : vector<16xi32>
      %swap3A_1624 = arith.constant 48 : index
      %swap3A_1625 = tpu.vector_load %arg30[%swap3A_1624] {strides = array<i32>} : memref<64xi32, #tpu.memory_space<vmem>>, vector<16xi32>,
      %swap3A_1626 = vector.shape_cast %swap3A_1625 : vector<16xi32> to vector<16xi32>
      %swap3A_1627 = vector.shape_cast %add3A_1623 : vector<16xi32> to vector<16xi32>
      tpu.vector_store %arg30[%swap3A_1624], %swap3A_1627 {strides = array<i32>} : memref<64xi32, #tpu.memory_space<vmem>>, vector<16xi32>,
      %dma_start3A_1628 = arith.constant 0 : i32
      %dma_start3A_1629 = tpu.memref_slice %arg4[%dma_start3A_1628] : memref<2500000xi32, #tpu.memory_space<hbm>> -> memref<2500000xi32, #tpu.memory_space<hbm>>
      tpu.enqueue_indirect_dma source(%dma_start3A_1629 : memref<2500000xi32, #tpu.memory_space<hbm>>) target(%arg34 : memref<128xi32, #tpu.memory_space<vmem>>) offsets(%arg28 : memref<128xi32, #tpu.memory_space<vmem>>) semaphore(%arg50 : memref<!tpu.dma_semaphore, #tpu.memory_space<semaphore_mem>>)
      %dma_start3A_1630 = arith.constant 0 : i32
      %dma_start3A_1631 = tpu.memref_slice %arg4[%dma_start3A_1630] : memref<2500000xi32, #tpu.memory_space<hbm>> -> memref<2500000xi32, #tpu.memory_space<hbm>>
      tpu.enqueue_indirect_dma source(%dma_start3A_1631 : memref<2500000xi32, #tpu.memory_space<hbm>>) target(%arg35 : memref<128xi32, #tpu.memory_space<vmem>>) offsets(%arg29 : memref<128xi32, #tpu.memory_space<vmem>>) semaphore(%arg50 : memref<!tpu.dma_semaphore, #tpu.memory_space<semaphore_mem>>)
      %dma_start3A_1632 = arith.constant 0 : i32
      %dma_start3A_1633 = tpu.memref_slice %arg4[%dma_start3A_1632] : memref<2500000xi32, #tpu.memory_space<hbm>> -> memref<2500000xi32, #tpu.memory_space<hbm>>
      tpu.enqueue_indirect_dma source(%dma_start3A_1633 : memref<2500000xi32, #tpu.memory_space<hbm>>) target(%arg36 : memref<64xi32, #tpu.memory_space<vmem>>) offsets(%arg30 : memref<64xi32, #tpu.memory_space<vmem>>) semaphore(%arg50 : memref<!tpu.dma_semaphore, #tpu.memory_space<semaphore_mem>>)
      %scan3A_1634 = arith.constant 0 : i32
      %scan3A_1635 = arith.constant 0 : i32
      %scan3A_1636 = arith.constant 32 : i32
      %scan3A_1637 = arith.addi %scan3A_1635, %scan3A_1636 : i32
      %scan3A_1638 = arith.constant 1 : i32
      scf.for %scan3A_1689 = %scan3A_1635 to %scan3A_1637 step %scan3A_1638  : i32 {
        %add3A_1690 = arith.constant 0 : i32
        %add3A_1691 = arith.addi %add3A_1690, %scan3A_1689 : i32
        %get3A_1692 = arith.index_cast %add3A_1691 : i32 to index
        %get3A_1693 = arith.constant 0 : index
        %get3A_1694 = tpu.vector_load %arg40[%get3A_1692, %get3A_1693] {strides = array<i32>} : memref<128x128xf32, #tpu.memory_space<vmem>>, vector<1x16xf32>,
        %get3A_1695 = vector.shape_cast %get3A_1694 : vector<1x16xf32> to vector<16xf32>
        %add3A_1696 = arith.constant 32 : i32
        %add3A_1697 = arith.addi %add3A_1696, %scan3A_1689 : i32
        %get3A_1698 = arith.index_cast %add3A_1697 : i32 to index
        %get3A_1699 = arith.constant 0 : index
        %get3A_1700 = tpu.vector_load %arg40[%get3A_1698, %get3A_1699] {strides = array<i32>} : memref<128x128xf32, #tpu.memory_space<vmem>>, vector<1x16xf32>,
        %get3A_1701 = vector.shape_cast %get3A_1700 : vector<1x16xf32> to vector<16xf32>
        %add3A_1702 = arith.addf %get3A_1695, %get3A_1701 : vector<16xf32>
        %add3A_1703 = arith.constant 64 : i32
        %add3A_1704 = arith.addi %add3A_1703, %scan3A_1689 : i32
        %get3A_1705 = arith.index_cast %add3A_1704 : i32 to index
        %get3A_1706 = arith.constant 0 : index
        %get3A_1707 = tpu.vector_load %arg40[%get3A_1705, %get3A_1706] {strides = array<i32>} : memref<128x128xf32, #tpu.memory_space<vmem>>, vector<1x16xf32>,
        %get3A_1708 = vector.shape_cast %get3A_1707 : vector<1x16xf32> to vector<16xf32>
        %add3A_1709 = arith.addf %add3A_1702, %get3A_1708 : vector<16xf32>
        %add3A_1710 = arith.constant 96 : i32
        %add3A_1711 = arith.addi %add3A_1710, %scan3A_1689 : i32
        %get3A_1712 = arith.index_cast %add3A_1711 : i32 to index
        %get3A_1713 = arith.constant 0 : index
        %get3A_1714 = tpu.vector_load %arg40[%get3A_1712, %get3A_1713] {strides = array<i32>} : memref<128x128xf32, #tpu.memory_space<vmem>>, vector<1x16xf32>,
        %get3A_1715 = vector.shape_cast %get3A_1714 : vector<1x16xf32> to vector<16xf32>
        %add3A_1716 = arith.addf %add3A_1709, %get3A_1715 : vector<16xf32>
        %add3A_1717 = arith.constant 0 : i32
        %add3A_1718 = arith.addi %add3A_1717, %scan3A_1689 : i32
        %get3A_1719 = arith.index_cast %add3A_1718 : i32 to index
        %get3A_1720 = arith.constant 0 : index
        %get3A_1721 = tpu.vector_load %arg41[%get3A_1719, %get3A_1720] {strides = array<i32>} : memref<128x128xf32, #tpu.memory_space<vmem>>, vector<1x16xf32>,
        %get3A_1722 = vector.shape_cast %get3A_1721 : vector<1x16xf32> to vector<16xf32>
        %add3A_1723 = arith.addf %add3A_1716, %get3A_1722 : vector<16xf32>
        %add3A_1724 = arith.constant 32 : i32
        %add3A_1725 = arith.addi %add3A_1724, %scan3A_1689 : i32
        %get3A_1726 = arith.index_cast %add3A_1725 : i32 to index
        %get3A_1727 = arith.constant 0 : index
        %get3A_1728 = tpu.vector_load %arg41[%get3A_1726, %get3A_1727] {strides = array<i32>} : memref<128x128xf32, #tpu.memory_space<vmem>>, vector<1x16xf32>,
        %get3A_1729 = vector.shape_cast %get3A_1728 : vector<1x16xf32> to vector<16xf32>
        %add3A_1730 = arith.addf %add3A_1723, %get3A_1729 : vector<16xf32>
        %add3A_1731 = arith.constant 64 : i32
        %add3A_1732 = arith.addi %add3A_1731, %scan3A_1689 : i32
        %get3A_1733 = arith.index_cast %add3A_1732 : i32 to index
        %get3A_1734 = arith.constant 0 : index
        %get3A_1735 = tpu.vector_load %arg41[%get3A_1733, %get3A_1734] {strides = array<i32>} : memref<128x128xf32, #tpu.memory_space<vmem>>, vector<1x16xf32>,
        %get3A_1736 = vector.shape_cast %get3A_1735 : vector<1x16xf32> to vector<16xf32>
        %add3A_1737 = arith.addf %add3A_1730, %get3A_1736 : vector<16xf32>
        %add3A_1738 = arith.constant 96 : i32
        %add3A_1739 = arith.addi %add3A_1738, %scan3A_1689 : i32
        %get3A_1740 = arith.index_cast %add3A_1739 : i32 to index
        %get3A_1741 = arith.constant 0 : index
        %get3A_1742 = tpu.vector_load %arg41[%get3A_1740, %get3A_1741] {strides = array<i32>} : memref<128x128xf32, #tpu.memory_space<vmem>>, vector<1x16xf32>,
        %get3A_1743 = vector.shape_cast %get3A_1742 : vector<1x16xf32> to vector<16xf32>
        %add3A_1744 = arith.addf %add3A_1737, %get3A_1743 : vector<16xf32>
        %add3A_1745 = arith.constant 0 : i32
        %add3A_1746 = arith.addi %add3A_1745, %scan3A_1689 : i32
        %get3A_1747 = arith.index_cast %add3A_1746 : i32 to index
        %get3A_1748 = arith.constant 0 : index
        %get3A_1749 = tpu.vector_load %arg42[%get3A_1747, %get3A_1748] {strides = array<i32>} : memref<64x128xf32, #tpu.memory_space<vmem>>, vector<1x16xf32>,
        %get3A_1750 = vector.shape_cast %get3A_1749 : vector<1x16xf32> to vector<16xf32>
        %add3A_1751 = arith.addf %add3A_1744, %get3A_1750 : vector<16xf32>
        %add3A_1752 = arith.constant 32 : i32
        %add3A_1753 = arith.addi %add3A_1752, %scan3A_1689 : i32
        %get3A_1754 = arith.index_cast %add3A_1753 : i32 to index
        %get3A_1755 = arith.constant 0 : index
        %get3A_1756 = tpu.vector_load %arg42[%get3A_1754, %get3A_1755] {strides = array<i32>} : memref<64x128xf32, #tpu.memory_space<vmem>>, vector<1x16xf32>,
        %get3A_1757 = vector.shape_cast %get3A_1756 : vector<1x16xf32> to vector<16xf32>
        %add3A_1758 = arith.addf %add3A_1751, %get3A_1757 : vector<16xf32>
        %mul3A_1759 = arith.constant 1.000000e-01 : f32
        %mul3A_1760 = vector.broadcast %mul3A_1759 : f32 to vector<16xf32>
        %mul3A_1761 = arith.mulf %add3A_1758, %mul3A_1760 : vector<16xf32>
        %swap3A_1762 = arith.index_cast %scan3A_1689 : i32 to index
        %swap3A_1763 = arith.constant 0 : index
        %swap3A_1764 = tpu.vector_load %arg10[%swap3A_1762, %swap3A_1763] {strides = array<i32>} : memref<32x128xf32, #tpu.memory_space<vmem>>, vector<1x16xf32>,
        %swap3A_1765 = vector.shape_cast %swap3A_1764 : vector<1x16xf32> to vector<16xf32>
        %swap3A_1766 = vector.shape_cast %mul3A_1761 : vector<16xf32> to vector<1x16xf32>
        tpu.vector_store %arg10[%swap3A_1762, %swap3A_1763], %swap3A_1766 {strides = array<i32>} : memref<32x128xf32, #tpu.memory_space<vmem>>, vector<1x16xf32>,
        %add3A_1767 = arith.constant 0 : i32
        %add3A_1768 = arith.addi %add3A_1767, %scan3A_1689 : i32
        %get3A_1769 = arith.index_cast %add3A_1768 : i32 to index
        %get3A_1770 = arith.constant 16 : index
        %get3A_1771 = tpu.vector_load %arg40[%get3A_1769, %get3A_1770] {strides = array<i32>} : memref<128x128xf32, #tpu.memory_space<vmem>>, vector<1x16xf32>,
        %get3A_1772 = vector.shape_cast %get3A_1771 : vector<1x16xf32> to vector<16xf32>
        %add3A_1773 = arith.constant 32 : i32
        %add3A_1774 = arith.addi %add3A_1773, %scan3A_1689 : i32
        %get3A_1775 = arith.index_cast %add3A_1774 : i32 to index
        %get3A_1776 = arith.constant 16 : index
        %get3A_1777 = tpu.vector_load %arg40[%get3A_1775, %get3A_1776] {strides = array<i32>} : memref<128x128xf32, #tpu.memory_space<vmem>>, vector<1x16xf32>,
        %get3A_1778 = vector.shape_cast %get3A_1777 : vector<1x16xf32> to vector<16xf32>
        %add3A_1779 = arith.addf %get3A_1772, %get3A_1778 : vector<16xf32>
        %add3A_1780 = arith.constant 64 : i32
        %add3A_1781 = arith.addi %add3A_1780, %scan3A_1689 : i32
        %get3A_1782 = arith.index_cast %add3A_1781 : i32 to index
        %get3A_1783 = arith.constant 16 : index
        %get3A_1784 = tpu.vector_load %arg40[%get3A_1782, %get3A_1783] {strides = array<i32>} : memref<128x128xf32, #tpu.memory_space<vmem>>, vector<1x16xf32>,
        %get3A_1785 = vector.shape_cast %get3A_1784 : vector<1x16xf32> to vector<16xf32>
        %add3A_1786 = arith.addf %add3A_1779, %get3A_1785 : vector<16xf32>
        %add3A_1787 = arith.constant 96 : i32
        %add3A_1788 = arith.addi %add3A_1787, %scan3A_1689 : i32
        %get3A_1789 = arith.index_cast %add3A_1788 : i32 to index
        %get3A_1790 = arith.constant 16 : index
        %get3A_1791 = tpu.vector_load %arg40[%get3A_1789, %get3A_1790] {strides = array<i32>} : memref<128x128xf32, #tpu.memory_space<vmem>>, vector<1x16xf32>,
        %get3A_1792 = vector.shape_cast %get3A_1791 : vector<1x16xf32> to vector<16xf32>
        %add3A_1793 = arith.addf %add3A_1786, %get3A_1792 : vector<16xf32>
        %add3A_1794 = arith.constant 0 : i32
        %add3A_1795 = arith.addi %add3A_1794, %scan3A_1689 : i32
        %get3A_1796 = arith.index_cast %add3A_1795 : i32 to index
        %get3A_1797 = arith.constant 16 : index
        %get3A_1798 = tpu.vector_load %arg41[%get3A_1796, %get3A_1797] {strides = array<i32>} : memref<128x128xf32, #tpu.memory_space<vmem>>, vector<1x16xf32>,
        %get3A_1799 = vector.shape_cast %get3A_1798 : vector<1x16xf32> to vector<16xf32>
        %add3A_1800 = arith.addf %add3A_1793, %get3A_1799 : vector<16xf32>
        %add3A_1801 = arith.constant 32 : i32
        %add3A_1802 = arith.addi %add3A_1801, %scan3A_1689 : i32
        %get3A_1803 = arith.index_cast %add3A_1802 : i32 to index
        %get3A_1804 = arith.constant 16 : index
        %get3A_1805 = tpu.vector_load %arg41[%get3A_1803, %get3A_1804] {strides = array<i32>} : memref<128x128xf32, #tpu.memory_space<vmem>>, vector<1x16xf32>,
        %get3A_1806 = vector.shape_cast %get3A_1805 : vector<1x16xf32> to vector<16xf32>
        %add3A_1807 = arith.addf %add3A_1800, %get3A_1806 : vector<16xf32>
        %add3A_1808 = arith.constant 64 : i32
        %add3A_1809 = arith.addi %add3A_1808, %scan3A_1689 : i32
        %get3A_1810 = arith.index_cast %add3A_1809 : i32 to index
        %get3A_1811 = arith.constant 16 : index
        %get3A_1812 = tpu.vector_load %arg41[%get3A_1810, %get3A_1811] {strides = array<i32>} : memref<128x128xf32, #tpu.memory_space<vmem>>, vector<1x16xf32>,
        %get3A_1813 = vector.shape_cast %get3A_1812 : vector<1x16xf32> to vector<16xf32>
        %add3A_1814 = arith.addf %add3A_1807, %get3A_1813 : vector<16xf32>
        %add3A_1815 = arith.constant 96 : i32
        %add3A_1816 = arith.addi %add3A_1815, %scan3A_1689 : i32
        %get3A_1817 = arith.index_cast %add3A_1816 : i32 to index
        %get3A_1818 = arith.constant 16 : index
        %get3A_1819 = tpu.vector_load %arg41[%get3A_1817, %get3A_1818] {strides = array<i32>} : memref<128x128xf32, #tpu.memory_space<vmem>>, vector<1x16xf32>,
        %get3A_1820 = vector.shape_cast %get3A_1819 : vector<1x16xf32> to vector<16xf32>
        %add3A_1821 = arith.addf %add3A_1814, %get3A_1820 : vector<16xf32>
        %add3A_1822 = arith.constant 0 : i32
        %add3A_1823 = arith.addi %add3A_1822, %scan3A_1689 : i32
        %get3A_1824 = arith.index_cast %add3A_1823 : i32 to index
        %get3A_1825 = arith.constant 16 : index
        %get3A_1826 = tpu.vector_load %arg42[%get3A_1824, %get3A_1825] {strides = array<i32>} : memref<64x128xf32, #tpu.memory_space<vmem>>, vector<1x16xf32>,
        %get3A_1827 = vector.shape_cast %get3A_1826 : vector<1x16xf32> to vector<16xf32>
        %add3A_1828 = arith.addf %add3A_1821, %get3A_1827 : vector<16xf32>
        %add3A_1829 = arith.constant 32 : i32
        %add3A_1830 = arith.addi %add3A_1829, %scan3A_1689 : i32
        %get3A_1831 = arith.index_cast %add3A_1830 : i32 to index
        %get3A_1832 = arith.constant 16 : index
        %get3A_1833 = tpu.vector_load %arg42[%get3A_1831, %get3A_1832] {strides = array<i32>} : memref<64x128xf32, #tpu.memory_space<vmem>>, vector<1x16xf32>,
        %get3A_1834 = vector.shape_cast %get3A_1833 : vector<1x16xf32> to vector<16xf32>
        %add3A_1835 = arith.addf %add3A_1828, %get3A_1834 : vector<16xf32>
        %mul3A_1836 = arith.constant 1.000000e-01 : f32
        %mul3A_1837 = vector.broadcast %mul3A_1836 : f32 to vector<16xf32>
        %mul3A_1838 = arith.mulf %add3A_1835, %mul3A_1837 : vector<16xf32>
        %swap3A_1839 = arith.index_cast %scan3A_1689 : i32 to index
        %swap3A_1840 = arith.constant 16 : index
        %swap3A_1841 = tpu.vector_load %arg10[%swap3A_1839, %swap3A_1840] {strides = array<i32>} : memref<32x128xf32, #tpu.memory_space<vmem>>, vector<1x16xf32>,
        %swap3A_1842 = vector.shape_cast %swap3A_1841 : vector<1x16xf32> to vector<16xf32>
        %swap3A_1843 = vector.shape_cast %mul3A_1838 : vector<16xf32> to vector<1x16xf32>
        tpu.vector_store %arg10[%swap3A_1839, %swap3A_1840], %swap3A_1843 {strides = array<i32>} : memref<32x128xf32, #tpu.memory_space<vmem>>, vector<1x16xf32>,
        %add3A_1844 = arith.constant 0 : i32
        %add3A_1845 = arith.addi %add3A_1844, %scan3A_1689 : i32
        %get3A_1846 = arith.index_cast %add3A_1845 : i32 to index
        %get3A_1847 = arith.constant 32 : index
        %get3A_1848 = tpu.vector_load %arg40[%get3A_1846, %get3A_1847] {strides = array<i32>} : memref<128x128xf32, #tpu.memory_space<vmem>>, vector<1x16xf32>,
        %get3A_1849 = vector.shape_cast %get3A_1848 : vector<1x16xf32> to vector<16xf32>
        %add3A_1850 = arith.constant 32 : i32
        %add3A_1851 = arith.addi %add3A_1850, %scan3A_1689 : i32
        %get3A_1852 = arith.index_cast %add3A_1851 : i32 to index
        %get3A_1853 = arith.constant 32 : index
        %get3A_1854 = tpu.vector_load %arg40[%get3A_1852, %get3A_1853] {strides = array<i32>} : memref<128x128xf32, #tpu.memory_space<vmem>>, vector<1x16xf32>,
        %get3A_1855 = vector.shape_cast %get3A_1854 : vector<1x16xf32> to vector<16xf32>
        %add3A_1856 = arith.addf %get3A_1849, %get3A_1855 : vector<16xf32>
        %add3A_1857 = arith.constant 64 : i32
        %add3A_1858 = arith.addi %add3A_1857, %scan3A_1689 : i32
        %get3A_1859 = arith.index_cast %add3A_1858 : i32 to index
        %get3A_1860 = arith.constant 32 : index
        %get3A_1861 = tpu.vector_load %arg40[%get3A_1859, %get3A_1860] {strides = array<i32>} : memref<128x128xf32, #tpu.memory_space<vmem>>, vector<1x16xf32>,
        %get3A_1862 = vector.shape_cast %get3A_1861 : vector<1x16xf32> to vector<16xf32>
        %add3A_1863 = arith.addf %add3A_1856, %get3A_1862 : vector<16xf32>
        %add3A_1864 = arith.constant 96 : i32
        %add3A_1865 = arith.addi %add3A_1864, %scan3A_1689 : i32
        %get3A_1866 = arith.index_cast %add3A_1865 : i32 to index
        %get3A_1867 = arith.constant 32 : index
        %get3A_1868 = tpu.vector_load %arg40[%get3A_1866, %get3A_1867] {strides = array<i32>} : memref<128x128xf32, #tpu.memory_space<vmem>>, vector<1x16xf32>,
        %get3A_1869 = vector.shape_cast %get3A_1868 : vector<1x16xf32> to vector<16xf32>
        %add3A_1870 = arith.addf %add3A_1863, %get3A_1869 : vector<16xf32>
        %add3A_1871 = arith.constant 0 : i32
        %add3A_1872 = arith.addi %add3A_1871, %scan3A_1689 : i32
        %get3A_1873 = arith.index_cast %add3A_1872 : i32 to index
        %get3A_1874 = arith.constant 32 : index
        %get3A_1875 = tpu.vector_load %arg41[%get3A_1873, %get3A_1874] {strides = array<i32>} : memref<128x128xf32, #tpu.memory_space<vmem>>, vector<1x16xf32>,
        %get3A_1876 = vector.shape_cast %get3A_1875 : vector<1x16xf32> to vector<16xf32>
        %add3A_1877 = arith.addf %add3A_1870, %get3A_1876 : vector<16xf32>
        %add3A_1878 = arith.constant 32 : i32
        %add3A_1879 = arith.addi %add3A_1878, %scan3A_1689 : i32
        %get3A_1880 = arith.index_cast %add3A_1879 : i32 to index
        %get3A_1881 = arith.constant 32 : index
        %get3A_1882 = tpu.vector_load %arg41[%get3A_1880, %get3A_1881] {strides = array<i32>} : memref<128x128xf32, #tpu.memory_space<vmem>>, vector<1x16xf32>,
        %get3A_1883 = vector.shape_cast %get3A_1882 : vector<1x16xf32> to vector<16xf32>
        %add3A_1884 = arith.addf %add3A_1877, %get3A_1883 : vector<16xf32>
        %add3A_1885 = arith.constant 64 : i32
        %add3A_1886 = arith.addi %add3A_1885, %scan3A_1689 : i32
        %get3A_1887 = arith.index_cast %add3A_1886 : i32 to index
        %get3A_1888 = arith.constant 32 : index
        %get3A_1889 = tpu.vector_load %arg41[%get3A_1887, %get3A_1888] {strides = array<i32>} : memref<128x128xf32, #tpu.memory_space<vmem>>, vector<1x16xf32>,
        %get3A_1890 = vector.shape_cast %get3A_1889 : vector<1x16xf32> to vector<16xf32>
        %add3A_1891 = arith.addf %add3A_1884, %get3A_1890 : vector<16xf32>
        %add3A_1892 = arith.constant 96 : i32
        %add3A_1893 = arith.addi %add3A_1892, %scan3A_1689 : i32
        %get3A_1894 = arith.index_cast %add3A_1893 : i32 to index
        %get3A_1895 = arith.constant 32 : index
        %get3A_1896 = tpu.vector_load %arg41[%get3A_1894, %get3A_1895] {strides = array<i32>} : memref<128x128xf32, #tpu.memory_space<vmem>>, vector<1x16xf32>,
        %get3A_1897 = vector.shape_cast %get3A_1896 : vector<1x16xf32> to vector<16xf32>
        %add3A_1898 = arith.addf %add3A_1891, %get3A_1897 : vector<16xf32>
        %add3A_1899 = arith.constant 0 : i32
        %add3A_1900 = arith.addi %add3A_1899, %scan3A_1689 : i32
        %get3A_1901 = arith.index_cast %add3A_1900 : i32 to index
        %get3A_1902 = arith.constant 32 : index
        %get3A_1903 = tpu.vector_load %arg42[%get3A_1901, %get3A_1902] {strides = array<i32>} : memref<64x128xf32, #tpu.memory_space<vmem>>, vector<1x16xf32>,
        %get3A_1904 = vector.shape_cast %get3A_1903 : vector<1x16xf32> to vector<16xf32>
        %add3A_1905 = arith.addf %add3A_1898, %get3A_1904 : vector<16xf32>
        %add3A_1906 = arith.constant 32 : i32
        %add3A_1907 = arith.addi %add3A_1906, %scan3A_1689 : i32
        %get3A_1908 = arith.index_cast %add3A_1907 : i32 to index
        %get3A_1909 = arith.constant 32 : index
        %get3A_1910 = tpu.vector_load %arg42[%get3A_1908, %get3A_1909] {strides = array<i32>} : memref<64x128xf32, #tpu.memory_space<vmem>>, vector<1x16xf32>,
        %get3A_1911 = vector.shape_cast %get3A_1910 : vector<1x16xf32> to vector<16xf32>
        %add3A_1912 = arith.addf %add3A_1905, %get3A_1911 : vector<16xf32>
        %mul3A_1913 = arith.constant 1.000000e-01 : f32
        %mul3A_1914 = vector.broadcast %mul3A_1913 : f32 to vector<16xf32>
        %mul3A_1915 = arith.mulf %add3A_1912, %mul3A_1914 : vector<16xf32>
        %swap3A_1916 = arith.index_cast %scan3A_1689 : i32 to index
        %swap3A_1917 = arith.constant 32 : index
        %swap3A_1918 = tpu.vector_load %arg10[%swap3A_1916, %swap3A_1917] {strides = array<i32>} : memref<32x128xf32, #tpu.memory_space<vmem>>, vector<1x16xf32>,
        %swap3A_1919 = vector.shape_cast %swap3A_1918 : vector<1x16xf32> to vector<16xf32>
        %swap3A_1920 = vector.shape_cast %mul3A_1915 : vector<16xf32> to vector<1x16xf32>
        tpu.vector_store %arg10[%swap3A_1916, %swap3A_1917], %swap3A_1920 {strides = array<i32>} : memref<32x128xf32, #tpu.memory_space<vmem>>, vector<1x16xf32>,
        %add3A_1921 = arith.constant 0 : i32
        %add3A_1922 = arith.addi %add3A_1921, %scan3A_1689 : i32
        %get3A_1923 = arith.index_cast %add3A_1922 : i32 to index
        %get3A_1924 = arith.constant 48 : index
        %get3A_1925 = tpu.vector_load %arg40[%get3A_1923, %get3A_1924] {strides = array<i32>} : memref<128x128xf32, #tpu.memory_space<vmem>>, vector<1x16xf32>,
        %get3A_1926 = vector.shape_cast %get3A_1925 : vector<1x16xf32> to vector<16xf32>
        %add3A_1927 = arith.constant 32 : i32
        %add3A_1928 = arith.addi %add3A_1927, %scan3A_1689 : i32
        %get3A_1929 = arith.index_cast %add3A_1928 : i32 to index
        %get3A_1930 = arith.constant 48 : index
        %get3A_1931 = tpu.vector_load %arg40[%get3A_1929, %get3A_1930] {strides = array<i32>} : memref<128x128xf32, #tpu.memory_space<vmem>>, vector<1x16xf32>,
        %get3A_1932 = vector.shape_cast %get3A_1931 : vector<1x16xf32> to vector<16xf32>
        %add3A_1933 = arith.addf %get3A_1926, %get3A_1932 : vector<16xf32>
        %add3A_1934 = arith.constant 64 : i32
        %add3A_1935 = arith.addi %add3A_1934, %scan3A_1689 : i32
        %get3A_1936 = arith.index_cast %add3A_1935 : i32 to index
        %get3A_1937 = arith.constant 48 : index
        %get3A_1938 = tpu.vector_load %arg40[%get3A_1936, %get3A_1937] {strides = array<i32>} : memref<128x128xf32, #tpu.memory_space<vmem>>, vector<1x16xf32>,
        %get3A_1939 = vector.shape_cast %get3A_1938 : vector<1x16xf32> to vector<16xf32>
        %add3A_1940 = arith.addf %add3A_1933, %get3A_1939 : vector<16xf32>
        %add3A_1941 = arith.constant 96 : i32
        %add3A_1942 = arith.addi %add3A_1941, %scan3A_1689 : i32
        %get3A_1943 = arith.index_cast %add3A_1942 : i32 to index
        %get3A_1944 = arith.constant 48 : index
        %get3A_1945 = tpu.vector_load %arg40[%get3A_1943, %get3A_1944] {strides = array<i32>} : memref<128x128xf32, #tpu.memory_space<vmem>>, vector<1x16xf32>,
        %get3A_1946 = vector.shape_cast %get3A_1945 : vector<1x16xf32> to vector<16xf32>
        %add3A_1947 = arith.addf %add3A_1940, %get3A_1946 : vector<16xf32>
        %add3A_1948 = arith.constant 0 : i32
        %add3A_1949 = arith.addi %add3A_1948, %scan3A_1689 : i32
        %get3A_1950 = arith.index_cast %add3A_1949 : i32 to index
        %get3A_1951 = arith.constant 48 : index
        %get3A_1952 = tpu.vector_load %arg41[%get3A_1950, %get3A_1951] {strides = array<i32>} : memref<128x128xf32, #tpu.memory_space<vmem>>, vector<1x16xf32>,
        %get3A_1953 = vector.shape_cast %get3A_1952 : vector<1x16xf32> to vector<16xf32>
        %add3A_1954 = arith.addf %add3A_1947, %get3A_1953 : vector<16xf32>
        %add3A_1955 = arith.constant 32 : i32
        %add3A_1956 = arith.addi %add3A_1955, %scan3A_1689 : i32
        %get3A_1957 = arith.index_cast %add3A_1956 : i32 to index
        %get3A_1958 = arith.constant 48 : index
        %get3A_1959 = tpu.vector_load %arg41[%get3A_1957, %get3A_1958] {strides = array<i32>} : memref<128x128xf32, #tpu.memory_space<vmem>>, vector<1x16xf32>,
        %get3A_1960 = vector.shape_cast %get3A_1959 : vector<1x16xf32> to vector<16xf32>
        %add3A_1961 = arith.addf %add3A_1954, %get3A_1960 : vector<16xf32>
        %add3A_1962 = arith.constant 64 : i32
        %add3A_1963 = arith.addi %add3A_1962, %scan3A_1689 : i32
        %get3A_1964 = arith.index_cast %add3A_1963 : i32 to index
        %get3A_1965 = arith.constant 48 : index
        %get3A_1966 = tpu.vector_load %arg41[%get3A_1964, %get3A_1965] {strides = array<i32>} : memref<128x128xf32, #tpu.memory_space<vmem>>, vector<1x16xf32>,
        %get3A_1967 = vector.shape_cast %get3A_1966 : vector<1x16xf32> to vector<16xf32>
        %add3A_1968 = arith.addf %add3A_1961, %get3A_1967 : vector<16xf32>
        %add3A_1969 = arith.constant 96 : i32
        %add3A_1970 = arith.addi %add3A_1969, %scan3A_1689 : i32
        %get3A_1971 = arith.index_cast %add3A_1970 : i32 to index
        %get3A_1972 = arith.constant 48 : index
        %get3A_1973 = tpu.vector_load %arg41[%get3A_1971, %get3A_1972] {strides = array<i32>} : memref<128x128xf32, #tpu.memory_space<vmem>>, vector<1x16xf32>,
        %get3A_1974 = vector.shape_cast %get3A_1973 : vector<1x16xf32> to vector<16xf32>
        %add3A_1975 = arith.addf %add3A_1968, %get3A_1974 : vector<16xf32>
        %add3A_1976 = arith.constant 0 : i32
        %add3A_1977 = arith.addi %add3A_1976, %scan3A_1689 : i32
        %get3A_1978 = arith.index_cast %add3A_1977 : i32 to index
        %get3A_1979 = arith.constant 48 : index
        %get3A_1980 = tpu.vector_load %arg42[%get3A_1978, %get3A_1979] {strides = array<i32>} : memref<64x128xf32, #tpu.memory_space<vmem>>, vector<1x16xf32>,
        %get3A_1981 = vector.shape_cast %get3A_1980 : vector<1x16xf32> to vector<16xf32>
        %add3A_1982 = arith.addf %add3A_1975, %get3A_1981 : vector<16xf32>
        %add3A_1983 = arith.constant 32 : i32
        %add3A_1984 = arith.addi %add3A_1983, %scan3A_1689 : i32
        %get3A_1985 = arith.index_cast %add3A_1984 : i32 to index
        %get3A_1986 = arith.constant 48 : index
        %get3A_1987 = tpu.vector_load %arg42[%get3A_1985, %get3A_1986] {strides = array<i32>} : memref<64x128xf32, #tpu.memory_space<vmem>>, vector<1x16xf32>,
        %get3A_1988 = vector.shape_cast %get3A_1987 : vector<1x16xf32> to vector<16xf32>
        %add3A_1989 = arith.addf %add3A_1982, %get3A_1988 : vector<16xf32>
        %mul3A_1990 = arith.constant 1.000000e-01 : f32
        %mul3A_1991 = vector.broadcast %mul3A_1990 : f32 to vector<16xf32>
        %mul3A_1992 = arith.mulf %add3A_1989, %mul3A_1991 : vector<16xf32>
        %swap3A_1993 = arith.index_cast %scan3A_1689 : i32 to index
        %swap3A_1994 = arith.constant 48 : index
        %swap3A_1995 = tpu.vector_load %arg10[%swap3A_1993, %swap3A_1994] {strides = array<i32>} : memref<32x128xf32, #tpu.memory_space<vmem>>, vector<1x16xf32>,
        %swap3A_1996 = vector.shape_cast %swap3A_1995 : vector<1x16xf32> to vector<16xf32>
        %swap3A_1997 = vector.shape_cast %mul3A_1992 : vector<16xf32> to vector<1x16xf32>
        tpu.vector_store %arg10[%swap3A_1993, %swap3A_1994], %swap3A_1997 {strides = array<i32>} : memref<32x128xf32, #tpu.memory_space<vmem>>, vector<1x16xf32>,
        %add3A_1998 = arith.constant 0 : i32
        %add3A_1999 = arith.addi %add3A_1998, %scan3A_1689 : i32
        %get3A_2000 = arith.index_cast %add3A_1999 : i32 to index
        %get3A_2001 = arith.constant 64 : index
        %get3A_2002 = tpu.vector_load %arg40[%get3A_2000, %get3A_2001] {strides = array<i32>} : memref<128x128xf32, #tpu.memory_space<vmem>>, vector<1x16xf32>,
        %get3A_2003 = vector.shape_cast %get3A_2002 : vector<1x16xf32> to vector<16xf32>
        %add3A_2004 = arith.constant 32 : i32
        %add3A_2005 = arith.addi %add3A_2004, %scan3A_1689 : i32
        %get3A_2006 = arith.index_cast %add3A_2005 : i32 to index
        %get3A_2007 = arith.constant 64 : index
        %get3A_2008 = tpu.vector_load %arg40[%get3A_2006, %get3A_2007] {strides = array<i32>} : memref<128x128xf32, #tpu.memory_space<vmem>>, vector<1x16xf32>,
        %get3A_2009 = vector.shape_cast %get3A_2008 : vector<1x16xf32> to vector<16xf32>
        %add3A_2010 = arith.addf %get3A_2003, %get3A_2009 : vector<16xf32>
        %add3A_2011 = arith.constant 64 : i32
        %add3A_2012 = arith.addi %add3A_2011, %scan3A_1689 : i32
        %get3A_2013 = arith.index_cast %add3A_2012 : i32 to index
        %get3A_2014 = arith.constant 64 : index
        %get3A_2015 = tpu.vector_load %arg40[%get3A_2013, %get3A_2014] {strides = array<i32>} : memref<128x128xf32, #tpu.memory_space<vmem>>, vector<1x16xf32>,
        %get3A_2016 = vector.shape_cast %get3A_2015 : vector<1x16xf32> to vector<16xf32>
        %add3A_2017 = arith.addf %add3A_2010, %get3A_2016 : vector<16xf32>
        %add3A_2018 = arith.constant 96 : i32
        %add3A_2019 = arith.addi %add3A_2018, %scan3A_1689 : i32
        %get3A_2020 = arith.index_cast %add3A_2019 : i32 to index
        %get3A_2021 = arith.constant 64 : index
        %get3A_2022 = tpu.vector_load %arg40[%get3A_2020, %get3A_2021] {strides = array<i32>} : memref<128x128xf32, #tpu.memory_space<vmem>>, vector<1x16xf32>,
        %get3A_2023 = vector.shape_cast %get3A_2022 : vector<1x16xf32> to vector<16xf32>
        %add3A_2024 = arith.addf %add3A_2017, %get3A_2023 : vector<16xf32>
        %add3A_2025 = arith.constant 0 : i32
        %add3A_2026 = arith.addi %add3A_2025, %scan3A_1689 : i32
        %get3A_2027 = arith.index_cast %add3A_2026 : i32 to index
        %get3A_2028 = arith.constant 64 : index
        %get3A_2029 = tpu.vector_load %arg41[%get3A_2027, %get3A_2028] {strides = array<i32>} : memref<128x128xf32, #tpu.memory_space<vmem>>, vector<1x16xf32>,
        %get3A_2030 = vector.shape_cast %get3A_2029 : vector<1x16xf32> to vector<16xf32>
        %add3A_2031 = arith.addf %add3A_2024, %get3A_2030 : vector<16xf32>
        %add3A_2032 = arith.constant 32 : i32
        %add3A_2033 = arith.addi %add3A_2032, %scan3A_1689 : i32
        %get3A_2034 = arith.index_cast %add3A_2033 : i32 to index
        %get3A_2035 = arith.constant 64 : index
        %get3A_2036 = tpu.vector_load %arg41[%get3A_2034, %get3A_2035] {strides = array<i32>} : memref<128x128xf32, #tpu.memory_space<vmem>>, vector<1x16xf32>,
        %get3A_2037 = vector.shape_cast %get3A_2036 : vector<1x16xf32> to vector<16xf32>
        %add3A_2038 = arith.addf %add3A_2031, %get3A_2037 : vector<16xf32>
        %add3A_2039 = arith.constant 64 : i32
        %add3A_2040 = arith.addi %add3A_2039, %scan3A_1689 : i32
        %get3A_2041 = arith.index_cast %add3A_2040 : i32 to index
        %get3A_2042 = arith.constant 64 : index
        %get3A_2043 = tpu.vector_load %arg41[%get3A_2041, %get3A_2042] {strides = array<i32>} : memref<128x128xf32, #tpu.memory_space<vmem>>, vector<1x16xf32>,
        %get3A_2044 = vector.shape_cast %get3A_2043 : vector<1x16xf32> to vector<16xf32>
        %add3A_2045 = arith.addf %add3A_2038, %get3A_2044 : vector<16xf32>
        %add3A_2046 = arith.constant 96 : i32
        %add3A_2047 = arith.addi %add3A_2046, %scan3A_1689 : i32
        %get3A_2048 = arith.index_cast %add3A_2047 : i32 to index
        %get3A_2049 = arith.constant 64 : index
        %get3A_2050 = tpu.vector_load %arg41[%get3A_2048, %get3A_2049] {strides = array<i32>} : memref<128x128xf32, #tpu.memory_space<vmem>>, vector<1x16xf32>,
        %get3A_2051 = vector.shape_cast %get3A_2050 : vector<1x16xf32> to vector<16xf32>
        %add3A_2052 = arith.addf %add3A_2045, %get3A_2051 : vector<16xf32>
        %add3A_2053 = arith.constant 0 : i32
        %add3A_2054 = arith.addi %add3A_2053, %scan3A_1689 : i32
        %get3A_2055 = arith.index_cast %add3A_2054 : i32 to index
        %get3A_2056 = arith.constant 64 : index
        %get3A_2057 = tpu.vector_load %arg42[%get3A_2055, %get3A_2056] {strides = array<i32>} : memref<64x128xf32, #tpu.memory_space<vmem>>, vector<1x16xf32>,
        %get3A_2058 = vector.shape_cast %get3A_2057 : vector<1x16xf32> to vector<16xf32>
        %add3A_2059 = arith.addf %add3A_2052, %get3A_2058 : vector<16xf32>
        %add3A_2060 = arith.constant 32 : i32
        %add3A_2061 = arith.addi %add3A_2060, %scan3A_1689 : i32
        %get3A_2062 = arith.index_cast %add3A_2061 : i32 to index
        %get3A_2063 = arith.constant 64 : index
        %get3A_2064 = tpu.vector_load %arg42[%get3A_2062, %get3A_2063] {strides = array<i32>} : memref<64x128xf32, #tpu.memory_space<vmem>>, vector<1x16xf32>,
        %get3A_2065 = vector.shape_cast %get3A_2064 : vector<1x16xf32> to vector<16xf32>
        %add3A_2066 = arith.addf %add3A_2059, %get3A_2065 : vector<16xf32>
        %mul3A_2067 = arith.constant 1.000000e-01 : f32
        %mul3A_2068 = vector.broadcast %mul3A_2067 : f32 to vector<16xf32>
        %mul3A_2069 = arith.mulf %add3A_2066, %mul3A_2068 : vector<16xf32>
        %swap3A_2070 = arith.index_cast %scan3A_1689 : i32 to index
        %swap3A_2071 = arith.constant 64 : index
        %swap3A_2072 = tpu.vector_load %arg10[%swap3A_2070, %swap3A_2071] {strides = array<i32>} : memref<32x128xf32, #tpu.memory_space<vmem>>, vector<1x16xf32>,
        %swap3A_2073 = vector.shape_cast %swap3A_2072 : vector<1x16xf32> to vector<16xf32>
        %swap3A_2074 = vector.shape_cast %mul3A_2069 : vector<16xf32> to vector<1x16xf32>
        tpu.vector_store %arg10[%swap3A_2070, %swap3A_2071], %swap3A_2074 {strides = array<i32>} : memref<32x128xf32, #tpu.memory_space<vmem>>, vector<1x16xf32>,
        %add3A_2075 = arith.constant 0 : i32
        %add3A_2076 = arith.addi %add3A_2075, %scan3A_1689 : i32
        %get3A_2077 = arith.index_cast %add3A_2076 : i32 to index
        %get3A_2078 = arith.constant 80 : index
        %get3A_2079 = tpu.vector_load %arg40[%get3A_2077, %get3A_2078] {strides = array<i32>} : memref<128x128xf32, #tpu.memory_space<vmem>>, vector<1x16xf32>,
        %get3A_2080 = vector.shape_cast %get3A_2079 : vector<1x16xf32> to vector<16xf32>
        %add3A_2081 = arith.constant 32 : i32
        %add3A_2082 = arith.addi %add3A_2081, %scan3A_1689 : i32
        %get3A_2083 = arith.index_cast %add3A_2082 : i32 to index
        %get3A_2084 = arith.constant 80 : index
        %get3A_2085 = tpu.vector_load %arg40[%get3A_2083, %get3A_2084] {strides = array<i32>} : memref<128x128xf32, #tpu.memory_space<vmem>>, vector<1x16xf32>,
        %get3A_2086 = vector.shape_cast %get3A_2085 : vector<1x16xf32> to vector<16xf32>
        %add3A_2087 = arith.addf %get3A_2080, %get3A_2086 : vector<16xf32>
        %add3A_2088 = arith.constant 64 : i32
        %add3A_2089 = arith.addi %add3A_2088, %scan3A_1689 : i32
        %get3A_2090 = arith.index_cast %add3A_2089 : i32 to index
        %get3A_2091 = arith.constant 80 : index
        %get3A_2092 = tpu.vector_load %arg40[%get3A_2090, %get3A_2091] {strides = array<i32>} : memref<128x128xf32, #tpu.memory_space<vmem>>, vector<1x16xf32>,
        %get3A_2093 = vector.shape_cast %get3A_2092 : vector<1x16xf32> to vector<16xf32>
        %add3A_2094 = arith.addf %add3A_2087, %get3A_2093 : vector<16xf32>
        %add3A_2095 = arith.constant 96 : i32
        %add3A_2096 = arith.addi %add3A_2095, %scan3A_1689 : i32
        %get3A_2097 = arith.index_cast %add3A_2096 : i32 to index
        %get3A_2098 = arith.constant 80 : index
        %get3A_2099 = tpu.vector_load %arg40[%get3A_2097, %get3A_2098] {strides = array<i32>} : memref<128x128xf32, #tpu.memory_space<vmem>>, vector<1x16xf32>,
        %get3A_2100 = vector.shape_cast %get3A_2099 : vector<1x16xf32> to vector<16xf32>
        %add3A_2101 = arith.addf %add3A_2094, %get3A_2100 : vector<16xf32>
        %add3A_2102 = arith.constant 0 : i32
        %add3A_2103 = arith.addi %add3A_2102, %scan3A_1689 : i32
        %get3A_2104 = arith.index_cast %add3A_2103 : i32 to index
        %get3A_2105 = arith.constant 80 : index
        %get3A_2106 = tpu.vector_load %arg41[%get3A_2104, %get3A_2105] {strides = array<i32>} : memref<128x128xf32, #tpu.memory_space<vmem>>, vector<1x16xf32>,
        %get3A_2107 = vector.shape_cast %get3A_2106 : vector<1x16xf32> to vector<16xf32>
        %add3A_2108 = arith.addf %add3A_2101, %get3A_2107 : vector<16xf32>
        %add3A_2109 = arith.constant 32 : i32
        %add3A_2110 = arith.addi %add3A_2109, %scan3A_1689 : i32
        %get3A_2111 = arith.index_cast %add3A_2110 : i32 to index
        %get3A_2112 = arith.constant 80 : index
        %get3A_2113 = tpu.vector_load %arg41[%get3A_2111, %get3A_2112] {strides = array<i32>} : memref<128x128xf32, #tpu.memory_space<vmem>>, vector<1x16xf32>,
        %get3A_2114 = vector.shape_cast %get3A_2113 : vector<1x16xf32> to vector<16xf32>
        %add3A_2115 = arith.addf %add3A_2108, %get3A_2114 : vector<16xf32>
        %add3A_2116 = arith.constant 64 : i32
        %add3A_2117 = arith.addi %add3A_2116, %scan3A_1689 : i32
        %get3A_2118 = arith.index_cast %add3A_2117 : i32 to index
        %get3A_2119 = arith.constant 80 : index
        %get3A_2120 = tpu.vector_load %arg41[%get3A_2118, %get3A_2119] {strides = array<i32>} : memref<128x128xf32, #tpu.memory_space<vmem>>, vector<1x16xf32>,
        %get3A_2121 = vector.shape_cast %get3A_2120 : vector<1x16xf32> to vector<16xf32>
        %add3A_2122 = arith.addf %add3A_2115, %get3A_2121 : vector<16xf32>
        %add3A_2123 = arith.constant 96 : i32
        %add3A_2124 = arith.addi %add3A_2123, %scan3A_1689 : i32
        %get3A_2125 = arith.index_cast %add3A_2124 : i32 to index
        %get3A_2126 = arith.constant 80 : index
        %get3A_2127 = tpu.vector_load %arg41[%get3A_2125, %get3A_2126] {strides = array<i32>} : memref<128x128xf32, #tpu.memory_space<vmem>>, vector<1x16xf32>,
        %get3A_2128 = vector.shape_cast %get3A_2127 : vector<1x16xf32> to vector<16xf32>
        %add3A_2129 = arith.addf %add3A_2122, %get3A_2128 : vector<16xf32>
        %add3A_2130 = arith.constant 0 : i32
        %add3A_2131 = arith.addi %add3A_2130, %scan3A_1689 : i32
        %get3A_2132 = arith.index_cast %add3A_2131 : i32 to index
        %get3A_2133 = arith.constant 80 : index
        %get3A_2134 = tpu.vector_load %arg42[%get3A_2132, %get3A_2133] {strides = array<i32>} : memref<64x128xf32, #tpu.memory_space<vmem>>, vector<1x16xf32>,
        %get3A_2135 = vector.shape_cast %get3A_2134 : vector<1x16xf32> to vector<16xf32>
        %add3A_2136 = arith.addf %add3A_2129, %get3A_2135 : vector<16xf32>
        %add3A_2137 = arith.constant 32 : i32
        %add3A_2138 = arith.addi %add3A_2137, %scan3A_1689 : i32
        %get3A_2139 = arith.index_cast %add3A_2138 : i32 to index
        %get3A_2140 = arith.constant 80 : index
        %get3A_2141 = tpu.vector_load %arg42[%get3A_2139, %get3A_2140] {strides = array<i32>} : memref<64x128xf32, #tpu.memory_space<vmem>>, vector<1x16xf32>,
        %get3A_2142 = vector.shape_cast %get3A_2141 : vector<1x16xf32> to vector<16xf32>
        %add3A_2143 = arith.addf %add3A_2136, %get3A_2142 : vector<16xf32>
        %mul3A_2144 = arith.constant 1.000000e-01 : f32
        %mul3A_2145 = vector.broadcast %mul3A_2144 : f32 to vector<16xf32>
        %mul3A_2146 = arith.mulf %add3A_2143, %mul3A_2145 : vector<16xf32>
        %swap3A_2147 = arith.index_cast %scan3A_1689 : i32 to index
        %swap3A_2148 = arith.constant 80 : index
        %swap3A_2149 = tpu.vector_load %arg10[%swap3A_2147, %swap3A_2148] {strides = array<i32>} : memref<32x128xf32, #tpu.memory_space<vmem>>, vector<1x16xf32>,
        %swap3A_2150 = vector.shape_cast %swap3A_2149 : vector<1x16xf32> to vector<16xf32>
        %swap3A_2151 = vector.shape_cast %mul3A_2146 : vector<16xf32> to vector<1x16xf32>
        tpu.vector_store %arg10[%swap3A_2147, %swap3A_2148], %swap3A_2151 {strides = array<i32>} : memref<32x128xf32, #tpu.memory_space<vmem>>, vector<1x16xf32>,
        %add3A_2152 = arith.constant 0 : i32
        %add3A_2153 = arith.addi %add3A_2152, %scan3A_1689 : i32
        %get3A_2154 = arith.index_cast %add3A_2153 : i32 to index
        %get3A_2155 = arith.constant 96 : index
        %get3A_2156 = tpu.vector_load %arg40[%get3A_2154, %get3A_2155] {strides = array<i32>} : memref<128x128xf32, #tpu.memory_space<vmem>>, vector<1x16xf32>,
        %get3A_2157 = vector.shape_cast %get3A_2156 : vector<1x16xf32> to vector<16xf32>
        %add3A_2158 = arith.constant 32 : i32
        %add3A_2159 = arith.addi %add3A_2158, %scan3A_1689 : i32
        %get3A_2160 = arith.index_cast %add3A_2159 : i32 to index
        %get3A_2161 = arith.constant 96 : index
        %get3A_2162 = tpu.vector_load %arg40[%get3A_2160, %get3A_2161] {strides = array<i32>} : memref<128x128xf32, #tpu.memory_space<vmem>>, vector<1x16xf32>,
        %get3A_2163 = vector.shape_cast %get3A_2162 : vector<1x16xf32> to vector<16xf32>
        %add3A_2164 = arith.addf %get3A_2157, %get3A_2163 : vector<16xf32>
        %add3A_2165 = arith.constant 64 : i32
        %add3A_2166 = arith.addi %add3A_2165, %scan3A_1689 : i32
        %get3A_2167 = arith.index_cast %add3A_2166 : i32 to index
        %get3A_2168 = arith.constant 96 : index
        %get3A_2169 = tpu.vector_load %arg40[%get3A_2167, %get3A_2168] {strides = array<i32>} : memref<128x128xf32, #tpu.memory_space<vmem>>, vector<1x16xf32>,
        %get3A_2170 = vector.shape_cast %get3A_2169 : vector<1x16xf32> to vector<16xf32>
        %add3A_2171 = arith.addf %add3A_2164, %get3A_2170 : vector<16xf32>
        %add3A_2172 = arith.constant 96 : i32
        %add3A_2173 = arith.addi %add3A_2172, %scan3A_1689 : i32
        %get3A_2174 = arith.index_cast %add3A_2173 : i32 to index
        %get3A_2175 = arith.constant 96 : index
        %get3A_2176 = tpu.vector_load %arg40[%get3A_2174, %get3A_2175] {strides = array<i32>} : memref<128x128xf32, #tpu.memory_space<vmem>>, vector<1x16xf32>,
        %get3A_2177 = vector.shape_cast %get3A_2176 : vector<1x16xf32> to vector<16xf32>
        %add3A_2178 = arith.addf %add3A_2171, %get3A_2177 : vector<16xf32>
        %add3A_2179 = arith.constant 0 : i32
        %add3A_2180 = arith.addi %add3A_2179, %scan3A_1689 : i32
        %get3A_2181 = arith.index_cast %add3A_2180 : i32 to index
        %get3A_2182 = arith.constant 96 : index
        %get3A_2183 = tpu.vector_load %arg41[%get3A_2181, %get3A_2182] {strides = array<i32>} : memref<128x128xf32, #tpu.memory_space<vmem>>, vector<1x16xf32>,
        %get3A_2184 = vector.shape_cast %get3A_2183 : vector<1x16xf32> to vector<16xf32>
        %add3A_2185 = arith.addf %add3A_2178, %get3A_2184 : vector<16xf32>
        %add3A_2186 = arith.constant 32 : i32
        %add3A_2187 = arith.addi %add3A_2186, %scan3A_1689 : i32
        %get3A_2188 = arith.index_cast %add3A_2187 : i32 to index
        %get3A_2189 = arith.constant 96 : index
        %get3A_2190 = tpu.vector_load %arg41[%get3A_2188, %get3A_2189] {strides = array<i32>} : memref<128x128xf32, #tpu.memory_space<vmem>>, vector<1x16xf32>,
        %get3A_2191 = vector.shape_cast %get3A_2190 : vector<1x16xf32> to vector<16xf32>
        %add3A_2192 = arith.addf %add3A_2185, %get3A_2191 : vector<16xf32>
        %add3A_2193 = arith.constant 64 : i32
        %add3A_2194 = arith.addi %add3A_2193, %scan3A_1689 : i32
        %get3A_2195 = arith.index_cast %add3A_2194 : i32 to index
        %get3A_2196 = arith.constant 96 : index
        %get3A_2197 = tpu.vector_load %arg41[%get3A_2195, %get3A_2196] {strides = array<i32>} : memref<128x128xf32, #tpu.memory_space<vmem>>, vector<1x16xf32>,
        %get3A_2198 = vector.shape_cast %get3A_2197 : vector<1x16xf32> to vector<16xf32>
        %add3A_2199 = arith.addf %add3A_2192, %get3A_2198 : vector<16xf32>
        %add3A_2200 = arith.constant 96 : i32
        %add3A_2201 = arith.addi %add3A_2200, %scan3A_1689 : i32
        %get3A_2202 = arith.index_cast %add3A_2201 : i32 to index
        %get3A_2203 = arith.constant 96 : index
        %get3A_2204 = tpu.vector_load %arg41[%get3A_2202, %get3A_2203] {strides = array<i32>} : memref<128x128xf32, #tpu.memory_space<vmem>>, vector<1x16xf32>,
        %get3A_2205 = vector.shape_cast %get3A_2204 : vector<1x16xf32> to vector<16xf32>
        %add3A_2206 = arith.addf %add3A_2199, %get3A_2205 : vector<16xf32>
        %add3A_2207 = arith.constant 0 : i32
        %add3A_2208 = arith.addi %add3A_2207, %scan3A_1689 : i32
        %get3A_2209 = arith.index_cast %add3A_2208 : i32 to index
        %get3A_2210 = arith.constant 96 : index
        %get3A_2211 = tpu.vector_load %arg42[%get3A_2209, %get3A_2210] {strides = array<i32>} : memref<64x128xf32, #tpu.memory_space<vmem>>, vector<1x16xf32>,
        %get3A_2212 = vector.shape_cast %get3A_2211 : vector<1x16xf32> to vector<16xf32>
        %add3A_2213 = arith.addf %add3A_2206, %get3A_2212 : vector<16xf32>
        %add3A_2214 = arith.constant 32 : i32
        %add3A_2215 = arith.addi %add3A_2214, %scan3A_1689 : i32
        %get3A_2216 = arith.index_cast %add3A_2215 : i32 to index
        %get3A_2217 = arith.constant 96 : index
        %get3A_2218 = tpu.vector_load %arg42[%get3A_2216, %get3A_2217] {strides = array<i32>} : memref<64x128xf32, #tpu.memory_space<vmem>>, vector<1x16xf32>,
        %get3A_2219 = vector.shape_cast %get3A_2218 : vector<1x16xf32> to vector<16xf32>
        %add3A_2220 = arith.addf %add3A_2213, %get3A_2219 : vector<16xf32>
        %mul3A_2221 = arith.constant 1.000000e-01 : f32
        %mul3A_2222 = vector.broadcast %mul3A_2221 : f32 to vector<16xf32>
        %mul3A_2223 = arith.mulf %add3A_2220, %mul3A_2222 : vector<16xf32>
        %swap3A_2224 = arith.index_cast %scan3A_1689 : i32 to index
        %swap3A_2225 = arith.constant 96 : index
        %swap3A_2226 = tpu.vector_load %arg10[%swap3A_2224, %swap3A_2225] {strides = array<i32>} : memref<32x128xf32, #tpu.memory_space<vmem>>, vector<1x16xf32>,
        %swap3A_2227 = vector.shape_cast %swap3A_2226 : vector<1x16xf32> to vector<16xf32>
        %swap3A_2228 = vector.shape_cast %mul3A_2223 : vector<16xf32> to vector<1x16xf32>
        tpu.vector_store %arg10[%swap3A_2224, %swap3A_2225], %swap3A_2228 {strides = array<i32>} : memref<32x128xf32, #tpu.memory_space<vmem>>, vector<1x16xf32>,
        %add3A_2229 = arith.constant 0 : i32
        %add3A_2230 = arith.addi %add3A_2229, %scan3A_1689 : i32
        %get3A_2231 = arith.index_cast %add3A_2230 : i32 to index
        %get3A_2232 = arith.constant 112 : index
        %get3A_2233 = tpu.vector_load %arg40[%get3A_2231, %get3A_2232] {strides = array<i32>} : memref<128x128xf32, #tpu.memory_space<vmem>>, vector<1x16xf32>,
        %get3A_2234 = vector.shape_cast %get3A_2233 : vector<1x16xf32> to vector<16xf32>
        %add3A_2235 = arith.constant 32 : i32
        %add3A_2236 = arith.addi %add3A_2235, %scan3A_1689 : i32
        %get3A_2237 = arith.index_cast %add3A_2236 : i32 to index
        %get3A_2238 = arith.constant 112 : index
        %get3A_2239 = tpu.vector_load %arg40[%get3A_2237, %get3A_2238] {strides = array<i32>} : memref<128x128xf32, #tpu.memory_space<vmem>>, vector<1x16xf32>,
        %get3A_2240 = vector.shape_cast %get3A_2239 : vector<1x16xf32> to vector<16xf32>
        %add3A_2241 = arith.addf %get3A_2234, %get3A_2240 : vector<16xf32>
        %add3A_2242 = arith.constant 64 : i32
        %add3A_2243 = arith.addi %add3A_2242, %scan3A_1689 : i32
        %get3A_2244 = arith.index_cast %add3A_2243 : i32 to index
        %get3A_2245 = arith.constant 112 : index
        %get3A_2246 = tpu.vector_load %arg40[%get3A_2244, %get3A_2245] {strides = array<i32>} : memref<128x128xf32, #tpu.memory_space<vmem>>, vector<1x16xf32>,
        %get3A_2247 = vector.shape_cast %get3A_2246 : vector<1x16xf32> to vector<16xf32>
        %add3A_2248 = arith.addf %add3A_2241, %get3A_2247 : vector<16xf32>
        %add3A_2249 = arith.constant 96 : i32
        %add3A_2250 = arith.addi %add3A_2249, %scan3A_1689 : i32
        %get3A_2251 = arith.index_cast %add3A_2250 : i32 to index
        %get3A_2252 = arith.constant 112 : index
        %get3A_2253 = tpu.vector_load %arg40[%get3A_2251, %get3A_2252] {strides = array<i32>} : memref<128x128xf32, #tpu.memory_space<vmem>>, vector<1x16xf32>,
        %get3A_2254 = vector.shape_cast %get3A_2253 : vector<1x16xf32> to vector<16xf32>
        %add3A_2255 = arith.addf %add3A_2248, %get3A_2254 : vector<16xf32>
        %add3A_2256 = arith.constant 0 : i32
        %add3A_2257 = arith.addi %add3A_2256, %scan3A_1689 : i32
        %get3A_2258 = arith.index_cast %add3A_2257 : i32 to index
        %get3A_2259 = arith.constant 112 : index
        %get3A_2260 = tpu.vector_load %arg41[%get3A_2258, %get3A_2259] {strides = array<i32>} : memref<128x128xf32, #tpu.memory_space<vmem>>, vector<1x16xf32>,
        %get3A_2261 = vector.shape_cast %get3A_2260 : vector<1x16xf32> to vector<16xf32>
        %add3A_2262 = arith.addf %add3A_2255, %get3A_2261 : vector<16xf32>
        %add3A_2263 = arith.constant 32 : i32
        %add3A_2264 = arith.addi %add3A_2263, %scan3A_1689 : i32
        %get3A_2265 = arith.index_cast %add3A_2264 : i32 to index
        %get3A_2266 = arith.constant 112 : index
        %get3A_2267 = tpu.vector_load %arg41[%get3A_2265, %get3A_2266] {strides = array<i32>} : memref<128x128xf32, #tpu.memory_space<vmem>>, vector<1x16xf32>,
        %get3A_2268 = vector.shape_cast %get3A_2267 : vector<1x16xf32> to vector<16xf32>
        %add3A_2269 = arith.addf %add3A_2262, %get3A_2268 : vector<16xf32>
        %add3A_2270 = arith.constant 64 : i32
        %add3A_2271 = arith.addi %add3A_2270, %scan3A_1689 : i32
        %get3A_2272 = arith.index_cast %add3A_2271 : i32 to index
        %get3A_2273 = arith.constant 112 : index
        %get3A_2274 = tpu.vector_load %arg41[%get3A_2272, %get3A_2273] {strides = array<i32>} : memref<128x128xf32, #tpu.memory_space<vmem>>, vector<1x16xf32>,
        %get3A_2275 = vector.shape_cast %get3A_2274 : vector<1x16xf32> to vector<16xf32>
        %add3A_2276 = arith.addf %add3A_2269, %get3A_2275 : vector<16xf32>
        %add3A_2277 = arith.constant 96 : i32
        %add3A_2278 = arith.addi %add3A_2277, %scan3A_1689 : i32
        %get3A_2279 = arith.index_cast %add3A_2278 : i32 to index
        %get3A_2280 = arith.constant 112 : index
        %get3A_2281 = tpu.vector_load %arg41[%get3A_2279, %get3A_2280] {strides = array<i32>} : memref<128x128xf32, #tpu.memory_space<vmem>>, vector<1x16xf32>,
        %get3A_2282 = vector.shape_cast %get3A_2281 : vector<1x16xf32> to vector<16xf32>
        %add3A_2283 = arith.addf %add3A_2276, %get3A_2282 : vector<16xf32>
        %add3A_2284 = arith.constant 0 : i32
        %add3A_2285 = arith.addi %add3A_2284, %scan3A_1689 : i32
        %get3A_2286 = arith.index_cast %add3A_2285 : i32 to index
        %get3A_2287 = arith.constant 112 : index
        %get3A_2288 = tpu.vector_load %arg42[%get3A_2286, %get3A_2287] {strides = array<i32>} : memref<64x128xf32, #tpu.memory_space<vmem>>, vector<1x16xf32>,
        %get3A_2289 = vector.shape_cast %get3A_2288 : vector<1x16xf32> to vector<16xf32>
        %add3A_2290 = arith.addf %add3A_2283, %get3A_2289 : vector<16xf32>
        %add3A_2291 = arith.constant 32 : i32
        %add3A_2292 = arith.addi %add3A_2291, %scan3A_1689 : i32
        %get3A_2293 = arith.index_cast %add3A_2292 : i32 to index
        %get3A_2294 = arith.constant 112 : index
        %get3A_2295 = tpu.vector_load %arg42[%get3A_2293, %get3A_2294] {strides = array<i32>} : memref<64x128xf32, #tpu.memory_space<vmem>>, vector<1x16xf32>,
        %get3A_2296 = vector.shape_cast %get3A_2295 : vector<1x16xf32> to vector<16xf32>
        %add3A_2297 = arith.addf %add3A_2290, %get3A_2296 : vector<16xf32>
        %mul3A_2298 = arith.constant 1.000000e-01 : f32
        %mul3A_2299 = vector.broadcast %mul3A_2298 : f32 to vector<16xf32>
        %mul3A_2300 = arith.mulf %add3A_2297, %mul3A_2299 : vector<16xf32>
        %swap3A_2301 = arith.index_cast %scan3A_1689 : i32 to index
        %swap3A_2302 = arith.constant 112 : index
        %swap3A_2303 = tpu.vector_load %arg10[%swap3A_2301, %swap3A_2302] {strides = array<i32>} : memref<32x128xf32, #tpu.memory_space<vmem>>, vector<1x16xf32>,
        %swap3A_2304 = vector.shape_cast %swap3A_2303 : vector<1x16xf32> to vector<16xf32>
        %swap3A_2305 = vector.shape_cast %mul3A_2300 : vector<16xf32> to vector<1x16xf32>
        tpu.vector_store %arg10[%swap3A_2301, %swap3A_2302], %swap3A_2305 {strides = array<i32>} : memref<32x128xf32, #tpu.memory_space<vmem>>, vector<1x16xf32>,
      }
      %scan3A_1639 = arith.constant 32 : i32
      %mul3A_1640 = arith.constant 1024 : i32
      %mul3A_1641 = arith.muli %mul3A_1370, %mul3A_1640 : i32
      %add3A_1642 = arith.addi %mul3A_1641, %mul3A_2 : i32
      "tpu.region"() ({
        %run_scoped3A = tpu.sem_alloc : memref<!tpu.dma_semaphore, #tpu.memory_space<semaphore_mem>>
        %dma_start3A_1689 = arith.constant 0 : i32
        %dma_start3A_1690 = tpu.memref_slice %arg7[%add3A_1642, %dma_start3A_1689] : memref<25600x128xf32, #tpu.memory_space<hbm>> -> memref<32x128xf32, #tpu.memory_space<hbm>>
        %dma_start3A_1691 = arith.constant 0 : i32
        %dma_start3A_1692 = tpu.memref_slice %arg7[%add3A_1642, %dma_start3A_1691] : memref<25600x128xf32, #tpu.memory_space<hbm>> -> memref<32x128xf32, #tpu.memory_space<hbm>>
        tpu.enqueue_dma source(%arg10 : memref<32x128xf32, #tpu.memory_space<vmem>>) target(%dma_start3A_1692 : memref<32x128xf32, #tpu.memory_space<hbm>>) target_semaphore(%run_scoped3A : memref<!tpu.dma_semaphore, #tpu.memory_space<semaphore_mem>>)
        %dma_wait3A_1693 = arith.constant 0 : i32
        %dma_wait3A_1694 = tpu.memref_slice %arg7[%add3A_1642, %dma_wait3A_1693] : memref<25600x128xf32, #tpu.memory_space<hbm>> -> memref<32x128xf32, #tpu.memory_space<hbm>>
        %dma_wait3A_1695 = arith.constant 0 : i32
        %dma_wait3A_1696 = tpu.memref_slice %arg7[%add3A_1642, %dma_wait3A_1695] : memref<25600x128xf32, #tpu.memory_space<hbm>> -> memref<32x128xf32, #tpu.memory_space<hbm>>
        tpu.wait_dma2 semaphore(%run_scoped3A : memref<!tpu.dma_semaphore, #tpu.memory_space<semaphore_mem>>) src(%arg10 : memref<32x128xf32, #tpu.memory_space<vmem>>) dst(%dma_wait3A_1696 : memref<32x128xf32, #tpu.memory_space<hbm>>)
        tpu.yield
      }) : () -> ()
      %add3A_1643 = arith.constant 1 : i32
      %add3A_1644 = arith.addi %mul3A_1370, %add3A_1643 : i32
      %lt3A = arith.constant 11 : i32
      %lt3A_1645 = arith.cmpi slt, %scan3A_1368, %lt3A : i32
      %dma_wait3A_1646 = arith.constant 0 : i32
      %dma_wait3A_1647 = arith.constant 0 : i32
      %dma_wait3A_1648 = tpu.memref_slice %arg3[%dma_wait3A_1646, %dma_wait3A_1647] : memref<100000x128xf32, #tpu.memory_space<hbm>> -> memref<100000x128xf32, #tpu.memory_space<hbm>>
      tpu.wait_indirect_dma semaphore(%arg55 : memref<!tpu.dma_semaphore, #tpu.memory_space<semaphore_mem>>) src(%dma_wait3A_1648 : memref<100000x128xf32, #tpu.memory_space<hbm>>) dst(%arg47 : memref<32x128xf32, #tpu.memory_space<vmem>>)
      %mul3A_1649 = arith.constant 1024 : i32
      %mul3A_1650 = arith.muli %add3A_1644, %mul3A_1649 : i32
      %add3A_1651 = arith.addi %mul3A_1650, %mul3A_2 : i32
      "tpu.region"() ({
        %run_scoped3A = tpu.sem_alloc : memref<!tpu.dma_semaphore, #tpu.memory_space<semaphore_mem>>
        %dma_start3A_1689 = arith.constant 0 : i32
        %dma_start3A_1690 = tpu.memref_slice %arg6[%add3A_1651, %dma_start3A_1689] : memref<25600x128xf32, #tpu.memory_space<hbm>> -> memref<32x128xf32, #tpu.memory_space<hbm>>
        %dma_start3A_1691 = arith.constant 0 : i32
        %dma_start3A_1692 = tpu.memref_slice %arg6[%add3A_1651, %dma_start3A_1691] : memref<25600x128xf32, #tpu.memory_space<hbm>> -> memref<32x128xf32, #tpu.memory_space<hbm>>
        tpu.enqueue_dma source(%arg47 : memref<32x128xf32, #tpu.memory_space<vmem>>) target(%dma_start3A_1692 : memref<32x128xf32, #tpu.memory_space<hbm>>) target_semaphore(%run_scoped3A : memref<!tpu.dma_semaphore, #tpu.memory_space<semaphore_mem>>)
        %dma_wait3A_1693 = arith.constant 0 : i32
        %dma_wait3A_1694 = tpu.memref_slice %arg6[%add3A_1651, %dma_wait3A_1693] : memref<25600x128xf32, #tpu.memory_space<hbm>> -> memref<32x128xf32, #tpu.memory_space<hbm>>
        %dma_wait3A_1695 = arith.constant 0 : i32
        %dma_wait3A_1696 = tpu.memref_slice %arg6[%add3A_1651, %dma_wait3A_1695] : memref<25600x128xf32, #tpu.memory_space<hbm>> -> memref<32x128xf32, #tpu.memory_space<hbm>>
        tpu.wait_dma2 semaphore(%run_scoped3A : memref<!tpu.dma_semaphore, #tpu.memory_space<semaphore_mem>>) src(%arg47 : memref<32x128xf32, #tpu.memory_space<vmem>>) dst(%dma_wait3A_1696 : memref<32x128xf32, #tpu.memory_space<hbm>>)
        tpu.yield
      }) : () -> ()
      %dma_wait3A_1652 = arith.constant 0 : i32
      %dma_wait3A_1653 = tpu.memref_slice %arg4[%dma_wait3A_1652] : memref<2500000xi32, #tpu.memory_space<hbm>> -> memref<2500000xi32, #tpu.memory_space<hbm>>
      tpu.wait_indirect_dma semaphore(%arg50 : memref<!tpu.dma_semaphore, #tpu.memory_space<semaphore_mem>>) src(%dma_wait3A_1653 : memref<2500000xi32, #tpu.memory_space<hbm>>) dst(%arg34 : memref<128xi32, #tpu.memory_space<vmem>>)
      %dma_wait3A_1654 = arith.constant 0 : i32
      %dma_wait3A_1655 = tpu.memref_slice %arg4[%dma_wait3A_1654] : memref<2500000xi32, #tpu.memory_space<hbm>> -> memref<2500000xi32, #tpu.memory_space<hbm>>
      tpu.wait_indirect_dma semaphore(%arg50 : memref<!tpu.dma_semaphore, #tpu.memory_space<semaphore_mem>>) src(%dma_wait3A_1655 : memref<2500000xi32, #tpu.memory_space<hbm>>) dst(%arg35 : memref<128xi32, #tpu.memory_space<vmem>>)
      %dma_wait3A_1656 = arith.constant 0 : i32
      %dma_wait3A_1657 = tpu.memref_slice %arg4[%dma_wait3A_1656] : memref<2500000xi32, #tpu.memory_space<hbm>> -> memref<2500000xi32, #tpu.memory_space<hbm>>
      tpu.wait_indirect_dma semaphore(%arg50 : memref<!tpu.dma_semaphore, #tpu.memory_space<semaphore_mem>>) src(%dma_wait3A_1657 : memref<2500000xi32, #tpu.memory_space<hbm>>) dst(%arg36 : memref<64xi32, #tpu.memory_space<vmem>>)
      %dma_start3A_1658 = arith.constant 0 : i32
      %dma_start3A_1659 = arith.constant 0 : i32
      %dma_start3A_1660 = tpu.memref_slice %arg3[%dma_start3A_1658, %dma_start3A_1659] : memref<100000x128xf32, #tpu.memory_space<hbm>> -> memref<100000x128xf32, #tpu.memory_space<hbm>>
      tpu.enqueue_indirect_dma source(%dma_start3A_1660 : memref<100000x128xf32, #tpu.memory_space<hbm>>) target(%arg40 : memref<128x128xf32, #tpu.memory_space<vmem>>) offsets(%arg34 : memref<128xi32, #tpu.memory_space<vmem>>) semaphore(%arg52 : memref<!tpu.dma_semaphore, #tpu.memory_space<semaphore_mem>>)
      %dma_start3A_1661 = arith.constant 0 : i32
      %dma_start3A_1662 = arith.constant 0 : i32
      %dma_start3A_1663 = tpu.memref_slice %arg3[%dma_start3A_1661, %dma_start3A_1662] : memref<100000x128xf32, #tpu.memory_space<hbm>> -> memref<100000x128xf32, #tpu.memory_space<hbm>>
      tpu.enqueue_indirect_dma source(%dma_start3A_1663 : memref<100000x128xf32, #tpu.memory_space<hbm>>) target(%arg41 : memref<128x128xf32, #tpu.memory_space<vmem>>) offsets(%arg35 : memref<128xi32, #tpu.memory_space<vmem>>) semaphore(%arg52 : memref<!tpu.dma_semaphore, #tpu.memory_space<semaphore_mem>>)
      %dma_start3A_1664 = arith.constant 0 : i32
      %dma_start3A_1665 = arith.constant 0 : i32
      %dma_start3A_1666 = tpu.memref_slice %arg3[%dma_start3A_1664, %dma_start3A_1665] : memref<100000x128xf32, #tpu.memory_space<hbm>> -> memref<100000x128xf32, #tpu.memory_space<hbm>>
      tpu.enqueue_indirect_dma source(%dma_start3A_1666 : memref<100000x128xf32, #tpu.memory_space<hbm>>) target(%arg42 : memref<64x128xf32, #tpu.memory_space<vmem>>) offsets(%arg36 : memref<64xi32, #tpu.memory_space<vmem>>) semaphore(%arg52 : memref<!tpu.dma_semaphore, #tpu.memory_space<semaphore_mem>>)
      %dma_start3A_1667 = arith.constant 0 : i32
      %dma_start3A_1668 = arith.constant 0 : i32
      %dma_start3A_1669 = tpu.memref_slice %arg3[%dma_start3A_1667, %dma_start3A_1668] : memref<100000x128xf32, #tpu.memory_space<hbm>> -> memref<100000x128xf32, #tpu.memory_space<hbm>>
      tpu.enqueue_indirect_dma source(%dma_start3A_1669 : memref<100000x128xf32, #tpu.memory_space<hbm>>) target(%arg46 : memref<32x128xf32, #tpu.memory_space<vmem>>) offsets(%arg26 : memref<32xi32, #tpu.memory_space<vmem>>) semaphore(%arg54 : memref<!tpu.dma_semaphore, #tpu.memory_space<semaphore_mem>>)
      %dma_wait3A_1670 = arith.constant 0 : i32
      %dma_wait3A_1671 = arith.constant 0 : i32
      %dma_wait3A_1672 = tpu.memref_slice %arg3[%dma_wait3A_1670, %dma_wait3A_1671] : memref<100000x128xf32, #tpu.memory_space<hbm>> -> memref<100000x128xf32, #tpu.memory_space<hbm>>
      tpu.wait_indirect_dma semaphore(%arg53 : memref<!tpu.dma_semaphore, #tpu.memory_space<semaphore_mem>>) src(%dma_wait3A_1672 : memref<100000x128xf32, #tpu.memory_space<hbm>>) dst(%arg43 : memref<128x128xf32, #tpu.memory_space<vmem>>)
      %dma_wait3A_1673 = arith.constant 0 : i32
      %dma_wait3A_1674 = arith.constant 0 : i32
      %dma_wait3A_1675 = tpu.memref_slice %arg3[%dma_wait3A_1673, %dma_wait3A_1674] : memref<100000x128xf32, #tpu.memory_space<hbm>> -> memref<100000x128xf32, #tpu.memory_space<hbm>>
      tpu.wait_indirect_dma semaphore(%arg53 : memref<!tpu.dma_semaphore, #tpu.memory_space<semaphore_mem>>) src(%dma_wait3A_1675 : memref<100000x128xf32, #tpu.memory_space<hbm>>) dst(%arg44 : memref<128x128xf32, #tpu.memory_space<vmem>>)
      %dma_wait3A_1676 = arith.constant 0 : i32
      %dma_wait3A_1677 = arith.constant 0 : i32
      %dma_wait3A_1678 = tpu.memref_slice %arg3[%dma_wait3A_1676, %dma_wait3A_1677] : memref<100000x128xf32, #tpu.memory_space<hbm>> -> memref<100000x128xf32, #tpu.memory_space<hbm>>
      tpu.wait_indirect_dma semaphore(%arg53 : memref<!tpu.dma_semaphore, #tpu.memory_space<semaphore_mem>>) src(%dma_wait3A_1678 : memref<100000x128xf32, #tpu.memory_space<hbm>>) dst(%arg45 : memref<64x128xf32, #tpu.memory_space<vmem>>)
      %convert_element_type3A = arith.extui %lt3A_1645 : i1 to i32
      %cond3A = arith.constant 0 : i32
      %cond3A_1679 = arith.cmpi ne, %convert_element_type3A, %cond3A : i32
      scf.if %cond3A_1679 {
        %add3A_1689 = arith.constant 2 : i32
        %add3A_1690 = arith.addi %add3A_1644, %add3A_1689 : i32
        %mul3A_1691 = arith.constant 32 : i32
        %mul3A_1692 = arith.muli %add3A_1690, %mul3A_1691 : i32
        %add3A_1693 = arith.constant 0 : i32
        %add3A_1694 = arith.addi %mul3A_1692, %add3A_1693 : i32
        %get3A_1695 = arith.index_cast %add3A_1694 : i32 to index
        %get3A_1696 = tpu.vector_load %arg11[%get3A_1695] {strides = array<i32>} : memref<800xi32, #tpu.memory_space<vmem>>, vector<16xi32>,
        %get3A_1697 = vector.shape_cast %get3A_1696 : vector<16xi32> to vector<16xi32>
        %swap3A_1698 = arith.constant 0 : index
        %swap3A_1699 = tpu.vector_load %arg27[%swap3A_1698] {strides = array<i32>} : memref<32xi32, #tpu.memory_space<vmem>>, vector<16xi32>,
        %swap3A_1700 = vector.shape_cast %swap3A_1699 : vector<16xi32> to vector<16xi32>
        %swap3A_1701 = vector.shape_cast %get3A_1697 : vector<16xi32> to vector<16xi32>
        tpu.vector_store %arg27[%swap3A_1698], %swap3A_1701 {strides = array<i32>} : memref<32xi32, #tpu.memory_space<vmem>>, vector<16xi32>,
        %mul3A_1702 = arith.constant 32 : i32
        %mul3A_1703 = arith.muli %add3A_1690, %mul3A_1702 : i32
        %add3A_1704 = arith.constant 16 : i32
        %add3A_1705 = arith.addi %mul3A_1703, %add3A_1704 : i32
        %get3A_1706 = arith.index_cast %add3A_1705 : i32 to index
        %get3A_1707 = tpu.vector_load %arg11[%get3A_1706] {strides = array<i32>} : memref<800xi32, #tpu.memory_space<vmem>>, vector<16xi32>,
        %get3A_1708 = vector.shape_cast %get3A_1707 : vector<16xi32> to vector<16xi32>
        %swap3A_1709 = arith.constant 16 : index
        %swap3A_1710 = tpu.vector_load %arg27[%swap3A_1709] {strides = array<i32>} : memref<32xi32, #tpu.memory_space<vmem>>, vector<16xi32>,
        %swap3A_1711 = vector.shape_cast %swap3A_1710 : vector<16xi32> to vector<16xi32>
        %swap3A_1712 = vector.shape_cast %get3A_1708 : vector<16xi32> to vector<16xi32>
        tpu.vector_store %arg27[%swap3A_1709], %swap3A_1712 {strides = array<i32>} : memref<32xi32, #tpu.memory_space<vmem>>, vector<16xi32>,
        %get3A_1713 = arith.constant 0 : index
        %get3A_1714 = tpu.vector_load %arg27[%get3A_1713] {strides = array<i32>} : memref<32xi32, #tpu.memory_space<vmem>>, vector<16xi32>,
        %get3A_1715 = vector.shape_cast %get3A_1714 : vector<16xi32> to vector<16xi32>
        %add3A_1716 = arith.constant 0 : i32
        %add3A_1717 = vector.broadcast %add3A_1716 : i32 to vector<16xi32>
        %add3A_1718 = arith.addi %get3A_1715, %add3A_1717 : vector<16xi32>
        %swap3A_1719 = arith.constant 0 : index
        %swap3A_1720 = tpu.vector_load %arg31[%swap3A_1719] {strides = array<i32>} : memref<128xi32, #tpu.memory_space<vmem>>, vector<16xi32>,
        %swap3A_1721 = vector.shape_cast %swap3A_1720 : vector<16xi32> to vector<16xi32>
        %swap3A_1722 = vector.shape_cast %add3A_1718 : vector<16xi32> to vector<16xi32>
        tpu.vector_store %arg31[%swap3A_1719], %swap3A_1722 {strides = array<i32>} : memref<128xi32, #tpu.memory_space<vmem>>, vector<16xi32>,
        %get3A_1723 = arith.constant 16 : index
        %get3A_1724 = tpu.vector_load %arg27[%get3A_1723] {strides = array<i32>} : memref<32xi32, #tpu.memory_space<vmem>>, vector<16xi32>,
        %get3A_1725 = vector.shape_cast %get3A_1724 : vector<16xi32> to vector<16xi32>
        %add3A_1726 = arith.constant 0 : i32
        %add3A_1727 = vector.broadcast %add3A_1726 : i32 to vector<16xi32>
        %add3A_1728 = arith.addi %get3A_1725, %add3A_1727 : vector<16xi32>
        %swap3A_1729 = arith.constant 16 : index
        %swap3A_1730 = tpu.vector_load %arg31[%swap3A_1729] {strides = array<i32>} : memref<128xi32, #tpu.memory_space<vmem>>, vector<16xi32>,
        %swap3A_1731 = vector.shape_cast %swap3A_1730 : vector<16xi32> to vector<16xi32>
        %swap3A_1732 = vector.shape_cast %add3A_1728 : vector<16xi32> to vector<16xi32>
        tpu.vector_store %arg31[%swap3A_1729], %swap3A_1732 {strides = array<i32>} : memref<128xi32, #tpu.memory_space<vmem>>, vector<16xi32>,
        %get3A_1733 = arith.constant 0 : index
        %get3A_1734 = tpu.vector_load %arg27[%get3A_1733] {strides = array<i32>} : memref<32xi32, #tpu.memory_space<vmem>>, vector<16xi32>,
        %get3A_1735 = vector.shape_cast %get3A_1734 : vector<16xi32> to vector<16xi32>
        %add3A_1736 = arith.constant 100000 : i32
        %add3A_1737 = vector.broadcast %add3A_1736 : i32 to vector<16xi32>
        %add3A_1738 = arith.addi %get3A_1735, %add3A_1737 : vector<16xi32>
        %swap3A_1739 = arith.constant 32 : index
        %swap3A_1740 = tpu.vector_load %arg31[%swap3A_1739] {strides = array<i32>} : memref<128xi32, #tpu.memory_space<vmem>>, vector<16xi32>,
        %swap3A_1741 = vector.shape_cast %swap3A_1740 : vector<16xi32> to vector<16xi32>
        %swap3A_1742 = vector.shape_cast %add3A_1738 : vector<16xi32> to vector<16xi32>
        tpu.vector_store %arg31[%swap3A_1739], %swap3A_1742 {strides = array<i32>} : memref<128xi32, #tpu.memory_space<vmem>>, vector<16xi32>,
        %get3A_1743 = arith.constant 16 : index
        %get3A_1744 = tpu.vector_load %arg27[%get3A_1743] {strides = array<i32>} : memref<32xi32, #tpu.memory_space<vmem>>, vector<16xi32>,
        %get3A_1745 = vector.shape_cast %get3A_1744 : vector<16xi32> to vector<16xi32>
        %add3A_1746 = arith.constant 100000 : i32
        %add3A_1747 = vector.broadcast %add3A_1746 : i32 to vector<16xi32>
        %add3A_1748 = arith.addi %get3A_1745, %add3A_1747 : vector<16xi32>
        %swap3A_1749 = arith.constant 48 : index
        %swap3A_1750 = tpu.vector_load %arg31[%swap3A_1749] {strides = array<i32>} : memref<128xi32, #tpu.memory_space<vmem>>, vector<16xi32>,
        %swap3A_1751 = vector.shape_cast %swap3A_1750 : vector<16xi32> to vector<16xi32>
        %swap3A_1752 = vector.shape_cast %add3A_1748 : vector<16xi32> to vector<16xi32>
        tpu.vector_store %arg31[%swap3A_1749], %swap3A_1752 {strides = array<i32>} : memref<128xi32, #tpu.memory_space<vmem>>, vector<16xi32>,
        %get3A_1753 = arith.constant 0 : index
        %get3A_1754 = tpu.vector_load %arg27[%get3A_1753] {strides = array<i32>} : memref<32xi32, #tpu.memory_space<vmem>>, vector<16xi32>,
        %get3A_1755 = vector.shape_cast %get3A_1754 : vector<16xi32> to vector<16xi32>
        %add3A_1756 = arith.constant 200000 : i32
        %add3A_1757 = vector.broadcast %add3A_1756 : i32 to vector<16xi32>
        %add3A_1758 = arith.addi %get3A_1755, %add3A_1757 : vector<16xi32>
        %swap3A_1759 = arith.constant 64 : index
        %swap3A_1760 = tpu.vector_load %arg31[%swap3A_1759] {strides = array<i32>} : memref<128xi32, #tpu.memory_space<vmem>>, vector<16xi32>,
        %swap3A_1761 = vector.shape_cast %swap3A_1760 : vector<16xi32> to vector<16xi32>
        %swap3A_1762 = vector.shape_cast %add3A_1758 : vector<16xi32> to vector<16xi32>
        tpu.vector_store %arg31[%swap3A_1759], %swap3A_1762 {strides = array<i32>} : memref<128xi32, #tpu.memory_space<vmem>>, vector<16xi32>,
        %get3A_1763 = arith.constant 16 : index
        %get3A_1764 = tpu.vector_load %arg27[%get3A_1763] {strides = array<i32>} : memref<32xi32, #tpu.memory_space<vmem>>, vector<16xi32>,
        %get3A_1765 = vector.shape_cast %get3A_1764 : vector<16xi32> to vector<16xi32>
        %add3A_1766 = arith.constant 200000 : i32
        %add3A_1767 = vector.broadcast %add3A_1766 : i32 to vector<16xi32>
        %add3A_1768 = arith.addi %get3A_1765, %add3A_1767 : vector<16xi32>
        %swap3A_1769 = arith.constant 80 : index
        %swap3A_1770 = tpu.vector_load %arg31[%swap3A_1769] {strides = array<i32>} : memref<128xi32, #tpu.memory_space<vmem>>, vector<16xi32>,
        %swap3A_1771 = vector.shape_cast %swap3A_1770 : vector<16xi32> to vector<16xi32>
        %swap3A_1772 = vector.shape_cast %add3A_1768 : vector<16xi32> to vector<16xi32>
        tpu.vector_store %arg31[%swap3A_1769], %swap3A_1772 {strides = array<i32>} : memref<128xi32, #tpu.memory_space<vmem>>, vector<16xi32>,
        %get3A_1773 = arith.constant 0 : index
        %get3A_1774 = tpu.vector_load %arg27[%get3A_1773] {strides = array<i32>} : memref<32xi32, #tpu.memory_space<vmem>>, vector<16xi32>,
        %get3A_1775 = vector.shape_cast %get3A_1774 : vector<16xi32> to vector<16xi32>
        %add3A_1776 = arith.constant 300000 : i32
        %add3A_1777 = vector.broadcast %add3A_1776 : i32 to vector<16xi32>
        %add3A_1778 = arith.addi %get3A_1775, %add3A_1777 : vector<16xi32>
        %swap3A_1779 = arith.constant 96 : index
        %swap3A_1780 = tpu.vector_load %arg31[%swap3A_1779] {strides = array<i32>} : memref<128xi32, #tpu.memory_space<vmem>>, vector<16xi32>,
        %swap3A_1781 = vector.shape_cast %swap3A_1780 : vector<16xi32> to vector<16xi32>
        %swap3A_1782 = vector.shape_cast %add3A_1778 : vector<16xi32> to vector<16xi32>
        tpu.vector_store %arg31[%swap3A_1779], %swap3A_1782 {strides = array<i32>} : memref<128xi32, #tpu.memory_space<vmem>>, vector<16xi32>,
        %get3A_1783 = arith.constant 16 : index
        %get3A_1784 = tpu.vector_load %arg27[%get3A_1783] {strides = array<i32>} : memref<32xi32, #tpu.memory_space<vmem>>, vector<16xi32>,
        %get3A_1785 = vector.shape_cast %get3A_1784 : vector<16xi32> to vector<16xi32>
        %add3A_1786 = arith.constant 300000 : i32
        %add3A_1787 = vector.broadcast %add3A_1786 : i32 to vector<16xi32>
        %add3A_1788 = arith.addi %get3A_1785, %add3A_1787 : vector<16xi32>
        %swap3A_1789 = arith.constant 112 : index
        %swap3A_1790 = tpu.vector_load %arg31[%swap3A_1789] {strides = array<i32>} : memref<128xi32, #tpu.memory_space<vmem>>, vector<16xi32>,
        %swap3A_1791 = vector.shape_cast %swap3A_1790 : vector<16xi32> to vector<16xi32>
        %swap3A_1792 = vector.shape_cast %add3A_1788 : vector<16xi32> to vector<16xi32>
        tpu.vector_store %arg31[%swap3A_1789], %swap3A_1792 {strides = array<i32>} : memref<128xi32, #tpu.memory_space<vmem>>, vector<16xi32>,
        %get3A_1793 = arith.constant 0 : index
        %get3A_1794 = tpu.vector_load %arg27[%get3A_1793] {strides = array<i32>} : memref<32xi32, #tpu.memory_space<vmem>>, vector<16xi32>,
        %get3A_1795 = vector.shape_cast %get3A_1794 : vector<16xi32> to vector<16xi32>
        %add3A_1796 = arith.constant 400000 : i32
        %add3A_1797 = vector.broadcast %add3A_1796 : i32 to vector<16xi32>
        %add3A_1798 = arith.addi %get3A_1795, %add3A_1797 : vector<16xi32>
        %swap3A_1799 = arith.constant 0 : index
        %swap3A_1800 = tpu.vector_load %arg32[%swap3A_1799] {strides = array<i32>} : memref<128xi32, #tpu.memory_space<vmem>>, vector<16xi32>,
        %swap3A_1801 = vector.shape_cast %swap3A_1800 : vector<16xi32> to vector<16xi32>
        %swap3A_1802 = vector.shape_cast %add3A_1798 : vector<16xi32> to vector<16xi32>
        tpu.vector_store %arg32[%swap3A_1799], %swap3A_1802 {strides = array<i32>} : memref<128xi32, #tpu.memory_space<vmem>>, vector<16xi32>,
        %get3A_1803 = arith.constant 16 : index
        %get3A_1804 = tpu.vector_load %arg27[%get3A_1803] {strides = array<i32>} : memref<32xi32, #tpu.memory_space<vmem>>, vector<16xi32>,
        %get3A_1805 = vector.shape_cast %get3A_1804 : vector<16xi32> to vector<16xi32>
        %add3A_1806 = arith.constant 400000 : i32
        %add3A_1807 = vector.broadcast %add3A_1806 : i32 to vector<16xi32>
        %add3A_1808 = arith.addi %get3A_1805, %add3A_1807 : vector<16xi32>
        %swap3A_1809 = arith.constant 16 : index
        %swap3A_1810 = tpu.vector_load %arg32[%swap3A_1809] {strides = array<i32>} : memref<128xi32, #tpu.memory_space<vmem>>, vector<16xi32>,
        %swap3A_1811 = vector.shape_cast %swap3A_1810 : vector<16xi32> to vector<16xi32>
        %swap3A_1812 = vector.shape_cast %add3A_1808 : vector<16xi32> to vector<16xi32>
        tpu.vector_store %arg32[%swap3A_1809], %swap3A_1812 {strides = array<i32>} : memref<128xi32, #tpu.memory_space<vmem>>, vector<16xi32>,
        %get3A_1813 = arith.constant 0 : index
        %get3A_1814 = tpu.vector_load %arg27[%get3A_1813] {strides = array<i32>} : memref<32xi32, #tpu.memory_space<vmem>>, vector<16xi32>,
        %get3A_1815 = vector.shape_cast %get3A_1814 : vector<16xi32> to vector<16xi32>
        %add3A_1816 = arith.constant 500000 : i32
        %add3A_1817 = vector.broadcast %add3A_1816 : i32 to vector<16xi32>
        %add3A_1818 = arith.addi %get3A_1815, %add3A_1817 : vector<16xi32>
        %swap3A_1819 = arith.constant 32 : index
        %swap3A_1820 = tpu.vector_load %arg32[%swap3A_1819] {strides = array<i32>} : memref<128xi32, #tpu.memory_space<vmem>>, vector<16xi32>,
        %swap3A_1821 = vector.shape_cast %swap3A_1820 : vector<16xi32> to vector<16xi32>
        %swap3A_1822 = vector.shape_cast %add3A_1818 : vector<16xi32> to vector<16xi32>
        tpu.vector_store %arg32[%swap3A_1819], %swap3A_1822 {strides = array<i32>} : memref<128xi32, #tpu.memory_space<vmem>>, vector<16xi32>,
        %get3A_1823 = arith.constant 16 : index
        %get3A_1824 = tpu.vector_load %arg27[%get3A_1823] {strides = array<i32>} : memref<32xi32, #tpu.memory_space<vmem>>, vector<16xi32>,
        %get3A_1825 = vector.shape_cast %get3A_1824 : vector<16xi32> to vector<16xi32>
        %add3A_1826 = arith.constant 500000 : i32
        %add3A_1827 = vector.broadcast %add3A_1826 : i32 to vector<16xi32>
        %add3A_1828 = arith.addi %get3A_1825, %add3A_1827 : vector<16xi32>
        %swap3A_1829 = arith.constant 48 : index
        %swap3A_1830 = tpu.vector_load %arg32[%swap3A_1829] {strides = array<i32>} : memref<128xi32, #tpu.memory_space<vmem>>, vector<16xi32>,
        %swap3A_1831 = vector.shape_cast %swap3A_1830 : vector<16xi32> to vector<16xi32>
        %swap3A_1832 = vector.shape_cast %add3A_1828 : vector<16xi32> to vector<16xi32>
        tpu.vector_store %arg32[%swap3A_1829], %swap3A_1832 {strides = array<i32>} : memref<128xi32, #tpu.memory_space<vmem>>, vector<16xi32>,
        %get3A_1833 = arith.constant 0 : index
        %get3A_1834 = tpu.vector_load %arg27[%get3A_1833] {strides = array<i32>} : memref<32xi32, #tpu.memory_space<vmem>>, vector<16xi32>,
        %get3A_1835 = vector.shape_cast %get3A_1834 : vector<16xi32> to vector<16xi32>
        %add3A_1836 = arith.constant 600000 : i32
        %add3A_1837 = vector.broadcast %add3A_1836 : i32 to vector<16xi32>
        %add3A_1838 = arith.addi %get3A_1835, %add3A_1837 : vector<16xi32>
        %swap3A_1839 = arith.constant 64 : index
        %swap3A_1840 = tpu.vector_load %arg32[%swap3A_1839] {strides = array<i32>} : memref<128xi32, #tpu.memory_space<vmem>>, vector<16xi32>,
        %swap3A_1841 = vector.shape_cast %swap3A_1840 : vector<16xi32> to vector<16xi32>
        %swap3A_1842 = vector.shape_cast %add3A_1838 : vector<16xi32> to vector<16xi32>
        tpu.vector_store %arg32[%swap3A_1839], %swap3A_1842 {strides = array<i32>} : memref<128xi32, #tpu.memory_space<vmem>>, vector<16xi32>,
        %get3A_1843 = arith.constant 16 : index
        %get3A_1844 = tpu.vector_load %arg27[%get3A_1843] {strides = array<i32>} : memref<32xi32, #tpu.memory_space<vmem>>, vector<16xi32>,
        %get3A_1845 = vector.shape_cast %get3A_1844 : vector<16xi32> to vector<16xi32>
        %add3A_1846 = arith.constant 600000 : i32
        %add3A_1847 = vector.broadcast %add3A_1846 : i32 to vector<16xi32>
        %add3A_1848 = arith.addi %get3A_1845, %add3A_1847 : vector<16xi32>
        %swap3A_1849 = arith.constant 80 : index
        %swap3A_1850 = tpu.vector_load %arg32[%swap3A_1849] {strides = array<i32>} : memref<128xi32, #tpu.memory_space<vmem>>, vector<16xi32>,
        %swap3A_1851 = vector.shape_cast %swap3A_1850 : vector<16xi32> to vector<16xi32>
        %swap3A_1852 = vector.shape_cast %add3A_1848 : vector<16xi32> to vector<16xi32>
        tpu.vector_store %arg32[%swap3A_1849], %swap3A_1852 {strides = array<i32>} : memref<128xi32, #tpu.memory_space<vmem>>, vector<16xi32>,
        %get3A_1853 = arith.constant 0 : index
        %get3A_1854 = tpu.vector_load %arg27[%get3A_1853] {strides = array<i32>} : memref<32xi32, #tpu.memory_space<vmem>>, vector<16xi32>,
        %get3A_1855 = vector.shape_cast %get3A_1854 : vector<16xi32> to vector<16xi32>
        %add3A_1856 = arith.constant 700000 : i32
        %add3A_1857 = vector.broadcast %add3A_1856 : i32 to vector<16xi32>
        %add3A_1858 = arith.addi %get3A_1855, %add3A_1857 : vector<16xi32>
        %swap3A_1859 = arith.constant 96 : index
        %swap3A_1860 = tpu.vector_load %arg32[%swap3A_1859] {strides = array<i32>} : memref<128xi32, #tpu.memory_space<vmem>>, vector<16xi32>,
        %swap3A_1861 = vector.shape_cast %swap3A_1860 : vector<16xi32> to vector<16xi32>
        %swap3A_1862 = vector.shape_cast %add3A_1858 : vector<16xi32> to vector<16xi32>
        tpu.vector_store %arg32[%swap3A_1859], %swap3A_1862 {strides = array<i32>} : memref<128xi32, #tpu.memory_space<vmem>>, vector<16xi32>,
        %get3A_1863 = arith.constant 16 : index
        %get3A_1864 = tpu.vector_load %arg27[%get3A_1863] {strides = array<i32>} : memref<32xi32, #tpu.memory_space<vmem>>, vector<16xi32>,
        %get3A_1865 = vector.shape_cast %get3A_1864 : vector<16xi32> to vector<16xi32>
        %add3A_1866 = arith.constant 700000 : i32
        %add3A_1867 = vector.broadcast %add3A_1866 : i32 to vector<16xi32>
        %add3A_1868 = arith.addi %get3A_1865, %add3A_1867 : vector<16xi32>
        %swap3A_1869 = arith.constant 112 : index
        %swap3A_1870 = tpu.vector_load %arg32[%swap3A_1869] {strides = array<i32>} : memref<128xi32, #tpu.memory_space<vmem>>, vector<16xi32>,
        %swap3A_1871 = vector.shape_cast %swap3A_1870 : vector<16xi32> to vector<16xi32>
        %swap3A_1872 = vector.shape_cast %add3A_1868 : vector<16xi32> to vector<16xi32>
        tpu.vector_store %arg32[%swap3A_1869], %swap3A_1872 {strides = array<i32>} : memref<128xi32, #tpu.memory_space<vmem>>, vector<16xi32>,
        %get3A_1873 = arith.constant 0 : index
        %get3A_1874 = tpu.vector_load %arg27[%get3A_1873] {strides = array<i32>} : memref<32xi32, #tpu.memory_space<vmem>>, vector<16xi32>,
        %get3A_1875 = vector.shape_cast %get3A_1874 : vector<16xi32> to vector<16xi32>
        %add3A_1876 = arith.constant 800000 : i32
        %add3A_1877 = vector.broadcast %add3A_1876 : i32 to vector<16xi32>
        %add3A_1878 = arith.addi %get3A_1875, %add3A_1877 : vector<16xi32>
        %swap3A_1879 = arith.constant 0 : index
        %swap3A_1880 = tpu.vector_load %arg33[%swap3A_1879] {strides = array<i32>} : memref<64xi32, #tpu.memory_space<vmem>>, vector<16xi32>,
        %swap3A_1881 = vector.shape_cast %swap3A_1880 : vector<16xi32> to vector<16xi32>
        %swap3A_1882 = vector.shape_cast %add3A_1878 : vector<16xi32> to vector<16xi32>
        tpu.vector_store %arg33[%swap3A_1879], %swap3A_1882 {strides = array<i32>} : memref<64xi32, #tpu.memory_space<vmem>>, vector<16xi32>,
        %get3A_1883 = arith.constant 16 : index
        %get3A_1884 = tpu.vector_load %arg27[%get3A_1883] {strides = array<i32>} : memref<32xi32, #tpu.memory_space<vmem>>, vector<16xi32>,
        %get3A_1885 = vector.shape_cast %get3A_1884 : vector<16xi32> to vector<16xi32>
        %add3A_1886 = arith.constant 800000 : i32
        %add3A_1887 = vector.broadcast %add3A_1886 : i32 to vector<16xi32>
        %add3A_1888 = arith.addi %get3A_1885, %add3A_1887 : vector<16xi32>
        %swap3A_1889 = arith.constant 16 : index
        %swap3A_1890 = tpu.vector_load %arg33[%swap3A_1889] {strides = array<i32>} : memref<64xi32, #tpu.memory_space<vmem>>, vector<16xi32>,
        %swap3A_1891 = vector.shape_cast %swap3A_1890 : vector<16xi32> to vector<16xi32>
        %swap3A_1892 = vector.shape_cast %add3A_1888 : vector<16xi32> to vector<16xi32>
        tpu.vector_store %arg33[%swap3A_1889], %swap3A_1892 {strides = array<i32>} : memref<64xi32, #tpu.memory_space<vmem>>, vector<16xi32>,
        %get3A_1893 = arith.constant 0 : index
        %get3A_1894 = tpu.vector_load %arg27[%get3A_1893] {strides = array<i32>} : memref<32xi32, #tpu.memory_space<vmem>>, vector<16xi32>,
        %get3A_1895 = vector.shape_cast %get3A_1894 : vector<16xi32> to vector<16xi32>
        %add3A_1896 = arith.constant 900000 : i32
        %add3A_1897 = vector.broadcast %add3A_1896 : i32 to vector<16xi32>
        %add3A_1898 = arith.addi %get3A_1895, %add3A_1897 : vector<16xi32>
        %swap3A_1899 = arith.constant 32 : index
        %swap3A_1900 = tpu.vector_load %arg33[%swap3A_1899] {strides = array<i32>} : memref<64xi32, #tpu.memory_space<vmem>>, vector<16xi32>,
        %swap3A_1901 = vector.shape_cast %swap3A_1900 : vector<16xi32> to vector<16xi32>
        %swap3A_1902 = vector.shape_cast %add3A_1898 : vector<16xi32> to vector<16xi32>
        tpu.vector_store %arg33[%swap3A_1899], %swap3A_1902 {strides = array<i32>} : memref<64xi32, #tpu.memory_space<vmem>>, vector<16xi32>,
        %get3A_1903 = arith.constant 16 : index
        %get3A_1904 = tpu.vector_load %arg27[%get3A_1903] {strides = array<i32>} : memref<32xi32, #tpu.memory_space<vmem>>, vector<16xi32>,
        %get3A_1905 = vector.shape_cast %get3A_1904 : vector<16xi32> to vector<16xi32>
        %add3A_1906 = arith.constant 900000 : i32
        %add3A_1907 = vector.broadcast %add3A_1906 : i32 to vector<16xi32>
        %add3A_1908 = arith.addi %get3A_1905, %add3A_1907 : vector<16xi32>
        %swap3A_1909 = arith.constant 48 : index
        %swap3A_1910 = tpu.vector_load %arg33[%swap3A_1909] {strides = array<i32>} : memref<64xi32, #tpu.memory_space<vmem>>, vector<16xi32>,
        %swap3A_1911 = vector.shape_cast %swap3A_1910 : vector<16xi32> to vector<16xi32>
        %swap3A_1912 = vector.shape_cast %add3A_1908 : vector<16xi32> to vector<16xi32>
        tpu.vector_store %arg33[%swap3A_1909], %swap3A_1912 {strides = array<i32>} : memref<64xi32, #tpu.memory_space<vmem>>, vector<16xi32>,
        %dma_start3A_1913 = arith.constant 0 : i32
        %dma_start3A_1914 = tpu.memref_slice %arg4[%dma_start3A_1913] : memref<2500000xi32, #tpu.memory_space<hbm>> -> memref<2500000xi32, #tpu.memory_space<hbm>>
        tpu.enqueue_indirect_dma source(%dma_start3A_1914 : memref<2500000xi32, #tpu.memory_space<hbm>>) target(%arg37 : memref<128xi32, #tpu.memory_space<vmem>>) offsets(%arg31 : memref<128xi32, #tpu.memory_space<vmem>>) semaphore(%arg51 : memref<!tpu.dma_semaphore, #tpu.memory_space<semaphore_mem>>)
        %dma_start3A_1915 = arith.constant 0 : i32
        %dma_start3A_1916 = tpu.memref_slice %arg4[%dma_start3A_1915] : memref<2500000xi32, #tpu.memory_space<hbm>> -> memref<2500000xi32, #tpu.memory_space<hbm>>
        tpu.enqueue_indirect_dma source(%dma_start3A_1916 : memref<2500000xi32, #tpu.memory_space<hbm>>) target(%arg38 : memref<128xi32, #tpu.memory_space<vmem>>) offsets(%arg32 : memref<128xi32, #tpu.memory_space<vmem>>) semaphore(%arg51 : memref<!tpu.dma_semaphore, #tpu.memory_space<semaphore_mem>>)
        %dma_start3A_1917 = arith.constant 0 : i32
        %dma_start3A_1918 = tpu.memref_slice %arg4[%dma_start3A_1917] : memref<2500000xi32, #tpu.memory_space<hbm>> -> memref<2500000xi32, #tpu.memory_space<hbm>>
        tpu.enqueue_indirect_dma source(%dma_start3A_1918 : memref<2500000xi32, #tpu.memory_space<hbm>>) target(%arg39 : memref<64xi32, #tpu.memory_space<vmem>>) offsets(%arg33 : memref<64xi32, #tpu.memory_space<vmem>>) semaphore(%arg51 : memref<!tpu.dma_semaphore, #tpu.memory_space<semaphore_mem>>)
      } else {
      }
      %scan3A_1680 = arith.constant 0 : i32
      %scan3A_1681 = arith.constant 0 : i32
      %scan3A_1682 = arith.constant 32 : i32
      %scan3A_1683 = arith.addi %scan3A_1681, %scan3A_1682 : i32
      %scan3A_1684 = arith.constant 1 : i32
      scf.for %scan3A_1689 = %scan3A_1681 to %scan3A_1683 step %scan3A_1684  : i32 {
        %add3A_1690 = arith.constant 0 : i32
        %add3A_1691 = arith.addi %add3A_1690, %scan3A_1689 : i32
        %get3A_1692 = arith.index_cast %add3A_1691 : i32 to index
        %get3A_1693 = arith.constant 0 : index
        %get3A_1694 = tpu.vector_load %arg43[%get3A_1692, %get3A_1693] {strides = array<i32>} : memref<128x128xf32, #tpu.memory_space<vmem>>, vector<1x16xf32>,
        %get3A_1695 = vector.shape_cast %get3A_1694 : vector<1x16xf32> to vector<16xf32>
        %add3A_1696 = arith.constant 32 : i32
        %add3A_1697 = arith.addi %add3A_1696, %scan3A_1689 : i32
        %get3A_1698 = arith.index_cast %add3A_1697 : i32 to index
        %get3A_1699 = arith.constant 0 : index
        %get3A_1700 = tpu.vector_load %arg43[%get3A_1698, %get3A_1699] {strides = array<i32>} : memref<128x128xf32, #tpu.memory_space<vmem>>, vector<1x16xf32>,
        %get3A_1701 = vector.shape_cast %get3A_1700 : vector<1x16xf32> to vector<16xf32>
        %add3A_1702 = arith.addf %get3A_1695, %get3A_1701 : vector<16xf32>
        %add3A_1703 = arith.constant 64 : i32
        %add3A_1704 = arith.addi %add3A_1703, %scan3A_1689 : i32
        %get3A_1705 = arith.index_cast %add3A_1704 : i32 to index
        %get3A_1706 = arith.constant 0 : index
        %get3A_1707 = tpu.vector_load %arg43[%get3A_1705, %get3A_1706] {strides = array<i32>} : memref<128x128xf32, #tpu.memory_space<vmem>>, vector<1x16xf32>,
        %get3A_1708 = vector.shape_cast %get3A_1707 : vector<1x16xf32> to vector<16xf32>
        %add3A_1709 = arith.addf %add3A_1702, %get3A_1708 : vector<16xf32>
        %add3A_1710 = arith.constant 96 : i32
        %add3A_1711 = arith.addi %add3A_1710, %scan3A_1689 : i32
        %get3A_1712 = arith.index_cast %add3A_1711 : i32 to index
        %get3A_1713 = arith.constant 0 : index
        %get3A_1714 = tpu.vector_load %arg43[%get3A_1712, %get3A_1713] {strides = array<i32>} : memref<128x128xf32, #tpu.memory_space<vmem>>, vector<1x16xf32>,
        %get3A_1715 = vector.shape_cast %get3A_1714 : vector<1x16xf32> to vector<16xf32>
        %add3A_1716 = arith.addf %add3A_1709, %get3A_1715 : vector<16xf32>
        %add3A_1717 = arith.constant 0 : i32
        %add3A_1718 = arith.addi %add3A_1717, %scan3A_1689 : i32
        %get3A_1719 = arith.index_cast %add3A_1718 : i32 to index
        %get3A_1720 = arith.constant 0 : index
        %get3A_1721 = tpu.vector_load %arg44[%get3A_1719, %get3A_1720] {strides = array<i32>} : memref<128x128xf32, #tpu.memory_space<vmem>>, vector<1x16xf32>,
        %get3A_1722 = vector.shape_cast %get3A_1721 : vector<1x16xf32> to vector<16xf32>
        %add3A_1723 = arith.addf %add3A_1716, %get3A_1722 : vector<16xf32>
        %add3A_1724 = arith.constant 32 : i32
        %add3A_1725 = arith.addi %add3A_1724, %scan3A_1689 : i32
        %get3A_1726 = arith.index_cast %add3A_1725 : i32 to index
        %get3A_1727 = arith.constant 0 : index
        %get3A_1728 = tpu.vector_load %arg44[%get3A_1726, %get3A_1727] {strides = array<i32>} : memref<128x128xf32, #tpu.memory_space<vmem>>, vector<1x16xf32>,
        %get3A_1729 = vector.shape_cast %get3A_1728 : vector<1x16xf32> to vector<16xf32>
        %add3A_1730 = arith.addf %add3A_1723, %get3A_1729 : vector<16xf32>
        %add3A_1731 = arith.constant 64 : i32
        %add3A_1732 = arith.addi %add3A_1731, %scan3A_1689 : i32
        %get3A_1733 = arith.index_cast %add3A_1732 : i32 to index
        %get3A_1734 = arith.constant 0 : index
        %get3A_1735 = tpu.vector_load %arg44[%get3A_1733, %get3A_1734] {strides = array<i32>} : memref<128x128xf32, #tpu.memory_space<vmem>>, vector<1x16xf32>,
        %get3A_1736 = vector.shape_cast %get3A_1735 : vector<1x16xf32> to vector<16xf32>
        %add3A_1737 = arith.addf %add3A_1730, %get3A_1736 : vector<16xf32>
        %add3A_1738 = arith.constant 96 : i32
        %add3A_1739 = arith.addi %add3A_1738, %scan3A_1689 : i32
        %get3A_1740 = arith.index_cast %add3A_1739 : i32 to index
        %get3A_1741 = arith.constant 0 : index
        %get3A_1742 = tpu.vector_load %arg44[%get3A_1740, %get3A_1741] {strides = array<i32>} : memref<128x128xf32, #tpu.memory_space<vmem>>, vector<1x16xf32>,
        %get3A_1743 = vector.shape_cast %get3A_1742 : vector<1x16xf32> to vector<16xf32>
        %add3A_1744 = arith.addf %add3A_1737, %get3A_1743 : vector<16xf32>
        %add3A_1745 = arith.constant 0 : i32
        %add3A_1746 = arith.addi %add3A_1745, %scan3A_1689 : i32
        %get3A_1747 = arith.index_cast %add3A_1746 : i32 to index
        %get3A_1748 = arith.constant 0 : index
        %get3A_1749 = tpu.vector_load %arg45[%get3A_1747, %get3A_1748] {strides = array<i32>} : memref<64x128xf32, #tpu.memory_space<vmem>>, vector<1x16xf32>,
        %get3A_1750 = vector.shape_cast %get3A_1749 : vector<1x16xf32> to vector<16xf32>
        %add3A_1751 = arith.addf %add3A_1744, %get3A_1750 : vector<16xf32>
        %add3A_1752 = arith.constant 32 : i32
        %add3A_1753 = arith.addi %add3A_1752, %scan3A_1689 : i32
        %get3A_1754 = arith.index_cast %add3A_1753 : i32 to index
        %get3A_1755 = arith.constant 0 : index
        %get3A_1756 = tpu.vector_load %arg45[%get3A_1754, %get3A_1755] {strides = array<i32>} : memref<64x128xf32, #tpu.memory_space<vmem>>, vector<1x16xf32>,
        %get3A_1757 = vector.shape_cast %get3A_1756 : vector<1x16xf32> to vector<16xf32>
        %add3A_1758 = arith.addf %add3A_1751, %get3A_1757 : vector<16xf32>
        %mul3A_1759 = arith.constant 1.000000e-01 : f32
        %mul3A_1760 = vector.broadcast %mul3A_1759 : f32 to vector<16xf32>
        %mul3A_1761 = arith.mulf %add3A_1758, %mul3A_1760 : vector<16xf32>
        %swap3A_1762 = arith.index_cast %scan3A_1689 : i32 to index
        %swap3A_1763 = arith.constant 0 : index
        %swap3A_1764 = tpu.vector_load %arg10[%swap3A_1762, %swap3A_1763] {strides = array<i32>} : memref<32x128xf32, #tpu.memory_space<vmem>>, vector<1x16xf32>,
        %swap3A_1765 = vector.shape_cast %swap3A_1764 : vector<1x16xf32> to vector<16xf32>
        %swap3A_1766 = vector.shape_cast %mul3A_1761 : vector<16xf32> to vector<1x16xf32>
        tpu.vector_store %arg10[%swap3A_1762, %swap3A_1763], %swap3A_1766 {strides = array<i32>} : memref<32x128xf32, #tpu.memory_space<vmem>>, vector<1x16xf32>,
        %add3A_1767 = arith.constant 0 : i32
        %add3A_1768 = arith.addi %add3A_1767, %scan3A_1689 : i32
        %get3A_1769 = arith.index_cast %add3A_1768 : i32 to index
        %get3A_1770 = arith.constant 16 : index
        %get3A_1771 = tpu.vector_load %arg43[%get3A_1769, %get3A_1770] {strides = array<i32>} : memref<128x128xf32, #tpu.memory_space<vmem>>, vector<1x16xf32>,
        %get3A_1772 = vector.shape_cast %get3A_1771 : vector<1x16xf32> to vector<16xf32>
        %add3A_1773 = arith.constant 32 : i32
        %add3A_1774 = arith.addi %add3A_1773, %scan3A_1689 : i32
        %get3A_1775 = arith.index_cast %add3A_1774 : i32 to index
        %get3A_1776 = arith.constant 16 : index
        %get3A_1777 = tpu.vector_load %arg43[%get3A_1775, %get3A_1776] {strides = array<i32>} : memref<128x128xf32, #tpu.memory_space<vmem>>, vector<1x16xf32>,
        %get3A_1778 = vector.shape_cast %get3A_1777 : vector<1x16xf32> to vector<16xf32>
        %add3A_1779 = arith.addf %get3A_1772, %get3A_1778 : vector<16xf32>
        %add3A_1780 = arith.constant 64 : i32
        %add3A_1781 = arith.addi %add3A_1780, %scan3A_1689 : i32
        %get3A_1782 = arith.index_cast %add3A_1781 : i32 to index
        %get3A_1783 = arith.constant 16 : index
        %get3A_1784 = tpu.vector_load %arg43[%get3A_1782, %get3A_1783] {strides = array<i32>} : memref<128x128xf32, #tpu.memory_space<vmem>>, vector<1x16xf32>,
        %get3A_1785 = vector.shape_cast %get3A_1784 : vector<1x16xf32> to vector<16xf32>
        %add3A_1786 = arith.addf %add3A_1779, %get3A_1785 : vector<16xf32>
        %add3A_1787 = arith.constant 96 : i32
        %add3A_1788 = arith.addi %add3A_1787, %scan3A_1689 : i32
        %get3A_1789 = arith.index_cast %add3A_1788 : i32 to index
        %get3A_1790 = arith.constant 16 : index
        %get3A_1791 = tpu.vector_load %arg43[%get3A_1789, %get3A_1790] {strides = array<i32>} : memref<128x128xf32, #tpu.memory_space<vmem>>, vector<1x16xf32>,
        %get3A_1792 = vector.shape_cast %get3A_1791 : vector<1x16xf32> to vector<16xf32>
        %add3A_1793 = arith.addf %add3A_1786, %get3A_1792 : vector<16xf32>
        %add3A_1794 = arith.constant 0 : i32
        %add3A_1795 = arith.addi %add3A_1794, %scan3A_1689 : i32
        %get3A_1796 = arith.index_cast %add3A_1795 : i32 to index
        %get3A_1797 = arith.constant 16 : index
        %get3A_1798 = tpu.vector_load %arg44[%get3A_1796, %get3A_1797] {strides = array<i32>} : memref<128x128xf32, #tpu.memory_space<vmem>>, vector<1x16xf32>,
        %get3A_1799 = vector.shape_cast %get3A_1798 : vector<1x16xf32> to vector<16xf32>
        %add3A_1800 = arith.addf %add3A_1793, %get3A_1799 : vector<16xf32>
        %add3A_1801 = arith.constant 32 : i32
        %add3A_1802 = arith.addi %add3A_1801, %scan3A_1689 : i32
        %get3A_1803 = arith.index_cast %add3A_1802 : i32 to index
        %get3A_1804 = arith.constant 16 : index
        %get3A_1805 = tpu.vector_load %arg44[%get3A_1803, %get3A_1804] {strides = array<i32>} : memref<128x128xf32, #tpu.memory_space<vmem>>, vector<1x16xf32>,
        %get3A_1806 = vector.shape_cast %get3A_1805 : vector<1x16xf32> to vector<16xf32>
        %add3A_1807 = arith.addf %add3A_1800, %get3A_1806 : vector<16xf32>
        %add3A_1808 = arith.constant 64 : i32
        %add3A_1809 = arith.addi %add3A_1808, %scan3A_1689 : i32
        %get3A_1810 = arith.index_cast %add3A_1809 : i32 to index
        %get3A_1811 = arith.constant 16 : index
        %get3A_1812 = tpu.vector_load %arg44[%get3A_1810, %get3A_1811] {strides = array<i32>} : memref<128x128xf32, #tpu.memory_space<vmem>>, vector<1x16xf32>,
        %get3A_1813 = vector.shape_cast %get3A_1812 : vector<1x16xf32> to vector<16xf32>
        %add3A_1814 = arith.addf %add3A_1807, %get3A_1813 : vector<16xf32>
        %add3A_1815 = arith.constant 96 : i32
        %add3A_1816 = arith.addi %add3A_1815, %scan3A_1689 : i32
        %get3A_1817 = arith.index_cast %add3A_1816 : i32 to index
        %get3A_1818 = arith.constant 16 : index
        %get3A_1819 = tpu.vector_load %arg44[%get3A_1817, %get3A_1818] {strides = array<i32>} : memref<128x128xf32, #tpu.memory_space<vmem>>, vector<1x16xf32>,
        %get3A_1820 = vector.shape_cast %get3A_1819 : vector<1x16xf32> to vector<16xf32>
        %add3A_1821 = arith.addf %add3A_1814, %get3A_1820 : vector<16xf32>
        %add3A_1822 = arith.constant 0 : i32
        %add3A_1823 = arith.addi %add3A_1822, %scan3A_1689 : i32
        %get3A_1824 = arith.index_cast %add3A_1823 : i32 to index
        %get3A_1825 = arith.constant 16 : index
        %get3A_1826 = tpu.vector_load %arg45[%get3A_1824, %get3A_1825] {strides = array<i32>} : memref<64x128xf32, #tpu.memory_space<vmem>>, vector<1x16xf32>,
        %get3A_1827 = vector.shape_cast %get3A_1826 : vector<1x16xf32> to vector<16xf32>
        %add3A_1828 = arith.addf %add3A_1821, %get3A_1827 : vector<16xf32>
        %add3A_1829 = arith.constant 32 : i32
        %add3A_1830 = arith.addi %add3A_1829, %scan3A_1689 : i32
        %get3A_1831 = arith.index_cast %add3A_1830 : i32 to index
        %get3A_1832 = arith.constant 16 : index
        %get3A_1833 = tpu.vector_load %arg45[%get3A_1831, %get3A_1832] {strides = array<i32>} : memref<64x128xf32, #tpu.memory_space<vmem>>, vector<1x16xf32>,
        %get3A_1834 = vector.shape_cast %get3A_1833 : vector<1x16xf32> to vector<16xf32>
        %add3A_1835 = arith.addf %add3A_1828, %get3A_1834 : vector<16xf32>
        %mul3A_1836 = arith.constant 1.000000e-01 : f32
        %mul3A_1837 = vector.broadcast %mul3A_1836 : f32 to vector<16xf32>
        %mul3A_1838 = arith.mulf %add3A_1835, %mul3A_1837 : vector<16xf32>
        %swap3A_1839 = arith.index_cast %scan3A_1689 : i32 to index
        %swap3A_1840 = arith.constant 16 : index
        %swap3A_1841 = tpu.vector_load %arg10[%swap3A_1839, %swap3A_1840] {strides = array<i32>} : memref<32x128xf32, #tpu.memory_space<vmem>>, vector<1x16xf32>,
        %swap3A_1842 = vector.shape_cast %swap3A_1841 : vector<1x16xf32> to vector<16xf32>
        %swap3A_1843 = vector.shape_cast %mul3A_1838 : vector<16xf32> to vector<1x16xf32>
        tpu.vector_store %arg10[%swap3A_1839, %swap3A_1840], %swap3A_1843 {strides = array<i32>} : memref<32x128xf32, #tpu.memory_space<vmem>>, vector<1x16xf32>,
        %add3A_1844 = arith.constant 0 : i32
        %add3A_1845 = arith.addi %add3A_1844, %scan3A_1689 : i32
        %get3A_1846 = arith.index_cast %add3A_1845 : i32 to index
        %get3A_1847 = arith.constant 32 : index
        %get3A_1848 = tpu.vector_load %arg43[%get3A_1846, %get3A_1847] {strides = array<i32>} : memref<128x128xf32, #tpu.memory_space<vmem>>, vector<1x16xf32>,
        %get3A_1849 = vector.shape_cast %get3A_1848 : vector<1x16xf32> to vector<16xf32>
        %add3A_1850 = arith.constant 32 : i32
        %add3A_1851 = arith.addi %add3A_1850, %scan3A_1689 : i32
        %get3A_1852 = arith.index_cast %add3A_1851 : i32 to index
        %get3A_1853 = arith.constant 32 : index
        %get3A_1854 = tpu.vector_load %arg43[%get3A_1852, %get3A_1853] {strides = array<i32>} : memref<128x128xf32, #tpu.memory_space<vmem>>, vector<1x16xf32>,
        %get3A_1855 = vector.shape_cast %get3A_1854 : vector<1x16xf32> to vector<16xf32>
        %add3A_1856 = arith.addf %get3A_1849, %get3A_1855 : vector<16xf32>
        %add3A_1857 = arith.constant 64 : i32
        %add3A_1858 = arith.addi %add3A_1857, %scan3A_1689 : i32
        %get3A_1859 = arith.index_cast %add3A_1858 : i32 to index
        %get3A_1860 = arith.constant 32 : index
        %get3A_1861 = tpu.vector_load %arg43[%get3A_1859, %get3A_1860] {strides = array<i32>} : memref<128x128xf32, #tpu.memory_space<vmem>>, vector<1x16xf32>,
        %get3A_1862 = vector.shape_cast %get3A_1861 : vector<1x16xf32> to vector<16xf32>
        %add3A_1863 = arith.addf %add3A_1856, %get3A_1862 : vector<16xf32>
        %add3A_1864 = arith.constant 96 : i32
        %add3A_1865 = arith.addi %add3A_1864, %scan3A_1689 : i32
        %get3A_1866 = arith.index_cast %add3A_1865 : i32 to index
        %get3A_1867 = arith.constant 32 : index
        %get3A_1868 = tpu.vector_load %arg43[%get3A_1866, %get3A_1867] {strides = array<i32>} : memref<128x128xf32, #tpu.memory_space<vmem>>, vector<1x16xf32>,
        %get3A_1869 = vector.shape_cast %get3A_1868 : vector<1x16xf32> to vector<16xf32>
        %add3A_1870 = arith.addf %add3A_1863, %get3A_1869 : vector<16xf32>
        %add3A_1871 = arith.constant 0 : i32
        %add3A_1872 = arith.addi %add3A_1871, %scan3A_1689 : i32
        %get3A_1873 = arith.index_cast %add3A_1872 : i32 to index
        %get3A_1874 = arith.constant 32 : index
        %get3A_1875 = tpu.vector_load %arg44[%get3A_1873, %get3A_1874] {strides = array<i32>} : memref<128x128xf32, #tpu.memory_space<vmem>>, vector<1x16xf32>,
        %get3A_1876 = vector.shape_cast %get3A_1875 : vector<1x16xf32> to vector<16xf32>
        %add3A_1877 = arith.addf %add3A_1870, %get3A_1876 : vector<16xf32>
        %add3A_1878 = arith.constant 32 : i32
        %add3A_1879 = arith.addi %add3A_1878, %scan3A_1689 : i32
        %get3A_1880 = arith.index_cast %add3A_1879 : i32 to index
        %get3A_1881 = arith.constant 32 : index
        %get3A_1882 = tpu.vector_load %arg44[%get3A_1880, %get3A_1881] {strides = array<i32>} : memref<128x128xf32, #tpu.memory_space<vmem>>, vector<1x16xf32>,
        %get3A_1883 = vector.shape_cast %get3A_1882 : vector<1x16xf32> to vector<16xf32>
        %add3A_1884 = arith.addf %add3A_1877, %get3A_1883 : vector<16xf32>
        %add3A_1885 = arith.constant 64 : i32
        %add3A_1886 = arith.addi %add3A_1885, %scan3A_1689 : i32
        %get3A_1887 = arith.index_cast %add3A_1886 : i32 to index
        %get3A_1888 = arith.constant 32 : index
        %get3A_1889 = tpu.vector_load %arg44[%get3A_1887, %get3A_1888] {strides = array<i32>} : memref<128x128xf32, #tpu.memory_space<vmem>>, vector<1x16xf32>,
        %get3A_1890 = vector.shape_cast %get3A_1889 : vector<1x16xf32> to vector<16xf32>
        %add3A_1891 = arith.addf %add3A_1884, %get3A_1890 : vector<16xf32>
        %add3A_1892 = arith.constant 96 : i32
        %add3A_1893 = arith.addi %add3A_1892, %scan3A_1689 : i32
        %get3A_1894 = arith.index_cast %add3A_1893 : i32 to index
        %get3A_1895 = arith.constant 32 : index
        %get3A_1896 = tpu.vector_load %arg44[%get3A_1894, %get3A_1895] {strides = array<i32>} : memref<128x128xf32, #tpu.memory_space<vmem>>, vector<1x16xf32>,
        %get3A_1897 = vector.shape_cast %get3A_1896 : vector<1x16xf32> to vector<16xf32>
        %add3A_1898 = arith.addf %add3A_1891, %get3A_1897 : vector<16xf32>
        %add3A_1899 = arith.constant 0 : i32
        %add3A_1900 = arith.addi %add3A_1899, %scan3A_1689 : i32
        %get3A_1901 = arith.index_cast %add3A_1900 : i32 to index
        %get3A_1902 = arith.constant 32 : index
        %get3A_1903 = tpu.vector_load %arg45[%get3A_1901, %get3A_1902] {strides = array<i32>} : memref<64x128xf32, #tpu.memory_space<vmem>>, vector<1x16xf32>,
        %get3A_1904 = vector.shape_cast %get3A_1903 : vector<1x16xf32> to vector<16xf32>
        %add3A_1905 = arith.addf %add3A_1898, %get3A_1904 : vector<16xf32>
        %add3A_1906 = arith.constant 32 : i32
        %add3A_1907 = arith.addi %add3A_1906, %scan3A_1689 : i32
        %get3A_1908 = arith.index_cast %add3A_1907 : i32 to index
        %get3A_1909 = arith.constant 32 : index
        %get3A_1910 = tpu.vector_load %arg45[%get3A_1908, %get3A_1909] {strides = array<i32>} : memref<64x128xf32, #tpu.memory_space<vmem>>, vector<1x16xf32>,
        %get3A_1911 = vector.shape_cast %get3A_1910 : vector<1x16xf32> to vector<16xf32>
        %add3A_1912 = arith.addf %add3A_1905, %get3A_1911 : vector<16xf32>
        %mul3A_1913 = arith.constant 1.000000e-01 : f32
        %mul3A_1914 = vector.broadcast %mul3A_1913 : f32 to vector<16xf32>
        %mul3A_1915 = arith.mulf %add3A_1912, %mul3A_1914 : vector<16xf32>
        %swap3A_1916 = arith.index_cast %scan3A_1689 : i32 to index
        %swap3A_1917 = arith.constant 32 : index
        %swap3A_1918 = tpu.vector_load %arg10[%swap3A_1916, %swap3A_1917] {strides = array<i32>} : memref<32x128xf32, #tpu.memory_space<vmem>>, vector<1x16xf32>,
        %swap3A_1919 = vector.shape_cast %swap3A_1918 : vector<1x16xf32> to vector<16xf32>
        %swap3A_1920 = vector.shape_cast %mul3A_1915 : vector<16xf32> to vector<1x16xf32>
        tpu.vector_store %arg10[%swap3A_1916, %swap3A_1917], %swap3A_1920 {strides = array<i32>} : memref<32x128xf32, #tpu.memory_space<vmem>>, vector<1x16xf32>,
        %add3A_1921 = arith.constant 0 : i32
        %add3A_1922 = arith.addi %add3A_1921, %scan3A_1689 : i32
        %get3A_1923 = arith.index_cast %add3A_1922 : i32 to index
        %get3A_1924 = arith.constant 48 : index
        %get3A_1925 = tpu.vector_load %arg43[%get3A_1923, %get3A_1924] {strides = array<i32>} : memref<128x128xf32, #tpu.memory_space<vmem>>, vector<1x16xf32>,
        %get3A_1926 = vector.shape_cast %get3A_1925 : vector<1x16xf32> to vector<16xf32>
        %add3A_1927 = arith.constant 32 : i32
        %add3A_1928 = arith.addi %add3A_1927, %scan3A_1689 : i32
        %get3A_1929 = arith.index_cast %add3A_1928 : i32 to index
        %get3A_1930 = arith.constant 48 : index
        %get3A_1931 = tpu.vector_load %arg43[%get3A_1929, %get3A_1930] {strides = array<i32>} : memref<128x128xf32, #tpu.memory_space<vmem>>, vector<1x16xf32>,
        %get3A_1932 = vector.shape_cast %get3A_1931 : vector<1x16xf32> to vector<16xf32>
        %add3A_1933 = arith.addf %get3A_1926, %get3A_1932 : vector<16xf32>
        %add3A_1934 = arith.constant 64 : i32
        %add3A_1935 = arith.addi %add3A_1934, %scan3A_1689 : i32
        %get3A_1936 = arith.index_cast %add3A_1935 : i32 to index
        %get3A_1937 = arith.constant 48 : index
        %get3A_1938 = tpu.vector_load %arg43[%get3A_1936, %get3A_1937] {strides = array<i32>} : memref<128x128xf32, #tpu.memory_space<vmem>>, vector<1x16xf32>,
        %get3A_1939 = vector.shape_cast %get3A_1938 : vector<1x16xf32> to vector<16xf32>
        %add3A_1940 = arith.addf %add3A_1933, %get3A_1939 : vector<16xf32>
        %add3A_1941 = arith.constant 96 : i32
        %add3A_1942 = arith.addi %add3A_1941, %scan3A_1689 : i32
        %get3A_1943 = arith.index_cast %add3A_1942 : i32 to index
        %get3A_1944 = arith.constant 48 : index
        %get3A_1945 = tpu.vector_load %arg43[%get3A_1943, %get3A_1944] {strides = array<i32>} : memref<128x128xf32, #tpu.memory_space<vmem>>, vector<1x16xf32>,
        %get3A_1946 = vector.shape_cast %get3A_1945 : vector<1x16xf32> to vector<16xf32>
        %add3A_1947 = arith.addf %add3A_1940, %get3A_1946 : vector<16xf32>
        %add3A_1948 = arith.constant 0 : i32
        %add3A_1949 = arith.addi %add3A_1948, %scan3A_1689 : i32
        %get3A_1950 = arith.index_cast %add3A_1949 : i32 to index
        %get3A_1951 = arith.constant 48 : index
        %get3A_1952 = tpu.vector_load %arg44[%get3A_1950, %get3A_1951] {strides = array<i32>} : memref<128x128xf32, #tpu.memory_space<vmem>>, vector<1x16xf32>,
        %get3A_1953 = vector.shape_cast %get3A_1952 : vector<1x16xf32> to vector<16xf32>
        %add3A_1954 = arith.addf %add3A_1947, %get3A_1953 : vector<16xf32>
        %add3A_1955 = arith.constant 32 : i32
        %add3A_1956 = arith.addi %add3A_1955, %scan3A_1689 : i32
        %get3A_1957 = arith.index_cast %add3A_1956 : i32 to index
        %get3A_1958 = arith.constant 48 : index
        %get3A_1959 = tpu.vector_load %arg44[%get3A_1957, %get3A_1958] {strides = array<i32>} : memref<128x128xf32, #tpu.memory_space<vmem>>, vector<1x16xf32>,
        %get3A_1960 = vector.shape_cast %get3A_1959 : vector<1x16xf32> to vector<16xf32>
        %add3A_1961 = arith.addf %add3A_1954, %get3A_1960 : vector<16xf32>
        %add3A_1962 = arith.constant 64 : i32
        %add3A_1963 = arith.addi %add3A_1962, %scan3A_1689 : i32
        %get3A_1964 = arith.index_cast %add3A_1963 : i32 to index
        %get3A_1965 = arith.constant 48 : index
        %get3A_1966 = tpu.vector_load %arg44[%get3A_1964, %get3A_1965] {strides = array<i32>} : memref<128x128xf32, #tpu.memory_space<vmem>>, vector<1x16xf32>,
        %get3A_1967 = vector.shape_cast %get3A_1966 : vector<1x16xf32> to vector<16xf32>
        %add3A_1968 = arith.addf %add3A_1961, %get3A_1967 : vector<16xf32>
        %add3A_1969 = arith.constant 96 : i32
        %add3A_1970 = arith.addi %add3A_1969, %scan3A_1689 : i32
        %get3A_1971 = arith.index_cast %add3A_1970 : i32 to index
        %get3A_1972 = arith.constant 48 : index
        %get3A_1973 = tpu.vector_load %arg44[%get3A_1971, %get3A_1972] {strides = array<i32>} : memref<128x128xf32, #tpu.memory_space<vmem>>, vector<1x16xf32>,
        %get3A_1974 = vector.shape_cast %get3A_1973 : vector<1x16xf32> to vector<16xf32>
        %add3A_1975 = arith.addf %add3A_1968, %get3A_1974 : vector<16xf32>
        %add3A_1976 = arith.constant 0 : i32
        %add3A_1977 = arith.addi %add3A_1976, %scan3A_1689 : i32
        %get3A_1978 = arith.index_cast %add3A_1977 : i32 to index
        %get3A_1979 = arith.constant 48 : index
        %get3A_1980 = tpu.vector_load %arg45[%get3A_1978, %get3A_1979] {strides = array<i32>} : memref<64x128xf32, #tpu.memory_space<vmem>>, vector<1x16xf32>,
        %get3A_1981 = vector.shape_cast %get3A_1980 : vector<1x16xf32> to vector<16xf32>
        %add3A_1982 = arith.addf %add3A_1975, %get3A_1981 : vector<16xf32>
        %add3A_1983 = arith.constant 32 : i32
        %add3A_1984 = arith.addi %add3A_1983, %scan3A_1689 : i32
        %get3A_1985 = arith.index_cast %add3A_1984 : i32 to index
        %get3A_1986 = arith.constant 48 : index
        %get3A_1987 = tpu.vector_load %arg45[%get3A_1985, %get3A_1986] {strides = array<i32>} : memref<64x128xf32, #tpu.memory_space<vmem>>, vector<1x16xf32>,
        %get3A_1988 = vector.shape_cast %get3A_1987 : vector<1x16xf32> to vector<16xf32>
        %add3A_1989 = arith.addf %add3A_1982, %get3A_1988 : vector<16xf32>
        %mul3A_1990 = arith.constant 1.000000e-01 : f32
        %mul3A_1991 = vector.broadcast %mul3A_1990 : f32 to vector<16xf32>
        %mul3A_1992 = arith.mulf %add3A_1989, %mul3A_1991 : vector<16xf32>
        %swap3A_1993 = arith.index_cast %scan3A_1689 : i32 to index
        %swap3A_1994 = arith.constant 48 : index
        %swap3A_1995 = tpu.vector_load %arg10[%swap3A_1993, %swap3A_1994] {strides = array<i32>} : memref<32x128xf32, #tpu.memory_space<vmem>>, vector<1x16xf32>,
        %swap3A_1996 = vector.shape_cast %swap3A_1995 : vector<1x16xf32> to vector<16xf32>
        %swap3A_1997 = vector.shape_cast %mul3A_1992 : vector<16xf32> to vector<1x16xf32>
        tpu.vector_store %arg10[%swap3A_1993, %swap3A_1994], %swap3A_1997 {strides = array<i32>} : memref<32x128xf32, #tpu.memory_space<vmem>>, vector<1x16xf32>,
        %add3A_1998 = arith.constant 0 : i32
        %add3A_1999 = arith.addi %add3A_1998, %scan3A_1689 : i32
        %get3A_2000 = arith.index_cast %add3A_1999 : i32 to index
        %get3A_2001 = arith.constant 64 : index
        %get3A_2002 = tpu.vector_load %arg43[%get3A_2000, %get3A_2001] {strides = array<i32>} : memref<128x128xf32, #tpu.memory_space<vmem>>, vector<1x16xf32>,
        %get3A_2003 = vector.shape_cast %get3A_2002 : vector<1x16xf32> to vector<16xf32>
        %add3A_2004 = arith.constant 32 : i32
        %add3A_2005 = arith.addi %add3A_2004, %scan3A_1689 : i32
        %get3A_2006 = arith.index_cast %add3A_2005 : i32 to index
        %get3A_2007 = arith.constant 64 : index
        %get3A_2008 = tpu.vector_load %arg43[%get3A_2006, %get3A_2007] {strides = array<i32>} : memref<128x128xf32, #tpu.memory_space<vmem>>, vector<1x16xf32>,
        %get3A_2009 = vector.shape_cast %get3A_2008 : vector<1x16xf32> to vector<16xf32>
        %add3A_2010 = arith.addf %get3A_2003, %get3A_2009 : vector<16xf32>
        %add3A_2011 = arith.constant 64 : i32
        %add3A_2012 = arith.addi %add3A_2011, %scan3A_1689 : i32
        %get3A_2013 = arith.index_cast %add3A_2012 : i32 to index
        %get3A_2014 = arith.constant 64 : index
        %get3A_2015 = tpu.vector_load %arg43[%get3A_2013, %get3A_2014] {strides = array<i32>} : memref<128x128xf32, #tpu.memory_space<vmem>>, vector<1x16xf32>,
        %get3A_2016 = vector.shape_cast %get3A_2015 : vector<1x16xf32> to vector<16xf32>
        %add3A_2017 = arith.addf %add3A_2010, %get3A_2016 : vector<16xf32>
        %add3A_2018 = arith.constant 96 : i32
        %add3A_2019 = arith.addi %add3A_2018, %scan3A_1689 : i32
        %get3A_2020 = arith.index_cast %add3A_2019 : i32 to index
        %get3A_2021 = arith.constant 64 : index
        %get3A_2022 = tpu.vector_load %arg43[%get3A_2020, %get3A_2021] {strides = array<i32>} : memref<128x128xf32, #tpu.memory_space<vmem>>, vector<1x16xf32>,
        %get3A_2023 = vector.shape_cast %get3A_2022 : vector<1x16xf32> to vector<16xf32>
        %add3A_2024 = arith.addf %add3A_2017, %get3A_2023 : vector<16xf32>
        %add3A_2025 = arith.constant 0 : i32
        %add3A_2026 = arith.addi %add3A_2025, %scan3A_1689 : i32
        %get3A_2027 = arith.index_cast %add3A_2026 : i32 to index
        %get3A_2028 = arith.constant 64 : index
        %get3A_2029 = tpu.vector_load %arg44[%get3A_2027, %get3A_2028] {strides = array<i32>} : memref<128x128xf32, #tpu.memory_space<vmem>>, vector<1x16xf32>,
        %get3A_2030 = vector.shape_cast %get3A_2029 : vector<1x16xf32> to vector<16xf32>
        %add3A_2031 = arith.addf %add3A_2024, %get3A_2030 : vector<16xf32>
        %add3A_2032 = arith.constant 32 : i32
        %add3A_2033 = arith.addi %add3A_2032, %scan3A_1689 : i32
        %get3A_2034 = arith.index_cast %add3A_2033 : i32 to index
        %get3A_2035 = arith.constant 64 : index
        %get3A_2036 = tpu.vector_load %arg44[%get3A_2034, %get3A_2035] {strides = array<i32>} : memref<128x128xf32, #tpu.memory_space<vmem>>, vector<1x16xf32>,
        %get3A_2037 = vector.shape_cast %get3A_2036 : vector<1x16xf32> to vector<16xf32>
        %add3A_2038 = arith.addf %add3A_2031, %get3A_2037 : vector<16xf32>
        %add3A_2039 = arith.constant 64 : i32
        %add3A_2040 = arith.addi %add3A_2039, %scan3A_1689 : i32
        %get3A_2041 = arith.index_cast %add3A_2040 : i32 to index
        %get3A_2042 = arith.constant 64 : index
        %get3A_2043 = tpu.vector_load %arg44[%get3A_2041, %get3A_2042] {strides = array<i32>} : memref<128x128xf32, #tpu.memory_space<vmem>>, vector<1x16xf32>,
        %get3A_2044 = vector.shape_cast %get3A_2043 : vector<1x16xf32> to vector<16xf32>
        %add3A_2045 = arith.addf %add3A_2038, %get3A_2044 : vector<16xf32>
        %add3A_2046 = arith.constant 96 : i32
        %add3A_2047 = arith.addi %add3A_2046, %scan3A_1689 : i32
        %get3A_2048 = arith.index_cast %add3A_2047 : i32 to index
        %get3A_2049 = arith.constant 64 : index
        %get3A_2050 = tpu.vector_load %arg44[%get3A_2048, %get3A_2049] {strides = array<i32>} : memref<128x128xf32, #tpu.memory_space<vmem>>, vector<1x16xf32>,
        %get3A_2051 = vector.shape_cast %get3A_2050 : vector<1x16xf32> to vector<16xf32>
        %add3A_2052 = arith.addf %add3A_2045, %get3A_2051 : vector<16xf32>
        %add3A_2053 = arith.constant 0 : i32
        %add3A_2054 = arith.addi %add3A_2053, %scan3A_1689 : i32
        %get3A_2055 = arith.index_cast %add3A_2054 : i32 to index
        %get3A_2056 = arith.constant 64 : index
        %get3A_2057 = tpu.vector_load %arg45[%get3A_2055, %get3A_2056] {strides = array<i32>} : memref<64x128xf32, #tpu.memory_space<vmem>>, vector<1x16xf32>,
        %get3A_2058 = vector.shape_cast %get3A_2057 : vector<1x16xf32> to vector<16xf32>
        %add3A_2059 = arith.addf %add3A_2052, %get3A_2058 : vector<16xf32>
        %add3A_2060 = arith.constant 32 : i32
        %add3A_2061 = arith.addi %add3A_2060, %scan3A_1689 : i32
        %get3A_2062 = arith.index_cast %add3A_2061 : i32 to index
        %get3A_2063 = arith.constant 64 : index
        %get3A_2064 = tpu.vector_load %arg45[%get3A_2062, %get3A_2063] {strides = array<i32>} : memref<64x128xf32, #tpu.memory_space<vmem>>, vector<1x16xf32>,
        %get3A_2065 = vector.shape_cast %get3A_2064 : vector<1x16xf32> to vector<16xf32>
        %add3A_2066 = arith.addf %add3A_2059, %get3A_2065 : vector<16xf32>
        %mul3A_2067 = arith.constant 1.000000e-01 : f32
        %mul3A_2068 = vector.broadcast %mul3A_2067 : f32 to vector<16xf32>
        %mul3A_2069 = arith.mulf %add3A_2066, %mul3A_2068 : vector<16xf32>
        %swap3A_2070 = arith.index_cast %scan3A_1689 : i32 to index
        %swap3A_2071 = arith.constant 64 : index
        %swap3A_2072 = tpu.vector_load %arg10[%swap3A_2070, %swap3A_2071] {strides = array<i32>} : memref<32x128xf32, #tpu.memory_space<vmem>>, vector<1x16xf32>,
        %swap3A_2073 = vector.shape_cast %swap3A_2072 : vector<1x16xf32> to vector<16xf32>
        %swap3A_2074 = vector.shape_cast %mul3A_2069 : vector<16xf32> to vector<1x16xf32>
        tpu.vector_store %arg10[%swap3A_2070, %swap3A_2071], %swap3A_2074 {strides = array<i32>} : memref<32x128xf32, #tpu.memory_space<vmem>>, vector<1x16xf32>,
        %add3A_2075 = arith.constant 0 : i32
        %add3A_2076 = arith.addi %add3A_2075, %scan3A_1689 : i32
        %get3A_2077 = arith.index_cast %add3A_2076 : i32 to index
        %get3A_2078 = arith.constant 80 : index
        %get3A_2079 = tpu.vector_load %arg43[%get3A_2077, %get3A_2078] {strides = array<i32>} : memref<128x128xf32, #tpu.memory_space<vmem>>, vector<1x16xf32>,
        %get3A_2080 = vector.shape_cast %get3A_2079 : vector<1x16xf32> to vector<16xf32>
        %add3A_2081 = arith.constant 32 : i32
        %add3A_2082 = arith.addi %add3A_2081, %scan3A_1689 : i32
        %get3A_2083 = arith.index_cast %add3A_2082 : i32 to index
        %get3A_2084 = arith.constant 80 : index
        %get3A_2085 = tpu.vector_load %arg43[%get3A_2083, %get3A_2084] {strides = array<i32>} : memref<128x128xf32, #tpu.memory_space<vmem>>, vector<1x16xf32>,
        %get3A_2086 = vector.shape_cast %get3A_2085 : vector<1x16xf32> to vector<16xf32>
        %add3A_2087 = arith.addf %get3A_2080, %get3A_2086 : vector<16xf32>
        %add3A_2088 = arith.constant 64 : i32
        %add3A_2089 = arith.addi %add3A_2088, %scan3A_1689 : i32
        %get3A_2090 = arith.index_cast %add3A_2089 : i32 to index
        %get3A_2091 = arith.constant 80 : index
        %get3A_2092 = tpu.vector_load %arg43[%get3A_2090, %get3A_2091] {strides = array<i32>} : memref<128x128xf32, #tpu.memory_space<vmem>>, vector<1x16xf32>,
        %get3A_2093 = vector.shape_cast %get3A_2092 : vector<1x16xf32> to vector<16xf32>
        %add3A_2094 = arith.addf %add3A_2087, %get3A_2093 : vector<16xf32>
        %add3A_2095 = arith.constant 96 : i32
        %add3A_2096 = arith.addi %add3A_2095, %scan3A_1689 : i32
        %get3A_2097 = arith.index_cast %add3A_2096 : i32 to index
        %get3A_2098 = arith.constant 80 : index
        %get3A_2099 = tpu.vector_load %arg43[%get3A_2097, %get3A_2098] {strides = array<i32>} : memref<128x128xf32, #tpu.memory_space<vmem>>, vector<1x16xf32>,
        %get3A_2100 = vector.shape_cast %get3A_2099 : vector<1x16xf32> to vector<16xf32>
        %add3A_2101 = arith.addf %add3A_2094, %get3A_2100 : vector<16xf32>
        %add3A_2102 = arith.constant 0 : i32
        %add3A_2103 = arith.addi %add3A_2102, %scan3A_1689 : i32
        %get3A_2104 = arith.index_cast %add3A_2103 : i32 to index
        %get3A_2105 = arith.constant 80 : index
        %get3A_2106 = tpu.vector_load %arg44[%get3A_2104, %get3A_2105] {strides = array<i32>} : memref<128x128xf32, #tpu.memory_space<vmem>>, vector<1x16xf32>,
        %get3A_2107 = vector.shape_cast %get3A_2106 : vector<1x16xf32> to vector<16xf32>
        %add3A_2108 = arith.addf %add3A_2101, %get3A_2107 : vector<16xf32>
        %add3A_2109 = arith.constant 32 : i32
        %add3A_2110 = arith.addi %add3A_2109, %scan3A_1689 : i32
        %get3A_2111 = arith.index_cast %add3A_2110 : i32 to index
        %get3A_2112 = arith.constant 80 : index
        %get3A_2113 = tpu.vector_load %arg44[%get3A_2111, %get3A_2112] {strides = array<i32>} : memref<128x128xf32, #tpu.memory_space<vmem>>, vector<1x16xf32>,
        %get3A_2114 = vector.shape_cast %get3A_2113 : vector<1x16xf32> to vector<16xf32>
        %add3A_2115 = arith.addf %add3A_2108, %get3A_2114 : vector<16xf32>
        %add3A_2116 = arith.constant 64 : i32
        %add3A_2117 = arith.addi %add3A_2116, %scan3A_1689 : i32
        %get3A_2118 = arith.index_cast %add3A_2117 : i32 to index
        %get3A_2119 = arith.constant 80 : index
        %get3A_2120 = tpu.vector_load %arg44[%get3A_2118, %get3A_2119] {strides = array<i32>} : memref<128x128xf32, #tpu.memory_space<vmem>>, vector<1x16xf32>,
        %get3A_2121 = vector.shape_cast %get3A_2120 : vector<1x16xf32> to vector<16xf32>
        %add3A_2122 = arith.addf %add3A_2115, %get3A_2121 : vector<16xf32>
        %add3A_2123 = arith.constant 96 : i32
        %add3A_2124 = arith.addi %add3A_2123, %scan3A_1689 : i32
        %get3A_2125 = arith.index_cast %add3A_2124 : i32 to index
        %get3A_2126 = arith.constant 80 : index
        %get3A_2127 = tpu.vector_load %arg44[%get3A_2125, %get3A_2126] {strides = array<i32>} : memref<128x128xf32, #tpu.memory_space<vmem>>, vector<1x16xf32>,
        %get3A_2128 = vector.shape_cast %get3A_2127 : vector<1x16xf32> to vector<16xf32>
        %add3A_2129 = arith.addf %add3A_2122, %get3A_2128 : vector<16xf32>
        %add3A_2130 = arith.constant 0 : i32
        %add3A_2131 = arith.addi %add3A_2130, %scan3A_1689 : i32
        %get3A_2132 = arith.index_cast %add3A_2131 : i32 to index
        %get3A_2133 = arith.constant 80 : index
        %get3A_2134 = tpu.vector_load %arg45[%get3A_2132, %get3A_2133] {strides = array<i32>} : memref<64x128xf32, #tpu.memory_space<vmem>>, vector<1x16xf32>,
        %get3A_2135 = vector.shape_cast %get3A_2134 : vector<1x16xf32> to vector<16xf32>
        %add3A_2136 = arith.addf %add3A_2129, %get3A_2135 : vector<16xf32>
        %add3A_2137 = arith.constant 32 : i32
        %add3A_2138 = arith.addi %add3A_2137, %scan3A_1689 : i32
        %get3A_2139 = arith.index_cast %add3A_2138 : i32 to index
        %get3A_2140 = arith.constant 80 : index
        %get3A_2141 = tpu.vector_load %arg45[%get3A_2139, %get3A_2140] {strides = array<i32>} : memref<64x128xf32, #tpu.memory_space<vmem>>, vector<1x16xf32>,
        %get3A_2142 = vector.shape_cast %get3A_2141 : vector<1x16xf32> to vector<16xf32>
        %add3A_2143 = arith.addf %add3A_2136, %get3A_2142 : vector<16xf32>
        %mul3A_2144 = arith.constant 1.000000e-01 : f32
        %mul3A_2145 = vector.broadcast %mul3A_2144 : f32 to vector<16xf32>
        %mul3A_2146 = arith.mulf %add3A_2143, %mul3A_2145 : vector<16xf32>
        %swap3A_2147 = arith.index_cast %scan3A_1689 : i32 to index
        %swap3A_2148 = arith.constant 80 : index
        %swap3A_2149 = tpu.vector_load %arg10[%swap3A_2147, %swap3A_2148] {strides = array<i32>} : memref<32x128xf32, #tpu.memory_space<vmem>>, vector<1x16xf32>,
        %swap3A_2150 = vector.shape_cast %swap3A_2149 : vector<1x16xf32> to vector<16xf32>
        %swap3A_2151 = vector.shape_cast %mul3A_2146 : vector<16xf32> to vector<1x16xf32>
        tpu.vector_store %arg10[%swap3A_2147, %swap3A_2148], %swap3A_2151 {strides = array<i32>} : memref<32x128xf32, #tpu.memory_space<vmem>>, vector<1x16xf32>,
        %add3A_2152 = arith.constant 0 : i32
        %add3A_2153 = arith.addi %add3A_2152, %scan3A_1689 : i32
        %get3A_2154 = arith.index_cast %add3A_2153 : i32 to index
        %get3A_2155 = arith.constant 96 : index
        %get3A_2156 = tpu.vector_load %arg43[%get3A_2154, %get3A_2155] {strides = array<i32>} : memref<128x128xf32, #tpu.memory_space<vmem>>, vector<1x16xf32>,
        %get3A_2157 = vector.shape_cast %get3A_2156 : vector<1x16xf32> to vector<16xf32>
        %add3A_2158 = arith.constant 32 : i32
        %add3A_2159 = arith.addi %add3A_2158, %scan3A_1689 : i32
        %get3A_2160 = arith.index_cast %add3A_2159 : i32 to index
        %get3A_2161 = arith.constant 96 : index
        %get3A_2162 = tpu.vector_load %arg43[%get3A_2160, %get3A_2161] {strides = array<i32>} : memref<128x128xf32, #tpu.memory_space<vmem>>, vector<1x16xf32>,
        %get3A_2163 = vector.shape_cast %get3A_2162 : vector<1x16xf32> to vector<16xf32>
        %add3A_2164 = arith.addf %get3A_2157, %get3A_2163 : vector<16xf32>
        %add3A_2165 = arith.constant 64 : i32
        %add3A_2166 = arith.addi %add3A_2165, %scan3A_1689 : i32
        %get3A_2167 = arith.index_cast %add3A_2166 : i32 to index
        %get3A_2168 = arith.constant 96 : index
        %get3A_2169 = tpu.vector_load %arg43[%get3A_2167, %get3A_2168] {strides = array<i32>} : memref<128x128xf32, #tpu.memory_space<vmem>>, vector<1x16xf32>,
        %get3A_2170 = vector.shape_cast %get3A_2169 : vector<1x16xf32> to vector<16xf32>
        %add3A_2171 = arith.addf %add3A_2164, %get3A_2170 : vector<16xf32>
        %add3A_2172 = arith.constant 96 : i32
        %add3A_2173 = arith.addi %add3A_2172, %scan3A_1689 : i32
        %get3A_2174 = arith.index_cast %add3A_2173 : i32 to index
        %get3A_2175 = arith.constant 96 : index
        %get3A_2176 = tpu.vector_load %arg43[%get3A_2174, %get3A_2175] {strides = array<i32>} : memref<128x128xf32, #tpu.memory_space<vmem>>, vector<1x16xf32>,
        %get3A_2177 = vector.shape_cast %get3A_2176 : vector<1x16xf32> to vector<16xf32>
        %add3A_2178 = arith.addf %add3A_2171, %get3A_2177 : vector<16xf32>
        %add3A_2179 = arith.constant 0 : i32
        %add3A_2180 = arith.addi %add3A_2179, %scan3A_1689 : i32
        %get3A_2181 = arith.index_cast %add3A_2180 : i32 to index
        %get3A_2182 = arith.constant 96 : index
        %get3A_2183 = tpu.vector_load %arg44[%get3A_2181, %get3A_2182] {strides = array<i32>} : memref<128x128xf32, #tpu.memory_space<vmem>>, vector<1x16xf32>,
        %get3A_2184 = vector.shape_cast %get3A_2183 : vector<1x16xf32> to vector<16xf32>
        %add3A_2185 = arith.addf %add3A_2178, %get3A_2184 : vector<16xf32>
        %add3A_2186 = arith.constant 32 : i32
        %add3A_2187 = arith.addi %add3A_2186, %scan3A_1689 : i32
        %get3A_2188 = arith.index_cast %add3A_2187 : i32 to index
        %get3A_2189 = arith.constant 96 : index
        %get3A_2190 = tpu.vector_load %arg44[%get3A_2188, %get3A_2189] {strides = array<i32>} : memref<128x128xf32, #tpu.memory_space<vmem>>, vector<1x16xf32>,
        %get3A_2191 = vector.shape_cast %get3A_2190 : vector<1x16xf32> to vector<16xf32>
        %add3A_2192 = arith.addf %add3A_2185, %get3A_2191 : vector<16xf32>
        %add3A_2193 = arith.constant 64 : i32
        %add3A_2194 = arith.addi %add3A_2193, %scan3A_1689 : i32
        %get3A_2195 = arith.index_cast %add3A_2194 : i32 to index
        %get3A_2196 = arith.constant 96 : index
        %get3A_2197 = tpu.vector_load %arg44[%get3A_2195, %get3A_2196] {strides = array<i32>} : memref<128x128xf32, #tpu.memory_space<vmem>>, vector<1x16xf32>,
        %get3A_2198 = vector.shape_cast %get3A_2197 : vector<1x16xf32> to vector<16xf32>
        %add3A_2199 = arith.addf %add3A_2192, %get3A_2198 : vector<16xf32>
        %add3A_2200 = arith.constant 96 : i32
        %add3A_2201 = arith.addi %add3A_2200, %scan3A_1689 : i32
        %get3A_2202 = arith.index_cast %add3A_2201 : i32 to index
        %get3A_2203 = arith.constant 96 : index
        %get3A_2204 = tpu.vector_load %arg44[%get3A_2202, %get3A_2203] {strides = array<i32>} : memref<128x128xf32, #tpu.memory_space<vmem>>, vector<1x16xf32>,
        %get3A_2205 = vector.shape_cast %get3A_2204 : vector<1x16xf32> to vector<16xf32>
        %add3A_2206 = arith.addf %add3A_2199, %get3A_2205 : vector<16xf32>
        %add3A_2207 = arith.constant 0 : i32
        %add3A_2208 = arith.addi %add3A_2207, %scan3A_1689 : i32
        %get3A_2209 = arith.index_cast %add3A_2208 : i32 to index
        %get3A_2210 = arith.constant 96 : index
        %get3A_2211 = tpu.vector_load %arg45[%get3A_2209, %get3A_2210] {strides = array<i32>} : memref<64x128xf32, #tpu.memory_space<vmem>>, vector<1x16xf32>,
        %get3A_2212 = vector.shape_cast %get3A_2211 : vector<1x16xf32> to vector<16xf32>
        %add3A_2213 = arith.addf %add3A_2206, %get3A_2212 : vector<16xf32>
        %add3A_2214 = arith.constant 32 : i32
        %add3A_2215 = arith.addi %add3A_2214, %scan3A_1689 : i32
        %get3A_2216 = arith.index_cast %add3A_2215 : i32 to index
        %get3A_2217 = arith.constant 96 : index
        %get3A_2218 = tpu.vector_load %arg45[%get3A_2216, %get3A_2217] {strides = array<i32>} : memref<64x128xf32, #tpu.memory_space<vmem>>, vector<1x16xf32>,
        %get3A_2219 = vector.shape_cast %get3A_2218 : vector<1x16xf32> to vector<16xf32>
        %add3A_2220 = arith.addf %add3A_2213, %get3A_2219 : vector<16xf32>
        %mul3A_2221 = arith.constant 1.000000e-01 : f32
        %mul3A_2222 = vector.broadcast %mul3A_2221 : f32 to vector<16xf32>
        %mul3A_2223 = arith.mulf %add3A_2220, %mul3A_2222 : vector<16xf32>
        %swap3A_2224 = arith.index_cast %scan3A_1689 : i32 to index
        %swap3A_2225 = arith.constant 96 : index
        %swap3A_2226 = tpu.vector_load %arg10[%swap3A_2224, %swap3A_2225] {strides = array<i32>} : memref<32x128xf32, #tpu.memory_space<vmem>>, vector<1x16xf32>,
        %swap3A_2227 = vector.shape_cast %swap3A_2226 : vector<1x16xf32> to vector<16xf32>
        %swap3A_2228 = vector.shape_cast %mul3A_2223 : vector<16xf32> to vector<1x16xf32>
        tpu.vector_store %arg10[%swap3A_2224, %swap3A_2225], %swap3A_2228 {strides = array<i32>} : memref<32x128xf32, #tpu.memory_space<vmem>>, vector<1x16xf32>,
        %add3A_2229 = arith.constant 0 : i32
        %add3A_2230 = arith.addi %add3A_2229, %scan3A_1689 : i32
        %get3A_2231 = arith.index_cast %add3A_2230 : i32 to index
        %get3A_2232 = arith.constant 112 : index
        %get3A_2233 = tpu.vector_load %arg43[%get3A_2231, %get3A_2232] {strides = array<i32>} : memref<128x128xf32, #tpu.memory_space<vmem>>, vector<1x16xf32>,
        %get3A_2234 = vector.shape_cast %get3A_2233 : vector<1x16xf32> to vector<16xf32>
        %add3A_2235 = arith.constant 32 : i32
        %add3A_2236 = arith.addi %add3A_2235, %scan3A_1689 : i32
        %get3A_2237 = arith.index_cast %add3A_2236 : i32 to index
        %get3A_2238 = arith.constant 112 : index
        %get3A_2239 = tpu.vector_load %arg43[%get3A_2237, %get3A_2238] {strides = array<i32>} : memref<128x128xf32, #tpu.memory_space<vmem>>, vector<1x16xf32>,
        %get3A_2240 = vector.shape_cast %get3A_2239 : vector<1x16xf32> to vector<16xf32>
        %add3A_2241 = arith.addf %get3A_2234, %get3A_2240 : vector<16xf32>
        %add3A_2242 = arith.constant 64 : i32
        %add3A_2243 = arith.addi %add3A_2242, %scan3A_1689 : i32
        %get3A_2244 = arith.index_cast %add3A_2243 : i32 to index
        %get3A_2245 = arith.constant 112 : index
        %get3A_2246 = tpu.vector_load %arg43[%get3A_2244, %get3A_2245] {strides = array<i32>} : memref<128x128xf32, #tpu.memory_space<vmem>>, vector<1x16xf32>,
        %get3A_2247 = vector.shape_cast %get3A_2246 : vector<1x16xf32> to vector<16xf32>
        %add3A_2248 = arith.addf %add3A_2241, %get3A_2247 : vector<16xf32>
        %add3A_2249 = arith.constant 96 : i32
        %add3A_2250 = arith.addi %add3A_2249, %scan3A_1689 : i32
        %get3A_2251 = arith.index_cast %add3A_2250 : i32 to index
        %get3A_2252 = arith.constant 112 : index
        %get3A_2253 = tpu.vector_load %arg43[%get3A_2251, %get3A_2252] {strides = array<i32>} : memref<128x128xf32, #tpu.memory_space<vmem>>, vector<1x16xf32>,
        %get3A_2254 = vector.shape_cast %get3A_2253 : vector<1x16xf32> to vector<16xf32>
        %add3A_2255 = arith.addf %add3A_2248, %get3A_2254 : vector<16xf32>
        %add3A_2256 = arith.constant 0 : i32
        %add3A_2257 = arith.addi %add3A_2256, %scan3A_1689 : i32
        %get3A_2258 = arith.index_cast %add3A_2257 : i32 to index
        %get3A_2259 = arith.constant 112 : index
        %get3A_2260 = tpu.vector_load %arg44[%get3A_2258, %get3A_2259] {strides = array<i32>} : memref<128x128xf32, #tpu.memory_space<vmem>>, vector<1x16xf32>,
        %get3A_2261 = vector.shape_cast %get3A_2260 : vector<1x16xf32> to vector<16xf32>
        %add3A_2262 = arith.addf %add3A_2255, %get3A_2261 : vector<16xf32>
        %add3A_2263 = arith.constant 32 : i32
        %add3A_2264 = arith.addi %add3A_2263, %scan3A_1689 : i32
        %get3A_2265 = arith.index_cast %add3A_2264 : i32 to index
        %get3A_2266 = arith.constant 112 : index
        %get3A_2267 = tpu.vector_load %arg44[%get3A_2265, %get3A_2266] {strides = array<i32>} : memref<128x128xf32, #tpu.memory_space<vmem>>, vector<1x16xf32>,
        %get3A_2268 = vector.shape_cast %get3A_2267 : vector<1x16xf32> to vector<16xf32>
        %add3A_2269 = arith.addf %add3A_2262, %get3A_2268 : vector<16xf32>
        %add3A_2270 = arith.constant 64 : i32
        %add3A_2271 = arith.addi %add3A_2270, %scan3A_1689 : i32
        %get3A_2272 = arith.index_cast %add3A_2271 : i32 to index
        %get3A_2273 = arith.constant 112 : index
        %get3A_2274 = tpu.vector_load %arg44[%get3A_2272, %get3A_2273] {strides = array<i32>} : memref<128x128xf32, #tpu.memory_space<vmem>>, vector<1x16xf32>,
        %get3A_2275 = vector.shape_cast %get3A_2274 : vector<1x16xf32> to vector<16xf32>
        %add3A_2276 = arith.addf %add3A_2269, %get3A_2275 : vector<16xf32>
        %add3A_2277 = arith.constant 96 : i32
        %add3A_2278 = arith.addi %add3A_2277, %scan3A_1689 : i32
        %get3A_2279 = arith.index_cast %add3A_2278 : i32 to index
        %get3A_2280 = arith.constant 112 : index
        %get3A_2281 = tpu.vector_load %arg44[%get3A_2279, %get3A_2280] {strides = array<i32>} : memref<128x128xf32, #tpu.memory_space<vmem>>, vector<1x16xf32>,
        %get3A_2282 = vector.shape_cast %get3A_2281 : vector<1x16xf32> to vector<16xf32>
        %add3A_2283 = arith.addf %add3A_2276, %get3A_2282 : vector<16xf32>
        %add3A_2284 = arith.constant 0 : i32
        %add3A_2285 = arith.addi %add3A_2284, %scan3A_1689 : i32
        %get3A_2286 = arith.index_cast %add3A_2285 : i32 to index
        %get3A_2287 = arith.constant 112 : index
        %get3A_2288 = tpu.vector_load %arg45[%get3A_2286, %get3A_2287] {strides = array<i32>} : memref<64x128xf32, #tpu.memory_space<vmem>>, vector<1x16xf32>,
        %get3A_2289 = vector.shape_cast %get3A_2288 : vector<1x16xf32> to vector<16xf32>
        %add3A_2290 = arith.addf %add3A_2283, %get3A_2289 : vector<16xf32>
        %add3A_2291 = arith.constant 32 : i32
        %add3A_2292 = arith.addi %add3A_2291, %scan3A_1689 : i32
        %get3A_2293 = arith.index_cast %add3A_2292 : i32 to index
        %get3A_2294 = arith.constant 112 : index
        %get3A_2295 = tpu.vector_load %arg45[%get3A_2293, %get3A_2294] {strides = array<i32>} : memref<64x128xf32, #tpu.memory_space<vmem>>, vector<1x16xf32>,
        %get3A_2296 = vector.shape_cast %get3A_2295 : vector<1x16xf32> to vector<16xf32>
        %add3A_2297 = arith.addf %add3A_2290, %get3A_2296 : vector<16xf32>
        %mul3A_2298 = arith.constant 1.000000e-01 : f32
        %mul3A_2299 = vector.broadcast %mul3A_2298 : f32 to vector<16xf32>
        %mul3A_2300 = arith.mulf %add3A_2297, %mul3A_2299 : vector<16xf32>
        %swap3A_2301 = arith.index_cast %scan3A_1689 : i32 to index
        %swap3A_2302 = arith.constant 112 : index
        %swap3A_2303 = tpu.vector_load %arg10[%swap3A_2301, %swap3A_2302] {strides = array<i32>} : memref<32x128xf32, #tpu.memory_space<vmem>>, vector<1x16xf32>,
        %swap3A_2304 = vector.shape_cast %swap3A_2303 : vector<1x16xf32> to vector<16xf32>
        %swap3A_2305 = vector.shape_cast %mul3A_2300 : vector<16xf32> to vector<1x16xf32>
        tpu.vector_store %arg10[%swap3A_2301, %swap3A_2302], %swap3A_2305 {strides = array<i32>} : memref<32x128xf32, #tpu.memory_space<vmem>>, vector<1x16xf32>,
      }
      %scan3A_1685 = arith.constant 32 : i32
      %mul3A_1686 = arith.constant 1024 : i32
      %mul3A_1687 = arith.muli %add3A_1644, %mul3A_1686 : i32
      %add3A_1688 = arith.addi %mul3A_1687, %mul3A_2 : i32
      "tpu.region"() ({
        %run_scoped3A = tpu.sem_alloc : memref<!tpu.dma_semaphore, #tpu.memory_space<semaphore_mem>>
        %dma_start3A_1689 = arith.constant 0 : i32
        %dma_start3A_1690 = tpu.memref_slice %arg7[%add3A_1688, %dma_start3A_1689] : memref<25600x128xf32, #tpu.memory_space<hbm>> -> memref<32x128xf32, #tpu.memory_space<hbm>>
        %dma_start3A_1691 = arith.constant 0 : i32
        %dma_start3A_1692 = tpu.memref_slice %arg7[%add3A_1688, %dma_start3A_1691] : memref<25600x128xf32, #tpu.memory_space<hbm>> -> memref<32x128xf32, #tpu.memory_space<hbm>>
        tpu.enqueue_dma source(%arg10 : memref<32x128xf32, #tpu.memory_space<vmem>>) target(%dma_start3A_1692 : memref<32x128xf32, #tpu.memory_space<hbm>>) target_semaphore(%run_scoped3A : memref<!tpu.dma_semaphore, #tpu.memory_space<semaphore_mem>>)
        %dma_wait3A_1693 = arith.constant 0 : i32
        %dma_wait3A_1694 = tpu.memref_slice %arg7[%add3A_1688, %dma_wait3A_1693] : memref<25600x128xf32, #tpu.memory_space<hbm>> -> memref<32x128xf32, #tpu.memory_space<hbm>>
        %dma_wait3A_1695 = arith.constant 0 : i32
        %dma_wait3A_1696 = tpu.memref_slice %arg7[%add3A_1688, %dma_wait3A_1695] : memref<25600x128xf32, #tpu.memory_space<hbm>> -> memref<32x128xf32, #tpu.memory_space<hbm>>
        tpu.wait_dma2 semaphore(%run_scoped3A : memref<!tpu.dma_semaphore, #tpu.memory_space<semaphore_mem>>) src(%arg10 : memref<32x128xf32, #tpu.memory_space<vmem>>) dst(%dma_wait3A_1696 : memref<32x128xf32, #tpu.memory_space<hbm>>)
        tpu.yield
      }) : () -> ()
    }
    %scan3A_1345 = arith.constant 12 : i32
    %dma_wait3A_1346 = arith.constant 0 : i32
    %dma_wait3A_1347 = arith.constant 0 : i32
    %dma_wait3A_1348 = tpu.memref_slice %arg3[%dma_wait3A_1346, %dma_wait3A_1347] : memref<100000x128xf32, #tpu.memory_space<hbm>> -> memref<100000x128xf32, #tpu.memory_space<hbm>>
    tpu.wait_indirect_dma semaphore(%arg54 : memref<!tpu.dma_semaphore, #tpu.memory_space<semaphore_mem>>) src(%dma_wait3A_1348 : memref<100000x128xf32, #tpu.memory_space<hbm>>) dst(%arg46 : memref<32x128xf32, #tpu.memory_space<vmem>>)
    %add3A_1349 = arith.constant 24576 : i32
    %add3A_1350 = arith.addi %add3A_1349, %mul3A_2 : i32
    "tpu.region"() ({
      %run_scoped3A = tpu.sem_alloc : memref<!tpu.dma_semaphore, #tpu.memory_space<semaphore_mem>>
      %dma_start3A_1368 = arith.constant 0 : i32
      %dma_start3A_1369 = tpu.memref_slice %arg6[%add3A_1350, %dma_start3A_1368] : memref<25600x128xf32, #tpu.memory_space<hbm>> -> memref<32x128xf32, #tpu.memory_space<hbm>>
      %dma_start3A_1370 = arith.constant 0 : i32
      %dma_start3A_1371 = tpu.memref_slice %arg6[%add3A_1350, %dma_start3A_1370] : memref<25600x128xf32, #tpu.memory_space<hbm>> -> memref<32x128xf32, #tpu.memory_space<hbm>>
      tpu.enqueue_dma source(%arg46 : memref<32x128xf32, #tpu.memory_space<vmem>>) target(%dma_start3A_1371 : memref<32x128xf32, #tpu.memory_space<hbm>>) target_semaphore(%run_scoped3A : memref<!tpu.dma_semaphore, #tpu.memory_space<semaphore_mem>>)
      %dma_wait3A_1372 = arith.constant 0 : i32
      %dma_wait3A_1373 = tpu.memref_slice %arg6[%add3A_1350, %dma_wait3A_1372] : memref<25600x128xf32, #tpu.memory_space<hbm>> -> memref<32x128xf32, #tpu.memory_space<hbm>>
      %dma_wait3A_1374 = arith.constant 0 : i32
      %dma_wait3A_1375 = tpu.memref_slice %arg6[%add3A_1350, %dma_wait3A_1374] : memref<25600x128xf32, #tpu.memory_space<hbm>> -> memref<32x128xf32, #tpu.memory_space<hbm>>
      tpu.wait_dma2 semaphore(%run_scoped3A : memref<!tpu.dma_semaphore, #tpu.memory_space<semaphore_mem>>) src(%arg46 : memref<32x128xf32, #tpu.memory_space<vmem>>) dst(%dma_wait3A_1375 : memref<32x128xf32, #tpu.memory_space<hbm>>)
      tpu.yield
    }) : () -> ()
    %dma_wait3A_1351 = arith.constant 0 : i32
    %dma_wait3A_1352 = arith.constant 0 : i32
    %dma_wait3A_1353 = tpu.memref_slice %arg3[%dma_wait3A_1351, %dma_wait3A_1352] : memref<100000x128xf32, #tpu.memory_space<hbm>> -> memref<100000x128xf32, #tpu.memory_space<hbm>>
    tpu.wait_indirect_dma semaphore(%arg52 : memref<!tpu.dma_semaphore, #tpu.memory_space<semaphore_mem>>) src(%dma_wait3A_1353 : memref<100000x128xf32, #tpu.memory_space<hbm>>) dst(%arg40 : memref<128x128xf32, #tpu.memory_space<vmem>>)
    %dma_wait3A_1354 = arith.constant 0 : i32
    %dma_wait3A_1355 = arith.constant 0 : i32
    %dma_wait3A_1356 = tpu.memref_slice %arg3[%dma_wait3A_1354, %dma_wait3A_1355] : memref<100000x128xf32, #tpu.memory_space<hbm>> -> memref<100000x128xf32, #tpu.memory_space<hbm>>
    tpu.wait_indirect_dma semaphore(%arg52 : memref<!tpu.dma_semaphore, #tpu.memory_space<semaphore_mem>>) src(%dma_wait3A_1356 : memref<100000x128xf32, #tpu.memory_space<hbm>>) dst(%arg41 : memref<128x128xf32, #tpu.memory_space<vmem>>)
    %dma_wait3A_1357 = arith.constant 0 : i32
    %dma_wait3A_1358 = arith.constant 0 : i32
    %dma_wait3A_1359 = tpu.memref_slice %arg3[%dma_wait3A_1357, %dma_wait3A_1358] : memref<100000x128xf32, #tpu.memory_space<hbm>> -> memref<100000x128xf32, #tpu.memory_space<hbm>>
    tpu.wait_indirect_dma semaphore(%arg52 : memref<!tpu.dma_semaphore, #tpu.memory_space<semaphore_mem>>) src(%dma_wait3A_1359 : memref<100000x128xf32, #tpu.memory_space<hbm>>) dst(%arg42 : memref<64x128xf32, #tpu.memory_space<vmem>>)
    %scan3A_1360 = arith.constant 0 : i32
    %scan3A_1361 = arith.constant 0 : i32
    %scan3A_1362 = arith.constant 32 : i32
    %scan3A_1363 = arith.addi %scan3A_1361, %scan3A_1362 : i32
    %scan3A_1364 = arith.constant 1 : i32
    scf.for %scan3A_1368 = %scan3A_1361 to %scan3A_1363 step %scan3A_1364  : i32 {
      %add3A_1369 = arith.constant 0 : i32
      %add3A_1370 = arith.addi %add3A_1369, %scan3A_1368 : i32
      %get3A_1371 = arith.index_cast %add3A_1370 : i32 to index
      %get3A_1372 = arith.constant 0 : index
      %get3A_1373 = tpu.vector_load %arg40[%get3A_1371, %get3A_1372] {strides = array<i32>} : memref<128x128xf32, #tpu.memory_space<vmem>>, vector<1x16xf32>,
      %get3A_1374 = vector.shape_cast %get3A_1373 : vector<1x16xf32> to vector<16xf32>
      %add3A_1375 = arith.constant 32 : i32
      %add3A_1376 = arith.addi %add3A_1375, %scan3A_1368 : i32
      %get3A_1377 = arith.index_cast %add3A_1376 : i32 to index
      %get3A_1378 = arith.constant 0 : index
      %get3A_1379 = tpu.vector_load %arg40[%get3A_1377, %get3A_1378] {strides = array<i32>} : memref<128x128xf32, #tpu.memory_space<vmem>>, vector<1x16xf32>,
      %get3A_1380 = vector.shape_cast %get3A_1379 : vector<1x16xf32> to vector<16xf32>
      %add3A_1381 = arith.addf %get3A_1374, %get3A_1380 : vector<16xf32>
      %add3A_1382 = arith.constant 64 : i32
      %add3A_1383 = arith.addi %add3A_1382, %scan3A_1368 : i32
      %get3A_1384 = arith.index_cast %add3A_1383 : i32 to index
      %get3A_1385 = arith.constant 0 : index
      %get3A_1386 = tpu.vector_load %arg40[%get3A_1384, %get3A_1385] {strides = array<i32>} : memref<128x128xf32, #tpu.memory_space<vmem>>, vector<1x16xf32>,
      %get3A_1387 = vector.shape_cast %get3A_1386 : vector<1x16xf32> to vector<16xf32>
      %add3A_1388 = arith.addf %add3A_1381, %get3A_1387 : vector<16xf32>
      %add3A_1389 = arith.constant 96 : i32
      %add3A_1390 = arith.addi %add3A_1389, %scan3A_1368 : i32
      %get3A_1391 = arith.index_cast %add3A_1390 : i32 to index
      %get3A_1392 = arith.constant 0 : index
      %get3A_1393 = tpu.vector_load %arg40[%get3A_1391, %get3A_1392] {strides = array<i32>} : memref<128x128xf32, #tpu.memory_space<vmem>>, vector<1x16xf32>,
      %get3A_1394 = vector.shape_cast %get3A_1393 : vector<1x16xf32> to vector<16xf32>
      %add3A_1395 = arith.addf %add3A_1388, %get3A_1394 : vector<16xf32>
      %add3A_1396 = arith.constant 0 : i32
      %add3A_1397 = arith.addi %add3A_1396, %scan3A_1368 : i32
      %get3A_1398 = arith.index_cast %add3A_1397 : i32 to index
      %get3A_1399 = arith.constant 0 : index
      %get3A_1400 = tpu.vector_load %arg41[%get3A_1398, %get3A_1399] {strides = array<i32>} : memref<128x128xf32, #tpu.memory_space<vmem>>, vector<1x16xf32>,
      %get3A_1401 = vector.shape_cast %get3A_1400 : vector<1x16xf32> to vector<16xf32>
      %add3A_1402 = arith.addf %add3A_1395, %get3A_1401 : vector<16xf32>
      %add3A_1403 = arith.constant 32 : i32
      %add3A_1404 = arith.addi %add3A_1403, %scan3A_1368 : i32
      %get3A_1405 = arith.index_cast %add3A_1404 : i32 to index
      %get3A_1406 = arith.constant 0 : index
      %get3A_1407 = tpu.vector_load %arg41[%get3A_1405, %get3A_1406] {strides = array<i32>} : memref<128x128xf32, #tpu.memory_space<vmem>>, vector<1x16xf32>,
      %get3A_1408 = vector.shape_cast %get3A_1407 : vector<1x16xf32> to vector<16xf32>
      %add3A_1409 = arith.addf %add3A_1402, %get3A_1408 : vector<16xf32>
      %add3A_1410 = arith.constant 64 : i32
      %add3A_1411 = arith.addi %add3A_1410, %scan3A_1368 : i32
      %get3A_1412 = arith.index_cast %add3A_1411 : i32 to index
      %get3A_1413 = arith.constant 0 : index
      %get3A_1414 = tpu.vector_load %arg41[%get3A_1412, %get3A_1413] {strides = array<i32>} : memref<128x128xf32, #tpu.memory_space<vmem>>, vector<1x16xf32>,
      %get3A_1415 = vector.shape_cast %get3A_1414 : vector<1x16xf32> to vector<16xf32>
      %add3A_1416 = arith.addf %add3A_1409, %get3A_1415 : vector<16xf32>
      %add3A_1417 = arith.constant 96 : i32
      %add3A_1418 = arith.addi %add3A_1417, %scan3A_1368 : i32
      %get3A_1419 = arith.index_cast %add3A_1418 : i32 to index
      %get3A_1420 = arith.constant 0 : index
      %get3A_1421 = tpu.vector_load %arg41[%get3A_1419, %get3A_1420] {strides = array<i32>} : memref<128x128xf32, #tpu.memory_space<vmem>>, vector<1x16xf32>,
      %get3A_1422 = vector.shape_cast %get3A_1421 : vector<1x16xf32> to vector<16xf32>
      %add3A_1423 = arith.addf %add3A_1416, %get3A_1422 : vector<16xf32>
      %add3A_1424 = arith.constant 0 : i32
      %add3A_1425 = arith.addi %add3A_1424, %scan3A_1368 : i32
      %get3A_1426 = arith.index_cast %add3A_1425 : i32 to index
      %get3A_1427 = arith.constant 0 : index
      %get3A_1428 = tpu.vector_load %arg42[%get3A_1426, %get3A_1427] {strides = array<i32>} : memref<64x128xf32, #tpu.memory_space<vmem>>, vector<1x16xf32>,
      %get3A_1429 = vector.shape_cast %get3A_1428 : vector<1x16xf32> to vector<16xf32>
      %add3A_1430 = arith.addf %add3A_1423, %get3A_1429 : vector<16xf32>
      %add3A_1431 = arith.constant 32 : i32
      %add3A_1432 = arith.addi %add3A_1431, %scan3A_1368 : i32
      %get3A_1433 = arith.index_cast %add3A_1432 : i32 to index
      %get3A_1434 = arith.constant 0 : index
      %get3A_1435 = tpu.vector_load %arg42[%get3A_1433, %get3A_1434] {strides = array<i32>} : memref<64x128xf32, #tpu.memory_space<vmem>>, vector<1x16xf32>,
      %get3A_1436 = vector.shape_cast %get3A_1435 : vector<1x16xf32> to vector<16xf32>
      %add3A_1437 = arith.addf %add3A_1430, %get3A_1436 : vector<16xf32>
      %mul3A_1438 = arith.constant 1.000000e-01 : f32
      %mul3A_1439 = vector.broadcast %mul3A_1438 : f32 to vector<16xf32>
      %mul3A_1440 = arith.mulf %add3A_1437, %mul3A_1439 : vector<16xf32>
      %swap3A_1441 = arith.index_cast %scan3A_1368 : i32 to index
      %swap3A_1442 = arith.constant 0 : index
      %swap3A_1443 = tpu.vector_load %arg10[%swap3A_1441, %swap3A_1442] {strides = array<i32>} : memref<32x128xf32, #tpu.memory_space<vmem>>, vector<1x16xf32>,
      %swap3A_1444 = vector.shape_cast %swap3A_1443 : vector<1x16xf32> to vector<16xf32>
      %swap3A_1445 = vector.shape_cast %mul3A_1440 : vector<16xf32> to vector<1x16xf32>
      tpu.vector_store %arg10[%swap3A_1441, %swap3A_1442], %swap3A_1445 {strides = array<i32>} : memref<32x128xf32, #tpu.memory_space<vmem>>, vector<1x16xf32>,
      %add3A_1446 = arith.constant 0 : i32
      %add3A_1447 = arith.addi %add3A_1446, %scan3A_1368 : i32
      %get3A_1448 = arith.index_cast %add3A_1447 : i32 to index
      %get3A_1449 = arith.constant 16 : index
      %get3A_1450 = tpu.vector_load %arg40[%get3A_1448, %get3A_1449] {strides = array<i32>} : memref<128x128xf32, #tpu.memory_space<vmem>>, vector<1x16xf32>,
      %get3A_1451 = vector.shape_cast %get3A_1450 : vector<1x16xf32> to vector<16xf32>
      %add3A_1452 = arith.constant 32 : i32
      %add3A_1453 = arith.addi %add3A_1452, %scan3A_1368 : i32
      %get3A_1454 = arith.index_cast %add3A_1453 : i32 to index
      %get3A_1455 = arith.constant 16 : index
      %get3A_1456 = tpu.vector_load %arg40[%get3A_1454, %get3A_1455] {strides = array<i32>} : memref<128x128xf32, #tpu.memory_space<vmem>>, vector<1x16xf32>,
      %get3A_1457 = vector.shape_cast %get3A_1456 : vector<1x16xf32> to vector<16xf32>
      %add3A_1458 = arith.addf %get3A_1451, %get3A_1457 : vector<16xf32>
      %add3A_1459 = arith.constant 64 : i32
      %add3A_1460 = arith.addi %add3A_1459, %scan3A_1368 : i32
      %get3A_1461 = arith.index_cast %add3A_1460 : i32 to index
      %get3A_1462 = arith.constant 16 : index
      %get3A_1463 = tpu.vector_load %arg40[%get3A_1461, %get3A_1462] {strides = array<i32>} : memref<128x128xf32, #tpu.memory_space<vmem>>, vector<1x16xf32>,
      %get3A_1464 = vector.shape_cast %get3A_1463 : vector<1x16xf32> to vector<16xf32>
      %add3A_1465 = arith.addf %add3A_1458, %get3A_1464 : vector<16xf32>
      %add3A_1466 = arith.constant 96 : i32
      %add3A_1467 = arith.addi %add3A_1466, %scan3A_1368 : i32
      %get3A_1468 = arith.index_cast %add3A_1467 : i32 to index
      %get3A_1469 = arith.constant 16 : index
      %get3A_1470 = tpu.vector_load %arg40[%get3A_1468, %get3A_1469] {strides = array<i32>} : memref<128x128xf32, #tpu.memory_space<vmem>>, vector<1x16xf32>,
      %get3A_1471 = vector.shape_cast %get3A_1470 : vector<1x16xf32> to vector<16xf32>
      %add3A_1472 = arith.addf %add3A_1465, %get3A_1471 : vector<16xf32>
      %add3A_1473 = arith.constant 0 : i32
      %add3A_1474 = arith.addi %add3A_1473, %scan3A_1368 : i32
      %get3A_1475 = arith.index_cast %add3A_1474 : i32 to index
      %get3A_1476 = arith.constant 16 : index
      %get3A_1477 = tpu.vector_load %arg41[%get3A_1475, %get3A_1476] {strides = array<i32>} : memref<128x128xf32, #tpu.memory_space<vmem>>, vector<1x16xf32>,
      %get3A_1478 = vector.shape_cast %get3A_1477 : vector<1x16xf32> to vector<16xf32>
      %add3A_1479 = arith.addf %add3A_1472, %get3A_1478 : vector<16xf32>
      %add3A_1480 = arith.constant 32 : i32
      %add3A_1481 = arith.addi %add3A_1480, %scan3A_1368 : i32
      %get3A_1482 = arith.index_cast %add3A_1481 : i32 to index
      %get3A_1483 = arith.constant 16 : index
      %get3A_1484 = tpu.vector_load %arg41[%get3A_1482, %get3A_1483] {strides = array<i32>} : memref<128x128xf32, #tpu.memory_space<vmem>>, vector<1x16xf32>,
      %get3A_1485 = vector.shape_cast %get3A_1484 : vector<1x16xf32> to vector<16xf32>
      %add3A_1486 = arith.addf %add3A_1479, %get3A_1485 : vector<16xf32>
      %add3A_1487 = arith.constant 64 : i32
      %add3A_1488 = arith.addi %add3A_1487, %scan3A_1368 : i32
      %get3A_1489 = arith.index_cast %add3A_1488 : i32 to index
      %get3A_1490 = arith.constant 16 : index
      %get3A_1491 = tpu.vector_load %arg41[%get3A_1489, %get3A_1490] {strides = array<i32>} : memref<128x128xf32, #tpu.memory_space<vmem>>, vector<1x16xf32>,
      %get3A_1492 = vector.shape_cast %get3A_1491 : vector<1x16xf32> to vector<16xf32>
      %add3A_1493 = arith.addf %add3A_1486, %get3A_1492 : vector<16xf32>
      %add3A_1494 = arith.constant 96 : i32
      %add3A_1495 = arith.addi %add3A_1494, %scan3A_1368 : i32
      %get3A_1496 = arith.index_cast %add3A_1495 : i32 to index
      %get3A_1497 = arith.constant 16 : index
      %get3A_1498 = tpu.vector_load %arg41[%get3A_1496, %get3A_1497] {strides = array<i32>} : memref<128x128xf32, #tpu.memory_space<vmem>>, vector<1x16xf32>,
      %get3A_1499 = vector.shape_cast %get3A_1498 : vector<1x16xf32> to vector<16xf32>
      %add3A_1500 = arith.addf %add3A_1493, %get3A_1499 : vector<16xf32>
      %add3A_1501 = arith.constant 0 : i32
      %add3A_1502 = arith.addi %add3A_1501, %scan3A_1368 : i32
      %get3A_1503 = arith.index_cast %add3A_1502 : i32 to index
      %get3A_1504 = arith.constant 16 : index
      %get3A_1505 = tpu.vector_load %arg42[%get3A_1503, %get3A_1504] {strides = array<i32>} : memref<64x128xf32, #tpu.memory_space<vmem>>, vector<1x16xf32>,
      %get3A_1506 = vector.shape_cast %get3A_1505 : vector<1x16xf32> to vector<16xf32>
      %add3A_1507 = arith.addf %add3A_1500, %get3A_1506 : vector<16xf32>
      %add3A_1508 = arith.constant 32 : i32
      %add3A_1509 = arith.addi %add3A_1508, %scan3A_1368 : i32
      %get3A_1510 = arith.index_cast %add3A_1509 : i32 to index
      %get3A_1511 = arith.constant 16 : index
      %get3A_1512 = tpu.vector_load %arg42[%get3A_1510, %get3A_1511] {strides = array<i32>} : memref<64x128xf32, #tpu.memory_space<vmem>>, vector<1x16xf32>,
      %get3A_1513 = vector.shape_cast %get3A_1512 : vector<1x16xf32> to vector<16xf32>
      %add3A_1514 = arith.addf %add3A_1507, %get3A_1513 : vector<16xf32>
      %mul3A_1515 = arith.constant 1.000000e-01 : f32
      %mul3A_1516 = vector.broadcast %mul3A_1515 : f32 to vector<16xf32>
      %mul3A_1517 = arith.mulf %add3A_1514, %mul3A_1516 : vector<16xf32>
      %swap3A_1518 = arith.index_cast %scan3A_1368 : i32 to index
      %swap3A_1519 = arith.constant 16 : index
      %swap3A_1520 = tpu.vector_load %arg10[%swap3A_1518, %swap3A_1519] {strides = array<i32>} : memref<32x128xf32, #tpu.memory_space<vmem>>, vector<1x16xf32>,
      %swap3A_1521 = vector.shape_cast %swap3A_1520 : vector<1x16xf32> to vector<16xf32>
      %swap3A_1522 = vector.shape_cast %mul3A_1517 : vector<16xf32> to vector<1x16xf32>
      tpu.vector_store %arg10[%swap3A_1518, %swap3A_1519], %swap3A_1522 {strides = array<i32>} : memref<32x128xf32, #tpu.memory_space<vmem>>, vector<1x16xf32>,
      %add3A_1523 = arith.constant 0 : i32
      %add3A_1524 = arith.addi %add3A_1523, %scan3A_1368 : i32
      %get3A_1525 = arith.index_cast %add3A_1524 : i32 to index
      %get3A_1526 = arith.constant 32 : index
      %get3A_1527 = tpu.vector_load %arg40[%get3A_1525, %get3A_1526] {strides = array<i32>} : memref<128x128xf32, #tpu.memory_space<vmem>>, vector<1x16xf32>,
      %get3A_1528 = vector.shape_cast %get3A_1527 : vector<1x16xf32> to vector<16xf32>
      %add3A_1529 = arith.constant 32 : i32
      %add3A_1530 = arith.addi %add3A_1529, %scan3A_1368 : i32
      %get3A_1531 = arith.index_cast %add3A_1530 : i32 to index
      %get3A_1532 = arith.constant 32 : index
      %get3A_1533 = tpu.vector_load %arg40[%get3A_1531, %get3A_1532] {strides = array<i32>} : memref<128x128xf32, #tpu.memory_space<vmem>>, vector<1x16xf32>,
      %get3A_1534 = vector.shape_cast %get3A_1533 : vector<1x16xf32> to vector<16xf32>
      %add3A_1535 = arith.addf %get3A_1528, %get3A_1534 : vector<16xf32>
      %add3A_1536 = arith.constant 64 : i32
      %add3A_1537 = arith.addi %add3A_1536, %scan3A_1368 : i32
      %get3A_1538 = arith.index_cast %add3A_1537 : i32 to index
      %get3A_1539 = arith.constant 32 : index
      %get3A_1540 = tpu.vector_load %arg40[%get3A_1538, %get3A_1539] {strides = array<i32>} : memref<128x128xf32, #tpu.memory_space<vmem>>, vector<1x16xf32>,
      %get3A_1541 = vector.shape_cast %get3A_1540 : vector<1x16xf32> to vector<16xf32>
      %add3A_1542 = arith.addf %add3A_1535, %get3A_1541 : vector<16xf32>
      %add3A_1543 = arith.constant 96 : i32
      %add3A_1544 = arith.addi %add3A_1543, %scan3A_1368 : i32
      %get3A_1545 = arith.index_cast %add3A_1544 : i32 to index
      %get3A_1546 = arith.constant 32 : index
      %get3A_1547 = tpu.vector_load %arg40[%get3A_1545, %get3A_1546] {strides = array<i32>} : memref<128x128xf32, #tpu.memory_space<vmem>>, vector<1x16xf32>,
      %get3A_1548 = vector.shape_cast %get3A_1547 : vector<1x16xf32> to vector<16xf32>
      %add3A_1549 = arith.addf %add3A_1542, %get3A_1548 : vector<16xf32>
      %add3A_1550 = arith.constant 0 : i32
      %add3A_1551 = arith.addi %add3A_1550, %scan3A_1368 : i32
      %get3A_1552 = arith.index_cast %add3A_1551 : i32 to index
      %get3A_1553 = arith.constant 32 : index
      %get3A_1554 = tpu.vector_load %arg41[%get3A_1552, %get3A_1553] {strides = array<i32>} : memref<128x128xf32, #tpu.memory_space<vmem>>, vector<1x16xf32>,
      %get3A_1555 = vector.shape_cast %get3A_1554 : vector<1x16xf32> to vector<16xf32>
      %add3A_1556 = arith.addf %add3A_1549, %get3A_1555 : vector<16xf32>
      %add3A_1557 = arith.constant 32 : i32
      %add3A_1558 = arith.addi %add3A_1557, %scan3A_1368 : i32
      %get3A_1559 = arith.index_cast %add3A_1558 : i32 to index
      %get3A_1560 = arith.constant 32 : index
      %get3A_1561 = tpu.vector_load %arg41[%get3A_1559, %get3A_1560] {strides = array<i32>} : memref<128x128xf32, #tpu.memory_space<vmem>>, vector<1x16xf32>,
      %get3A_1562 = vector.shape_cast %get3A_1561 : vector<1x16xf32> to vector<16xf32>
      %add3A_1563 = arith.addf %add3A_1556, %get3A_1562 : vector<16xf32>
      %add3A_1564 = arith.constant 64 : i32
      %add3A_1565 = arith.addi %add3A_1564, %scan3A_1368 : i32
      %get3A_1566 = arith.index_cast %add3A_1565 : i32 to index
      %get3A_1567 = arith.constant 32 : index
      %get3A_1568 = tpu.vector_load %arg41[%get3A_1566, %get3A_1567] {strides = array<i32>} : memref<128x128xf32, #tpu.memory_space<vmem>>, vector<1x16xf32>,
      %get3A_1569 = vector.shape_cast %get3A_1568 : vector<1x16xf32> to vector<16xf32>
      %add3A_1570 = arith.addf %add3A_1563, %get3A_1569 : vector<16xf32>
      %add3A_1571 = arith.constant 96 : i32
      %add3A_1572 = arith.addi %add3A_1571, %scan3A_1368 : i32
      %get3A_1573 = arith.index_cast %add3A_1572 : i32 to index
      %get3A_1574 = arith.constant 32 : index
      %get3A_1575 = tpu.vector_load %arg41[%get3A_1573, %get3A_1574] {strides = array<i32>} : memref<128x128xf32, #tpu.memory_space<vmem>>, vector<1x16xf32>,
      %get3A_1576 = vector.shape_cast %get3A_1575 : vector<1x16xf32> to vector<16xf32>
      %add3A_1577 = arith.addf %add3A_1570, %get3A_1576 : vector<16xf32>
      %add3A_1578 = arith.constant 0 : i32
      %add3A_1579 = arith.addi %add3A_1578, %scan3A_1368 : i32
      %get3A_1580 = arith.index_cast %add3A_1579 : i32 to index
      %get3A_1581 = arith.constant 32 : index
      %get3A_1582 = tpu.vector_load %arg42[%get3A_1580, %get3A_1581] {strides = array<i32>} : memref<64x128xf32, #tpu.memory_space<vmem>>, vector<1x16xf32>,
      %get3A_1583 = vector.shape_cast %get3A_1582 : vector<1x16xf32> to vector<16xf32>
      %add3A_1584 = arith.addf %add3A_1577, %get3A_1583 : vector<16xf32>
      %add3A_1585 = arith.constant 32 : i32
      %add3A_1586 = arith.addi %add3A_1585, %scan3A_1368 : i32
      %get3A_1587 = arith.index_cast %add3A_1586 : i32 to index
      %get3A_1588 = arith.constant 32 : index
      %get3A_1589 = tpu.vector_load %arg42[%get3A_1587, %get3A_1588] {strides = array<i32>} : memref<64x128xf32, #tpu.memory_space<vmem>>, vector<1x16xf32>,
      %get3A_1590 = vector.shape_cast %get3A_1589 : vector<1x16xf32> to vector<16xf32>
      %add3A_1591 = arith.addf %add3A_1584, %get3A_1590 : vector<16xf32>
      %mul3A_1592 = arith.constant 1.000000e-01 : f32
      %mul3A_1593 = vector.broadcast %mul3A_1592 : f32 to vector<16xf32>
      %mul3A_1594 = arith.mulf %add3A_1591, %mul3A_1593 : vector<16xf32>
      %swap3A_1595 = arith.index_cast %scan3A_1368 : i32 to index
      %swap3A_1596 = arith.constant 32 : index
      %swap3A_1597 = tpu.vector_load %arg10[%swap3A_1595, %swap3A_1596] {strides = array<i32>} : memref<32x128xf32, #tpu.memory_space<vmem>>, vector<1x16xf32>,
      %swap3A_1598 = vector.shape_cast %swap3A_1597 : vector<1x16xf32> to vector<16xf32>
      %swap3A_1599 = vector.shape_cast %mul3A_1594 : vector<16xf32> to vector<1x16xf32>
      tpu.vector_store %arg10[%swap3A_1595, %swap3A_1596], %swap3A_1599 {strides = array<i32>} : memref<32x128xf32, #tpu.memory_space<vmem>>, vector<1x16xf32>,
      %add3A_1600 = arith.constant 0 : i32
      %add3A_1601 = arith.addi %add3A_1600, %scan3A_1368 : i32
      %get3A_1602 = arith.index_cast %add3A_1601 : i32 to index
      %get3A_1603 = arith.constant 48 : index
      %get3A_1604 = tpu.vector_load %arg40[%get3A_1602, %get3A_1603] {strides = array<i32>} : memref<128x128xf32, #tpu.memory_space<vmem>>, vector<1x16xf32>,
      %get3A_1605 = vector.shape_cast %get3A_1604 : vector<1x16xf32> to vector<16xf32>
      %add3A_1606 = arith.constant 32 : i32
      %add3A_1607 = arith.addi %add3A_1606, %scan3A_1368 : i32
      %get3A_1608 = arith.index_cast %add3A_1607 : i32 to index
      %get3A_1609 = arith.constant 48 : index
      %get3A_1610 = tpu.vector_load %arg40[%get3A_1608, %get3A_1609] {strides = array<i32>} : memref<128x128xf32, #tpu.memory_space<vmem>>, vector<1x16xf32>,
      %get3A_1611 = vector.shape_cast %get3A_1610 : vector<1x16xf32> to vector<16xf32>
      %add3A_1612 = arith.addf %get3A_1605, %get3A_1611 : vector<16xf32>
      %add3A_1613 = arith.constant 64 : i32
      %add3A_1614 = arith.addi %add3A_1613, %scan3A_1368 : i32
      %get3A_1615 = arith.index_cast %add3A_1614 : i32 to index
      %get3A_1616 = arith.constant 48 : index
      %get3A_1617 = tpu.vector_load %arg40[%get3A_1615, %get3A_1616] {strides = array<i32>} : memref<128x128xf32, #tpu.memory_space<vmem>>, vector<1x16xf32>,
      %get3A_1618 = vector.shape_cast %get3A_1617 : vector<1x16xf32> to vector<16xf32>
      %add3A_1619 = arith.addf %add3A_1612, %get3A_1618 : vector<16xf32>
      %add3A_1620 = arith.constant 96 : i32
      %add3A_1621 = arith.addi %add3A_1620, %scan3A_1368 : i32
      %get3A_1622 = arith.index_cast %add3A_1621 : i32 to index
      %get3A_1623 = arith.constant 48 : index
      %get3A_1624 = tpu.vector_load %arg40[%get3A_1622, %get3A_1623] {strides = array<i32>} : memref<128x128xf32, #tpu.memory_space<vmem>>, vector<1x16xf32>,
      %get3A_1625 = vector.shape_cast %get3A_1624 : vector<1x16xf32> to vector<16xf32>
      %add3A_1626 = arith.addf %add3A_1619, %get3A_1625 : vector<16xf32>
      %add3A_1627 = arith.constant 0 : i32
      %add3A_1628 = arith.addi %add3A_1627, %scan3A_1368 : i32
      %get3A_1629 = arith.index_cast %add3A_1628 : i32 to index
      %get3A_1630 = arith.constant 48 : index
      %get3A_1631 = tpu.vector_load %arg41[%get3A_1629, %get3A_1630] {strides = array<i32>} : memref<128x128xf32, #tpu.memory_space<vmem>>, vector<1x16xf32>,
      %get3A_1632 = vector.shape_cast %get3A_1631 : vector<1x16xf32> to vector<16xf32>
      %add3A_1633 = arith.addf %add3A_1626, %get3A_1632 : vector<16xf32>
      %add3A_1634 = arith.constant 32 : i32
      %add3A_1635 = arith.addi %add3A_1634, %scan3A_1368 : i32
      %get3A_1636 = arith.index_cast %add3A_1635 : i32 to index
      %get3A_1637 = arith.constant 48 : index
      %get3A_1638 = tpu.vector_load %arg41[%get3A_1636, %get3A_1637] {strides = array<i32>} : memref<128x128xf32, #tpu.memory_space<vmem>>, vector<1x16xf32>,
      %get3A_1639 = vector.shape_cast %get3A_1638 : vector<1x16xf32> to vector<16xf32>
      %add3A_1640 = arith.addf %add3A_1633, %get3A_1639 : vector<16xf32>
      %add3A_1641 = arith.constant 64 : i32
      %add3A_1642 = arith.addi %add3A_1641, %scan3A_1368 : i32
      %get3A_1643 = arith.index_cast %add3A_1642 : i32 to index
      %get3A_1644 = arith.constant 48 : index
      %get3A_1645 = tpu.vector_load %arg41[%get3A_1643, %get3A_1644] {strides = array<i32>} : memref<128x128xf32, #tpu.memory_space<vmem>>, vector<1x16xf32>,
      %get3A_1646 = vector.shape_cast %get3A_1645 : vector<1x16xf32> to vector<16xf32>
      %add3A_1647 = arith.addf %add3A_1640, %get3A_1646 : vector<16xf32>
      %add3A_1648 = arith.constant 96 : i32
      %add3A_1649 = arith.addi %add3A_1648, %scan3A_1368 : i32
      %get3A_1650 = arith.index_cast %add3A_1649 : i32 to index
      %get3A_1651 = arith.constant 48 : index
      %get3A_1652 = tpu.vector_load %arg41[%get3A_1650, %get3A_1651] {strides = array<i32>} : memref<128x128xf32, #tpu.memory_space<vmem>>, vector<1x16xf32>,
      %get3A_1653 = vector.shape_cast %get3A_1652 : vector<1x16xf32> to vector<16xf32>
      %add3A_1654 = arith.addf %add3A_1647, %get3A_1653 : vector<16xf32>
      %add3A_1655 = arith.constant 0 : i32
      %add3A_1656 = arith.addi %add3A_1655, %scan3A_1368 : i32
      %get3A_1657 = arith.index_cast %add3A_1656 : i32 to index
      %get3A_1658 = arith.constant 48 : index
      %get3A_1659 = tpu.vector_load %arg42[%get3A_1657, %get3A_1658] {strides = array<i32>} : memref<64x128xf32, #tpu.memory_space<vmem>>, vector<1x16xf32>,
      %get3A_1660 = vector.shape_cast %get3A_1659 : vector<1x16xf32> to vector<16xf32>
      %add3A_1661 = arith.addf %add3A_1654, %get3A_1660 : vector<16xf32>
      %add3A_1662 = arith.constant 32 : i32
      %add3A_1663 = arith.addi %add3A_1662, %scan3A_1368 : i32
      %get3A_1664 = arith.index_cast %add3A_1663 : i32 to index
      %get3A_1665 = arith.constant 48 : index
      %get3A_1666 = tpu.vector_load %arg42[%get3A_1664, %get3A_1665] {strides = array<i32>} : memref<64x128xf32, #tpu.memory_space<vmem>>, vector<1x16xf32>,
      %get3A_1667 = vector.shape_cast %get3A_1666 : vector<1x16xf32> to vector<16xf32>
      %add3A_1668 = arith.addf %add3A_1661, %get3A_1667 : vector<16xf32>
      %mul3A_1669 = arith.constant 1.000000e-01 : f32
      %mul3A_1670 = vector.broadcast %mul3A_1669 : f32 to vector<16xf32>
      %mul3A_1671 = arith.mulf %add3A_1668, %mul3A_1670 : vector<16xf32>
      %swap3A_1672 = arith.index_cast %scan3A_1368 : i32 to index
      %swap3A_1673 = arith.constant 48 : index
      %swap3A_1674 = tpu.vector_load %arg10[%swap3A_1672, %swap3A_1673] {strides = array<i32>} : memref<32x128xf32, #tpu.memory_space<vmem>>, vector<1x16xf32>,
      %swap3A_1675 = vector.shape_cast %swap3A_1674 : vector<1x16xf32> to vector<16xf32>
      %swap3A_1676 = vector.shape_cast %mul3A_1671 : vector<16xf32> to vector<1x16xf32>
      tpu.vector_store %arg10[%swap3A_1672, %swap3A_1673], %swap3A_1676 {strides = array<i32>} : memref<32x128xf32, #tpu.memory_space<vmem>>, vector<1x16xf32>,
      %add3A_1677 = arith.constant 0 : i32
      %add3A_1678 = arith.addi %add3A_1677, %scan3A_1368 : i32
      %get3A_1679 = arith.index_cast %add3A_1678 : i32 to index
      %get3A_1680 = arith.constant 64 : index
      %get3A_1681 = tpu.vector_load %arg40[%get3A_1679, %get3A_1680] {strides = array<i32>} : memref<128x128xf32, #tpu.memory_space<vmem>>, vector<1x16xf32>,
      %get3A_1682 = vector.shape_cast %get3A_1681 : vector<1x16xf32> to vector<16xf32>
      %add3A_1683 = arith.constant 32 : i32
      %add3A_1684 = arith.addi %add3A_1683, %scan3A_1368 : i32
      %get3A_1685 = arith.index_cast %add3A_1684 : i32 to index
      %get3A_1686 = arith.constant 64 : index
      %get3A_1687 = tpu.vector_load %arg40[%get3A_1685, %get3A_1686] {strides = array<i32>} : memref<128x128xf32, #tpu.memory_space<vmem>>, vector<1x16xf32>,
      %get3A_1688 = vector.shape_cast %get3A_1687 : vector<1x16xf32> to vector<16xf32>
      %add3A_1689 = arith.addf %get3A_1682, %get3A_1688 : vector<16xf32>
      %add3A_1690 = arith.constant 64 : i32
      %add3A_1691 = arith.addi %add3A_1690, %scan3A_1368 : i32
      %get3A_1692 = arith.index_cast %add3A_1691 : i32 to index
      %get3A_1693 = arith.constant 64 : index
      %get3A_1694 = tpu.vector_load %arg40[%get3A_1692, %get3A_1693] {strides = array<i32>} : memref<128x128xf32, #tpu.memory_space<vmem>>, vector<1x16xf32>,
      %get3A_1695 = vector.shape_cast %get3A_1694 : vector<1x16xf32> to vector<16xf32>
      %add3A_1696 = arith.addf %add3A_1689, %get3A_1695 : vector<16xf32>
      %add3A_1697 = arith.constant 96 : i32
      %add3A_1698 = arith.addi %add3A_1697, %scan3A_1368 : i32
      %get3A_1699 = arith.index_cast %add3A_1698 : i32 to index
      %get3A_1700 = arith.constant 64 : index
      %get3A_1701 = tpu.vector_load %arg40[%get3A_1699, %get3A_1700] {strides = array<i32>} : memref<128x128xf32, #tpu.memory_space<vmem>>, vector<1x16xf32>,
      %get3A_1702 = vector.shape_cast %get3A_1701 : vector<1x16xf32> to vector<16xf32>
      %add3A_1703 = arith.addf %add3A_1696, %get3A_1702 : vector<16xf32>
      %add3A_1704 = arith.constant 0 : i32
      %add3A_1705 = arith.addi %add3A_1704, %scan3A_1368 : i32
      %get3A_1706 = arith.index_cast %add3A_1705 : i32 to index
      %get3A_1707 = arith.constant 64 : index
      %get3A_1708 = tpu.vector_load %arg41[%get3A_1706, %get3A_1707] {strides = array<i32>} : memref<128x128xf32, #tpu.memory_space<vmem>>, vector<1x16xf32>,
      %get3A_1709 = vector.shape_cast %get3A_1708 : vector<1x16xf32> to vector<16xf32>
      %add3A_1710 = arith.addf %add3A_1703, %get3A_1709 : vector<16xf32>
      %add3A_1711 = arith.constant 32 : i32
      %add3A_1712 = arith.addi %add3A_1711, %scan3A_1368 : i32
      %get3A_1713 = arith.index_cast %add3A_1712 : i32 to index
      %get3A_1714 = arith.constant 64 : index
      %get3A_1715 = tpu.vector_load %arg41[%get3A_1713, %get3A_1714] {strides = array<i32>} : memref<128x128xf32, #tpu.memory_space<vmem>>, vector<1x16xf32>,
      %get3A_1716 = vector.shape_cast %get3A_1715 : vector<1x16xf32> to vector<16xf32>
      %add3A_1717 = arith.addf %add3A_1710, %get3A_1716 : vector<16xf32>
      %add3A_1718 = arith.constant 64 : i32
      %add3A_1719 = arith.addi %add3A_1718, %scan3A_1368 : i32
      %get3A_1720 = arith.index_cast %add3A_1719 : i32 to index
      %get3A_1721 = arith.constant 64 : index
      %get3A_1722 = tpu.vector_load %arg41[%get3A_1720, %get3A_1721] {strides = array<i32>} : memref<128x128xf32, #tpu.memory_space<vmem>>, vector<1x16xf32>,
      %get3A_1723 = vector.shape_cast %get3A_1722 : vector<1x16xf32> to vector<16xf32>
      %add3A_1724 = arith.addf %add3A_1717, %get3A_1723 : vector<16xf32>
      %add3A_1725 = arith.constant 96 : i32
      %add3A_1726 = arith.addi %add3A_1725, %scan3A_1368 : i32
      %get3A_1727 = arith.index_cast %add3A_1726 : i32 to index
      %get3A_1728 = arith.constant 64 : index
      %get3A_1729 = tpu.vector_load %arg41[%get3A_1727, %get3A_1728] {strides = array<i32>} : memref<128x128xf32, #tpu.memory_space<vmem>>, vector<1x16xf32>,
      %get3A_1730 = vector.shape_cast %get3A_1729 : vector<1x16xf32> to vector<16xf32>
      %add3A_1731 = arith.addf %add3A_1724, %get3A_1730 : vector<16xf32>
      %add3A_1732 = arith.constant 0 : i32
      %add3A_1733 = arith.addi %add3A_1732, %scan3A_1368 : i32
      %get3A_1734 = arith.index_cast %add3A_1733 : i32 to index
      %get3A_1735 = arith.constant 64 : index
      %get3A_1736 = tpu.vector_load %arg42[%get3A_1734, %get3A_1735] {strides = array<i32>} : memref<64x128xf32, #tpu.memory_space<vmem>>, vector<1x16xf32>,
      %get3A_1737 = vector.shape_cast %get3A_1736 : vector<1x16xf32> to vector<16xf32>
      %add3A_1738 = arith.addf %add3A_1731, %get3A_1737 : vector<16xf32>
      %add3A_1739 = arith.constant 32 : i32
      %add3A_1740 = arith.addi %add3A_1739, %scan3A_1368 : i32
      %get3A_1741 = arith.index_cast %add3A_1740 : i32 to index
      %get3A_1742 = arith.constant 64 : index
      %get3A_1743 = tpu.vector_load %arg42[%get3A_1741, %get3A_1742] {strides = array<i32>} : memref<64x128xf32, #tpu.memory_space<vmem>>, vector<1x16xf32>,
      %get3A_1744 = vector.shape_cast %get3A_1743 : vector<1x16xf32> to vector<16xf32>
      %add3A_1745 = arith.addf %add3A_1738, %get3A_1744 : vector<16xf32>
      %mul3A_1746 = arith.constant 1.000000e-01 : f32
      %mul3A_1747 = vector.broadcast %mul3A_1746 : f32 to vector<16xf32>
      %mul3A_1748 = arith.mulf %add3A_1745, %mul3A_1747 : vector<16xf32>
      %swap3A_1749 = arith.index_cast %scan3A_1368 : i32 to index
      %swap3A_1750 = arith.constant 64 : index
      %swap3A_1751 = tpu.vector_load %arg10[%swap3A_1749, %swap3A_1750] {strides = array<i32>} : memref<32x128xf32, #tpu.memory_space<vmem>>, vector<1x16xf32>,
      %swap3A_1752 = vector.shape_cast %swap3A_1751 : vector<1x16xf32> to vector<16xf32>
      %swap3A_1753 = vector.shape_cast %mul3A_1748 : vector<16xf32> to vector<1x16xf32>
      tpu.vector_store %arg10[%swap3A_1749, %swap3A_1750], %swap3A_1753 {strides = array<i32>} : memref<32x128xf32, #tpu.memory_space<vmem>>, vector<1x16xf32>,
      %add3A_1754 = arith.constant 0 : i32
      %add3A_1755 = arith.addi %add3A_1754, %scan3A_1368 : i32
      %get3A_1756 = arith.index_cast %add3A_1755 : i32 to index
      %get3A_1757 = arith.constant 80 : index
      %get3A_1758 = tpu.vector_load %arg40[%get3A_1756, %get3A_1757] {strides = array<i32>} : memref<128x128xf32, #tpu.memory_space<vmem>>, vector<1x16xf32>,
      %get3A_1759 = vector.shape_cast %get3A_1758 : vector<1x16xf32> to vector<16xf32>
      %add3A_1760 = arith.constant 32 : i32
      %add3A_1761 = arith.addi %add3A_1760, %scan3A_1368 : i32
      %get3A_1762 = arith.index_cast %add3A_1761 : i32 to index
      %get3A_1763 = arith.constant 80 : index
      %get3A_1764 = tpu.vector_load %arg40[%get3A_1762, %get3A_1763] {strides = array<i32>} : memref<128x128xf32, #tpu.memory_space<vmem>>, vector<1x16xf32>,
      %get3A_1765 = vector.shape_cast %get3A_1764 : vector<1x16xf32> to vector<16xf32>
      %add3A_1766 = arith.addf %get3A_1759, %get3A_1765 : vector<16xf32>
      %add3A_1767 = arith.constant 64 : i32
      %add3A_1768 = arith.addi %add3A_1767, %scan3A_1368 : i32
      %get3A_1769 = arith.index_cast %add3A_1768 : i32 to index
      %get3A_1770 = arith.constant 80 : index
      %get3A_1771 = tpu.vector_load %arg40[%get3A_1769, %get3A_1770] {strides = array<i32>} : memref<128x128xf32, #tpu.memory_space<vmem>>, vector<1x16xf32>,
      %get3A_1772 = vector.shape_cast %get3A_1771 : vector<1x16xf32> to vector<16xf32>
      %add3A_1773 = arith.addf %add3A_1766, %get3A_1772 : vector<16xf32>
      %add3A_1774 = arith.constant 96 : i32
      %add3A_1775 = arith.addi %add3A_1774, %scan3A_1368 : i32
      %get3A_1776 = arith.index_cast %add3A_1775 : i32 to index
      %get3A_1777 = arith.constant 80 : index
      %get3A_1778 = tpu.vector_load %arg40[%get3A_1776, %get3A_1777] {strides = array<i32>} : memref<128x128xf32, #tpu.memory_space<vmem>>, vector<1x16xf32>,
      %get3A_1779 = vector.shape_cast %get3A_1778 : vector<1x16xf32> to vector<16xf32>
      %add3A_1780 = arith.addf %add3A_1773, %get3A_1779 : vector<16xf32>
      %add3A_1781 = arith.constant 0 : i32
      %add3A_1782 = arith.addi %add3A_1781, %scan3A_1368 : i32
      %get3A_1783 = arith.index_cast %add3A_1782 : i32 to index
      %get3A_1784 = arith.constant 80 : index
      %get3A_1785 = tpu.vector_load %arg41[%get3A_1783, %get3A_1784] {strides = array<i32>} : memref<128x128xf32, #tpu.memory_space<vmem>>, vector<1x16xf32>,
      %get3A_1786 = vector.shape_cast %get3A_1785 : vector<1x16xf32> to vector<16xf32>
      %add3A_1787 = arith.addf %add3A_1780, %get3A_1786 : vector<16xf32>
      %add3A_1788 = arith.constant 32 : i32
      %add3A_1789 = arith.addi %add3A_1788, %scan3A_1368 : i32
      %get3A_1790 = arith.index_cast %add3A_1789 : i32 to index
      %get3A_1791 = arith.constant 80 : index
      %get3A_1792 = tpu.vector_load %arg41[%get3A_1790, %get3A_1791] {strides = array<i32>} : memref<128x128xf32, #tpu.memory_space<vmem>>, vector<1x16xf32>,
      %get3A_1793 = vector.shape_cast %get3A_1792 : vector<1x16xf32> to vector<16xf32>
      %add3A_1794 = arith.addf %add3A_1787, %get3A_1793 : vector<16xf32>
      %add3A_1795 = arith.constant 64 : i32
      %add3A_1796 = arith.addi %add3A_1795, %scan3A_1368 : i32
      %get3A_1797 = arith.index_cast %add3A_1796 : i32 to index
      %get3A_1798 = arith.constant 80 : index
      %get3A_1799 = tpu.vector_load %arg41[%get3A_1797, %get3A_1798] {strides = array<i32>} : memref<128x128xf32, #tpu.memory_space<vmem>>, vector<1x16xf32>,
      %get3A_1800 = vector.shape_cast %get3A_1799 : vector<1x16xf32> to vector<16xf32>
      %add3A_1801 = arith.addf %add3A_1794, %get3A_1800 : vector<16xf32>
      %add3A_1802 = arith.constant 96 : i32
      %add3A_1803 = arith.addi %add3A_1802, %scan3A_1368 : i32
      %get3A_1804 = arith.index_cast %add3A_1803 : i32 to index
      %get3A_1805 = arith.constant 80 : index
      %get3A_1806 = tpu.vector_load %arg41[%get3A_1804, %get3A_1805] {strides = array<i32>} : memref<128x128xf32, #tpu.memory_space<vmem>>, vector<1x16xf32>,
      %get3A_1807 = vector.shape_cast %get3A_1806 : vector<1x16xf32> to vector<16xf32>
      %add3A_1808 = arith.addf %add3A_1801, %get3A_1807 : vector<16xf32>
      %add3A_1809 = arith.constant 0 : i32
      %add3A_1810 = arith.addi %add3A_1809, %scan3A_1368 : i32
      %get3A_1811 = arith.index_cast %add3A_1810 : i32 to index
      %get3A_1812 = arith.constant 80 : index
      %get3A_1813 = tpu.vector_load %arg42[%get3A_1811, %get3A_1812] {strides = array<i32>} : memref<64x128xf32, #tpu.memory_space<vmem>>, vector<1x16xf32>,
      %get3A_1814 = vector.shape_cast %get3A_1813 : vector<1x16xf32> to vector<16xf32>
      %add3A_1815 = arith.addf %add3A_1808, %get3A_1814 : vector<16xf32>
      %add3A_1816 = arith.constant 32 : i32
      %add3A_1817 = arith.addi %add3A_1816, %scan3A_1368 : i32
      %get3A_1818 = arith.index_cast %add3A_1817 : i32 to index
      %get3A_1819 = arith.constant 80 : index
      %get3A_1820 = tpu.vector_load %arg42[%get3A_1818, %get3A_1819] {strides = array<i32>} : memref<64x128xf32, #tpu.memory_space<vmem>>, vector<1x16xf32>,
      %get3A_1821 = vector.shape_cast %get3A_1820 : vector<1x16xf32> to vector<16xf32>
      %add3A_1822 = arith.addf %add3A_1815, %get3A_1821 : vector<16xf32>
      %mul3A_1823 = arith.constant 1.000000e-01 : f32
      %mul3A_1824 = vector.broadcast %mul3A_1823 : f32 to vector<16xf32>
      %mul3A_1825 = arith.mulf %add3A_1822, %mul3A_1824 : vector<16xf32>
      %swap3A_1826 = arith.index_cast %scan3A_1368 : i32 to index
      %swap3A_1827 = arith.constant 80 : index
      %swap3A_1828 = tpu.vector_load %arg10[%swap3A_1826, %swap3A_1827] {strides = array<i32>} : memref<32x128xf32, #tpu.memory_space<vmem>>, vector<1x16xf32>,
      %swap3A_1829 = vector.shape_cast %swap3A_1828 : vector<1x16xf32> to vector<16xf32>
      %swap3A_1830 = vector.shape_cast %mul3A_1825 : vector<16xf32> to vector<1x16xf32>
      tpu.vector_store %arg10[%swap3A_1826, %swap3A_1827], %swap3A_1830 {strides = array<i32>} : memref<32x128xf32, #tpu.memory_space<vmem>>, vector<1x16xf32>,
      %add3A_1831 = arith.constant 0 : i32
      %add3A_1832 = arith.addi %add3A_1831, %scan3A_1368 : i32
      %get3A_1833 = arith.index_cast %add3A_1832 : i32 to index
      %get3A_1834 = arith.constant 96 : index
      %get3A_1835 = tpu.vector_load %arg40[%get3A_1833, %get3A_1834] {strides = array<i32>} : memref<128x128xf32, #tpu.memory_space<vmem>>, vector<1x16xf32>,
      %get3A_1836 = vector.shape_cast %get3A_1835 : vector<1x16xf32> to vector<16xf32>
      %add3A_1837 = arith.constant 32 : i32
      %add3A_1838 = arith.addi %add3A_1837, %scan3A_1368 : i32
      %get3A_1839 = arith.index_cast %add3A_1838 : i32 to index
      %get3A_1840 = arith.constant 96 : index
      %get3A_1841 = tpu.vector_load %arg40[%get3A_1839, %get3A_1840] {strides = array<i32>} : memref<128x128xf32, #tpu.memory_space<vmem>>, vector<1x16xf32>,
      %get3A_1842 = vector.shape_cast %get3A_1841 : vector<1x16xf32> to vector<16xf32>
      %add3A_1843 = arith.addf %get3A_1836, %get3A_1842 : vector<16xf32>
      %add3A_1844 = arith.constant 64 : i32
      %add3A_1845 = arith.addi %add3A_1844, %scan3A_1368 : i32
      %get3A_1846 = arith.index_cast %add3A_1845 : i32 to index
      %get3A_1847 = arith.constant 96 : index
      %get3A_1848 = tpu.vector_load %arg40[%get3A_1846, %get3A_1847] {strides = array<i32>} : memref<128x128xf32, #tpu.memory_space<vmem>>, vector<1x16xf32>,
      %get3A_1849 = vector.shape_cast %get3A_1848 : vector<1x16xf32> to vector<16xf32>
      %add3A_1850 = arith.addf %add3A_1843, %get3A_1849 : vector<16xf32>
      %add3A_1851 = arith.constant 96 : i32
      %add3A_1852 = arith.addi %add3A_1851, %scan3A_1368 : i32
      %get3A_1853 = arith.index_cast %add3A_1852 : i32 to index
      %get3A_1854 = arith.constant 96 : index
      %get3A_1855 = tpu.vector_load %arg40[%get3A_1853, %get3A_1854] {strides = array<i32>} : memref<128x128xf32, #tpu.memory_space<vmem>>, vector<1x16xf32>,
      %get3A_1856 = vector.shape_cast %get3A_1855 : vector<1x16xf32> to vector<16xf32>
      %add3A_1857 = arith.addf %add3A_1850, %get3A_1856 : vector<16xf32>
      %add3A_1858 = arith.constant 0 : i32
      %add3A_1859 = arith.addi %add3A_1858, %scan3A_1368 : i32
      %get3A_1860 = arith.index_cast %add3A_1859 : i32 to index
      %get3A_1861 = arith.constant 96 : index
      %get3A_1862 = tpu.vector_load %arg41[%get3A_1860, %get3A_1861] {strides = array<i32>} : memref<128x128xf32, #tpu.memory_space<vmem>>, vector<1x16xf32>,
      %get3A_1863 = vector.shape_cast %get3A_1862 : vector<1x16xf32> to vector<16xf32>
      %add3A_1864 = arith.addf %add3A_1857, %get3A_1863 : vector<16xf32>
      %add3A_1865 = arith.constant 32 : i32
      %add3A_1866 = arith.addi %add3A_1865, %scan3A_1368 : i32
      %get3A_1867 = arith.index_cast %add3A_1866 : i32 to index
      %get3A_1868 = arith.constant 96 : index
      %get3A_1869 = tpu.vector_load %arg41[%get3A_1867, %get3A_1868] {strides = array<i32>} : memref<128x128xf32, #tpu.memory_space<vmem>>, vector<1x16xf32>,
      %get3A_1870 = vector.shape_cast %get3A_1869 : vector<1x16xf32> to vector<16xf32>
      %add3A_1871 = arith.addf %add3A_1864, %get3A_1870 : vector<16xf32>
      %add3A_1872 = arith.constant 64 : i32
      %add3A_1873 = arith.addi %add3A_1872, %scan3A_1368 : i32
      %get3A_1874 = arith.index_cast %add3A_1873 : i32 to index
      %get3A_1875 = arith.constant 96 : index
      %get3A_1876 = tpu.vector_load %arg41[%get3A_1874, %get3A_1875] {strides = array<i32>} : memref<128x128xf32, #tpu.memory_space<vmem>>, vector<1x16xf32>,
      %get3A_1877 = vector.shape_cast %get3A_1876 : vector<1x16xf32> to vector<16xf32>
      %add3A_1878 = arith.addf %add3A_1871, %get3A_1877 : vector<16xf32>
      %add3A_1879 = arith.constant 96 : i32
      %add3A_1880 = arith.addi %add3A_1879, %scan3A_1368 : i32
      %get3A_1881 = arith.index_cast %add3A_1880 : i32 to index
      %get3A_1882 = arith.constant 96 : index
      %get3A_1883 = tpu.vector_load %arg41[%get3A_1881, %get3A_1882] {strides = array<i32>} : memref<128x128xf32, #tpu.memory_space<vmem>>, vector<1x16xf32>,
      %get3A_1884 = vector.shape_cast %get3A_1883 : vector<1x16xf32> to vector<16xf32>
      %add3A_1885 = arith.addf %add3A_1878, %get3A_1884 : vector<16xf32>
      %add3A_1886 = arith.constant 0 : i32
      %add3A_1887 = arith.addi %add3A_1886, %scan3A_1368 : i32
      %get3A_1888 = arith.index_cast %add3A_1887 : i32 to index
      %get3A_1889 = arith.constant 96 : index
      %get3A_1890 = tpu.vector_load %arg42[%get3A_1888, %get3A_1889] {strides = array<i32>} : memref<64x128xf32, #tpu.memory_space<vmem>>, vector<1x16xf32>,
      %get3A_1891 = vector.shape_cast %get3A_1890 : vector<1x16xf32> to vector<16xf32>
      %add3A_1892 = arith.addf %add3A_1885, %get3A_1891 : vector<16xf32>
      %add3A_1893 = arith.constant 32 : i32
      %add3A_1894 = arith.addi %add3A_1893, %scan3A_1368 : i32
      %get3A_1895 = arith.index_cast %add3A_1894 : i32 to index
      %get3A_1896 = arith.constant 96 : index
      %get3A_1897 = tpu.vector_load %arg42[%get3A_1895, %get3A_1896] {strides = array<i32>} : memref<64x128xf32, #tpu.memory_space<vmem>>, vector<1x16xf32>,
      %get3A_1898 = vector.shape_cast %get3A_1897 : vector<1x16xf32> to vector<16xf32>
      %add3A_1899 = arith.addf %add3A_1892, %get3A_1898 : vector<16xf32>
      %mul3A_1900 = arith.constant 1.000000e-01 : f32
      %mul3A_1901 = vector.broadcast %mul3A_1900 : f32 to vector<16xf32>
      %mul3A_1902 = arith.mulf %add3A_1899, %mul3A_1901 : vector<16xf32>
      %swap3A_1903 = arith.index_cast %scan3A_1368 : i32 to index
      %swap3A_1904 = arith.constant 96 : index
      %swap3A_1905 = tpu.vector_load %arg10[%swap3A_1903, %swap3A_1904] {strides = array<i32>} : memref<32x128xf32, #tpu.memory_space<vmem>>, vector<1x16xf32>,
      %swap3A_1906 = vector.shape_cast %swap3A_1905 : vector<1x16xf32> to vector<16xf32>
      %swap3A_1907 = vector.shape_cast %mul3A_1902 : vector<16xf32> to vector<1x16xf32>
      tpu.vector_store %arg10[%swap3A_1903, %swap3A_1904], %swap3A_1907 {strides = array<i32>} : memref<32x128xf32, #tpu.memory_space<vmem>>, vector<1x16xf32>,
      %add3A_1908 = arith.constant 0 : i32
      %add3A_1909 = arith.addi %add3A_1908, %scan3A_1368 : i32
      %get3A_1910 = arith.index_cast %add3A_1909 : i32 to index
      %get3A_1911 = arith.constant 112 : index
      %get3A_1912 = tpu.vector_load %arg40[%get3A_1910, %get3A_1911] {strides = array<i32>} : memref<128x128xf32, #tpu.memory_space<vmem>>, vector<1x16xf32>,
      %get3A_1913 = vector.shape_cast %get3A_1912 : vector<1x16xf32> to vector<16xf32>
      %add3A_1914 = arith.constant 32 : i32
      %add3A_1915 = arith.addi %add3A_1914, %scan3A_1368 : i32
      %get3A_1916 = arith.index_cast %add3A_1915 : i32 to index
      %get3A_1917 = arith.constant 112 : index
      %get3A_1918 = tpu.vector_load %arg40[%get3A_1916, %get3A_1917] {strides = array<i32>} : memref<128x128xf32, #tpu.memory_space<vmem>>, vector<1x16xf32>,
      %get3A_1919 = vector.shape_cast %get3A_1918 : vector<1x16xf32> to vector<16xf32>
      %add3A_1920 = arith.addf %get3A_1913, %get3A_1919 : vector<16xf32>
      %add3A_1921 = arith.constant 64 : i32
      %add3A_1922 = arith.addi %add3A_1921, %scan3A_1368 : i32
      %get3A_1923 = arith.index_cast %add3A_1922 : i32 to index
      %get3A_1924 = arith.constant 112 : index
      %get3A_1925 = tpu.vector_load %arg40[%get3A_1923, %get3A_1924] {strides = array<i32>} : memref<128x128xf32, #tpu.memory_space<vmem>>, vector<1x16xf32>,
      %get3A_1926 = vector.shape_cast %get3A_1925 : vector<1x16xf32> to vector<16xf32>
      %add3A_1927 = arith.addf %add3A_1920, %get3A_1926 : vector<16xf32>
      %add3A_1928 = arith.constant 96 : i32
      %add3A_1929 = arith.addi %add3A_1928, %scan3A_1368 : i32
      %get3A_1930 = arith.index_cast %add3A_1929 : i32 to index
      %get3A_1931 = arith.constant 112 : index
      %get3A_1932 = tpu.vector_load %arg40[%get3A_1930, %get3A_1931] {strides = array<i32>} : memref<128x128xf32, #tpu.memory_space<vmem>>, vector<1x16xf32>,
      %get3A_1933 = vector.shape_cast %get3A_1932 : vector<1x16xf32> to vector<16xf32>
      %add3A_1934 = arith.addf %add3A_1927, %get3A_1933 : vector<16xf32>
      %add3A_1935 = arith.constant 0 : i32
      %add3A_1936 = arith.addi %add3A_1935, %scan3A_1368 : i32
      %get3A_1937 = arith.index_cast %add3A_1936 : i32 to index
      %get3A_1938 = arith.constant 112 : index
      %get3A_1939 = tpu.vector_load %arg41[%get3A_1937, %get3A_1938] {strides = array<i32>} : memref<128x128xf32, #tpu.memory_space<vmem>>, vector<1x16xf32>,
      %get3A_1940 = vector.shape_cast %get3A_1939 : vector<1x16xf32> to vector<16xf32>
      %add3A_1941 = arith.addf %add3A_1934, %get3A_1940 : vector<16xf32>
      %add3A_1942 = arith.constant 32 : i32
      %add3A_1943 = arith.addi %add3A_1942, %scan3A_1368 : i32
      %get3A_1944 = arith.index_cast %add3A_1943 : i32 to index
      %get3A_1945 = arith.constant 112 : index
      %get3A_1946 = tpu.vector_load %arg41[%get3A_1944, %get3A_1945] {strides = array<i32>} : memref<128x128xf32, #tpu.memory_space<vmem>>, vector<1x16xf32>,
      %get3A_1947 = vector.shape_cast %get3A_1946 : vector<1x16xf32> to vector<16xf32>
      %add3A_1948 = arith.addf %add3A_1941, %get3A_1947 : vector<16xf32>
      %add3A_1949 = arith.constant 64 : i32
      %add3A_1950 = arith.addi %add3A_1949, %scan3A_1368 : i32
      %get3A_1951 = arith.index_cast %add3A_1950 : i32 to index
      %get3A_1952 = arith.constant 112 : index
      %get3A_1953 = tpu.vector_load %arg41[%get3A_1951, %get3A_1952] {strides = array<i32>} : memref<128x128xf32, #tpu.memory_space<vmem>>, vector<1x16xf32>,
      %get3A_1954 = vector.shape_cast %get3A_1953 : vector<1x16xf32> to vector<16xf32>
      %add3A_1955 = arith.addf %add3A_1948, %get3A_1954 : vector<16xf32>
      %add3A_1956 = arith.constant 96 : i32
      %add3A_1957 = arith.addi %add3A_1956, %scan3A_1368 : i32
      %get3A_1958 = arith.index_cast %add3A_1957 : i32 to index
      %get3A_1959 = arith.constant 112 : index
      %get3A_1960 = tpu.vector_load %arg41[%get3A_1958, %get3A_1959] {strides = array<i32>} : memref<128x128xf32, #tpu.memory_space<vmem>>, vector<1x16xf32>,
      %get3A_1961 = vector.shape_cast %get3A_1960 : vector<1x16xf32> to vector<16xf32>
      %add3A_1962 = arith.addf %add3A_1955, %get3A_1961 : vector<16xf32>
      %add3A_1963 = arith.constant 0 : i32
      %add3A_1964 = arith.addi %add3A_1963, %scan3A_1368 : i32
      %get3A_1965 = arith.index_cast %add3A_1964 : i32 to index
      %get3A_1966 = arith.constant 112 : index
      %get3A_1967 = tpu.vector_load %arg42[%get3A_1965, %get3A_1966] {strides = array<i32>} : memref<64x128xf32, #tpu.memory_space<vmem>>, vector<1x16xf32>,
      %get3A_1968 = vector.shape_cast %get3A_1967 : vector<1x16xf32> to vector<16xf32>
      %add3A_1969 = arith.addf %add3A_1962, %get3A_1968 : vector<16xf32>
      %add3A_1970 = arith.constant 32 : i32
      %add3A_1971 = arith.addi %add3A_1970, %scan3A_1368 : i32
      %get3A_1972 = arith.index_cast %add3A_1971 : i32 to index
      %get3A_1973 = arith.constant 112 : index
      %get3A_1974 = tpu.vector_load %arg42[%get3A_1972, %get3A_1973] {strides = array<i32>} : memref<64x128xf32, #tpu.memory_space<vmem>>, vector<1x16xf32>,
      %get3A_1975 = vector.shape_cast %get3A_1974 : vector<1x16xf32> to vector<16xf32>
      %add3A_1976 = arith.addf %add3A_1969, %get3A_1975 : vector<16xf32>
      %mul3A_1977 = arith.constant 1.000000e-01 : f32
      %mul3A_1978 = vector.broadcast %mul3A_1977 : f32 to vector<16xf32>
      %mul3A_1979 = arith.mulf %add3A_1976, %mul3A_1978 : vector<16xf32>
      %swap3A_1980 = arith.index_cast %scan3A_1368 : i32 to index
      %swap3A_1981 = arith.constant 112 : index
      %swap3A_1982 = tpu.vector_load %arg10[%swap3A_1980, %swap3A_1981] {strides = array<i32>} : memref<32x128xf32, #tpu.memory_space<vmem>>, vector<1x16xf32>,
      %swap3A_1983 = vector.shape_cast %swap3A_1982 : vector<1x16xf32> to vector<16xf32>
      %swap3A_1984 = vector.shape_cast %mul3A_1979 : vector<16xf32> to vector<1x16xf32>
      tpu.vector_store %arg10[%swap3A_1980, %swap3A_1981], %swap3A_1984 {strides = array<i32>} : memref<32x128xf32, #tpu.memory_space<vmem>>, vector<1x16xf32>,
    }
    %scan3A_1365 = arith.constant 32 : i32
    %add3A_1366 = arith.constant 24576 : i32
    %add3A_1367 = arith.addi %add3A_1366, %mul3A_2 : i32
    "tpu.region"() ({
      %run_scoped3A = tpu.sem_alloc : memref<!tpu.dma_semaphore, #tpu.memory_space<semaphore_mem>>
      %dma_start3A_1368 = arith.constant 0 : i32
      %dma_start3A_1369 = tpu.memref_slice %arg7[%add3A_1367, %dma_start3A_1368] : memref<25600x128xf32, #tpu.memory_space<hbm>> -> memref<32x128xf32, #tpu.memory_space<hbm>>
      %dma_start3A_1370 = arith.constant 0 : i32
      %dma_start3A_1371 = tpu.memref_slice %arg7[%add3A_1367, %dma_start3A_1370] : memref<25600x128xf32, #tpu.memory_space<hbm>> -> memref<32x128xf32, #tpu.memory_space<hbm>>
      tpu.enqueue_dma source(%arg10 : memref<32x128xf32, #tpu.memory_space<vmem>>) target(%dma_start3A_1371 : memref<32x128xf32, #tpu.memory_space<hbm>>) target_semaphore(%run_scoped3A : memref<!tpu.dma_semaphore, #tpu.memory_space<semaphore_mem>>)
      %dma_wait3A_1372 = arith.constant 0 : i32
      %dma_wait3A_1373 = tpu.memref_slice %arg7[%add3A_1367, %dma_wait3A_1372] : memref<25600x128xf32, #tpu.memory_space<hbm>> -> memref<32x128xf32, #tpu.memory_space<hbm>>
      %dma_wait3A_1374 = arith.constant 0 : i32
      %dma_wait3A_1375 = tpu.memref_slice %arg7[%add3A_1367, %dma_wait3A_1374] : memref<25600x128xf32, #tpu.memory_space<hbm>> -> memref<32x128xf32, #tpu.memory_space<hbm>>
      tpu.wait_dma2 semaphore(%run_scoped3A : memref<!tpu.dma_semaphore, #tpu.memory_space<semaphore_mem>>) src(%arg10 : memref<32x128xf32, #tpu.memory_space<vmem>>) dst(%dma_wait3A_1375 : memref<32x128xf32, #tpu.memory_space<hbm>>)
      tpu.yield
    }) : () -> ()
    return
  }
}

module attributes {stable_mosaic.version = 14 : i64} {
  func.func @_tc1_body(%arg0: i32, %arg1: memref<25x256x128xf32, #tpu.memory_space<vmem>>, %arg2: memref<25x256x128xf32, #tpu.memory_space<vmem>>, %arg3: memref<128x128xf32, #tpu.memory_space<vmem>>, %arg4: memref<128x128xf32, #tpu.memory_space<vmem>>, %arg5: memref<256x128xf32, #tpu.memory_space<vmem>>, %arg6: memref<256x128xf32, #tpu.memory_space<vmem>>) attributes {dimension_semantics = [#tpu.dimension_semantics<arbitrary>], iteration_bounds = array<i64: 4>, scalar_prefetch = 0 : i64, scratch_operands = 0 : i64, tpu.core_type = #tpu.core_type<tc>, window_params = [{transform_indices = @transform_0, window_bounds = array<i64: 25, 256, 128>}, {transform_indices = @transform_1, window_bounds = array<i64: 25, 256, 128>}, {pipeline_mode = #tpu.pipeline_mode<synchronous>, transform_indices = @transform_2, window_bounds = array<i64: 128, 128>}, {pipeline_mode = #tpu.pipeline_mode<synchronous>, transform_indices = @transform_3, window_bounds = array<i64: 128, 128>}, {transform_indices = @transform_4, window_bounds = array<i64: 256, 128>}, {transform_indices = @transform_5, window_bounds = array<i64: 256, 128>}]} {
    %get3A = arith.constant 0 : index
    %get3A_0 = arith.constant 0 : index
    %get3A_1 = arith.constant 0 : index
    %get3A_2 = vector.load %arg1[%get3A, %get3A_0, %get3A_1] : memref<25x256x128xf32, #tpu.memory_space<vmem>>, vector<25x256x128xf32>
    %reshape3A = vector.shape_cast %get3A_2 : vector<25x256x128xf32> to vector<6400x128xf32>
    %get3A_3 = arith.constant 0 : index
    %get3A_4 = arith.constant 0 : index
    %get3A_5 = arith.constant 0 : index
    %get3A_6 = vector.load %arg2[%get3A_3, %get3A_4, %get3A_5] : memref<25x256x128xf32, #tpu.memory_space<vmem>>, vector<25x256x128xf32>
    %reshape3A_7 = vector.shape_cast %get3A_6 : vector<25x256x128xf32> to vector<6400x128xf32>
    %get3A_8 = arith.constant 0 : index
    %get3A_9 = arith.constant 0 : index
    %get3A_10 = vector.load %arg3[%get3A_8, %get3A_9] : memref<128x128xf32, #tpu.memory_space<vmem>>, vector<128x128xf32>
    %dot_general3A = arith.constant dense<0.000000e+00> : vector<6400x128xf32>
    %dot_general3A_11 = tpu.matmul %reshape3A, %get3A_10, %dot_general3A {dimension_numbers = #tpu.dot_dimension_numbers<[1], [0], [0], [1], [0, 0, 1, 1], [], []>, transpose_lhs_hint = false} : vector<6400x128xf32>, vector<128x128xf32>, vector<6400x128xf32> -> vector<6400x128xf32>
    %get3A_12 = arith.constant 0 : index
    %get3A_13 = arith.constant 0 : index
    %get3A_14 = vector.load %arg4[%get3A_12, %get3A_13] : memref<128x128xf32, #tpu.memory_space<vmem>>, vector<128x128xf32>
    %dot_general3A_15 = arith.constant dense<0.000000e+00> : vector<6400x128xf32>
    %dot_general3A_16 = tpu.matmul %reshape3A_7, %get3A_14, %dot_general3A_15 {dimension_numbers = #tpu.dot_dimension_numbers<[1], [0], [0], [1], [0, 0, 1, 1], [], []>, transpose_lhs_hint = false} : vector<6400x128xf32>, vector<128x128xf32>, vector<6400x128xf32> -> vector<6400x128xf32>
    %add3A = arith.addf %dot_general3A_11, %dot_general3A_16 : vector<6400x128xf32>
    %max3A = arith.constant 0.000000e+00 : f32
    %max3A_17 = vector.broadcast %max3A : f32 to vector<6400x128xf32>
    %max3A_18 = arith.maximumf %add3A, %max3A_17 : vector<6400x128xf32>
    %slice3A = vector.extract_strided_slice %max3A_18 {offsets = [0, 0], sizes = [256, 128], strides = [1, 1]} : vector<6400x128xf32> to vector<256x128xf32>
    %slice3A_19 = vector.extract_strided_slice %reshape3A {offsets = [0, 0], sizes = [256, 128], strides = [1, 1]} : vector<6400x128xf32> to vector<256x128xf32>
    %slice3A_20 = vector.extract_strided_slice %max3A_18 {offsets = [256, 0], sizes = [256, 128], strides = [1, 1]} : vector<6400x128xf32> to vector<256x128xf32>
    %add3A_21 = arith.addf %slice3A, %slice3A_20 : vector<256x128xf32>
    %slice3A_22 = vector.extract_strided_slice %reshape3A {offsets = [256, 0], sizes = [256, 128], strides = [1, 1]} : vector<6400x128xf32> to vector<256x128xf32>
    %add3A_23 = arith.addf %slice3A_19, %slice3A_22 : vector<256x128xf32>
    %slice3A_24 = vector.extract_strided_slice %max3A_18 {offsets = [512, 0], sizes = [256, 128], strides = [1, 1]} : vector<6400x128xf32> to vector<256x128xf32>
    %add3A_25 = arith.addf %add3A_21, %slice3A_24 : vector<256x128xf32>
    %slice3A_26 = vector.extract_strided_slice %reshape3A {offsets = [512, 0], sizes = [256, 128], strides = [1, 1]} : vector<6400x128xf32> to vector<256x128xf32>
    %add3A_27 = arith.addf %add3A_23, %slice3A_26 : vector<256x128xf32>
    %slice3A_28 = vector.extract_strided_slice %max3A_18 {offsets = [768, 0], sizes = [256, 128], strides = [1, 1]} : vector<6400x128xf32> to vector<256x128xf32>
    %add3A_29 = arith.addf %add3A_25, %slice3A_28 : vector<256x128xf32>
    %slice3A_30 = vector.extract_strided_slice %reshape3A {offsets = [768, 0], sizes = [256, 128], strides = [1, 1]} : vector<6400x128xf32> to vector<256x128xf32>
    %add3A_31 = arith.addf %add3A_27, %slice3A_30 : vector<256x128xf32>
    %slice3A_32 = vector.extract_strided_slice %max3A_18 {offsets = [1024, 0], sizes = [256, 128], strides = [1, 1]} : vector<6400x128xf32> to vector<256x128xf32>
    %add3A_33 = arith.addf %add3A_29, %slice3A_32 : vector<256x128xf32>
    %slice3A_34 = vector.extract_strided_slice %reshape3A {offsets = [1024, 0], sizes = [256, 128], strides = [1, 1]} : vector<6400x128xf32> to vector<256x128xf32>
    %add3A_35 = arith.addf %add3A_31, %slice3A_34 : vector<256x128xf32>
    %slice3A_36 = vector.extract_strided_slice %max3A_18 {offsets = [1280, 0], sizes = [256, 128], strides = [1, 1]} : vector<6400x128xf32> to vector<256x128xf32>
    %add3A_37 = arith.addf %add3A_33, %slice3A_36 : vector<256x128xf32>
    %slice3A_38 = vector.extract_strided_slice %reshape3A {offsets = [1280, 0], sizes = [256, 128], strides = [1, 1]} : vector<6400x128xf32> to vector<256x128xf32>
    %add3A_39 = arith.addf %add3A_35, %slice3A_38 : vector<256x128xf32>
    %slice3A_40 = vector.extract_strided_slice %max3A_18 {offsets = [1536, 0], sizes = [256, 128], strides = [1, 1]} : vector<6400x128xf32> to vector<256x128xf32>
    %add3A_41 = arith.addf %add3A_37, %slice3A_40 : vector<256x128xf32>
    %slice3A_42 = vector.extract_strided_slice %reshape3A {offsets = [1536, 0], sizes = [256, 128], strides = [1, 1]} : vector<6400x128xf32> to vector<256x128xf32>
    %add3A_43 = arith.addf %add3A_39, %slice3A_42 : vector<256x128xf32>
    %slice3A_44 = vector.extract_strided_slice %max3A_18 {offsets = [1792, 0], sizes = [256, 128], strides = [1, 1]} : vector<6400x128xf32> to vector<256x128xf32>
    %add3A_45 = arith.addf %add3A_41, %slice3A_44 : vector<256x128xf32>
    %slice3A_46 = vector.extract_strided_slice %reshape3A {offsets = [1792, 0], sizes = [256, 128], strides = [1, 1]} : vector<6400x128xf32> to vector<256x128xf32>
    %add3A_47 = arith.addf %add3A_43, %slice3A_46 : vector<256x128xf32>
    %slice3A_48 = vector.extract_strided_slice %max3A_18 {offsets = [2048, 0], sizes = [256, 128], strides = [1, 1]} : vector<6400x128xf32> to vector<256x128xf32>
    %add3A_49 = arith.addf %add3A_45, %slice3A_48 : vector<256x128xf32>
    %slice3A_50 = vector.extract_strided_slice %reshape3A {offsets = [2048, 0], sizes = [256, 128], strides = [1, 1]} : vector<6400x128xf32> to vector<256x128xf32>
    %add3A_51 = arith.addf %add3A_47, %slice3A_50 : vector<256x128xf32>
    %slice3A_52 = vector.extract_strided_slice %max3A_18 {offsets = [2304, 0], sizes = [256, 128], strides = [1, 1]} : vector<6400x128xf32> to vector<256x128xf32>
    %add3A_53 = arith.addf %add3A_49, %slice3A_52 : vector<256x128xf32>
    %slice3A_54 = vector.extract_strided_slice %reshape3A {offsets = [2304, 0], sizes = [256, 128], strides = [1, 1]} : vector<6400x128xf32> to vector<256x128xf32>
    %add3A_55 = arith.addf %add3A_51, %slice3A_54 : vector<256x128xf32>
    %slice3A_56 = vector.extract_strided_slice %max3A_18 {offsets = [2560, 0], sizes = [256, 128], strides = [1, 1]} : vector<6400x128xf32> to vector<256x128xf32>
    %add3A_57 = arith.addf %add3A_53, %slice3A_56 : vector<256x128xf32>
    %slice3A_58 = vector.extract_strided_slice %reshape3A {offsets = [2560, 0], sizes = [256, 128], strides = [1, 1]} : vector<6400x128xf32> to vector<256x128xf32>
    %add3A_59 = arith.addf %add3A_55, %slice3A_58 : vector<256x128xf32>
    %slice3A_60 = vector.extract_strided_slice %max3A_18 {offsets = [2816, 0], sizes = [256, 128], strides = [1, 1]} : vector<6400x128xf32> to vector<256x128xf32>
    %add3A_61 = arith.addf %add3A_57, %slice3A_60 : vector<256x128xf32>
    %slice3A_62 = vector.extract_strided_slice %reshape3A {offsets = [2816, 0], sizes = [256, 128], strides = [1, 1]} : vector<6400x128xf32> to vector<256x128xf32>
    %add3A_63 = arith.addf %add3A_59, %slice3A_62 : vector<256x128xf32>
    %slice3A_64 = vector.extract_strided_slice %max3A_18 {offsets = [3072, 0], sizes = [256, 128], strides = [1, 1]} : vector<6400x128xf32> to vector<256x128xf32>
    %add3A_65 = arith.addf %add3A_61, %slice3A_64 : vector<256x128xf32>
    %slice3A_66 = vector.extract_strided_slice %reshape3A {offsets = [3072, 0], sizes = [256, 128], strides = [1, 1]} : vector<6400x128xf32> to vector<256x128xf32>
    %add3A_67 = arith.addf %add3A_63, %slice3A_66 : vector<256x128xf32>
    %slice3A_68 = vector.extract_strided_slice %max3A_18 {offsets = [3328, 0], sizes = [256, 128], strides = [1, 1]} : vector<6400x128xf32> to vector<256x128xf32>
    %add3A_69 = arith.addf %add3A_65, %slice3A_68 : vector<256x128xf32>
    %slice3A_70 = vector.extract_strided_slice %reshape3A {offsets = [3328, 0], sizes = [256, 128], strides = [1, 1]} : vector<6400x128xf32> to vector<256x128xf32>
    %add3A_71 = arith.addf %add3A_67, %slice3A_70 : vector<256x128xf32>
    %slice3A_72 = vector.extract_strided_slice %max3A_18 {offsets = [3584, 0], sizes = [256, 128], strides = [1, 1]} : vector<6400x128xf32> to vector<256x128xf32>
    %add3A_73 = arith.addf %add3A_69, %slice3A_72 : vector<256x128xf32>
    %slice3A_74 = vector.extract_strided_slice %reshape3A {offsets = [3584, 0], sizes = [256, 128], strides = [1, 1]} : vector<6400x128xf32> to vector<256x128xf32>
    %add3A_75 = arith.addf %add3A_71, %slice3A_74 : vector<256x128xf32>
    %slice3A_76 = vector.extract_strided_slice %max3A_18 {offsets = [3840, 0], sizes = [256, 128], strides = [1, 1]} : vector<6400x128xf32> to vector<256x128xf32>
    %add3A_77 = arith.addf %add3A_73, %slice3A_76 : vector<256x128xf32>
    %slice3A_78 = vector.extract_strided_slice %reshape3A {offsets = [3840, 0], sizes = [256, 128], strides = [1, 1]} : vector<6400x128xf32> to vector<256x128xf32>
    %add3A_79 = arith.addf %add3A_75, %slice3A_78 : vector<256x128xf32>
    %slice3A_80 = vector.extract_strided_slice %max3A_18 {offsets = [4096, 0], sizes = [256, 128], strides = [1, 1]} : vector<6400x128xf32> to vector<256x128xf32>
    %add3A_81 = arith.addf %add3A_77, %slice3A_80 : vector<256x128xf32>
    %slice3A_82 = vector.extract_strided_slice %reshape3A {offsets = [4096, 0], sizes = [256, 128], strides = [1, 1]} : vector<6400x128xf32> to vector<256x128xf32>
    %add3A_83 = arith.addf %add3A_79, %slice3A_82 : vector<256x128xf32>
    %slice3A_84 = vector.extract_strided_slice %max3A_18 {offsets = [4352, 0], sizes = [256, 128], strides = [1, 1]} : vector<6400x128xf32> to vector<256x128xf32>
    %add3A_85 = arith.addf %add3A_81, %slice3A_84 : vector<256x128xf32>
    %slice3A_86 = vector.extract_strided_slice %reshape3A {offsets = [4352, 0], sizes = [256, 128], strides = [1, 1]} : vector<6400x128xf32> to vector<256x128xf32>
    %add3A_87 = arith.addf %add3A_83, %slice3A_86 : vector<256x128xf32>
    %slice3A_88 = vector.extract_strided_slice %max3A_18 {offsets = [4608, 0], sizes = [256, 128], strides = [1, 1]} : vector<6400x128xf32> to vector<256x128xf32>
    %add3A_89 = arith.addf %add3A_85, %slice3A_88 : vector<256x128xf32>
    %slice3A_90 = vector.extract_strided_slice %reshape3A {offsets = [4608, 0], sizes = [256, 128], strides = [1, 1]} : vector<6400x128xf32> to vector<256x128xf32>
    %add3A_91 = arith.addf %add3A_87, %slice3A_90 : vector<256x128xf32>
    %slice3A_92 = vector.extract_strided_slice %max3A_18 {offsets = [4864, 0], sizes = [256, 128], strides = [1, 1]} : vector<6400x128xf32> to vector<256x128xf32>
    %add3A_93 = arith.addf %add3A_89, %slice3A_92 : vector<256x128xf32>
    %slice3A_94 = vector.extract_strided_slice %reshape3A {offsets = [4864, 0], sizes = [256, 128], strides = [1, 1]} : vector<6400x128xf32> to vector<256x128xf32>
    %add3A_95 = arith.addf %add3A_91, %slice3A_94 : vector<256x128xf32>
    %slice3A_96 = vector.extract_strided_slice %max3A_18 {offsets = [5120, 0], sizes = [256, 128], strides = [1, 1]} : vector<6400x128xf32> to vector<256x128xf32>
    %add3A_97 = arith.addf %add3A_93, %slice3A_96 : vector<256x128xf32>
    %slice3A_98 = vector.extract_strided_slice %reshape3A {offsets = [5120, 0], sizes = [256, 128], strides = [1, 1]} : vector<6400x128xf32> to vector<256x128xf32>
    %add3A_99 = arith.addf %add3A_95, %slice3A_98 : vector<256x128xf32>
    %slice3A_100 = vector.extract_strided_slice %max3A_18 {offsets = [5376, 0], sizes = [256, 128], strides = [1, 1]} : vector<6400x128xf32> to vector<256x128xf32>
    %add3A_101 = arith.addf %add3A_97, %slice3A_100 : vector<256x128xf32>
    %slice3A_102 = vector.extract_strided_slice %reshape3A {offsets = [5376, 0], sizes = [256, 128], strides = [1, 1]} : vector<6400x128xf32> to vector<256x128xf32>
    %add3A_103 = arith.addf %add3A_99, %slice3A_102 : vector<256x128xf32>
    %slice3A_104 = vector.extract_strided_slice %max3A_18 {offsets = [5632, 0], sizes = [256, 128], strides = [1, 1]} : vector<6400x128xf32> to vector<256x128xf32>
    %add3A_105 = arith.addf %add3A_101, %slice3A_104 : vector<256x128xf32>
    %slice3A_106 = vector.extract_strided_slice %reshape3A {offsets = [5632, 0], sizes = [256, 128], strides = [1, 1]} : vector<6400x128xf32> to vector<256x128xf32>
    %add3A_107 = arith.addf %add3A_103, %slice3A_106 : vector<256x128xf32>
    %slice3A_108 = vector.extract_strided_slice %max3A_18 {offsets = [5888, 0], sizes = [256, 128], strides = [1, 1]} : vector<6400x128xf32> to vector<256x128xf32>
    %add3A_109 = arith.addf %add3A_105, %slice3A_108 : vector<256x128xf32>
    %slice3A_110 = vector.extract_strided_slice %reshape3A {offsets = [5888, 0], sizes = [256, 128], strides = [1, 1]} : vector<6400x128xf32> to vector<256x128xf32>
    %add3A_111 = arith.addf %add3A_107, %slice3A_110 : vector<256x128xf32>
    %slice3A_112 = vector.extract_strided_slice %max3A_18 {offsets = [6144, 0], sizes = [256, 128], strides = [1, 1]} : vector<6400x128xf32> to vector<256x128xf32>
    %add3A_113 = arith.addf %add3A_109, %slice3A_112 : vector<256x128xf32>
    %slice3A_114 = vector.extract_strided_slice %reshape3A {offsets = [6144, 0], sizes = [256, 128], strides = [1, 1]} : vector<6400x128xf32> to vector<256x128xf32>
    %add3A_115 = arith.addf %add3A_111, %slice3A_114 : vector<256x128xf32>
    %mul3A = arith.constant 4.000000e-02 : f32
    %mul3A_116 = vector.broadcast %mul3A : f32 to vector<256x128xf32>
    %mul3A_117 = arith.mulf %add3A_113, %mul3A_116 : vector<256x128xf32>
    %swap3A = arith.constant 0 : index
    %swap3A_118 = arith.constant 0 : index
    %swap3A_119 = vector.load %arg5[%swap3A, %swap3A_118] : memref<256x128xf32, #tpu.memory_space<vmem>>, vector<256x128xf32>
    tpu.vector_store %arg5[%swap3A, %swap3A_118], %mul3A_117 {strides = array<i32>} : memref<256x128xf32, #tpu.memory_space<vmem>>, vector<256x128xf32>,
    %mul3A_120 = arith.constant 4.000000e-02 : f32
    %mul3A_121 = vector.broadcast %mul3A_120 : f32 to vector<256x128xf32>
    %mul3A_122 = arith.mulf %add3A_115, %mul3A_121 : vector<256x128xf32>
    %swap3A_123 = arith.constant 0 : index
    %swap3A_124 = arith.constant 0 : index
    %swap3A_125 = vector.load %arg6[%swap3A_123, %swap3A_124] : memref<256x128xf32, #tpu.memory_space<vmem>>, vector<256x128xf32>
    tpu.vector_store %arg6[%swap3A_123, %swap3A_124], %mul3A_122 {strides = array<i32>} : memref<256x128xf32, #tpu.memory_space<vmem>>, vector<256x128xf32>,
    return
  }
  func.func @transform_0(%arg0: i32) -> (i32, i32, i32) {
    %c0_i32 = arith.constant 0 : i32
    %c0_i32_0 = arith.constant 0 : i32
    %c0_i32_1 = arith.constant 0 : i32
    return %c0_i32, %arg0, %c0_i32_0 : i32, i32, i32
  }
  func.func @transform_1(%arg0: i32) -> (i32, i32, i32) {
    %c0_i32 = arith.constant 0 : i32
    %c0_i32_0 = arith.constant 0 : i32
    %c0_i32_1 = arith.constant 0 : i32
    return %c0_i32, %arg0, %c0_i32_0 : i32, i32, i32
  }
  func.func @transform_2(%arg0: i32) -> (i32, i32) {
    %c0_i32 = arith.constant 0 : i32
    %c0_i32_0 = arith.constant 0 : i32
    %c0_i32_1 = arith.constant 0 : i32
    return %c0_i32, %c0_i32_0 : i32, i32
  }
  func.func @transform_3(%arg0: i32) -> (i32, i32) {
    %c0_i32 = arith.constant 0 : i32
    %c0_i32_0 = arith.constant 0 : i32
    %c0_i32_1 = arith.constant 0 : i32
    return %c0_i32, %c0_i32_0 : i32, i32
  }
  func.func @transform_4(%arg0: i32) -> (i32, i32) {
    %c0_i32 = arith.constant 0 : i32
    %c0_i32_0 = arith.constant 0 : i32
    return %arg0, %c0_i32 : i32, i32
  }
  func.func @transform_5(%arg0: i32) -> (i32, i32) {
    %c0_i32 = arith.constant 0 : i32
    %c0_i32_0 = arith.constant 0 : i32
    return %arg0, %c0_i32 : i32, i32
  }
}

module attributes {stable_mosaic.version = 14 : i64} {
  func.func @_tc2_body(%arg0: memref<1024x128xf32, #tpu.memory_space<vmem>>, %arg1: memref<1024x128xf32, #tpu.memory_space<vmem>>, %arg2: memref<1024x128xf32, #tpu.memory_space<vmem>>, %arg3: memref<128x128xf32, #tpu.memory_space<vmem>>, %arg4: memref<128x128xf32, #tpu.memory_space<vmem>>, %arg5: memref<128x128xf32, #tpu.memory_space<vmem>>, %arg6: memref<128x128xf32, #tpu.memory_space<vmem>>, %arg7: memref<1024x128xf32, #tpu.memory_space<vmem>>) attributes {dimension_semantics = [], scalar_prefetch = 0 : i64, scratch_operands = 0 : i64, tpu.core_type = #tpu.core_type<tc>} {
    %get3A = arith.constant 0 : index
    %get3A_0 = arith.constant 0 : index
    %get3A_1 = vector.load %arg0[%get3A, %get3A_0] : memref<1024x128xf32, #tpu.memory_space<vmem>>, vector<1024x128xf32>
    %get3A_2 = arith.constant 0 : index
    %get3A_3 = arith.constant 0 : index
    %get3A_4 = vector.load %arg3[%get3A_2, %get3A_3] : memref<128x128xf32, #tpu.memory_space<vmem>>, vector<128x128xf32>
    %dot_general3A = arith.constant dense<0.000000e+00> : vector<1024x128xf32>
    %dot_general3A_5 = tpu.matmul %get3A_1, %get3A_4, %dot_general3A {dimension_numbers = #tpu.dot_dimension_numbers<[1], [0], [0], [1], [0, 0, 1, 1], [], []>, transpose_lhs_hint = false} : vector<1024x128xf32>, vector<128x128xf32>, vector<1024x128xf32> -> vector<1024x128xf32>
    %get3A_6 = arith.constant 0 : index
    %get3A_7 = arith.constant 0 : index
    %get3A_8 = vector.load %arg1[%get3A_6, %get3A_7] : memref<1024x128xf32, #tpu.memory_space<vmem>>, vector<1024x128xf32>
    %get3A_9 = arith.constant 0 : index
    %get3A_10 = arith.constant 0 : index
    %get3A_11 = vector.load %arg4[%get3A_9, %get3A_10] : memref<128x128xf32, #tpu.memory_space<vmem>>, vector<128x128xf32>
    %dot_general3A_12 = arith.constant dense<0.000000e+00> : vector<1024x128xf32>
    %dot_general3A_13 = tpu.matmul %get3A_8, %get3A_11, %dot_general3A_12 {dimension_numbers = #tpu.dot_dimension_numbers<[1], [0], [0], [1], [0, 0, 1, 1], [], []>, transpose_lhs_hint = false} : vector<1024x128xf32>, vector<128x128xf32>, vector<1024x128xf32> -> vector<1024x128xf32>
    %add3A = arith.addf %dot_general3A_5, %dot_general3A_13 : vector<1024x128xf32>
    %max3A = arith.constant 0.000000e+00 : f32
    %max3A_14 = vector.broadcast %max3A : f32 to vector<1024x128xf32>
    %max3A_15 = arith.maximumf %add3A, %max3A_14 : vector<1024x128xf32>
    %get3A_16 = arith.constant 0 : index
    %get3A_17 = arith.constant 0 : index
    %get3A_18 = vector.load %arg5[%get3A_16, %get3A_17] : memref<128x128xf32, #tpu.memory_space<vmem>>, vector<128x128xf32>
    %dot_general3A_19 = arith.constant dense<0.000000e+00> : vector<1024x128xf32>
    %dot_general3A_20 = tpu.matmul %max3A_15, %get3A_18, %dot_general3A_19 {dimension_numbers = #tpu.dot_dimension_numbers<[1], [0], [0], [1], [0, 0, 1, 1], [], []>, transpose_lhs_hint = false} : vector<1024x128xf32>, vector<128x128xf32>, vector<1024x128xf32> -> vector<1024x128xf32>
    %get3A_21 = arith.constant 0 : index
    %get3A_22 = arith.constant 0 : index
    %get3A_23 = vector.load %arg2[%get3A_21, %get3A_22] : memref<1024x128xf32, #tpu.memory_space<vmem>>, vector<1024x128xf32>
    %get3A_24 = arith.constant 0 : index
    %get3A_25 = arith.constant 0 : index
    %get3A_26 = vector.load %arg6[%get3A_24, %get3A_25] : memref<128x128xf32, #tpu.memory_space<vmem>>, vector<128x128xf32>
    %dot_general3A_27 = arith.constant dense<0.000000e+00> : vector<1024x128xf32>
    %dot_general3A_28 = tpu.matmul %get3A_23, %get3A_26, %dot_general3A_27 {dimension_numbers = #tpu.dot_dimension_numbers<[1], [0], [0], [1], [0, 0, 1, 1], [], []>, transpose_lhs_hint = false} : vector<1024x128xf32>, vector<128x128xf32>, vector<1024x128xf32> -> vector<1024x128xf32>
    %add3A_29 = arith.addf %dot_general3A_20, %dot_general3A_28 : vector<1024x128xf32>
    %swap3A = arith.constant 0 : index
    %swap3A_30 = arith.constant 0 : index
    %swap3A_31 = vector.load %arg7[%swap3A, %swap3A_30] : memref<1024x128xf32, #tpu.memory_space<vmem>>, vector<1024x128xf32>
    tpu.vector_store %arg7[%swap3A, %swap3A_30], %add3A_29 {strides = array<i32>} : memref<1024x128xf32, #tpu.memory_space<vmem>>, vector<1024x128xf32>,
    return
  }
}

</mosaic_0001>

<sc_bundles>
// kernel: kernel.5.cloned.1.call-start
scs
__scs_entry_jumppad:
0x0: {  	(pc) =	sbr.rel $0x88, $3  }
0x1: {  	(tag) =	ssettag $0x0;
	lr =	simm.s32 $0x1  }
0x2: {  	[smem:$0x3F9A] =	sst lr;
	_ =	strace $0xD0000000  }
0x3: {  	_ = 	snop  }
0x4: {  	_ = 	snop  }
0x5: {  	_ = 	snop  }
0x6: {  	_ = 	snop  }
0x7: {  	_ = 	snop  }
__scs_overlays_trampoline_lowered:
0x8: {  	[smem:$0x3FA9] =	sst s0  }
0x9: {  	[smem:$0x3FAA] =	sst s1  }
0xa: {  	[smem:$0x3FAB] =	sst s2  }
0xb: {  	[smem:$0x3FAC] =	sst s3  }
0xc: {  	[smem:$0x3FAD] =	sst s4  }
0xd: {  	[smem:$0x3FAE] =	sst s5  }
0xe: {  	[smem:$0x3FAF] =	sst s6  }
0xf: {  	[smem:$0x3FB0] =	sst s7  }
0x10: {  	[smem:$0x3FB1] =	sst s8  }
0x11: {  	[smem:$0x3FB2] =	sst s9;
	s0 =	simm.s32 @!p0 $0x0  }
0x12: {  	s1 =	sld [smem:$0x3F98];
	s0 =	simm.s32 @p0 $0x1  }
0x13: {  	[smem:$0x3FB3] =	sst s0;
	s0 =	simm.s32 @!p1 $0x0  }
0x14: {  	s2 =	sld [smem:$0x3F97];
	s0 =	simm.s32 @p1 $0x1  }
0x15: {  	[smem:$0x3FB4] =	sst s0;
	s0 =	simm.s32 @!p2 $0x0  }
0x16: {  	s3 =	sld [smem:$0x3FDB];
	s0 =	simm.s32 @p2 $0x1  }
0x17: {  	s4 =	simm.s32 $0x1BF5;
	[smem:$0x3FB6] =	sst s0  }
0x18: {  	s0 =	sld [smem:$0x3F99];
	_ =	swait.ge [sflag:s4], $0x0  }
0x19: {  	s7 =	sld [smem:$0x3F9A]  }
0x1a: {  	s8 =	sadd.s32 $0xFFFFE003, lr  }
0x1b: {  	s9 =	sadd.s32 $0xFFFFFEF7, lr;
	s5 =	simm.s32 $0xFFFFFFFF;
	p2 =	slt.u32 s8, $0xFFFFF086  }
0x1c: {  	p1 =	slt.u32 s9, $0xF7A;
	s5 =	simm.s32 @!p2 $0x0  }
0x1d: {  	s5 =	simm.s32 @p1 $0x1;
	p0 =	seq.s32 s7, s2  }
0x1e: {  	s7 =	smul.u32 @!p0 $0xF7A, s2;
	p2 =	seq.s32 @!p0 s5, $0x0  }
0x1f: {  	s9 =	smul.u32 $0xF7A, s1;
	s8 =	simm.s32 @!p0 $0x1BF5;
	p2 =	por !p2, p0  }
0x20: {  	[sflag:s8] =	ssyncset.s32 @!p0 $0xFFFFF086;
	s6 =	sadd.s32 @!p0 s3, s7;
	s7 =	simm.s32 @!p0 $0x108  }
0x21: {  	s3 =	sadd.s32 s3, s9;
	s6 =	sadd.s32 @!p0 $0x88, s6;
	s7 =	simm.s32 @p2 $0x1082  }
0x22: {  	[simem:s7], [sflag:s8] =	dma.local @!p0 [hbm:s6], $0xF7A  }
0x23: {  	s9 =	sor.u32 $0xD0000000, s2;
	s6 =	simm.s32 $0x108;
	_ =	swait.ge @!p0 [sflag:s8], $0x0  }
0x24: {  	s3 =	sadd.s32 $0x88, s3;
	s6 =	simm.s32 @!p1 $0x1082;
	[sflag:s4] =	ssyncset.s32 $0xFFFFF086  }
0x25: {  	[simem:s6], [sflag:s4] =	dma.local [hbm:s3], $0xF7A  }
0x26: {  	[smem:$0x3F9A] =	sst s1;
	(tag) =	ssettag s2;
	_ =	strace s9  }
0x27: {  	s1 =	sld [smem:$0x3FAA]  }
0x28: {  	s2 =	sld [smem:$0x3FAB]  }
0x29: {  	s4 =	sld [smem:$0x3FAD]  }
0x2a: {  	p0 =	seq.s32 s5, $0x0;
	s5 =	sld [smem:$0x3FAE]  }
0x2b: {  	s6 =	sld [smem:$0x3FAF]  }
0x2c: {  	s7 =	sld [smem:$0x3FB0]  }
0x2d: {  	s3 =	simm.s32 $0x108;
	s8 =	sld [smem:$0x3FB1]  }
0x2e: {  	s3 =	simm.s32 @!p0 $0x1082;
	s9 =	sld [smem:$0x3FB2]  }
0x2f: {  	lr =	sadd.s32 s0, s3;
	s0 =	sld [smem:$0x3FA9]  }
0x30: {  	s3 =	sld [smem:$0x3FAC]  }
0x31: {  	[smem:$0x3FB5] =	sst s10  }
0x32: {  	s10 =	sld [smem:$0x3FB3];
	_ =	sdelay $0x3  }
0x33: {  	p0 =	seq.s32 s10, $0x1;
	s10 =	sld [smem:$0x3FB5];
	_ =	sdelay $0x3  }
0x34: {  	[smem:$0x3FB5] =	sst s10  }
0x35: {  	s10 =	sld [smem:$0x3FB4];
	_ =	sdelay $0x3  }
0x36: {  	p1 =	seq.s32 s10, $0x1;
	s10 =	sld [smem:$0x3FB5];
	_ =	sdelay $0x3  }
0x37: {  	[smem:$0x3FB5] =	sst s10  }
0x38: {  	s10 =	sld [smem:$0x3FB6]  }
0x39: {  	_ = 	snop;
	(pc) =	sbr.ind lr, $3  }
0x3a: {  	_ = 	snop  }
0x3b: {  	_ = 	snop  }
0x3c: {  	p2 =	seq.s32 s10, $0x1;
	s10 =	sld [smem:$0x3FB5]  }
0x3d: {  	_ =	shalt  }
0x3e: {  	_ =	shalt  }
0x3f: {  	_ =	shalt  }
0x40: {  	_ =	shalt  }
0x41: {  	_ =	shalt  }
0x42: {  	_ =	shalt  }
0x43: {  	_ =	shalt  }
0x44: {  	_ =	shalt  }
0x45: {  	_ =	shalt  }
0x46: {  	_ =	shalt  }
0x47: {  	_ =	shalt  }
0x48: {  	_ =	shalt  }
0x49: {  	_ =	shalt  }
0x4a: {  	_ =	shalt  }
0x4b: {  	_ =	shalt  }
0x4c: {  	_ =	shalt  }
0x4d: {  	_ =	shalt  }
0x4e: {  	_ =	shalt  }
0x4f: {  	_ =	shalt  }
0x50: {  	_ =	shalt  }
0x51: {  	_ =	shalt  }
0x52: {  	_ =	shalt  }
0x53: {  	_ =	shalt  }
0x54: {  	_ =	shalt  }
0x55: {  	_ =	shalt  }
0x56: {  	_ =	shalt  }
0x57: {  	_ =	shalt  }
0x58: {  	_ =	shalt  }
0x59: {  	_ =	shalt  }
0x5a: {  	_ =	shalt  }
0x5b: {  	_ =	shalt  }
0x5c: {  	_ =	shalt  }
0x5d: {  	_ =	shalt  }
0x5e: {  	_ =	shalt  }
0x5f: {  	_ =	shalt  }
0x60: {  	_ =	shalt  }
0x61: {  	_ =	shalt  }
0x62: {  	_ =	shalt  }
0x63: {  	_ =	shalt  }
0x64: {  	_ =	shalt  }
0x65: {  	_ =	shalt  }
0x66: {  	_ =	shalt  }
0x67: {  	_ =	shalt  }
0x68: {  	_ =	shalt  }
0x69: {  	_ =	shalt  }
0x6a: {  	_ =	shalt  }
0x6b: {  	_ =	shalt  }
0x6c: {  	_ =	shalt  }
0x6d: {  	_ =	shalt  }
0x6e: {  	_ =	shalt  }
0x6f: {  	_ =	shalt  }
0x70: {  	_ =	shalt  }
0x71: {  	_ =	shalt  }
0x72: {  	_ =	shalt  }
0x73: {  	_ =	shalt  }
0x74: {  	_ =	shalt  }
0x75: {  	_ =	shalt  }
0x76: {  	_ =	shalt  }
0x77: {  	_ =	shalt  }
0x78: {  	_ =	shalt  }
0x79: {  	_ =	shalt  }
0x7a: {  	_ =	shalt  }
0x7b: {  	_ =	shalt  }
0x7c: {  	_ =	shalt  }
0x7d: {  	_ =	shalt  }
0x7e: {  	_ =	shalt  }
0x7f: {  	_ =	shalt  }
0x80: {  	_ =	shalt  }
0x81: {  	_ =	shalt  }
0x82: {  	_ =	shalt  }
0x83: {  	_ =	shalt  }
0x84: {  	_ =	shalt  }
0x85: {  	_ =	shalt  }
0x86: {  	_ =	shalt  }
0x87: {  	_ =	shalt  }
.Lfunc_end0:
.L_simem_size_0:
called_computation_lowered:
.L_overlay_start_0:
0x88: {  	s2 =	sld [smem:$0x3FD9]  }
0x89: {  	s3 =	sld [smem:$0x3FFE];
	_ =	sdelay $0x1  }
0x8a: {  	s1 =	srdreg.scid  }
0x8b: {  	s0 =	sand.u32 $0x1, s1  }
0x8c: {  	s17 =	sshll.u32 s0, $0xA;
	s2 =	sadd.s32 s3, s2  }
0x8d: {  	s2 =	sadd.s32 s2, s17  }
0x8e: {  	[smem:$0x3FC1] =	sst s2  }
0x8f: {  	_ = 	snop  }
0x90: {  	s2 =	sld [smem:$0x3FC9]  }
0x91: {  	s18 =	sld [smem:$0x3FC8]  }
0x92: {  	s4 =	sld [smem:$0x3FD0];
	(tm) =	ssettm $0x1  }
0x93: {  	s5 =	sld [smem:$0x3FFB];
	_ =	sdelay $0x3  }
0x94: {  	_ =	strace s5  }
0x95: {  	s5 =	sld [smem:$0x3FFC];
	_ =	sdelay $0x3  }
0x96: {  	_ =	strace s5  }
0x97: {  	s5 =	sld [smem:$0x3FFD];
	_ =	sdelay $0x3  }
0x98: {  	_ =	strace s5  }
0x99: {  	_ =	strace $0x8FFFFFFF  }
0x9a: {  	s19 =	sld [smem:$0x3FDB];
	_ =	sdelay $0x1  }
0x9b: {  	s6 =	simm.s32 $_scs_section_size  }
0x9c: {  	s7 =	simm.s32 $_size__tile_overlayer_lowered;
	s8 =	simm.s32 $_tile_overlayer_lowered  }
0x9d: {  	s22 =	simm.s32 $0x1BFF;
	s21 =	sshll.u32 s8, $0x1;
	s5 =	sadd.s32 s6, s19  }
0x9e: {  	s9 =	simm.s32 $0x0;
	s20 =	sshll.u32 s7, $0x1;
	s7 =	sadd.s32 s21, s5  }
0x9f: {  	[timem:s9], [sflag:s22] =	dma.local [hbm:s7], s20  }
0xa0: {  	_ =	swait.ge [sflag:s22], s20  }
0xa1: {  	s6 =	ssub.s32 $0x0, s20;
	[sflag:s22] =	ssyncset.done $0x0  }
0xa2: {  	[sflag:s22] =	ssyncadd.s32 s6;
	_ =	sdelay $0x1  }
0xa3: {  	s23 =	simm.s32 $0x1B8B  }
0xa4: {  	_ =	swait.ge [sflag:s23], $0x1  }
0xa5: {  	[sflag:s23] =	ssyncset.done $0x0  }
0xa6: {  	s25 =	simm.s32 $0x1B8E;
	s24 =	sld [smem:$0x3FFE];
	[sflag:s23] =	ssyncadd.s32 $0xFFFFFFFF  }
0xa7: {  	s26 =	simm.s32 $execute0_lowered;
	[smem:$0x3FD2] =	sst s25  }
0xa8: {  	s7 =	sshll.u32 s26, $0x1;
	_ =	strace $0x80000046;
	[dreg:$0x1] =	wrdreg $0xFFFFFFFF  }
0xa9: {  	s28 =	simm.s32 $_size_execute0_lowered;
	s5 =	sadd.s32 s5, s7;
	[dreg:$0x0] =	wrdreg $0x0  }
0xaa: {  	s7 =	sshll.u32 s28, $0x1;
	[dreg:$0x2] =	wrdreg s5  }
0xab: {  	[dreg:$0x3] =	wrdreg s7  }
0xac: {  	[dreg:$0x4] =	wrdreg $0xC0  }
0xad: {  	_ =	task [dreg:s9], $0x5FFFF  }
0xae: {  	[dreg:$0x1] =	wrdreg $0xFFFFFFFF  }
0xaf: {  	[dreg:$0x0] =	wrdreg $0x60  }
0xb0: {  	[dreg:$0x2] =	wrdreg s2  }
0xb1: {  	[dreg:$0x3] =	wrdreg s18  }
0xb2: {  	[dreg:$0x4] =	wrdreg s24  }
0xb3: {  	[dreg:$0x5] =	wrdreg s4  }
0xb4: {  	[dreg:$0x6] =	wrdreg $0x9  }
0xb5: {  	_ =	task.clear_ibuf [dreg:s9], $0x7FFFF;
	_ =	strace $0x90000046  }
0xb6: {  	s29 =	simm.s32 $0x9;
	_ =	strace $0x80000048  }
0xb7: {  	_ =	swait.ge [sflag:s29], $0x1  }
0xb8: {  	[sflag:s29] =	ssyncadd.s32 $0xFFFFFFFF  }
0xb9: {  	_ =	strace $0x90000048  }
0xba: {  	_ =	sfence  }
0xbb: {  	s30 =	sld [smem:$0x0];
	_ =	sdelay $0x2  }
0xbc: {  	s31 =	sshll.u32 s1, $0xD;
	s1 =	sshrl.u32 s1, $0x2  }
0xbd: {  	s3 =	sand.u32 $0x4000, s31;
	s1 =	sadd.s32 s1, s30  }
0xbe: {  	s0 =	sor.u32 s3, s0;
	s1 =	sshll.u32 s1, $0x11  }
0xbf: {  	s0 =	sor.u32 s1, s0  }
0xc0: {  	s0 =	sadd.s32 $0x8F2B, s0  }
0xc1: {  	[sflag:s0] =	ssyncadd.remote.s32 $0x1  }
0xc2: {  	_ =	sfence.sel $0xFFFF  }
0xc3: {  	[dreg:$0x0] =	wrdreg $0xFFFFFFFF;
	(pc) =	sbr.abs _section_cstart, $3  }
0xc4: {  	[dreg:$0x1] =	wrdreg $0xFFFFFFFF  }
0xc5: {  	_ =	task.clear_ibuf [dreg:s9], $0x2FFFF;
	_ =	strace $0x9FFFFFFF  }
0xc6: {  	(tm) =	ssettm $0x7FFFFFFF  }
0xc7: {  	_ =	shalt  }
tec
execute0_lowered:
.L_overlay_start_1:
0x0: {  	(tag) =	ssettag $0x1  }
0x1: {  	s0 =	rddreg [dreg:$0x0]  }
0x2: {  	s1 =	rddreg [dreg:$0x1]  }
0x3: {  	s3 =	rddreg [dreg:$0x2]  }
0x4: {  	s8 =	rddreg [dreg:$0x3]  }
0x5: {  	s2 =	simm.s32 $0x0;
	s5 =	srdreg.scid;
	s6 =	stileid.u32  }
0x6: {  	s13 =	simm.s32 $0x9;
	s14 =	simm.s32 $0x20;
	s15 =	simm.s32 $0x80  }
0x7: {  	s16 =	simm.s32 $0x2F00;
	s18 =	simm.s32 $0x2F80;
	s19 =	simm.s32 $0x40  }
0x8: {  	s21 =	simm.s32 $0x3000;
	s28 =	simm.s32 $0x3180;
	s29 =	simm.s32 $0x3  }
0x9: {  	s11 =	simm.s32 $0x17200;
	s12 =	simm.s32 $0x7;
	s31 =	simm.s32 $0x4  }
0xa: {  	[smem:$0x7FF] =	sst s2;
	s4 =	sadd.s32 $0x1600, s3;
	s7 =	sand.u32 $0x1, s5  }
0xb: {  	s5 =	sadd.s32 $0x4DC00, s3;
	s9 =	sshll.u32 s6, $0x6;
	s6 =	sadd.s32 $0xB1C00, s3  }
0xc: {  	_ =	strace $0x80000047;
	s10 =	sshll.u32 s7, $0x5;
	s22 =	ssub.s32 $0x2, s7  }
0xd: {  	s23 =	sor.u32 s10, s9;
	s24 =	sshrl.u32 s22, $0x1;
	s9 =	simm.s32 $0x0  }
0xe: {  	s10 =	sshrl.u32 s23, $0x3;
	s7 =	sshll.u32 s23, $0x4;
	s3 =	ssub.s32 s22, s24  }
0xf: {  	s23 =	simm.s32 $0x3080;
	s22 =	simm.s32 $0x18200;
	s0 =	sadd.s32 s0, s10  }
0x10: {  	s24 =	simm.s32 $0x5;
	s8 =	sadd.s32 s8, s7;
	[dreg:$0x5] =	wrdreg s0  }
0x11: {  	s25 =	sor.u32 $0x60000, s7;
	s30 =	smax.u32 s3, $0x1;
	[dreg:$0x6] =	wrdreg s8  }
0x12: {  	s3 =	simm.s32 $0x6;
	s26 =	sadd.s32 s5, s25;
	[dreg:$0x9] =	wrdreg s30  }
0x13: {  	s0 =	sadd.s32 s6, s25;
	s25 =	simm.s32 $0x3100;
	[dreg:$0x7] =	wrdreg s26  }
0x14: {  	[dreg:$0x8] =	wrdreg s0;
	s26 =	simm.s32 $0x1080;
	s0 =	simm.s32 $0x8  }
.LBB2_1:
0x15: {  	[dreg:$0xa] =	wrdreg s9  }
0x16: {  	s8 =	rddreg [dreg:$0x5]  }
0x17: {  	[tilespmem:s2], [sflag:$0x9] =	stream.linear.gather [hbm4b:s8+s2], $0x20, $0x38;
	[tilespmem:$0x19200] =	vst v63  }
0x18: {  	_ =	swait.ge [sflag:s13], $0x20  }
0x19: {  	[sflag:s13] =	ssyncset.done $0x0  }
0x1a: {  	[sflag:s13] =	ssyncadd.s32 $0xFFFFFFE0  }
0x1b: {  	[tilespmem:s15], [sflag:$0x1] =	stream.indirect.gather [hbm4b:s1+s14], $0x80, s2, s14, $0xb8;
	[tilespmem:$0x19200] =	vst v63  }
0x1c: {  	v0 =	vld [tilespmem:$0x0]  }
0x1d: {  	v1 =	vld [tilespmem:$0x10]  }
0x1e: {  	v2 =	vld [tilespmem:$0x0]  }
0x1f: {  	v3 =	vld [tilespmem:$0x10]  }
0x20: {  	v4 =	vld [tilespmem:$0x0]  }
0x21: {  	v5 =	vld [tilespmem:$0x10]  }
0x22: {  	v18 =	vld [tilespmem:$0x0];
	[tilespmem:$0x2400] =	vst v0  }
0x23: {  	v20 =	vld [tilespmem:$0x10];
	[tilespmem:$0x2410] =	vst v1;
	v19 =	vadd.s32 $0x186A0, v2  }
0x24: {  	v22 =	vld [tilespmem:$0x0];
	v21 =	vadd.s32 $0x186A0, v3;
	[tilespmem:$0x2420] =	vst v19  }
0x25: {  	v24 =	vld [tilespmem:$0x10];
	v23 =	vadd.s32 $0x30D40, v4;
	[tilespmem:$0x2430] =	vst v21  }
0x26: {  	v26 =	vld [tilespmem:$0x0];
	v25 =	vadd.s32 $0x30D40, v5;
	[tilespmem:$0x2440] =	vst v23  }
0x27: {  	v27 =	vld [tilespmem:$0x10];
	v0 =	vadd.s32 $0x493E0, v18;
	[tilespmem:$0x2450] =	vst v25  }
0x28: {  	v29 =	vld [tilespmem:$0x0];
	v28 =	vadd.s32 $0x493E0, v20;
	[tilespmem:$0x2460] =	vst v0  }
0x29: {  	v31 =	vld [tilespmem:$0x10];
	v30 =	vadd.s32 $0x61A80, v22;
	[tilespmem:$0x2470] =	vst v28  }
0x2a: {  	v33 =	vld [tilespmem:$0x0];
	v32 =	vadd.s32 $0x61A80, v24;
	[tilespmem:$0x2480] =	vst v30  }
0x2b: {  	v35 =	vld [tilespmem:$0x10];
	v34 =	vadd.s32 $0x7A120, v26;
	[tilespmem:$0x2490] =	vst v32  }
0x2c: {  	v37 =	vld [tilespmem:$0x0];
	v36 =	vadd.s32 $0x7A120, v27;
	[tilespmem:$0x24A0] =	vst v34  }
0x2d: {  	v39 =	vld [tilespmem:$0x10];
	v38 =	vadd.s32 $0x927C0, v29;
	[tilespmem:$0x24B0] =	vst v36  }
0x2e: {  	v41 =	vld [tilespmem:$0x0];
	v40 =	vadd.s32 $0x927C0, v31;
	[tilespmem:$0x24C0] =	vst v38  }
0x2f: {  	v43 =	vld [tilespmem:$0x10];
	v42 =	vadd.s32 $0xAAE60, v33;
	[tilespmem:$0x24D0] =	vst v40  }
0x30: {  	v45 =	vld [tilespmem:$0x0];
	v44 =	vadd.s32 $0xAAE60, v35;
	[tilespmem:$0x24E0] =	vst v42  }
0x31: {  	v47 =	vld [tilespmem:$0x10];
	v46 =	vadd.s32 $0xC3500, v37;
	[tilespmem:$0x24F0] =	vst v44  }
0x32: {  	v49 =	vld [tilespmem:$0x0];
	v48 =	vadd.s32 $0xC3500, v39;
	[tilespmem:$0x2500] =	vst v46  }
0x33: {  	v51 =	vld [tilespmem:$0x10];
	v50 =	vadd.s32 $0xDBBA0, v41;
	[tilespmem:$0x2510] =	vst v48  }
0x34: {  	v53 =	vld [tilespmem:$0x0];
	v52 =	vadd.s32 $0xDBBA0, v43;
	[tilespmem:$0x2520] =	vst v50  }
0x35: {  	v55 =	vld [tilespmem:$0x10];
	v54 =	vadd.s32 $0xF4240, v45;
	[tilespmem:$0x2530] =	vst v52  }
0x36: {  	v57 =	vld [tilespmem:$0x0];
	v56 =	vadd.s32 $0xF4240, v47;
	[tilespmem:$0x2540] =	vst v54  }
0x37: {  	v59 =	vld [tilespmem:$0x10];
	v58 =	vadd.s32 $0x10C8E0, v49;
	[tilespmem:$0x2550] =	vst v56  }
0x38: {  	v61 =	vld [tilespmem:$0x0];
	v60 =	vadd.s32 $0x10C8E0, v51;
	[tilespmem:$0x2560] =	vst v58  }
0x39: {  	v63 =	vld [tilespmem:$0x10];
	v62 =	vadd.s32 $0x124F80, v53;
	[tilespmem:$0x2570] =	vst v60  }
0x3a: {  	v9 =	vld [tilespmem:$0x0];
	v8 =	vadd.s32 $0x124F80, v55;
	[tilespmem:$0x2580] =	vst v62  }
0x3b: {  	v11 =	vld [tilespmem:$0x10];
	v10 =	vadd.s32 $0x13D620, v57;
	[tilespmem:$0x2590] =	vst v8  }
0x3c: {  	v13 =	vld [tilespmem:$0x0];
	v12 =	vadd.s32 $0x13D620, v59;
	[tilespmem:$0x25A0] =	vst v10  }
0x3d: {  	v15 =	vld [tilespmem:$0x10];
	v14 =	vadd.s32 $0x155CC0, v61;
	[tilespmem:$0x25B0] =	vst v12  }
0x3e: {  	v17 =	vld [tilespmem:$0x0];
	v16 =	vadd.s32 $0x155CC0, v63;
	[tilespmem:$0x25C0] =	vst v14  }
0x3f: {  	v18 =	vadd.s32 $0x16E360, v9;
	v27 =	vld [tilespmem:$0x10];
	[tilespmem:$0x25D0] =	vst v16  }
0x40: {  	v20 =	vadd.s32 $0x16E360, v11;
	v29 =	vld [tilespmem:$0x0];
	[tilespmem:$0x25E0] =	vst v18  }
0x41: {  	v22 =	vadd.s32 $0x186A00, v13;
	v31 =	vld [tilespmem:$0x10];
	[tilespmem:$0x25F0] =	vst v20  }
0x42: {  	v24 =	vadd.s32 $0x186A00, v15;
	v33 =	vld [tilespmem:$0x0];
	[tilespmem:$0x2600] =	vst v22  }
0x43: {  	v26 =	vadd.s32 $0x19F0A0, v17;
	v35 =	vld [tilespmem:$0x10];
	[tilespmem:$0x2610] =	vst v24  }
0x44: {  	v37 =	vld [tilespmem:$0x0];
	[tilespmem:$0x2620] =	vst v26;
	v36 =	vadd.s32 $0x1CFDE0, v27  }
0x45: {  	v39 =	vld [tilespmem:$0x10];
	v38 =	vadd.s32 $0x1E8480, v29;
	[tilespmem:$0x2670] =	vst v36  }
0x46: {  	v41 =	vld [tilespmem:$0x0];
	v40 =	vadd.s32 $0x1E8480, v31;
	[tilespmem:$0x2680] =	vst v38  }
0x47: {  	v43 =	vld [tilespmem:$0x10];
	v42 =	vadd.s32 $0x200B20, v33;
	[tilespmem:$0x2690] =	vst v40  }
0x48: {  	v45 =	vld [tilespmem:$0x0];
	v44 =	vadd.s32 $0x200B20, v35;
	[tilespmem:$0x26A0] =	vst v42  }
0x49: {  	v47 =	vld [tilespmem:$0x10];
	v46 =	vadd.s32 $0x2191C0, v37;
	[tilespmem:$0x26B0] =	vst v44  }
0x4a: {  	v19 =	vld [tilespmem:$0x10];
	v48 =	vadd.s32 $0x2191C0, v39;
	[tilespmem:$0x26C0] =	vst v46  }
0x4b: {  	v21 =	vld [tilespmem:$0x0];
	v49 =	vadd.s32 $0x231860, v41;
	[tilespmem:$0x26D0] =	vst v48  }
0x4c: {  	v23 =	vld [tilespmem:$0x10];
	v50 =	vadd.s32 $0x231860, v43;
	[tilespmem:$0x26E0] =	vst v49  }
0x4d: {  	v25 =	vld [tilespmem:$0x0];
	v51 =	vadd.s32 $0x249F00, v45;
	[tilespmem:$0x26F0] =	vst v50  }
0x4e: {  	v52 =	vadd.s32 $0x249F00, v47;
	[tilespmem:$0x2700] =	vst v51  }
0x4f: {  	v28 =	vadd.s32 $0x19F0A0, v19;
	[tilespmem:$0x2710] =	vst v52  }
0x50: {  	v30 =	vadd.s32 $0x1B7740, v21;
	[tilespmem:$0x2630] =	vst v28  }
0x51: {  	v32 =	vadd.s32 $0x1B7740, v23;
	[tilespmem:$0x2640] =	vst v30  }
0x52: {  	v34 =	vadd.s32 $0x1CFDE0, v25;
	[tilespmem:$0x2650] =	vst v32  }
0x53: {  	s10 =	simm.s32 $0x2400;
	s17 =	simm.s32 $0x2780;
	[tilespmem:$0x2660] =	vst v34  }
0x54: {  	[tilespmem:s17], [sflag:$0x2] =	stream.indirect.gather [hbm4b:s4+s15], $0x1, s10, s15, $0xb8;
	[tilespmem:$0x19200] =	vst v63  }
0x55: {  	s20 =	simm.s32 $0x2480;
	s30 =	simm.s32 $0x2800  }
0x56: {  	[tilespmem:s30], [sflag:$0x2] =	stream.indirect.gather [hbm4b:s4+s15], $0x1, s20, s15, $0xb8;
	[tilespmem:$0x19200] =	vst v63  }
0x57: {  	s10 =	simm.s32 $0x2500;
	s17 =	simm.s32 $0x2880  }
0x58: {  	[tilespmem:s17], [sflag:$0x2] =	stream.indirect.gather [hbm4b:s4+s15], $0x1, s10, s15, $0xb8;
	[tilespmem:$0x19200] =	vst v63  }
0x59: {  	s20 =	simm.s32 $0x2580;
	s30 =	simm.s32 $0x2900  }
0x5a: {  	[tilespmem:s30], [sflag:$0x2] =	stream.indirect.gather [hbm4b:s4+s15], $0x1, s20, s15, $0xb8;
	[tilespmem:$0x19200] =	vst v63  }
0x5b: {  	s10 =	simm.s32 $0x2600;
	s17 =	simm.s32 $0x2980  }
0x5c: {  	[tilespmem:s17], [sflag:$0x2] =	stream.indirect.gather [hbm4b:s4+s15], $0x1, s10, s15, $0xb8;
	[tilespmem:$0x19200] =	vst v63  }
0x5d: {  	s20 =	simm.s32 $0x2680;
	s30 =	simm.s32 $0x2A00  }
0x5e: {  	[tilespmem:s30], [sflag:$0x2] =	stream.indirect.gather [hbm4b:s4+s15], $0x1, s20, s15, $0xb8;
	[tilespmem:$0x19200] =	vst v63  }
0x5f: {  	s9 =	simm.s32 $0x2700;
	s10 =	simm.s32 $0x2A80;
	s17 =	simm.s32 $0x1  }
0x60: {  	[tilespmem:s10], [sflag:$0x2] =	stream.indirect.gather [hbm4b:s4+s14], $0x1, s9, s14, $0xb8;
	[tilespmem:$0x19200] =	vst v63  }
0x61: {  	_ =	swait.ge [sflag:s17], $0x1000  }
0x62: {  	[sflag:s17] =	ssyncset.done $0x0  }
0x63: {  	s20 =	rddreg [dreg:$0x6];
	[sflag:s17] =	ssyncadd.s32 $0xFFFFF000  }
0x64: {  	[hbm4b:s20+s2] =	stream.linear.scatter [tilespmem:s15], [sflag:$0x9], $0x1000, $0x38;
	[tilespmem:$0x19200] =	vst v63  }
0x65: {  	_ =	swait.ge [sflag:s13], $0x1000  }
0x66: {  	[sflag:s13] =	ssyncset.done $0x0  }
0x67: {  	s30 =	simm.s32 $0x2;
	[sflag:s13] =	ssyncadd.s32 $0xFFFFF000  }
0x68: {  	_ =	swait.ge [sflag:s30], $0x80  }
0x69: {  	[sflag:s30] =	ssyncset.done $0x0  }
0x6a: {  	[sflag:s30] =	ssyncadd.s32 $0xFFFFFF80  }
0x6b: {  	_ =	swait.ge [sflag:s30], $0x80  }
0x6c: {  	[sflag:s30] =	ssyncset.done $0x0  }
0x6d: {  	[sflag:s30] =	ssyncadd.s32 $0xFFFFFF80  }
0x6e: {  	_ =	swait.ge [sflag:s30], $0x80  }
0x6f: {  	[sflag:s30] =	ssyncset.done $0x0  }
0x70: {  	[sflag:s30] =	ssyncadd.s32 $0xFFFFFF80  }
0x71: {  	_ =	swait.ge [sflag:s30], $0x80  }
0x72: {  	[sflag:s30] =	ssyncset.done $0x0  }
0x73: {  	[sflag:s30] =	ssyncadd.s32 $0xFFFFFF80  }
0x74: {  	_ =	swait.ge [sflag:s30], $0x80  }
0x75: {  	[sflag:s30] =	ssyncset.done $0x0  }
0x76: {  	[sflag:s30] =	ssyncadd.s32 $0xFFFFFF80  }
0x77: {  	_ =	swait.ge [sflag:s30], $0x80  }
0x78: {  	[sflag:s30] =	ssyncset.done $0x0  }
0x79: {  	[sflag:s30] =	ssyncadd.s32 $0xFFFFFF80  }
0x7a: {  	_ =	swait.ge [sflag:s30], $0x20  }
0x7b: {  	[sflag:s30] =	ssyncset.done $0x0  }
0x7c: {  	[sflag:s30] =	ssyncadd.s32 $0xFFFFFFE0  }
0x7d: {  	v53 =	vld [tilespmem:$0x2780]  }
0x7e: {  	v54 =	vld [tilespmem:$0x2790]  }
0x7f: {  	v55 =	vld [tilespmem:$0x27A0]  }
0x80: {  	v56 =	vld [tilespmem:$0x27B0]  }
0x81: {  	v57 =	vld [tilespmem:$0x27C0]  }
0x82: {  	v58 =	vld [tilespmem:$0x27D0];
	[tilespmem:$0x2080] =	vst v53  }
0x83: {  	v59 =	vld [tilespmem:$0x27E0];
	[tilespmem:$0x2090] =	vst v54  }
0x84: {  	v60 =	vld [tilespmem:$0x27F0];
	[tilespmem:$0x20A0] =	vst v55  }
0x85: {  	v61 =	vld [tilespmem:$0x2800];
	[tilespmem:$0x20B0] =	vst v56  }
0x86: {  	v62 =	vld [tilespmem:$0x2810];
	[tilespmem:$0x20C0] =	vst v57  }
0x87: {  	v63 =	vld [tilespmem:$0x2820];
	[tilespmem:$0x20D0] =	vst v58  }
0x88: {  	v8 =	vld [tilespmem:$0x2830];
	[tilespmem:$0x20E0] =	vst v59  }
0x89: {  	v9 =	vld [tilespmem:$0x2840];
	[tilespmem:$0x20F0] =	vst v60  }
0x8a: {  	v10 =	vld [tilespmem:$0x2850];
	[tilespmem:$0x2100] =	vst v61  }
0x8b: {  	v11 =	vld [tilespmem:$0x2860];
	[tilespmem:$0x2110] =	vst v62  }
0x8c: {  	v12 =	vld [tilespmem:$0x2870];
	[tilespmem:$0x2120] =	vst v63  }
0x8d: {  	v13 =	vld [tilespmem:$0x2880];
	[tilespmem:$0x2130] =	vst v8  }
0x8e: {  	v14 =	vld [tilespmem:$0x2890];
	[tilespmem:$0x2140] =	vst v9  }
0x8f: {  	v15 =	vld [tilespmem:$0x28A0];
	[tilespmem:$0x2150] =	vst v10  }
0x90: {  	v16 =	vld [tilespmem:$0x28B0];
	[tilespmem:$0x2160] =	vst v11  }
0x91: {  	v17 =	vld [tilespmem:$0x28C0];
	[tilespmem:$0x2170] =	vst v12  }
0x92: {  	v18 =	vld [tilespmem:$0x28D0];
	[tilespmem:$0x2180] =	vst v13  }
0x93: {  	v19 =	vld [tilespmem:$0x28E0];
	[tilespmem:$0x2190] =	vst v14  }
0x94: {  	v20 =	vld [tilespmem:$0x28F0];
	[tilespmem:$0x21A0] =	vst v15  }
0x95: {  	v21 =	vld [tilespmem:$0x2900];
	[tilespmem:$0x21B0] =	vst v16  }
0x96: {  	v22 =	vld [tilespmem:$0x2910];
	[tilespmem:$0x21C0] =	vst v17  }
0x97: {  	v23 =	vld [tilespmem:$0x2920];
	[tilespmem:$0x21D0] =	vst v18  }
0x98: {  	v24 =	vld [tilespmem:$0x2930];
	[tilespmem:$0x21E0] =	vst v19  }
0x99: {  	v25 =	vld [tilespmem:$0x2940];
	[tilespmem:$0x21F0] =	vst v20  }
0x9a: {  	v26 =	vld [tilespmem:$0x2950];
	[tilespmem:$0x2200] =	vst v21  }
0x9b: {  	v27 =	vld [tilespmem:$0x2960];
	[tilespmem:$0x2210] =	vst v22  }
0x9c: {  	v28 =	vld [tilespmem:$0x2970];
	[tilespmem:$0x2220] =	vst v23  }
0x9d: {  	v29 =	vld [tilespmem:$0x2980];
	[tilespmem:$0x2230] =	vst v24  }
0x9e: {  	v30 =	vld [tilespmem:$0x2990];
	[tilespmem:$0x2240] =	vst v25  }
0x9f: {  	v31 =	vld [tilespmem:$0x29A0];
	[tilespmem:$0x2250] =	vst v26  }
0xa0: {  	v32 =	vld [tilespmem:$0x29B0];
	[tilespmem:$0x2260] =	vst v27  }
0xa1: {  	v33 =	vld [tilespmem:$0x29C0];
	[tilespmem:$0x2270] =	vst v28  }
0xa2: {  	v34 =	vld [tilespmem:$0x29D0];
	[tilespmem:$0x2280] =	vst v29  }
0xa3: {  	v35 =	vld [tilespmem:$0x29E0];
	[tilespmem:$0x2290] =	vst v30  }
0xa4: {  	v36 =	vld [tilespmem:$0x29F0];
	[tilespmem:$0x22A0] =	vst v31  }
0xa5: {  	v37 =	vld [tilespmem:$0x2A00];
	[tilespmem:$0x22B0] =	vst v32  }
0xa6: {  	v38 =	vld [tilespmem:$0x2A10];
	[tilespmem:$0x22C0] =	vst v33  }
0xa7: {  	v39 =	vld [tilespmem:$0x2A20];
	[tilespmem:$0x22D0] =	vst v34  }
0xa8: {  	v40 =	vld [tilespmem:$0x2A30];
	[tilespmem:$0x22E0] =	vst v35  }
0xa9: {  	v41 =	vld [tilespmem:$0x2A40];
	[tilespmem:$0x22F0] =	vst v36  }
0xaa: {  	v42 =	vld [tilespmem:$0x2A50];
	[tilespmem:$0x2300] =	vst v37  }
0xab: {  	[tilespmem:$0x2310] =	vst v38  }
0xac: {  	v44 =	vld [tilespmem:$0x2A60];
	[tilespmem:$0x2320] =	vst v39  }
0xad: {  	v45 =	vld [tilespmem:$0x2A70];
	[tilespmem:$0x2330] =	vst v40  }
0xae: {  	v46 =	vld [tilespmem:$0x2A80];
	[tilespmem:$0x2340] =	vst v41  }
0xaf: {  	v47 =	vld [tilespmem:$0x2A90];
	[tilespmem:$0x2350] =	vst v42  }
0xb0: {  	[tilespmem:$0x2B00] =	vst v53;
	v43 =	vld [tilespmem:$0x2090]  }
0xb1: {  	[tilespmem:$0x2360] =	vst v44;
	v48 =	vld [tilespmem:$0x2B00]  }
0xb2: {  	[tilespmem:$0x2370] =	vst v45;
	v50 =	vld [tilespmem:$0x2B00]  }
0xb3: {  	[tilespmem:$0x2380] =	vst v46;
	v52 =	vld [tilespmem:$0x2B00]  }
0xb4: {  	[tilespmem:$0x2390] =	vst v47;
	v56 =	vld [tilespmem:$0x2B00]  }
0xb5: {  	[tilespmem:$0x2C00] =	vst v53;
	v60 =	vld [tilespmem:$0x2B00]  }
0xb6: {  	v63 =	vld [tilespmem:$0x2B00];
	[tilespmem:$0x2B10] =	vst v43;
	v53 =	vadd.s32 $0x186A0, v48  }
0xb7: {  	v10 =	vld [tilespmem:$0x2B00];
	v57 =	vadd.s32 $0x30D40, v50;
	[tilespmem:$0x2C20] =	vst v53  }
0xb8: {  	v14 =	vld [tilespmem:$0x2B00];
	v0 =	vadd.s32 $0x493E0, v52;
	[tilespmem:$0x2C40] =	vst v57  }
0xb9: {  	v18 =	vld [tilespmem:$0x2B00];
	v7 =	vadd.s32 $0x61A80, v56;
	[tilespmem:$0x2C60] =	vst v0  }
0xba: {  	v11 =	vadd.s32 $0x7A120, v60;
	v1 =	vld [tilespmem:$0x2B10];
	[tilespmem:$0x2C80] =	vst v7  }
0xbb: {  	v15 =	vadd.s32 $0x927C0, v63;
	v49 =	vld [tilespmem:$0x2B10];
	[tilespmem:$0x2CA0] =	vst v11  }
0xbc: {  	v19 =	vadd.s32 $0xAAE60, v10;
	v51 =	vld [tilespmem:$0x2B10];
	[tilespmem:$0x2CC0] =	vst v15  }
0xbd: {  	v22 =	vadd.s32 $0xC3500, v14;
	v54 =	vld [tilespmem:$0x2B10];
	[tilespmem:$0x2CE0] =	vst v19  }
0xbe: {  	v24 =	vadd.s32 $0xDBBA0, v18;
	v58 =	vld [tilespmem:$0x2B10];
	[tilespmem:$0x2D00] =	vst v22  }
0xbf: {  	v61 =	vld [tilespmem:$0x2B10];
	[tilespmem:$0x2D20] =	vst v24  }
0xc0: {  	v8 =	vld [tilespmem:$0x2B10];
	[tilespmem:$0x2C10] =	vst v1;
	v55 =	vadd.s32 $0x186A0, v49  }
0xc1: {  	v12 =	vld [tilespmem:$0x2B10];
	v59 =	vadd.s32 $0x30D40, v51;
	[tilespmem:$0x2C30] =	vst v55  }
0xc2: {  	v16 =	vld [tilespmem:$0x2B10];
	v62 =	vadd.s32 $0x493E0, v54;
	[tilespmem:$0x2C50] =	vst v59  }
0xc3: {  	v20 =	vld [tilespmem:$0x2B10];
	v9 =	vadd.s32 $0x61A80, v58;
	[tilespmem:$0x2C70] =	vst v62  }
0xc4: {  	v13 =	vadd.s32 $0x7A120, v61;
	[tilespmem:$0x2C90] =	vst v9  }
0xc5: {  	v17 =	vadd.s32 $0x927C0, v8;
	[tilespmem:$0x2CB0] =	vst v13  }
0xc6: {  	v21 =	vadd.s32 $0xAAE60, v12;
	[tilespmem:$0x2CD0] =	vst v17  }
0xc7: {  	v23 =	vadd.s32 $0xC3500, v16;
	[tilespmem:$0x2CF0] =	vst v21  }
0xc8: {  	v25 =	vadd.s32 $0xDBBA0, v20;
	[tilespmem:$0x2D10] =	vst v23  }
0xc9: {  	s9 =	simm.s32 $0x2C00;
	[tilespmem:$0x2D30] =	vst v25  }
0xca: {  	[tilespmem:s16], [sflag:$0x3] =	stream.indirect.gather [hbm4b:s4+s15], $0x1, s9, s15, $0xb8;
	[tilespmem:$0x19200] =	vst v63  }
0xcb: {  	s10 =	simm.s32 $0x2C80  }
0xcc: {  	[tilespmem:s18], [sflag:$0x3] =	stream.indirect.gather [hbm4b:s4+s15], $0x1, s10, s15, $0xb8;
	[tilespmem:$0x19200] =	vst v63  }
0xcd: {  	s17 =	simm.s32 $0x2D00  }
0xce: {  	[tilespmem:s21], [sflag:$0x3] =	stream.indirect.gather [hbm4b:s4+s19], $0x1, s17, s19, $0xb8;
	[tilespmem:$0x19200] =	vst v63  }
0xcf: {  	v26 =	vld [tilespmem:$0x20B0]  }
0xd0: {  	v27 =	vld [tilespmem:$0x20A0];
	_ =	sdelay $0x3  }
0xd1: {  	[tilespmem:$0x2B90] =	vst v26  }
0xd2: {  	[tilespmem:$0x2B80] =	vst v27;
	v0 =	vld [tilespmem:$0x2B90]  }
0xd3: {  	v28 =	vld [tilespmem:$0x2B80]  }
0xd4: {  	v29 =	vld [tilespmem:$0x2B90]  }
0xd5: {  	v30 =	vld [tilespmem:$0x2B80]  }
0xd6: {  	v31 =	vld [tilespmem:$0x2B90]  }
0xd7: {  	[tilespmem:$0x2D80] =	vst v27;
	v32 =	vld [tilespmem:$0x2B80]  }
0xd8: {  	v34 =	vld [tilespmem:$0x2B90];
	[tilespmem:$0x2D90] =	vst v0;
	v33 =	vadd.s32 $0x186A0, v28  }
0xd9: {  	v36 =	vld [tilespmem:$0x2B80];
	v35 =	vadd.s32 $0x186A0, v29;
	[tilespmem:$0x2DA0] =	vst v33  }
0xda: {  	v38 =	vld [tilespmem:$0x2B90];
	v37 =	vadd.s32 $0x30D40, v30;
	[tilespmem:$0x2DB0] =	vst v35  }
0xdb: {  	v40 =	vld [tilespmem:$0x2B80];
	v39 =	vadd.s32 $0x30D40, v31;
	[tilespmem:$0x2DC0] =	vst v37  }
0xdc: {  	v42 =	vld [tilespmem:$0x2B90];
	v41 =	vadd.s32 $0x493E0, v32;
	[tilespmem:$0x2DD0] =	vst v39  }
0xdd: {  	v44 =	vld [tilespmem:$0x2B80];
	v43 =	vadd.s32 $0x493E0, v34;
	[tilespmem:$0x2DE0] =	vst v41  }
0xde: {  	v46 =	vld [tilespmem:$0x2B90];
	v45 =	vadd.s32 $0x61A80, v36;
	[tilespmem:$0x2DF0] =	vst v43  }
0xdf: {  	v48 =	vld [tilespmem:$0x2B80];
	v47 =	vadd.s32 $0x61A80, v38;
	[tilespmem:$0x2E00] =	vst v45  }
0xe0: {  	v50 =	vld [tilespmem:$0x2B90];
	v49 =	vadd.s32 $0x7A120, v40;
	[tilespmem:$0x2E10] =	vst v47  }
0xe1: {  	v52 =	vld [tilespmem:$0x2B80];
	v51 =	vadd.s32 $0x7A120, v42;
	[tilespmem:$0x2E20] =	vst v49  }
0xe2: {  	v54 =	vld [tilespmem:$0x2B90];
	v53 =	vadd.s32 $0x927C0, v44;
	[tilespmem:$0x2E30] =	vst v51  }
0xe3: {  	v56 =	vld [tilespmem:$0x2B80];
	v55 =	vadd.s32 $0x927C0, v46;
	[tilespmem:$0x2E40] =	vst v53  }
0xe4: {  	v58 =	vld [tilespmem:$0x2B90];
	v57 =	vadd.s32 $0xAAE60, v48;
	[tilespmem:$0x2E50] =	vst v55  }
0xe5: {  	v59 =	vadd.s32 $0xAAE60, v50;
	[tilespmem:$0x2E60] =	vst v57  }
0xe6: {  	v60 =	vadd.s32 $0xC3500, v52;
	[tilespmem:$0x2E70] =	vst v59  }
0xe7: {  	v61 =	vadd.s32 $0xC3500, v54;
	[tilespmem:$0x2E80] =	vst v60  }
0xe8: {  	v62 =	vadd.s32 $0xDBBA0, v56;
	[tilespmem:$0x2E90] =	vst v61  }
0xe9: {  	v63 =	vadd.s32 $0xDBBA0, v58;
	[tilespmem:$0x2EA0] =	vst v62  }
0xea: {  	s20 =	simm.s32 $0x2D80;
	[tilespmem:$0x2EB0] =	vst v63  }
0xeb: {  	[tilespmem:s23], [sflag:$0x4] =	stream.indirect.gather [hbm4b:s4+s15], $0x1, s20, s15, $0xb8;
	[tilespmem:$0x19200] =	vst v63  }
0xec: {  	s30 =	simm.s32 $0x2E00  }
0xed: {  	[tilespmem:s25], [sflag:$0x4] =	stream.indirect.gather [hbm4b:s4+s15], $0x1, s30, s15, $0xb8;
	[tilespmem:$0x19200] =	vst v63  }
0xee: {  	s9 =	simm.s32 $0x2E80  }
0xef: {  	[tilespmem:s28], [sflag:$0x4] =	stream.indirect.gather [hbm4b:s4+s19], $0x1, s9, s19, $0xb8;
	[tilespmem:$0x19200] =	vst v63  }
0xf0: {  	_ =	swait.ge [sflag:s29], $0x80  }
0xf1: {  	[sflag:s29] =	ssyncset.done $0x0  }
0xf2: {  	[sflag:s29] =	ssyncadd.s32 $0xFFFFFF80  }
0xf3: {  	_ =	swait.ge [sflag:s29], $0x80  }
0xf4: {  	[sflag:s29] =	ssyncset.done $0x0  }
0xf5: {  	[sflag:s29] =	ssyncadd.s32 $0xFFFFFF80  }
0xf6: {  	_ =	swait.ge [sflag:s29], $0x40  }
0xf7: {  	[sflag:s29] =	ssyncset.done $0x0  }
0xf8: {  	s10 =	simm.s32 $0x3200;
	[sflag:s29] =	ssyncadd.s32 $0xFFFFFFC0  }
0xf9: {  	[tilespmem:s10], [sflag:$0x5] =	stream.indirect.gather [hbm4b:s1+s15], $0x80, s16, s15, $0xb8;
	[tilespmem:$0x19200] =	vst v63  }
0xfa: {  	s17 =	simm.s32 $0x7200  }
0xfb: {  	[tilespmem:s17], [sflag:$0x5] =	stream.indirect.gather [hbm4b:s1+s15], $0x80, s18, s15, $0xb8;
	[tilespmem:$0x19200] =	vst v63  }
0xfc: {  	s20 =	simm.s32 $0xB200  }
0xfd: {  	[tilespmem:s20], [sflag:$0x5] =	stream.indirect.gather [hbm4b:s1+s19], $0x80, s21, s19, $0xb8;
	[tilespmem:$0x19200] =	vst v63  }
0xfe: {  	s30 =	simm.s32 $0x2B00;
	s17 =	simm.s32 $0x0  }
0xff: {  	[tilespmem:s11], [sflag:$0x7] =	stream.indirect.gather [hbm4b:s1+s14], $0x80, s30, s14, $0xb8;
	[tilespmem:$0x19200] =	vst v63  }
.LBB2_2:
0x100: {  	_ =	swait.ge [sflag:s12], $0x1000;
	s8 =	sshll.u32 s17, $0xF  }
0x101: {  	[sflag:s12] =	ssyncset.done $0x0;
	s30 =	sor.u32 s7, s8  }
0x102: {  	s9 =	simm.s32 $0x0;
	[sflag:s12] =	ssyncadd.s32 $0xFFFFF000;
	s8 =	sadd.s32 s5, s30  }
0x103: {  	[hbm4b:s8+s9] =	stream.linear.scatter [tilespmem:s11], [sflag:$0x9], $0x1000, $0x38;
	[tilespmem:$0x19200] =	vst v63  }
0x104: {  	_ =	swait.ge [sflag:s13], $0x1000  }
0x105: {  	[sflag:s13] =	ssyncset.done $0x0  }
0x106: {  	[sflag:s13] =	ssyncadd.s32 $0xFFFFF000  }
0x107: {  	_ =	swait.ge [sflag:s31], $0x80  }
0x108: {  	[sflag:s31] =	ssyncset.done $0x0  }
0x109: {  	[sflag:s31] =	ssyncadd.s32 $0xFFFFFF80  }
0x10a: {  	_ =	swait.ge [sflag:s31], $0x80  }
0x10b: {  	[sflag:s31] =	ssyncset.done $0x0  }
0x10c: {  	[sflag:s31] =	ssyncadd.s32 $0xFFFFFF80  }
0x10d: {  	_ =	swait.ge [sflag:s31], $0x40  }
0x10e: {  	[sflag:s31] =	ssyncset.done $0x0  }
0x10f: {  	s20 =	simm.s32 $0xD200;
	[sflag:s31] =	ssyncadd.s32 $0xFFFFFFC0  }
0x110: {  	[tilespmem:s20], [sflag:$0x6] =	stream.indirect.gather [hbm4b:s1+s15], $0x80, s23, s15, $0xb8;
	[tilespmem:$0x19200] =	vst v63  }
0x111: {  	s9 =	simm.s32 $0x11200  }
0x112: {  	[tilespmem:s9], [sflag:$0x6] =	stream.indirect.gather [hbm4b:s1+s15], $0x80, s25, s15, $0xb8;
	[tilespmem:$0x19200] =	vst v63  }
0x113: {  	s10 =	simm.s32 $0x15200  }
0x114: {  	[tilespmem:s10], [sflag:$0x6] =	stream.indirect.gather [hbm4b:s1+s19], $0x80, s28, s19, $0xb8;
	[tilespmem:$0x19200] =	vst v63  }
0x115: {  	s20 =	simm.s32 $0x2B80  }
0x116: {  	[tilespmem:s22], [sflag:$0x8] =	stream.indirect.gather [hbm4b:s1+s14], $0x80, s20, s14, $0xb8;
	[tilespmem:$0x19200] =	vst v63  }
0x117: {  	_ =	swait.ge [sflag:s24], $0x4000  }
0x118: {  	[sflag:s24] =	ssyncset.done $0x0  }
0x119: {  	[sflag:s24] =	ssyncadd.s32 $0xFFFFC000  }
0x11a: {  	_ =	swait.ge [sflag:s24], $0x4000  }
0x11b: {  	[sflag:s24] =	ssyncset.done $0x0  }
0x11c: {  	[sflag:s24] =	ssyncadd.s32 $0xFFFFC000  }
0x11d: {  	_ =	swait.ge [sflag:s24], $0x2000  }
0x11e: {  	s9 =	sshll.u32 s17, $0x6;
	[sflag:s24] =	ssyncset.done $0x0  }
0x11f: {  	s20 =	sand.u32 $0x3FFFFFC0, s9;
	[sflag:s24] =	ssyncadd.s32 $0xFFFFE000  }
0x120: {  	v0 =	vld [tilespmem:s20+$0x20C0];
	_ =	sdelay $0x4  }
0x121: {  	[tilespmem:$0x2B00] =	vst v0  }
0x122: {  	v1 =	vld [tilespmem:s20+$0x20D0];
	_ =	sdelay $0x4  }
0x123: {  	v2 =	vld [tilespmem:$0x2B00];
	[tilespmem:$0x2B10] =	vst v1  }
0x124: {  	v1 =	vld [tilespmem:$0x2B10]  }
0x125: {  	v3 =	vld [tilespmem:$0x2B10]  }
0x126: {  	v4 =	vld [tilespmem:$0x2B00]  }
0x127: {  	v5 =	vld [tilespmem:$0x2B10]  }
0x128: {  	[tilespmem:$0x2C00] =	vst v0;
	v0 =	vld [tilespmem:$0x2B00]  }
0x129: {  	[tilespmem:$0x2C10] =	vst v1;
	v1 =	vadd.s32 $0x186A0, v2;
	v2 =	vld [tilespmem:$0x2B10]  }
0x12a: {  	[tilespmem:$0x2C20] =	vst v1;
	v1 =	vadd.s32 $0x186A0, v3;
	v3 =	vld [tilespmem:$0x2B00]  }
0x12b: {  	[tilespmem:$0x2C30] =	vst v1;
	v1 =	vadd.s32 $0x30D40, v4;
	v4 =	vld [tilespmem:$0x2B10]  }
0x12c: {  	[tilespmem:$0x2C40] =	vst v1;
	v1 =	vadd.s32 $0x30D40, v5;
	v5 =	vld [tilespmem:$0x2B00]  }
0x12d: {  	v0 =	vadd.s32 $0x493E0, v0;
	[tilespmem:$0x2C50] =	vst v1;
	v1 =	vld [tilespmem:$0x2B10]  }
0x12e: {  	[tilespmem:$0x2C60] =	vst v0;
	v0 =	vadd.s32 $0x493E0, v2;
	v2 =	vld [tilespmem:$0x2B00]  }
0x12f: {  	[tilespmem:$0x2C70] =	vst v0;
	v0 =	vadd.s32 $0x61A80, v3;
	v3 =	vld [tilespmem:$0x2B10]  }
0x130: {  	[tilespmem:$0x2C80] =	vst v0;
	v0 =	vadd.s32 $0x61A80, v4;
	v4 =	vld [tilespmem:$0x2B00]  }
0x131: {  	[tilespmem:$0x2C90] =	vst v0;
	v0 =	vadd.s32 $0x7A120, v5;
	v5 =	vld [tilespmem:$0x2B10]  }
0x132: {  	[tilespmem:$0x2CA0] =	vst v0;
	v0 =	vadd.s32 $0x7A120, v1;
	v1 =	vld [tilespmem:$0x2B00]  }
0x133: {  	[tilespmem:$0x2CB0] =	vst v0;
	v0 =	vadd.s32 $0x927C0, v2;
	v2 =	vld [tilespmem:$0x2B10]  }
0x134: {  	[tilespmem:$0x2CC0] =	vst v0;
	v0 =	vadd.s32 $0x927C0, v3;
	v3 =	vld [tilespmem:$0x2B00]  }
0x135: {  	[tilespmem:$0x2CD0] =	vst v0;
	v0 =	vadd.s32 $0xAAE60, v4;
	v4 =	vld [tilespmem:$0x2B10]  }
0x136: {  	[tilespmem:$0x2CE0] =	vst v0;
	v0 =	vadd.s32 $0xAAE60, v5  }
0x137: {  	[tilespmem:$0x2CF0] =	vst v0;
	v0 =	vadd.s32 $0xC3500, v1  }
0x138: {  	[tilespmem:$0x2D00] =	vst v0;
	v0 =	vadd.s32 $0xC3500, v2  }
0x139: {  	[tilespmem:$0x2D10] =	vst v0;
	v0 =	vadd.s32 $0xDBBA0, v3  }
0x13a: {  	[tilespmem:$0x2D20] =	vst v0;
	v0 =	vadd.s32 $0xDBBA0, v4  }
0x13b: {  	s10 =	simm.s32 $0x2C00;
	[tilespmem:$0x2D30] =	vst v0  }
0x13c: {  	[tilespmem:s16], [sflag:$0x3] =	stream.indirect.gather [hbm4b:s4+s15], $0x1, s10, s15, $0xb8;
	[tilespmem:$0x19200] =	vst v63  }
0x13d: {  	s9 =	simm.s32 $0x2C80  }
0x13e: {  	[tilespmem:s18], [sflag:$0x3] =	stream.indirect.gather [hbm4b:s4+s15], $0x1, s9, s15, $0xb8;
	[tilespmem:$0x19200] =	vst v63  }
0x13f: {  	s8 =	simm.s32 $0x0;
	s10 =	simm.s32 $0x2D00  }
0x140: {  	[tilespmem:s21], [sflag:$0x3] =	stream.indirect.gather [hbm4b:s4+s19], $0x1, s10, s19, $0xb8;
	[tilespmem:$0x19200] =	vst v63  }
0x141: {  	v0 =	vld [tilespmem:s8+$0x3270]  }
0x142: {  	v1 =	vld [tilespmem:s8+$0x4270]  }
0x143: {  	v2 =	vld [tilespmem:s8+$0x3200]  }
0x144: {  	v3 =	vld [tilespmem:s8+$0x5270]  }
0x145: {  	v4 =	vld [tilespmem:s8+$0x4200]  }
0x146: {  	v5 =	vld [tilespmem:s8+$0x6270]  }
0x147: {  	v6 =	vld [tilespmem:s8+$0x3210]  }
0x148: {  	v7 =	vld [tilespmem:s8+$0x4210]  }
0x149: {  	v8 =	vld [tilespmem:s8+$0x3220]  }
0x14a: {  	v9 =	vld [tilespmem:s8+$0x4220]  }
0x14b: {  	v10 =	vld [tilespmem:s8+$0x3230]  }
0x14c: {  	v11 =	vld [tilespmem:s8+$0x4230]  }
0x14d: {  	v12 =	vld [tilespmem:s8+$0x3240]  }
0x14e: {  	v13 =	vld [tilespmem:s8+$0x3250]  }
0x14f: {  	v14 =	vld [tilespmem:s8+$0x3260]  }
0x150: {  	v15 =	vld [tilespmem:s8+$0x5200]  }
0x151: {  	v16 =	vld [tilespmem:s8+$0x5210]  }
0x152: {  	v17 =	vld [tilespmem:s8+$0x5220]  }
0x153: {  	v18 =	vld [tilespmem:s8+$0x5240]  }
0x154: {  	v19 =	vld [tilespmem:s8+$0x5250]  }
0x155: {  	v20 =	vld [tilespmem:s8+$0x5260]  }
0x156: {  	v21 =	vld [tilespmem:s8+$0x6200]  }
0x157: {  	v22 =	vld [tilespmem:s8+$0x6210]  }
0x158: {  	v23 =	vld [tilespmem:s8+$0x6220]  }
0x159: {  	v24 =	vld [tilespmem:s8+$0x6230]  }
0x15a: {  	v25 =	vld [tilespmem:s8+$0x6240]  }
0x15b: {  	v26 =	vld [tilespmem:s8+$0x6250]  }
0x15c: {  	v27 =	vld [tilespmem:s8+$0x6260]  }
0x15d: {  	v28 =	vld [tilespmem:s8+$0x7200]  }
0x15e: {  	v29 =	vld [tilespmem:s8+$0x7210]  }
0x15f: {  	v30 =	vld [tilespmem:s8+$0x7220]  }
0x160: {  	v31 =	vld [tilespmem:s8+$0x7230]  }
0x161: {  	v32 =	vld [tilespmem:s8+$0x7240]  }
0x162: {  	v33 =	vld [tilespmem:s8+$0x7250]  }
0x163: {  	v34 =	vld [tilespmem:s8+$0x7260]  }
0x164: {  	v35 =	vld [tilespmem:s8+$0x8200]  }
0x165: {  	v36 =	vld [tilespmem:s8+$0x8210]  }
0x166: {  	v37 =	vld [tilespmem:s8+$0x8220]  }
0x167: {  	v38 =	vld [tilespmem:s8+$0x8230]  }
0x168: {  	v39 =	vld [tilespmem:s8+$0x8240]  }
0x169: {  	v40 =	vld [tilespmem:s8+$0x8250];
	v0 =	vadd.f32 v1, v0  }
0x16a: {  	v1 =	vld [tilespmem:s8+$0x7270]  }
0x16b: {  	v45 =	vld [tilespmem:s8+$0x9230];
	v0 =	vadd.f32 v3, v0  }
0x16c: {  	v3 =	vld [tilespmem:s8+$0x8270]  }
0x16d: {  	v46 =	vld [tilespmem:s8+$0x9250];
	v0 =	vadd.f32 v5, v0  }
0x16e: {  	v5 =	vld [tilespmem:s8+$0x9270]  }
0x16f: {  	v47 =	vld [tilespmem:s8+$0x9260];
	v0 =	vadd.f32 v1, v0  }
0x170: {  	v1 =	vld [tilespmem:s8+$0xA270]  }
0x171: {  	v48 =	vld [tilespmem:s8+$0xA200];
	v2 =	vadd.f32 v4, v2;
	v0 =	vadd.f32 v3, v0  }
0x172: {  	v6 =	vadd.f32 v7, v6;
	v7 =	vadd.f32 v9, v8;
	v3 =	vld [tilespmem:s8+$0xB270]  }
0x173: {  	v49 =	vld [tilespmem:s8+$0xA210];
	v9 =	vadd.f32 v11, v10;
	v0 =	vadd.f32 v5, v0  }
0x174: {  	v2 =	vadd.f32 v15, v2;
	v6 =	vadd.f32 v16, v6;
	v5 =	vld [tilespmem:s8+$0xC270]  }
0x175: {  	v50 =	vld [tilespmem:s8+$0xA220];
	v7 =	vadd.f32 v17, v7;
	v0 =	vadd.f32 v1, v0  }
0x176: {  	v8 =	vld [tilespmem:s8+$0x9200];
	v2 =	vadd.f32 v21, v2;
	v6 =	vadd.f32 v22, v6  }
0x177: {  	v10 =	vld [tilespmem:s8+$0x9210];
	v7 =	vadd.f32 v23, v7;
	v0 =	vadd.f32 v3, v0  }
0x178: {  	v11 =	vld [tilespmem:s8+$0x9220];
	v2 =	vadd.f32 v28, v2;
	v6 =	vadd.f32 v29, v6  }
0x179: {  	v55 =	vld [tilespmem:s8+$0xB200];
	v7 =	vadd.f32 v30, v7;
	v0 =	vadd.f32 v5, v0  }
0x17a: {  	v2 =	vadd.f32 v35, v2;
	v6 =	vadd.f32 v36, v6;
	v3 =	vld [tilespmem:s8+$0x4250]  }
0x17b: {  	v7 =	vadd.f32 v37, v7;
	v1 =	vld [tilespmem:s8+$0x4240];
	v0 =	vmul.f32 $1.000000010e-01, v0  }
0x17c: {  	v2 =	vadd.f32 v8, v2;
	v6 =	vadd.f32 v10, v6;
	v5 =	vld [tilespmem:s8+$0x4260]  }
0x17d: {  	v7 =	vadd.f32 v11, v7;
	[tilespmem:s8+$0x10F0] =	vst v0;
	v0 =	vld [tilespmem:s8+$0x5230]  }
0x17e: {  	v51 =	vld [tilespmem:s8+$0xA230];
	v2 =	vadd.f32 v48, v2;
	v6 =	vadd.f32 v49, v6  }
0x17f: {  	v52 =	vld [tilespmem:s8+$0xA240];
	v7 =	vadd.f32 v50, v7;
	v3 =	vadd.f32 v3, v13  }
0x180: {  	v53 =	vld [tilespmem:s8+$0xA250];
	v2 =	vadd.f32 v55, v2;
	v1 =	vadd.f32 v1, v12  }
0x181: {  	v54 =	vld [tilespmem:s8+$0xA260];
	v5 =	vadd.f32 v5, v14;
	v3 =	vadd.f32 v19, v3  }
0x182: {  	v56 =	vld [tilespmem:s8+$0xB210];
	v1 =	vadd.f32 v18, v1;
	v0 =	vadd.f32 v0, v9  }
0x183: {  	v57 =	vld [tilespmem:s8+$0xB260];
	v5 =	vadd.f32 v20, v5;
	v3 =	vadd.f32 v26, v3  }
0x184: {  	v4 =	vld [tilespmem:s8+$0x8260];
	v1 =	vadd.f32 v25, v1;
	v0 =	vadd.f32 v24, v0  }
0x185: {  	v9 =	vld [tilespmem:s8+$0x9240];
	v5 =	vadd.f32 v27, v5;
	v3 =	vadd.f32 v33, v3  }
0x186: {  	v58 =	vld [tilespmem:s8+$0xC200];
	v1 =	vadd.f32 v32, v1;
	v0 =	vadd.f32 v31, v0  }
0x187: {  	v59 =	vld [tilespmem:s8+$0xC210];
	v5 =	vadd.f32 v34, v5;
	v3 =	vadd.f32 v40, v3  }
0x188: {  	v10 =	vld [tilespmem:s8+$0xB230];
	v1 =	vadd.f32 v39, v1;
	v0 =	vadd.f32 v38, v0  }
0x189: {  	v4 =	vadd.f32 v4, v5;
	v5 =	vld [tilespmem:s8+$0xB220];
	v3 =	vadd.f32 v46, v3  }
0x18a: {  	v1 =	vadd.f32 v9, v1;
	v9 =	vld [tilespmem:s8+$0xB250];
	v0 =	vadd.f32 v45, v0  }
0x18b: {  	v61 =	vld [tilespmem:s8+$0xC220];
	v62 =	vadd.f32 v56, v6;
	v4 =	vadd.f32 v47, v4  }
0x18c: {  	v11 =	vld [tilespmem:s8+$0xB240];
	v60 =	vadd.f32 v53, v3;
	v0 =	vadd.f32 v51, v0  }
0x18d: {  	v8 =	vld [tilespmem:s8+$0xC230];
	v1 =	vadd.f32 v52, v1;
	v4 =	vadd.f32 v54, v4  }
0x18e: {  	v63 =	vadd.f32 v5, v7;
	v7 =	vld [tilespmem:s8+$0xC240];
	v6 =	vadd.f32 v10, v0  }
0x18f: {  	v5 =	vld [tilespmem:s8+$0xC250];
	v10 =	vadd.f32 v58, v2;
	v2 =	vadd.f32 v9, v60  }
0x190: {  	s10 =	simm.s32 $0x80;
	v0 =	vadd.f32 v57, v4;
	v4 =	vld [tilespmem:s8+$0xC260];
	v9 =	vadd.f32 v59, v62  }
0x191: {  	s9 =	simm.s32 $0x400;
	v3 =	vadd.f32 v11, v1;
	v1 =	vld [tilespmem:s10+$0x3270];
	v11 =	vmul.f32 $1.000000010e-01, v10;
	v10 =	vadd.f32 v61, v63  }
.LBB2_3:
0x192: {  	p0 =	sne.s32 s9, $0x3E00;
	v12 =	vld [tilespmem:s10+$0x4270];
	v9 =	vmul.f32 $1.000000010e-01, v9;
	v6 =	vadd.f32 v8, v6  }
0x193: {  	v8 =	vld [tilespmem:s10+$0x3200];
	[tilespmem:s8+$0x1080] =	vst v11;
	v10 =	vmul.f32 $1.000000010e-01, v10;
	v3 =	vadd.f32 v7, v3  }
0x194: {  	v7 =	vld [tilespmem:s10+$0x5270];
	[tilespmem:s8+$0x1090] =	vst v9;
	v6 =	vmul.f32 $1.000000010e-01, v6;
	v2 =	vadd.f32 v5, v2  }
0x195: {  	v5 =	vld [tilespmem:s10+$0x4200];
	[tilespmem:s8+$0x10A0] =	vst v10;
	v3 =	vmul.f32 $1.000000010e-01, v3;
	v0 =	vadd.f32 v4, v0  }
0x196: {  	v4 =	vld [tilespmem:s10+$0x6270];
	[tilespmem:s8+$0x10B0] =	vst v6;
	v2 =	vmul.f32 $1.000000010e-01, v2  }
0x197: {  	v6 =	vld [tilespmem:s10+$0x3210];
	v1 =	vadd.f32 v12, v1;
	[tilespmem:s8+$0x10C0] =	vst v3;
	v0 =	vmul.f32 $1.000000010e-01, v0  }
0x198: {  	v3 =	vld [tilespmem:s10+$0x7270];
	[tilespmem:s8+$0x10D0] =	vst v2  }
0x199: {  	v2 =	vld [tilespmem:s10+$0x4210];
	v1 =	vadd.f32 v7, v1;
	[tilespmem:s8+$0x10E0] =	vst v0;
	s8 =	smov.u32 s10  }
0x19a: {  	v0 =	vadd.f32 v5, v8;
	v5 =	vld [tilespmem:s8+$0x8270]  }
0x19b: {  	v7 =	vld [tilespmem:s8+$0x3220];
	v1 =	vadd.f32 v4, v1  }
0x19c: {  	v4 =	vld [tilespmem:s8+$0x9270]  }
0x19d: {  	v8 =	vld [tilespmem:s8+$0x4220];
	v1 =	vadd.f32 v3, v1  }
0x19e: {  	v2 =	vadd.f32 v2, v6;
	v3 =	vld [tilespmem:s8+$0xA270]  }
0x19f: {  	v6 =	vld [tilespmem:s8+$0x3230];
	v1 =	vadd.f32 v5, v1  }
0x1a0: {  	v5 =	vld [tilespmem:s8+$0xB270]  }
0x1a1: {  	v9 =	vld [tilespmem:s8+$0x4230];
	v1 =	vadd.f32 v4, v1  }
0x1a2: {  	v4 =	vadd.f32 v8, v7;
	v7 =	vld [tilespmem:s8+$0xC270]  }
0x1a3: {  	v8 =	vld [tilespmem:s8+$0x3240];
	v1 =	vadd.f32 v3, v1  }
0x1a4: {  	v3 =	vld [tilespmem:s8+$0x4240]  }
0x1a5: {  	v10 =	vld [tilespmem:s8+$0x3250];
	v1 =	vadd.f32 v5, v1  }
0x1a6: {  	v5 =	vadd.f32 v9, v6;
	v6 =	vld [tilespmem:s8+$0x4250]  }
0x1a7: {  	v9 =	vld [tilespmem:s8+$0x3260];
	v1 =	vadd.f32 v7, v1  }
0x1a8: {  	v7 =	vld [tilespmem:s8+$0x4260]  }
0x1a9: {  	v11 =	vld [tilespmem:s8+$0x5200];
	v3 =	vadd.f32 v3, v8;
	v1 =	vmul.f32 $1.000000010e-01, v1  }
0x1aa: {  	v8 =	vld [tilespmem:s8+$0x5210]  }
0x1ab: {  	v12 =	vld [tilespmem:s8+$0x5220];
	v6 =	vadd.f32 v6, v10;
	[tilespmem:s8+$0x10F0] =	vst v1  }
0x1ac: {  	v1 =	vld [tilespmem:s8+$0x5230]  }
0x1ad: {  	v10 =	vld [tilespmem:s8+$0x5240];
	v7 =	vadd.f32 v7, v9  }
0x1ae: {  	v0 =	vadd.f32 v11, v0;
	v9 =	vld [tilespmem:s8+$0x5250]  }
0x1af: {  	v2 =	vadd.f32 v8, v2;
	v8 =	vld [tilespmem:s8+$0x5260]  }
0x1b0: {  	v11 =	vld [tilespmem:s8+$0x6200];
	v4 =	vadd.f32 v12, v4  }
0x1b1: {  	v12 =	vld [tilespmem:s8+$0x6210];
	v1 =	vadd.f32 v1, v5  }
0x1b2: {  	v5 =	vld [tilespmem:s8+$0x6220];
	v3 =	vadd.f32 v10, v3  }
0x1b3: {  	v10 =	vld [tilespmem:s8+$0x6230];
	v6 =	vadd.f32 v9, v6  }
0x1b4: {  	v9 =	vld [tilespmem:s8+$0x6240];
	v7 =	vadd.f32 v8, v7  }
0x1b5: {  	v0 =	vadd.f32 v11, v0;
	v8 =	vld [tilespmem:s8+$0x6250]  }
0x1b6: {  	v2 =	vadd.f32 v12, v2;
	v11 =	vld [tilespmem:s8+$0x6260]  }
0x1b7: {  	v12 =	vld [tilespmem:s8+$0x7200];
	v4 =	vadd.f32 v5, v4  }
0x1b8: {  	v5 =	vld [tilespmem:s8+$0x7210];
	v1 =	vadd.f32 v10, v1  }
0x1b9: {  	v10 =	vld [tilespmem:s8+$0x7220];
	v3 =	vadd.f32 v9, v3  }
0x1ba: {  	v9 =	vld [tilespmem:s8+$0x7230];
	v6 =	vadd.f32 v8, v6  }
0x1bb: {  	v8 =	vld [tilespmem:s8+$0x7240];
	v7 =	vadd.f32 v11, v7  }
0x1bc: {  	v0 =	vadd.f32 v12, v0;
	v11 =	vld [tilespmem:s8+$0x7250]  }
0x1bd: {  	v2 =	vadd.f32 v5, v2;
	v5 =	vld [tilespmem:s8+$0x7260]  }
0x1be: {  	v12 =	vld [tilespmem:s8+$0x8200];
	v4 =	vadd.f32 v10, v4  }
0x1bf: {  	v10 =	vld [tilespmem:s8+$0x8210];
	v1 =	vadd.f32 v9, v1  }
0x1c0: {  	v9 =	vld [tilespmem:s8+$0x8220];
	v3 =	vadd.f32 v8, v3  }
0x1c1: {  	v8 =	vld [tilespmem:s8+$0x8230];
	v6 =	vadd.f32 v11, v6  }
0x1c2: {  	v11 =	vld [tilespmem:s8+$0x8240];
	v5 =	vadd.f32 v5, v7  }
0x1c3: {  	v0 =	vadd.f32 v12, v0;
	v7 =	vld [tilespmem:s8+$0x8250]  }
0x1c4: {  	v2 =	vadd.f32 v10, v2;
	v10 =	vld [tilespmem:s8+$0x8260]  }
0x1c5: {  	v12 =	vld [tilespmem:s8+$0x9200];
	v4 =	vadd.f32 v9, v4  }
0x1c6: {  	v9 =	vld [tilespmem:s8+$0x9210];
	v1 =	vadd.f32 v8, v1  }
0x1c7: {  	v8 =	vld [tilespmem:s8+$0x9220];
	v3 =	vadd.f32 v11, v3  }
0x1c8: {  	v11 =	vld [tilespmem:s8+$0x9230];
	v6 =	vadd.f32 v7, v6  }
0x1c9: {  	v7 =	vld [tilespmem:s8+$0x9240];
	v5 =	vadd.f32 v10, v5  }
0x1ca: {  	v0 =	vadd.f32 v12, v0;
	v10 =	vld [tilespmem:s8+$0x9250]  }
0x1cb: {  	v2 =	vadd.f32 v9, v2;
	v9 =	vld [tilespmem:s8+$0x9260]  }
0x1cc: {  	v12 =	vld [tilespmem:s8+$0xA200];
	v4 =	vadd.f32 v8, v4  }
0x1cd: {  	v8 =	vld [tilespmem:s8+$0xA210];
	v1 =	vadd.f32 v11, v1  }
0x1ce: {  	v11 =	vld [tilespmem:s8+$0xA220];
	v3 =	vadd.f32 v7, v3  }
0x1cf: {  	v7 =	vld [tilespmem:s8+$0xA230];
	v6 =	vadd.f32 v10, v6  }
0x1d0: {  	v10 =	vld [tilespmem:s8+$0xA240];
	v5 =	vadd.f32 v9, v5  }
0x1d1: {  	v0 =	vadd.f32 v12, v0;
	v9 =	vld [tilespmem:s8+$0xA250]  }
0x1d2: {  	v2 =	vadd.f32 v8, v2;
	v8 =	vld [tilespmem:s8+$0xA260]  }
0x1d3: {  	v12 =	vld [tilespmem:s8+$0xB200];
	v4 =	vadd.f32 v11, v4  }
0x1d4: {  	v11 =	vld [tilespmem:s8+$0xB210];
	v1 =	vadd.f32 v7, v1  }
0x1d5: {  	v7 =	vld [tilespmem:s8+$0xB220];
	v3 =	vadd.f32 v10, v3  }
0x1d6: {  	v10 =	vld [tilespmem:s8+$0xB230];
	v9 =	vadd.f32 v9, v6  }
0x1d7: {  	v13 =	vld [tilespmem:s8+$0xB240];
	v5 =	vadd.f32 v8, v5  }
0x1d8: {  	v12 =	vadd.f32 v12, v0;
	v0 =	vld [tilespmem:s8+$0xB250]  }
0x1d9: {  	v11 =	vadd.f32 v11, v2;
	v14 =	vld [tilespmem:s8+$0xB260]  }
0x1da: {  	v15 =	vld [tilespmem:s8+$0xC200];
	v16 =	vadd.f32 v7, v4  }
0x1db: {  	v4 =	vld [tilespmem:s8+$0xC210];
	v6 =	vadd.f32 v10, v1  }
0x1dc: {  	v10 =	vld [tilespmem:s8+$0xC220];
	v3 =	vadd.f32 v13, v3  }
.Ltmp0:
0x1dd: {  	v8 =	vld [tilespmem:s8+$0xC230];
	v2 =	vadd.f32 v0, v9;
	(pc) =	sbr.rel @p0 .LBB2_3-.Ltmp0, $4  }
0x1de: {  	v7 =	vld [tilespmem:s8+$0xC240];
	v0 =	vadd.f32 v14, v5  }
0x1df: {  	v12 =	vadd.f32 v15, v12;
	v5 =	vld [tilespmem:s8+$0xC250]  }
0x1e0: {  	s10 =	sshra.s32 s9, $0x2;
	v9 =	vadd.f32 v4, v11;
	v4 =	vld [tilespmem:s8+$0xC260]  }
0x1e1: {  	s9 =	sadd.s32 $0x200, s9;
	v1 =	vld [tilespmem:s10+$0x3270];
	v11 =	vmul.f32 $1.000000010e-01, v12;
	v10 =	vadd.f32 v10, v16  }
0x1e2: {  	v12 =	vld [tilespmem:s10+$0x4270];
	v9 =	vmul.f32 $1.000000010e-01, v9;
	v6 =	vadd.f32 v8, v6  }
0x1e3: {  	v13 =	vld [tilespmem:s10+$0x3200];
	[tilespmem:s8+$0x1080] =	vst v11;
	v57 =	vmul.f32 $1.000000010e-01, v10;
	v3 =	vadd.f32 v7, v3  }
0x1e4: {  	v11 =	vld [tilespmem:s10+$0x5270];
	[tilespmem:s8+$0x1090] =	vst v9;
	v6 =	vmul.f32 $1.000000010e-01, v6;
	v2 =	vadd.f32 v5, v2  }
0x1e5: {  	v9 =	vld [tilespmem:s10+$0x4200];
	[tilespmem:s8+$0x10A0] =	vst v57;
	v3 =	vmul.f32 $1.000000010e-01, v3;
	v0 =	vadd.f32 v4, v0  }
0x1e6: {  	v58 =	vld [tilespmem:s10+$0x6270];
	[tilespmem:s8+$0x10B0] =	vst v6;
	v2 =	vmul.f32 $1.000000010e-01, v2  }
0x1e7: {  	v59 =	vld [tilespmem:s10+$0x3210];
	[tilespmem:s8+$0x10C0] =	vst v3;
	v0 =	vmul.f32 $1.000000010e-01, v0  }
0x1e8: {  	v3 =	vld [tilespmem:s10+$0x7270];
	[tilespmem:s8+$0x10D0] =	vst v2  }
0x1e9: {  	v2 =	vld [tilespmem:s10+$0x4210];
	[tilespmem:s8+$0x10E0] =	vst v0  }
0x1ea: {  	v61 =	vld [tilespmem:s10+$0x8270]  }
0x1eb: {  	v62 =	vld [tilespmem:s10+$0x3220]  }
0x1ec: {  	v6 =	vld [tilespmem:s10+$0x9270]  }
0x1ed: {  	v63 =	vld [tilespmem:s10+$0x4220]  }
0x1ee: {  	v42 =	vld [tilespmem:s10+$0xA270]  }
0x1ef: {  	v8 =	vld [tilespmem:s10+$0x3230]  }
0x1f0: {  	v43 =	vld [tilespmem:s10+$0xB270]  }
0x1f1: {  	v44 =	vld [tilespmem:s10+$0x4230]  }
0x1f2: {  	v45 =	vld [tilespmem:s10+$0xC270]  }
0x1f3: {  	v46 =	vld [tilespmem:s10+$0x3240]  }
0x1f4: {  	v47 =	vld [tilespmem:s10+$0x4240]  }
0x1f5: {  	v48 =	vld [tilespmem:s10+$0x3250]  }
0x1f6: {  	v49 =	vld [tilespmem:s10+$0x4250]  }
0x1f7: {  	v14 =	vld [tilespmem:s10+$0x3260]  }
0x1f8: {  	v50 =	vld [tilespmem:s10+$0x4260]  }
0x1f9: {  	v15 =	vld [tilespmem:s10+$0x5200]  }
0x1fa: {  	v16 =	vld [tilespmem:s10+$0x5210]  }
0x1fb: {  	v17 =	vld [tilespmem:s10+$0x5220]  }
0x1fc: {  	v51 =	vld [tilespmem:s10+$0x5230]  }
0x1fd: {  	v18 =	vld [tilespmem:s10+$0x5240]  }
0x1fe: {  	v19 =	vld [tilespmem:s10+$0x5250]  }
0x1ff: {  	v20 =	vld [tilespmem:s10+$0x5260]  }
0x200: {  	v21 =	vld [tilespmem:s10+$0x6200]  }
0x201: {  	v22 =	vld [tilespmem:s10+$0x6210]  }
0x202: {  	v23 =	vld [tilespmem:s10+$0x6220]  }
0x203: {  	v24 =	vld [tilespmem:s10+$0x6230]  }
0x204: {  	v25 =	vld [tilespmem:s10+$0x6240]  }
0x205: {  	v26 =	vld [tilespmem:s10+$0x6250]  }
0x206: {  	v27 =	vld [tilespmem:s10+$0x6260]  }
0x207: {  	v28 =	vld [tilespmem:s10+$0x7200]  }
0x208: {  	v29 =	vld [tilespmem:s10+$0x7210]  }
0x209: {  	v30 =	vld [tilespmem:s10+$0x7220]  }
0x20a: {  	v31 =	vld [tilespmem:s10+$0x7230]  }
0x20b: {  	v32 =	vld [tilespmem:s10+$0x7240]  }
0x20c: {  	v1 =	vadd.f32 v12, v1;
	v33 =	vld [tilespmem:s10+$0x7250]  }
0x20d: {  	v34 =	vld [tilespmem:s10+$0x7260]  }
0x20e: {  	v60 =	vadd.f32 v11, v1;
	v35 =	vld [tilespmem:s10+$0x8200]  }
0x20f: {  	v36 =	vld [tilespmem:s10+$0x8210]  }
0x210: {  	v37 =	vld [tilespmem:s10+$0x8220];
	v0 =	vadd.f32 v58, v60  }
0x211: {  	v38 =	vld [tilespmem:s10+$0x8230]  }
0x212: {  	v39 =	vld [tilespmem:s10+$0x8240];
	v0 =	vadd.f32 v3, v0  }
0x213: {  	v40 =	vld [tilespmem:s10+$0x8250];
	v9 =	vadd.f32 v9, v13;
	v2 =	vadd.f32 v2, v59  }
0x214: {  	v41 =	vld [tilespmem:s10+$0x8260];
	v0 =	vadd.f32 v61, v0;
	v4 =	vadd.f32 v63, v62  }
0x215: {  	v52 =	vld [tilespmem:s10+$0x9200];
	v54 =	vadd.f32 v44, v8;
	v3 =	vadd.f32 v47, v46  }
0x216: {  	v53 =	vld [tilespmem:s10+$0x9210];
	v1 =	vadd.f32 v49, v48;
	v9 =	vadd.f32 v15, v9  }
0x217: {  	v55 =	vld [tilespmem:s10+$0x9220];
	v2 =	vadd.f32 v16, v2;
	v0 =	vadd.f32 v6, v0  }
0x218: {  	v56 =	vld [tilespmem:s10+$0x9230];
	v6 =	vadd.f32 v50, v14;
	v4 =	vadd.f32 v17, v4  }
0x219: {  	v57 =	vld [tilespmem:s10+$0x9240];
	v3 =	vadd.f32 v18, v3;
	v1 =	vadd.f32 v19, v1  }
0x21a: {  	v58 =	vld [tilespmem:s10+$0x9250];
	v9 =	vadd.f32 v21, v9;
	v2 =	vadd.f32 v22, v2  }
0x21b: {  	v60 =	vld [tilespmem:s10+$0xA200];
	v0 =	vadd.f32 v42, v0;
	v6 =	vadd.f32 v20, v6  }
0x21c: {  	v59 =	vld [tilespmem:s10+$0x9260];
	v4 =	vadd.f32 v23, v4;
	v3 =	vadd.f32 v25, v3  }
0x21d: {  	v61 =	vld [tilespmem:s10+$0xA210];
	v1 =	vadd.f32 v26, v1;
	v9 =	vadd.f32 v28, v9  }
0x21e: {  	v62 =	vld [tilespmem:s10+$0xA220];
	v2 =	vadd.f32 v29, v2;
	v0 =	vadd.f32 v43, v0  }
0x21f: {  	v63 =	vld [tilespmem:s10+$0xA230];
	v6 =	vadd.f32 v27, v6;
	v4 =	vadd.f32 v30, v4  }
0x220: {  	v44 =	vld [tilespmem:s10+$0xA260];
	v3 =	vadd.f32 v32, v3;
	v1 =	vadd.f32 v33, v1  }
0x221: {  	v46 =	vld [tilespmem:s10+$0xB210];
	v9 =	vadd.f32 v35, v9;
	v2 =	vadd.f32 v36, v2  }
0x222: {  	v47 =	vld [tilespmem:s10+$0xB220];
	v0 =	vadd.f32 v45, v0;
	v6 =	vadd.f32 v34, v6  }
0x223: {  	v48 =	vld [tilespmem:s10+$0xB230];
	v4 =	vadd.f32 v37, v4;
	v3 =	vadd.f32 v39, v3  }
0x224: {  	v49 =	vld [tilespmem:s10+$0xB240];
	v1 =	vadd.f32 v40, v1;
	v9 =	vadd.f32 v52, v9  }
0x225: {  	v42 =	vld [tilespmem:s10+$0xA240];
	v2 =	vadd.f32 v53, v2;
	v0 =	vmul.f32 $1.000000010e-01, v0;
	v6 =	vadd.f32 v41, v6  }
0x226: {  	v43 =	vld [tilespmem:s10+$0xA250];
	v4 =	vadd.f32 v55, v4;
	v3 =	vadd.f32 v57, v3  }
0x227: {  	v45 =	vld [tilespmem:s10+$0xB200];
	v1 =	vadd.f32 v58, v1;
	[tilespmem:s10+$0x10F0] =	vst v0;
	v0 =	vadd.f32 v51, v54  }
0x228: {  	v50 =	vld [tilespmem:s10+$0xB250];
	v9 =	vadd.f32 v60, v9;
	v2 =	vadd.f32 v61, v2  }
0x229: {  	v52 =	vld [tilespmem:s10+$0xC200];
	v6 =	vadd.f32 v59, v6;
	v0 =	vadd.f32 v24, v0  }
0x22a: {  	v53 =	vld [tilespmem:s10+$0xC210];
	v4 =	vadd.f32 v62, v4;
	v3 =	vadd.f32 v42, v3  }
0x22b: {  	v57 =	vld [tilespmem:s10+$0xC250];
	v1 =	vadd.f32 v43, v1;
	v0 =	vadd.f32 v31, v0  }
0x22c: {  	v51 =	vld [tilespmem:s10+$0xB260];
	v9 =	vadd.f32 v45, v9;
	v2 =	vadd.f32 v46, v2  }
0x22d: {  	v54 =	vld [tilespmem:s10+$0xC220];
	v6 =	vadd.f32 v44, v6;
	v0 =	vadd.f32 v38, v0  }
0x22e: {  	v58 =	vld [tilespmem:s10+$0xC260];
	v4 =	vadd.f32 v47, v4;
	v1 =	vadd.f32 v50, v1  }
0x22f: {  	v9 =	vadd.f32 v52, v9;
	v0 =	vadd.f32 v56, v0;
	v56 =	vld [tilespmem:s10+$0xC240]  }
0x230: {  	v55 =	vld [tilespmem:s10+$0xC230];
	v2 =	vadd.f32 v53, v2;
	v1 =	vadd.f32 v57, v1  }
0x231: {  	v59 =	vmul.f32 $1.000000010e-01, v9;
	v6 =	vadd.f32 v51, v6;
	v0 =	vadd.f32 v63, v0  }
0x232: {  	v3 =	vadd.f32 v49, v3;
	v4 =	vadd.f32 v54, v4;
	v2 =	vmul.f32 $1.000000010e-01, v2  }
0x233: {  	v62 =	vmul.f32 $1.000000010e-01, v1;
	[tilespmem:s10+$0x1080] =	vst v59;
	v61 =	vadd.f32 v58, v6;
	v0 =	vadd.f32 v48, v0  }
0x234: {  	v4 =	vmul.f32 $1.000000010e-01, v4;
	[tilespmem:s10+$0x1090] =	vst v2;
	v3 =	vadd.f32 v56, v3  }
0x235: {  	[tilespmem:s10+$0x10D0] =	vst v62;
	v63 =	vmul.f32 $1.000000010e-01, v61;
	v0 =	vadd.f32 v55, v0  }
0x236: {  	[tilespmem:s10+$0x10A0] =	vst v4;
	v60 =	vmul.f32 $1.000000010e-01, v3  }
0x237: {  	[tilespmem:s10+$0x10E0] =	vst v63;
	v0 =	vmul.f32 $1.000000010e-01, v0  }
0x238: {  	[tilespmem:s10+$0x10C0] =	vst v60  }
0x239: {  	s9 =	sadd.s32 s6, s30;
	[tilespmem:s10+$0x10B0] =	vst v0  }
0x23a: {  	[hbm4b:s9+s2] =	stream.linear.scatter [tilespmem:s26], [sflag:$0x9], $0x1000, $0x38;
	[tilespmem:$0x19200] =	vst v63  }
0x23b: {  	_ =	swait.ge [sflag:s13], $0x1000  }
0x23c: {  	[sflag:s13] =	ssyncset.done $0x0  }
0x23d: {  	[sflag:s13] =	ssyncadd.s32 $0xFFFFF000  }
0x23e: {  	_ =	swait.ge [sflag:s0], $0x1000  }
0x23f: {  	s30 =	sor.u32 $0x4000, s30;
	[sflag:s0] =	ssyncset.done $0x0  }
0x240: {  	s10 =	sadd.s32 s5, s30;
	[sflag:s0] =	ssyncadd.s32 $0xFFFFF000  }
0x241: {  	[hbm4b:s10+s2] =	stream.linear.scatter [tilespmem:s22], [sflag:$0x9], $0x1000, $0x38;
	[tilespmem:$0x19200] =	vst v63  }
0x242: {  	_ =	swait.ge [sflag:s13], $0x1000  }
0x243: {  	[sflag:s13] =	ssyncset.done $0x0  }
0x244: {  	[sflag:s13] =	ssyncadd.s32 $0xFFFFF000  }
0x245: {  	_ =	swait.ge [sflag:s29], $0x80  }
0x246: {  	[sflag:s29] =	ssyncset.done $0x0  }
0x247: {  	[sflag:s29] =	ssyncadd.s32 $0xFFFFFF80  }
0x248: {  	_ =	swait.ge [sflag:s29], $0x80  }
0x249: {  	[sflag:s29] =	ssyncset.done $0x0  }
0x24a: {  	[sflag:s29] =	ssyncadd.s32 $0xFFFFFF80  }
0x24b: {  	_ =	swait.ge [sflag:s29], $0x40  }
0x24c: {  	[sflag:s29] =	ssyncset.done $0x0  }
0x24d: {  	s9 =	simm.s32 $0x3200;
	[sflag:s29] =	ssyncadd.s32 $0xFFFFFFC0  }
0x24e: {  	[tilespmem:s9], [sflag:$0x5] =	stream.indirect.gather [hbm4b:s1+s15], $0x80, s16, s15, $0xb8;
	[tilespmem:$0x19200] =	vst v63  }
0x24f: {  	s10 =	simm.s32 $0x7200  }
0x250: {  	[tilespmem:s10], [sflag:$0x5] =	stream.indirect.gather [hbm4b:s1+s15], $0x80, s18, s15, $0xb8;
	[tilespmem:$0x19200] =	vst v63  }
0x251: {  	s9 =	simm.s32 $0xB200  }
0x252: {  	[tilespmem:s9], [sflag:$0x5] =	stream.indirect.gather [hbm4b:s1+s19], $0x80, s21, s19, $0xb8;
	[tilespmem:$0x19200] =	vst v63  }
0x253: {  	s10 =	simm.s32 $0x2B00  }
0x254: {  	[tilespmem:s11], [sflag:$0x7] =	stream.indirect.gather [hbm4b:s1+s14], $0x80, s10, s14, $0xb8;
	[tilespmem:$0x19200] =	vst v63  }
0x255: {  	_ =	swait.ge [sflag:s3], $0x4000  }
0x256: {  	[sflag:s3] =	ssyncset.done $0x0  }
0x257: {  	[sflag:s3] =	ssyncadd.s32 $0xFFFFC000  }
0x258: {  	p0 =	seq.s32 s17, $0xB;
	_ =	swait.ge [sflag:s3], $0x4000  }
.Ltmp1:
0x259: {  	[sflag:s3] =	ssyncset.done $0x0;
	(pc) =	sbr.rel @p0 .LBB2_6-.Ltmp1, $4  }
0x25a: {  	[sflag:s3] =	ssyncadd.s32 $0xFFFFC000  }
0x25b: {  	_ =	swait.ge [sflag:s3], $0x2000  }
0x25c: {  	[sflag:s3] =	ssyncset.done $0x0  }
0x25d: {  	[sflag:s3] =	ssyncadd.s32 $0xFFFFE000  }
0x25e: {  	v0 =	vld [tilespmem:s20+$0x20E0];
	_ =	sdelay $0x4  }
0x25f: {  	[tilespmem:$0x2B80] =	vst v0  }
0x260: {  	v1 =	vld [tilespmem:s20+$0x20F0]  }
0x261: {  	v2 =	vld [tilespmem:$0x2B80]  }
0x262: {  	v4 =	vld [tilespmem:$0x2B80]  }
0x263: {  	v33 =	vld [tilespmem:$0x2B80]  }
0x264: {  	v37 =	vld [tilespmem:$0x2B80]  }
0x265: {  	[tilespmem:$0x2D80] =	vst v0;
	v41 =	vld [tilespmem:$0x2B80]  }
0x266: {  	v44 =	vld [tilespmem:$0x2B80];
	[tilespmem:$0x2B90] =	vst v1;
	v34 =	vadd.s32 $0x186A0, v2  }
0x267: {  	v48 =	vld [tilespmem:$0x2B80];
	v38 =	vadd.s32 $0x30D40, v4;
	[tilespmem:$0x2DA0] =	vst v34  }
0x268: {  	v52 =	vld [tilespmem:$0x2B80];
	v0 =	vadd.s32 $0x493E0, v33;
	[tilespmem:$0x2DC0] =	vst v38  }
0x269: {  	v56 =	vld [tilespmem:$0x2B80];
	v45 =	vadd.s32 $0x61A80, v37;
	[tilespmem:$0x2DE0] =	vst v0  }
0x26a: {  	v49 =	vadd.s32 $0x7A120, v41;
	v1 =	vld [tilespmem:$0x2B90];
	[tilespmem:$0x2E00] =	vst v45  }
0x26b: {  	v53 =	vadd.s32 $0x927C0, v44;
	v3 =	vld [tilespmem:$0x2B90];
	[tilespmem:$0x2E20] =	vst v49  }
0x26c: {  	v57 =	vadd.s32 $0xAAE60, v48;
	v5 =	vld [tilespmem:$0x2B90];
	[tilespmem:$0x2E40] =	vst v53  }
0x26d: {  	v60 =	vadd.s32 $0xC3500, v52;
	v35 =	vld [tilespmem:$0x2B90];
	[tilespmem:$0x2E60] =	vst v57  }
0x26e: {  	v62 =	vadd.s32 $0xDBBA0, v56;
	v39 =	vld [tilespmem:$0x2B90];
	[tilespmem:$0x2E80] =	vst v60  }
0x26f: {  	v42 =	vld [tilespmem:$0x2B90];
	[tilespmem:$0x2EA0] =	vst v62  }
0x270: {  	v46 =	vld [tilespmem:$0x2B90];
	[tilespmem:$0x2D90] =	vst v1;
	v36 =	vadd.s32 $0x186A0, v3  }
0x271: {  	v50 =	vld [tilespmem:$0x2B90];
	v40 =	vadd.s32 $0x30D40, v5;
	[tilespmem:$0x2DB0] =	vst v36  }
0x272: {  	v54 =	vld [tilespmem:$0x2B90];
	v43 =	vadd.s32 $0x493E0, v35;
	[tilespmem:$0x2DD0] =	vst v40  }
0x273: {  	v58 =	vld [tilespmem:$0x2B90];
	v47 =	vadd.s32 $0x61A80, v39;
	[tilespmem:$0x2DF0] =	vst v43  }
0x274: {  	v51 =	vadd.s32 $0x7A120, v42;
	[tilespmem:$0x2E10] =	vst v47  }
0x275: {  	v55 =	vadd.s32 $0x927C0, v46;
	[tilespmem:$0x2E30] =	vst v51  }
0x276: {  	v59 =	vadd.s32 $0xAAE60, v50;
	[tilespmem:$0x2E50] =	vst v55  }
0x277: {  	v61 =	vadd.s32 $0xC3500, v54;
	[tilespmem:$0x2E70] =	vst v59  }
0x278: {  	v63 =	vadd.s32 $0xDBBA0, v58;
	[tilespmem:$0x2E90] =	vst v61  }
0x279: {  	s8 =	simm.s32 $0x2D80;
	[tilespmem:$0x2EB0] =	vst v63  }
0x27a: {  	[tilespmem:s23], [sflag:$0x4] =	stream.indirect.gather [hbm4b:s4+s15], $0x1, s8, s15, $0xb8;
	[tilespmem:$0x19200] =	vst v63  }
0x27b: {  	s10 =	simm.s32 $0x2E00  }
0x27c: {  	[tilespmem:s25], [sflag:$0x4] =	stream.indirect.gather [hbm4b:s4+s15], $0x1, s10, s15, $0xb8;
	[tilespmem:$0x19200] =	vst v63  }
0x27d: {  	s20 =	simm.s32 $0x2E80  }
0x27e: {  	[tilespmem:s28], [sflag:$0x4] =	stream.indirect.gather [hbm4b:s4+s19], $0x1, s20, s19, $0xb8;
	[tilespmem:$0x19200] =	vst v63  }
.LBB2_6:
0x27f: {  	s8 =	simm.s32 $0x0  }
0x280: {  	v0 =	vld [tilespmem:s8+$0xD270]  }
0x281: {  	v1 =	vld [tilespmem:s8+$0xE270]  }
0x282: {  	v2 =	vld [tilespmem:s8+$0xD200]  }
0x283: {  	v3 =	vld [tilespmem:s8+$0xF270]  }
0x284: {  	v4 =	vld [tilespmem:s8+$0xE200]  }
0x285: {  	v5 =	vld [tilespmem:s8+$0x10270]  }
0x286: {  	v6 =	vld [tilespmem:s8+$0xD210]  }
0x287: {  	v7 =	vld [tilespmem:s8+$0xE210]  }
0x288: {  	v8 =	vld [tilespmem:s8+$0xD220]  }
0x289: {  	v9 =	vld [tilespmem:s8+$0xE220]  }
0x28a: {  	v10 =	vld [tilespmem:s8+$0xD230]  }
0x28b: {  	v11 =	vld [tilespmem:s8+$0xE230]  }
0x28c: {  	v12 =	vld [tilespmem:s8+$0xD240]  }
0x28d: {  	v13 =	vld [tilespmem:s8+$0xD250]  }
0x28e: {  	v14 =	vld [tilespmem:s8+$0xD260]  }
0x28f: {  	v15 =	vld [tilespmem:s8+$0xF200]  }
0x290: {  	v16 =	vld [tilespmem:s8+$0xF210]  }
0x291: {  	v17 =	vld [tilespmem:s8+$0xF220]  }
0x292: {  	v18 =	vld [tilespmem:s8+$0xF240]  }
0x293: {  	v19 =	vld [tilespmem:s8+$0xF250]  }
0x294: {  	v20 =	vld [tilespmem:s8+$0xF260]  }
0x295: {  	v21 =	vld [tilespmem:s8+$0x10200]  }
0x296: {  	v22 =	vld [tilespmem:s8+$0x10210]  }
0x297: {  	v23 =	vld [tilespmem:s8+$0x10220]  }
0x298: {  	v24 =	vld [tilespmem:s8+$0x10230]  }
0x299: {  	v25 =	vld [tilespmem:s8+$0x10240]  }
0x29a: {  	v26 =	vld [tilespmem:s8+$0x10250]  }
0x29b: {  	v27 =	vld [tilespmem:s8+$0x10260]  }
0x29c: {  	v28 =	vld [tilespmem:s8+$0x11200]  }
0x29d: {  	v29 =	vld [tilespmem:s8+$0x11210]  }
0x29e: {  	v30 =	vld [tilespmem:s8+$0x11220]  }
0x29f: {  	v31 =	vld [tilespmem:s8+$0x11230]  }
0x2a0: {  	v32 =	vld [tilespmem:s8+$0x11240]  }
0x2a1: {  	v33 =	vld [tilespmem:s8+$0x11250]  }
0x2a2: {  	v34 =	vld [tilespmem:s8+$0x11260]  }
0x2a3: {  	v35 =	vld [tilespmem:s8+$0x12200]  }
0x2a4: {  	v36 =	vld [tilespmem:s8+$0x12210]  }
0x2a5: {  	v37 =	vld [tilespmem:s8+$0x12220]  }
0x2a6: {  	v38 =	vld [tilespmem:s8+$0x12230]  }
0x2a7: {  	v39 =	vld [tilespmem:s8+$0x12240]  }
0x2a8: {  	v40 =	vld [tilespmem:s8+$0x12250];
	v0 =	vadd.f32 v1, v0  }
0x2a9: {  	v1 =	vld [tilespmem:s8+$0x11270]  }
0x2aa: {  	v45 =	vld [tilespmem:s8+$0x13230];
	v0 =	vadd.f32 v3, v0  }
0x2ab: {  	v3 =	vld [tilespmem:s8+$0x12270]  }
0x2ac: {  	v46 =	vld [tilespmem:s8+$0x13250];
	v0 =	vadd.f32 v5, v0  }
0x2ad: {  	v5 =	vld [tilespmem:s8+$0x13270]  }
0x2ae: {  	v47 =	vld [tilespmem:s8+$0x13260];
	v0 =	vadd.f32 v1, v0  }
0x2af: {  	v1 =	vld [tilespmem:s8+$0x14270]  }
0x2b0: {  	v48 =	vld [tilespmem:s8+$0x14200];
	v2 =	vadd.f32 v4, v2;
	v0 =	vadd.f32 v3, v0  }
0x2b1: {  	v6 =	vadd.f32 v7, v6;
	v7 =	vadd.f32 v9, v8;
	v3 =	vld [tilespmem:s8+$0x15270]  }
0x2b2: {  	v49 =	vld [tilespmem:s8+$0x14210];
	v9 =	vadd.f32 v11, v10;
	v0 =	vadd.f32 v5, v0  }
0x2b3: {  	v2 =	vadd.f32 v15, v2;
	v6 =	vadd.f32 v16, v6;
	v5 =	vld [tilespmem:s8+$0x16270]  }
0x2b4: {  	v50 =	vld [tilespmem:s8+$0x14220];
	v7 =	vadd.f32 v17, v7;
	v0 =	vadd.f32 v1, v0  }
0x2b5: {  	v8 =	vld [tilespmem:s8+$0x13200];
	v2 =	vadd.f32 v21, v2;
	v6 =	vadd.f32 v22, v6  }
0x2b6: {  	v10 =	vld [tilespmem:s8+$0x13210];
	v7 =	vadd.f32 v23, v7;
	v0 =	vadd.f32 v3, v0  }
0x2b7: {  	v11 =	vld [tilespmem:s8+$0x13220];
	v2 =	vadd.f32 v28, v2;
	v6 =	vadd.f32 v29, v6  }
0x2b8: {  	v55 =	vld [tilespmem:s8+$0x15200];
	v7 =	vadd.f32 v30, v7;
	v0 =	vadd.f32 v5, v0  }
0x2b9: {  	v2 =	vadd.f32 v35, v2;
	v6 =	vadd.f32 v36, v6;
	v3 =	vld [tilespmem:s8+$0xE250]  }
0x2ba: {  	v7 =	vadd.f32 v37, v7;
	v1 =	vld [tilespmem:s8+$0xE240];
	v0 =	vmul.f32 $1.000000010e-01, v0  }
0x2bb: {  	v2 =	vadd.f32 v8, v2;
	v6 =	vadd.f32 v10, v6;
	v5 =	vld [tilespmem:s8+$0xE260]  }
0x2bc: {  	v7 =	vadd.f32 v11, v7;
	[tilespmem:s8+$0x10F0] =	vst v0;
	v0 =	vld [tilespmem:s8+$0xF230]  }
0x2bd: {  	v51 =	vld [tilespmem:s8+$0x14230];
	v2 =	vadd.f32 v48, v2;
	v6 =	vadd.f32 v49, v6  }
0x2be: {  	v52 =	vld [tilespmem:s8+$0x14240];
	v7 =	vadd.f32 v50, v7;
	v3 =	vadd.f32 v3, v13  }
0x2bf: {  	v53 =	vld [tilespmem:s8+$0x14250];
	v2 =	vadd.f32 v55, v2;
	v1 =	vadd.f32 v1, v12  }
0x2c0: {  	v54 =	vld [tilespmem:s8+$0x14260];
	v5 =	vadd.f32 v5, v14;
	v3 =	vadd.f32 v19, v3  }
0x2c1: {  	v56 =	vld [tilespmem:s8+$0x15210];
	v1 =	vadd.f32 v18, v1;
	v0 =	vadd.f32 v0, v9  }
0x2c2: {  	v57 =	vld [tilespmem:s8+$0x15260];
	v5 =	vadd.f32 v20, v5;
	v3 =	vadd.f32 v26, v3  }
0x2c3: {  	v4 =	vld [tilespmem:s8+$0x12260];
	v1 =	vadd.f32 v25, v1;
	v0 =	vadd.f32 v24, v0  }
0x2c4: {  	v9 =	vld [tilespmem:s8+$0x13240];
	v5 =	vadd.f32 v27, v5;
	v3 =	vadd.f32 v33, v3  }
0x2c5: {  	v58 =	vld [tilespmem:s8+$0x16200];
	v1 =	vadd.f32 v32, v1;
	v0 =	vadd.f32 v31, v0  }
0x2c6: {  	v59 =	vld [tilespmem:s8+$0x16210];
	v5 =	vadd.f32 v34, v5;
	v3 =	vadd.f32 v40, v3  }
0x2c7: {  	v10 =	vld [tilespmem:s8+$0x15230];
	v1 =	vadd.f32 v39, v1;
	v0 =	vadd.f32 v38, v0  }
0x2c8: {  	v4 =	vadd.f32 v4, v5;
	v5 =	vld [tilespmem:s8+$0x15220];
	v3 =	vadd.f32 v46, v3  }
0x2c9: {  	v1 =	vadd.f32 v9, v1;
	v9 =	vld [tilespmem:s8+$0x15250];
	v0 =	vadd.f32 v45, v0  }
0x2ca: {  	v61 =	vld [tilespmem:s8+$0x16220];
	v62 =	vadd.f32 v56, v6;
	v4 =	vadd.f32 v47, v4  }
0x2cb: {  	v11 =	vld [tilespmem:s8+$0x15240];
	v60 =	vadd.f32 v53, v3;
	v0 =	vadd.f32 v51, v0  }
0x2cc: {  	v8 =	vld [tilespmem:s8+$0x16230];
	v1 =	vadd.f32 v52, v1;
	v4 =	vadd.f32 v54, v4  }
0x2cd: {  	v63 =	vadd.f32 v5, v7;
	v7 =	vld [tilespmem:s8+$0x16240];
	v6 =	vadd.f32 v10, v0  }
0x2ce: {  	v5 =	vld [tilespmem:s8+$0x16250];
	v10 =	vadd.f32 v58, v2;
	v2 =	vadd.f32 v9, v60  }
0x2cf: {  	s10 =	simm.s32 $0x80;
	v0 =	vadd.f32 v57, v4;
	v4 =	vld [tilespmem:s8+$0x16260];
	v9 =	vadd.f32 v59, v62  }
0x2d0: {  	s9 =	simm.s32 $0x400;
	v3 =	vadd.f32 v11, v1;
	v1 =	vld [tilespmem:s10+$0xD270];
	v11 =	vmul.f32 $1.000000010e-01, v10;
	v10 =	vadd.f32 v61, v63  }
.LBB2_7:
0x2d1: {  	p0 =	sne.s32 s9, $0x3E00;
	v12 =	vld [tilespmem:s10+$0xE270];
	v9 =	vmul.f32 $1.000000010e-01, v9;
	v6 =	vadd.f32 v8, v6  }
0x2d2: {  	v8 =	vld [tilespmem:s10+$0xD200];
	[tilespmem:s8+$0x1080] =	vst v11;
	v10 =	vmul.f32 $1.000000010e-01, v10;
	v3 =	vadd.f32 v7, v3  }
0x2d3: {  	v7 =	vld [tilespmem:s10+$0xF270];
	[tilespmem:s8+$0x1090] =	vst v9;
	v6 =	vmul.f32 $1.000000010e-01, v6;
	v2 =	vadd.f32 v5, v2  }
0x2d4: {  	v5 =	vld [tilespmem:s10+$0xE200];
	[tilespmem:s8+$0x10A0] =	vst v10;
	v3 =	vmul.f32 $1.000000010e-01, v3;
	v0 =	vadd.f32 v4, v0  }
0x2d5: {  	v4 =	vld [tilespmem:s10+$0x10270];
	[tilespmem:s8+$0x10B0] =	vst v6;
	v2 =	vmul.f32 $1.000000010e-01, v2  }
0x2d6: {  	v6 =	vld [tilespmem:s10+$0xD210];
	v1 =	vadd.f32 v12, v1;
	[tilespmem:s8+$0x10C0] =	vst v3;
	v0 =	vmul.f32 $1.000000010e-01, v0  }
0x2d7: {  	v3 =	vld [tilespmem:s10+$0x11270];
	[tilespmem:s8+$0x10D0] =	vst v2  }
0x2d8: {  	v2 =	vld [tilespmem:s10+$0xE210];
	v1 =	vadd.f32 v7, v1;
	[tilespmem:s8+$0x10E0] =	vst v0;
	s8 =	smov.u32 s10  }
0x2d9: {  	v0 =	vadd.f32 v5, v8;
	v5 =	vld [tilespmem:s8+$0x12270]  }
0x2da: {  	v7 =	vld [tilespmem:s8+$0xD220];
	v1 =	vadd.f32 v4, v1  }
0x2db: {  	v4 =	vld [tilespmem:s8+$0x13270]  }
0x2dc: {  	v8 =	vld [tilespmem:s8+$0xE220];
	v1 =	vadd.f32 v3, v1  }
0x2dd: {  	v2 =	vadd.f32 v2, v6;
	v3 =	vld [tilespmem:s8+$0x14270]  }
0x2de: {  	v6 =	vld [tilespmem:s8+$0xD230];
	v1 =	vadd.f32 v5, v1  }
0x2df: {  	v5 =	vld [tilespmem:s8+$0x15270]  }
0x2e0: {  	v9 =	vld [tilespmem:s8+$0xE230];
	v1 =	vadd.f32 v4, v1  }
0x2e1: {  	v4 =	vadd.f32 v8, v7;
	v7 =	vld [tilespmem:s8+$0x16270]  }
0x2e2: {  	v8 =	vld [tilespmem:s8+$0xD240];
	v1 =	vadd.f32 v3, v1  }
0x2e3: {  	v3 =	vld [tilespmem:s8+$0xE240]  }
0x2e4: {  	v10 =	vld [tilespmem:s8+$0xD250];
	v1 =	vadd.f32 v5, v1  }
0x2e5: {  	v5 =	vadd.f32 v9, v6;
	v6 =	vld [tilespmem:s8+$0xE250]  }
0x2e6: {  	v9 =	vld [tilespmem:s8+$0xD260];
	v1 =	vadd.f32 v7, v1  }
0x2e7: {  	v7 =	vld [tilespmem:s8+$0xE260]  }
0x2e8: {  	v11 =	vld [tilespmem:s8+$0xF200];
	v3 =	vadd.f32 v3, v8;
	v1 =	vmul.f32 $1.000000010e-01, v1  }
0x2e9: {  	v8 =	vld [tilespmem:s8+$0xF210]  }
0x2ea: {  	v12 =	vld [tilespmem:s8+$0xF220];
	v6 =	vadd.f32 v6, v10;
	[tilespmem:s8+$0x10F0] =	vst v1  }
0x2eb: {  	v1 =	vld [tilespmem:s8+$0xF230]  }
0x2ec: {  	v10 =	vld [tilespmem:s8+$0xF240];
	v7 =	vadd.f32 v7, v9  }
0x2ed: {  	v0 =	vadd.f32 v11, v0;
	v9 =	vld [tilespmem:s8+$0xF250]  }
0x2ee: {  	v2 =	vadd.f32 v8, v2;
	v8 =	vld [tilespmem:s8+$0xF260]  }
0x2ef: {  	v11 =	vld [tilespmem:s8+$0x10200];
	v4 =	vadd.f32 v12, v4  }
0x2f0: {  	v12 =	vld [tilespmem:s8+$0x10210];
	v1 =	vadd.f32 v1, v5  }
0x2f1: {  	v5 =	vld [tilespmem:s8+$0x10220];
	v3 =	vadd.f32 v10, v3  }
0x2f2: {  	v10 =	vld [tilespmem:s8+$0x10230];
	v6 =	vadd.f32 v9, v6  }
0x2f3: {  	v9 =	vld [tilespmem:s8+$0x10240];
	v7 =	vadd.f32 v8, v7  }
0x2f4: {  	v0 =	vadd.f32 v11, v0;
	v8 =	vld [tilespmem:s8+$0x10250]  }
0x2f5: {  	v2 =	vadd.f32 v12, v2;
	v11 =	vld [tilespmem:s8+$0x10260]  }
0x2f6: {  	v12 =	vld [tilespmem:s8+$0x11200];
	v4 =	vadd.f32 v5, v4  }
0x2f7: {  	v5 =	vld [tilespmem:s8+$0x11210];
	v1 =	vadd.f32 v10, v1  }
0x2f8: {  	v10 =	vld [tilespmem:s8+$0x11220];
	v3 =	vadd.f32 v9, v3  }
0x2f9: {  	v9 =	vld [tilespmem:s8+$0x11230];
	v6 =	vadd.f32 v8, v6  }
0x2fa: {  	v8 =	vld [tilespmem:s8+$0x11240];
	v7 =	vadd.f32 v11, v7  }
0x2fb: {  	v0 =	vadd.f32 v12, v0;
	v11 =	vld [tilespmem:s8+$0x11250]  }
0x2fc: {  	v2 =	vadd.f32 v5, v2;
	v5 =	vld [tilespmem:s8+$0x11260]  }
0x2fd: {  	v12 =	vld [tilespmem:s8+$0x12200];
	v4 =	vadd.f32 v10, v4  }
0x2fe: {  	v10 =	vld [tilespmem:s8+$0x12210];
	v1 =	vadd.f32 v9, v1  }
0x2ff: {  	v9 =	vld [tilespmem:s8+$0x12220];
	v3 =	vadd.f32 v8, v3  }
0x300: {  	v8 =	vld [tilespmem:s8+$0x12230];
	v6 =	vadd.f32 v11, v6  }
0x301: {  	v11 =	vld [tilespmem:s8+$0x12240];
	v5 =	vadd.f32 v5, v7  }
0x302: {  	v0 =	vadd.f32 v12, v0;
	v7 =	vld [tilespmem:s8+$0x12250]  }
0x303: {  	v2 =	vadd.f32 v10, v2;
	v10 =	vld [tilespmem:s8+$0x12260]  }
0x304: {  	v12 =	vld [tilespmem:s8+$0x13200];
	v4 =	vadd.f32 v9, v4  }
0x305: {  	v9 =	vld [tilespmem:s8+$0x13210];
	v1 =	vadd.f32 v8, v1  }
0x306: {  	v8 =	vld [tilespmem:s8+$0x13220];
	v3 =	vadd.f32 v11, v3  }
0x307: {  	v11 =	vld [tilespmem:s8+$0x13230];
	v6 =	vadd.f32 v7, v6  }
0x308: {  	v7 =	vld [tilespmem:s8+$0x13240];
	v5 =	vadd.f32 v10, v5  }
0x309: {  	v0 =	vadd.f32 v12, v0;
	v10 =	vld [tilespmem:s8+$0x13250]  }
0x30a: {  	v2 =	vadd.f32 v9, v2;
	v9 =	vld [tilespmem:s8+$0x13260]  }
0x30b: {  	v12 =	vld [tilespmem:s8+$0x14200];
	v4 =	vadd.f32 v8, v4  }
0x30c: {  	v8 =	vld [tilespmem:s8+$0x14210];
	v1 =	vadd.f32 v11, v1  }
0x30d: {  	v11 =	vld [tilespmem:s8+$0x14220];
	v3 =	vadd.f32 v7, v3  }
0x30e: {  	v7 =	vld [tilespmem:s8+$0x14230];
	v6 =	vadd.f32 v10, v6  }
0x30f: {  	v10 =	vld [tilespmem:s8+$0x14240];
	v5 =	vadd.f32 v9, v5  }
0x310: {  	v0 =	vadd.f32 v12, v0;
	v9 =	vld [tilespmem:s8+$0x14250]  }
0x311: {  	v2 =	vadd.f32 v8, v2;
	v8 =	vld [tilespmem:s8+$0x14260]  }
0x312: {  	v12 =	vld [tilespmem:s8+$0x15200];
	v4 =	vadd.f32 v11, v4  }
0x313: {  	v11 =	vld [tilespmem:s8+$0x15210];
	v1 =	vadd.f32 v7, v1  }
0x314: {  	v7 =	vld [tilespmem:s8+$0x15220];
	v3 =	vadd.f32 v10, v3  }
0x315: {  	v10 =	vld [tilespmem:s8+$0x15230];
	v9 =	vadd.f32 v9, v6  }
0x316: {  	v13 =	vld [tilespmem:s8+$0x15240];
	v5 =	vadd.f32 v8, v5  }
0x317: {  	v12 =	vadd.f32 v12, v0;
	v0 =	vld [tilespmem:s8+$0x15250]  }
0x318: {  	v11 =	vadd.f32 v11, v2;
	v14 =	vld [tilespmem:s8+$0x15260]  }
0x319: {  	v15 =	vld [tilespmem:s8+$0x16200];
	v16 =	vadd.f32 v7, v4  }
0x31a: {  	v4 =	vld [tilespmem:s8+$0x16210];
	v6 =	vadd.f32 v10, v1  }
0x31b: {  	v10 =	vld [tilespmem:s8+$0x16220];
	v3 =	vadd.f32 v13, v3  }
.Ltmp2:
0x31c: {  	v8 =	vld [tilespmem:s8+$0x16230];
	v2 =	vadd.f32 v0, v9;
	(pc) =	sbr.rel @p0 .LBB2_7-.Ltmp2, $4  }
0x31d: {  	v7 =	vld [tilespmem:s8+$0x16240];
	v0 =	vadd.f32 v14, v5  }
0x31e: {  	v12 =	vadd.f32 v15, v12;
	v5 =	vld [tilespmem:s8+$0x16250]  }
0x31f: {  	s10 =	sshra.s32 s9, $0x2;
	v9 =	vadd.f32 v4, v11;
	v4 =	vld [tilespmem:s8+$0x16260]  }
0x320: {  	s9 =	sadd.s32 $0x200, s9;
	v1 =	vld [tilespmem:s10+$0xD270];
	v11 =	vmul.f32 $1.000000010e-01, v12;
	v10 =	vadd.f32 v10, v16  }
0x321: {  	v12 =	vld [tilespmem:s10+$0xE270];
	v9 =	vmul.f32 $1.000000010e-01, v9;
	v6 =	vadd.f32 v8, v6  }
0x322: {  	v13 =	vld [tilespmem:s10+$0xD200];
	[tilespmem:s8+$0x1080] =	vst v11;
	v57 =	vmul.f32 $1.000000010e-01, v10;
	v3 =	vadd.f32 v7, v3  }
0x323: {  	v11 =	vld [tilespmem:s10+$0xF270];
	[tilespmem:s8+$0x1090] =	vst v9;
	v6 =	vmul.f32 $1.000000010e-01, v6;
	v2 =	vadd.f32 v5, v2  }
0x324: {  	v9 =	vld [tilespmem:s10+$0xE200];
	[tilespmem:s8+$0x10A0] =	vst v57;
	v3 =	vmul.f32 $1.000000010e-01, v3;
	v0 =	vadd.f32 v4, v0  }
0x325: {  	v58 =	vld [tilespmem:s10+$0x10270];
	[tilespmem:s8+$0x10B0] =	vst v6;
	v2 =	vmul.f32 $1.000000010e-01, v2  }
0x326: {  	v59 =	vld [tilespmem:s10+$0xD210];
	[tilespmem:s8+$0x10C0] =	vst v3;
	v0 =	vmul.f32 $1.000000010e-01, v0  }
0x327: {  	v3 =	vld [tilespmem:s10+$0x11270];
	[tilespmem:s8+$0x10D0] =	vst v2  }
0x328: {  	v2 =	vld [tilespmem:s10+$0xE210];
	[tilespmem:s8+$0x10E0] =	vst v0  }
0x329: {  	v61 =	vld [tilespmem:s10+$0x12270]  }
0x32a: {  	v62 =	vld [tilespmem:s10+$0xD220]  }
0x32b: {  	v6 =	vld [tilespmem:s10+$0x13270]  }
0x32c: {  	v63 =	vld [tilespmem:s10+$0xE220]  }
0x32d: {  	v42 =	vld [tilespmem:s10+$0x14270]  }
0x32e: {  	v8 =	vld [tilespmem:s10+$0xD230]  }
0x32f: {  	v43 =	vld [tilespmem:s10+$0x15270]  }
0x330: {  	v44 =	vld [tilespmem:s10+$0xE230]  }
0x331: {  	v45 =	vld [tilespmem:s10+$0x16270]  }
0x332: {  	v46 =	vld [tilespmem:s10+$0xD240]  }
0x333: {  	v47 =	vld [tilespmem:s10+$0xE240]  }
0x334: {  	v48 =	vld [tilespmem:s10+$0xD250]  }
0x335: {  	v49 =	vld [tilespmem:s10+$0xE250]  }
0x336: {  	v14 =	vld [tilespmem:s10+$0xD260]  }
0x337: {  	v50 =	vld [tilespmem:s10+$0xE260]  }
0x338: {  	v15 =	vld [tilespmem:s10+$0xF200]  }
0x339: {  	v16 =	vld [tilespmem:s10+$0xF210]  }
0x33a: {  	v17 =	vld [tilespmem:s10+$0xF220]  }
0x33b: {  	v51 =	vld [tilespmem:s10+$0xF230]  }
0x33c: {  	v18 =	vld [tilespmem:s10+$0xF240]  }
0x33d: {  	v19 =	vld [tilespmem:s10+$0xF250]  }
0x33e: {  	v20 =	vld [tilespmem:s10+$0xF260]  }
0x33f: {  	v21 =	vld [tilespmem:s10+$0x10200]  }
0x340: {  	v22 =	vld [tilespmem:s10+$0x10210]  }
0x341: {  	v23 =	vld [tilespmem:s10+$0x10220]  }
0x342: {  	v24 =	vld [tilespmem:s10+$0x10230]  }
0x343: {  	v25 =	vld [tilespmem:s10+$0x10240]  }
0x344: {  	v26 =	vld [tilespmem:s10+$0x10250]  }
0x345: {  	v27 =	vld [tilespmem:s10+$0x10260]  }
0x346: {  	v28 =	vld [tilespmem:s10+$0x11200]  }
0x347: {  	v29 =	vld [tilespmem:s10+$0x11210]  }
0x348: {  	v30 =	vld [tilespmem:s10+$0x11220]  }
0x349: {  	v31 =	vld [tilespmem:s10+$0x11230]  }
0x34a: {  	v32 =	vld [tilespmem:s10+$0x11240]  }
0x34b: {  	v1 =	vadd.f32 v12, v1;
	v33 =	vld [tilespmem:s10+$0x11250]  }
0x34c: {  	v34 =	vld [tilespmem:s10+$0x11260]  }
0x34d: {  	v60 =	vadd.f32 v11, v1;
	v35 =	vld [tilespmem:s10+$0x12200]  }
0x34e: {  	v36 =	vld [tilespmem:s10+$0x12210]  }
0x34f: {  	v37 =	vld [tilespmem:s10+$0x12220];
	v0 =	vadd.f32 v58, v60  }
0x350: {  	v38 =	vld [tilespmem:s10+$0x12230]  }
0x351: {  	v39 =	vld [tilespmem:s10+$0x12240];
	v0 =	vadd.f32 v3, v0  }
0x352: {  	v40 =	vld [tilespmem:s10+$0x12250];
	v9 =	vadd.f32 v9, v13;
	v2 =	vadd.f32 v2, v59  }
0x353: {  	v41 =	vld [tilespmem:s10+$0x12260];
	v0 =	vadd.f32 v61, v0;
	v4 =	vadd.f32 v63, v62  }
0x354: {  	v52 =	vld [tilespmem:s10+$0x13200];
	v54 =	vadd.f32 v44, v8;
	v3 =	vadd.f32 v47, v46  }
0x355: {  	v53 =	vld [tilespmem:s10+$0x13210];
	v1 =	vadd.f32 v49, v48;
	v9 =	vadd.f32 v15, v9  }
0x356: {  	v55 =	vld [tilespmem:s10+$0x13220];
	v2 =	vadd.f32 v16, v2;
	v0 =	vadd.f32 v6, v0  }
0x357: {  	v56 =	vld [tilespmem:s10+$0x13230];
	v6 =	vadd.f32 v50, v14;
	v4 =	vadd.f32 v17, v4  }
0x358: {  	v57 =	vld [tilespmem:s10+$0x13240];
	v3 =	vadd.f32 v18, v3;
	v1 =	vadd.f32 v19, v1  }
0x359: {  	v58 =	vld [tilespmem:s10+$0x13250];
	v9 =	vadd.f32 v21, v9;
	v2 =	vadd.f32 v22, v2  }
0x35a: {  	v60 =	vld [tilespmem:s10+$0x14200];
	v0 =	vadd.f32 v42, v0;
	v6 =	vadd.f32 v20, v6  }
0x35b: {  	v59 =	vld [tilespmem:s10+$0x13260];
	v4 =	vadd.f32 v23, v4;
	v3 =	vadd.f32 v25, v3  }
0x35c: {  	v61 =	vld [tilespmem:s10+$0x14210];
	v1 =	vadd.f32 v26, v1;
	v9 =	vadd.f32 v28, v9  }
0x35d: {  	v62 =	vld [tilespmem:s10+$0x14220];
	v2 =	vadd.f32 v29, v2;
	v0 =	vadd.f32 v43, v0  }
0x35e: {  	v63 =	vld [tilespmem:s10+$0x14230];
	v6 =	vadd.f32 v27, v6;
	v4 =	vadd.f32 v30, v4  }
0x35f: {  	v44 =	vld [tilespmem:s10+$0x14260];
	v3 =	vadd.f32 v32, v3;
	v1 =	vadd.f32 v33, v1  }
0x360: {  	v46 =	vld [tilespmem:s10+$0x15210];
	v9 =	vadd.f32 v35, v9;
	v2 =	vadd.f32 v36, v2  }
0x361: {  	v47 =	vld [tilespmem:s10+$0x15220];
	v0 =	vadd.f32 v45, v0;
	v6 =	vadd.f32 v34, v6  }
0x362: {  	v48 =	vld [tilespmem:s10+$0x15230];
	v4 =	vadd.f32 v37, v4;
	v3 =	vadd.f32 v39, v3  }
0x363: {  	v49 =	vld [tilespmem:s10+$0x15240];
	v1 =	vadd.f32 v40, v1;
	v9 =	vadd.f32 v52, v9  }
0x364: {  	v42 =	vld [tilespmem:s10+$0x14240];
	v2 =	vadd.f32 v53, v2;
	v0 =	vmul.f32 $1.000000010e-01, v0;
	v6 =	vadd.f32 v41, v6  }
0x365: {  	v43 =	vld [tilespmem:s10+$0x14250];
	v4 =	vadd.f32 v55, v4;
	v3 =	vadd.f32 v57, v3  }
0x366: {  	v45 =	vld [tilespmem:s10+$0x15200];
	v1 =	vadd.f32 v58, v1;
	[tilespmem:s10+$0x10F0] =	vst v0;
	v0 =	vadd.f32 v51, v54  }
0x367: {  	v50 =	vld [tilespmem:s10+$0x15250];
	v9 =	vadd.f32 v60, v9;
	v2 =	vadd.f32 v61, v2  }
0x368: {  	v52 =	vld [tilespmem:s10+$0x16200];
	v6 =	vadd.f32 v59, v6;
	v0 =	vadd.f32 v24, v0  }
0x369: {  	v53 =	vld [tilespmem:s10+$0x16210];
	v4 =	vadd.f32 v62, v4;
	v3 =	vadd.f32 v42, v3  }
0x36a: {  	v57 =	vld [tilespmem:s10+$0x16250];
	v1 =	vadd.f32 v43, v1;
	v0 =	vadd.f32 v31, v0  }
0x36b: {  	v51 =	vld [tilespmem:s10+$0x15260];
	v9 =	vadd.f32 v45, v9;
	v2 =	vadd.f32 v46, v2  }
0x36c: {  	v54 =	vld [tilespmem:s10+$0x16220];
	v6 =	vadd.f32 v44, v6;
	v0 =	vadd.f32 v38, v0  }
0x36d: {  	v58 =	vld [tilespmem:s10+$0x16260];
	v4 =	vadd.f32 v47, v4;
	v1 =	vadd.f32 v50, v1  }
0x36e: {  	v9 =	vadd.f32 v52, v9;
	v0 =	vadd.f32 v56, v0;
	v56 =	vld [tilespmem:s10+$0x16240]  }
0x36f: {  	v55 =	vld [tilespmem:s10+$0x16230];
	v2 =	vadd.f32 v53, v2;
	v1 =	vadd.f32 v57, v1  }
0x370: {  	v59 =	vmul.f32 $1.000000010e-01, v9;
	v6 =	vadd.f32 v51, v6;
	v0 =	vadd.f32 v63, v0  }
0x371: {  	v3 =	vadd.f32 v49, v3;
	v4 =	vadd.f32 v54, v4;
	v2 =	vmul.f32 $1.000000010e-01, v2  }
0x372: {  	v62 =	vmul.f32 $1.000000010e-01, v1;
	[tilespmem:s10+$0x1080] =	vst v59;
	v61 =	vadd.f32 v58, v6;
	v0 =	vadd.f32 v48, v0  }
0x373: {  	v4 =	vmul.f32 $1.000000010e-01, v4;
	[tilespmem:s10+$0x1090] =	vst v2;
	v3 =	vadd.f32 v56, v3  }
0x374: {  	[tilespmem:s10+$0x10D0] =	vst v62;
	v63 =	vmul.f32 $1.000000010e-01, v61;
	v0 =	vadd.f32 v55, v0  }
0x375: {  	[tilespmem:s10+$0x10A0] =	vst v4;
	v60 =	vmul.f32 $1.000000010e-01, v3  }
0x376: {  	s17 =	sadd.s32 $0x1, s17;
	[tilespmem:s10+$0x10E0] =	vst v63;
	v0 =	vmul.f32 $1.000000010e-01, v0  }
0x377: {  	p0 =	sne.s32 s17, $0xC;
	[tilespmem:s10+$0x10C0] =	vst v60  }
.Ltmp3:
0x378: {  	s30 =	sadd.s32 s6, s30;
	[tilespmem:s10+$0x10B0] =	vst v0;
	(pc) =	sbr.rel @p0 .LBB2_2-.Ltmp3, $4  }
0x379: {  	[hbm4b:s30+s2] =	stream.linear.scatter [tilespmem:s26], [sflag:$0x9], $0x1000, $0x38;
	[tilespmem:$0x19200] =	vst v63  }
0x37a: {  	_ =	swait.ge [sflag:s13], $0x1000  }
0x37b: {  	[sflag:s13] =	ssyncset.done $0x0  }
0x37c: {  	[sflag:s13] =	ssyncadd.s32 $0xFFFFF000  }
0x37d: {  	_ =	swait.ge [sflag:s12], $0x1000  }
0x37e: {  	[sflag:s12] =	ssyncset.done $0x0  }
0x37f: {  	s8 =	simm.s32 $0x0;
	s9 =	rddreg [dreg:$0x7];
	[sflag:s12] =	ssyncadd.s32 $0xFFFFF000  }
0x380: {  	[hbm4b:s9+s8] =	stream.linear.scatter [tilespmem:s11], [sflag:$0x9], $0x1000, $0x38;
	[tilespmem:$0x19200] =	vst v63  }
0x381: {  	_ =	swait.ge [sflag:s13], $0x1000  }
0x382: {  	[sflag:s13] =	ssyncset.done $0x0  }
0x383: {  	[sflag:s13] =	ssyncadd.s32 $0xFFFFF000  }
0x384: {  	_ =	swait.ge [sflag:s24], $0x4000  }
0x385: {  	[sflag:s24] =	ssyncset.done $0x0  }
0x386: {  	[sflag:s24] =	ssyncadd.s32 $0xFFFFC000  }
0x387: {  	_ =	swait.ge [sflag:s24], $0x4000  }
0x388: {  	[sflag:s24] =	ssyncset.done $0x0  }
0x389: {  	[sflag:s24] =	ssyncadd.s32 $0xFFFFC000  }
0x38a: {  	_ =	swait.ge [sflag:s24], $0x2000  }
0x38b: {  	[sflag:s24] =	ssyncset.done $0x0  }
0x38c: {  	s8 =	simm.s32 $0x0;
	[sflag:s24] =	ssyncadd.s32 $0xFFFFE000  }
0x38d: {  	v0 =	vld [tilespmem:s8+$0x3270]  }
0x38e: {  	v1 =	vld [tilespmem:s8+$0x4270]  }
0x38f: {  	v2 =	vld [tilespmem:s8+$0x3200]  }
0x390: {  	v3 =	vld [tilespmem:s8+$0x5270]  }
0x391: {  	v4 =	vld [tilespmem:s8+$0x4200]  }
0x392: {  	v5 =	vld [tilespmem:s8+$0x6270]  }
0x393: {  	v6 =	vld [tilespmem:s8+$0x3210]  }
0x394: {  	v7 =	vld [tilespmem:s8+$0x4210]  }
0x395: {  	v8 =	vld [tilespmem:s8+$0x3220]  }
0x396: {  	v9 =	vld [tilespmem:s8+$0x4220]  }
0x397: {  	v10 =	vld [tilespmem:s8+$0x3230]  }
0x398: {  	v11 =	vld [tilespmem:s8+$0x4230]  }
0x399: {  	v12 =	vld [tilespmem:s8+$0x3240]  }
0x39a: {  	v13 =	vld [tilespmem:s8+$0x3250]  }
0x39b: {  	v14 =	vld [tilespmem:s8+$0x3260]  }
0x39c: {  	v15 =	vld [tilespmem:s8+$0x5200]  }
0x39d: {  	v16 =	vld [tilespmem:s8+$0x5210]  }
0x39e: {  	v17 =	vld [tilespmem:s8+$0x5220]  }
0x39f: {  	v18 =	vld [tilespmem:s8+$0x5240]  }
0x3a0: {  	v19 =	vld [tilespmem:s8+$0x5250]  }
0x3a1: {  	v20 =	vld [tilespmem:s8+$0x5260]  }
0x3a2: {  	v21 =	vld [tilespmem:s8+$0x6200]  }
0x3a3: {  	v22 =	vld [tilespmem:s8+$0x6210]  }
0x3a4: {  	v23 =	vld [tilespmem:s8+$0x6220]  }
0x3a5: {  	v24 =	vld [tilespmem:s8+$0x6230]  }
0x3a6: {  	v25 =	vld [tilespmem:s8+$0x6240]  }
0x3a7: {  	v26 =	vld [tilespmem:s8+$0x6250]  }
0x3a8: {  	v27 =	vld [tilespmem:s8+$0x6260]  }
0x3a9: {  	v28 =	vld [tilespmem:s8+$0x7200]  }
0x3aa: {  	v29 =	vld [tilespmem:s8+$0x7210]  }
0x3ab: {  	v30 =	vld [tilespmem:s8+$0x7220]  }
0x3ac: {  	v31 =	vld [tilespmem:s8+$0x7230]  }
0x3ad: {  	v32 =	vld [tilespmem:s8+$0x7240]  }
0x3ae: {  	v33 =	vld [tilespmem:s8+$0x7250]  }
0x3af: {  	v34 =	vld [tilespmem:s8+$0x7260]  }
0x3b0: {  	v35 =	vld [tilespmem:s8+$0x8200]  }
0x3b1: {  	v36 =	vld [tilespmem:s8+$0x8210]  }
0x3b2: {  	v37 =	vld [tilespmem:s8+$0x8220]  }
0x3b3: {  	v38 =	vld [tilespmem:s8+$0x8230]  }
0x3b4: {  	v39 =	vld [tilespmem:s8+$0x8240]  }
0x3b5: {  	v40 =	vld [tilespmem:s8+$0x8250];
	v0 =	vadd.f32 v1, v0  }
0x3b6: {  	v1 =	vld [tilespmem:s8+$0x7270]  }
0x3b7: {  	v45 =	vld [tilespmem:s8+$0x9230];
	v0 =	vadd.f32 v3, v0  }
0x3b8: {  	v3 =	vld [tilespmem:s8+$0x8270]  }
0x3b9: {  	v46 =	vld [tilespmem:s8+$0x9250];
	v0 =	vadd.f32 v5, v0  }
0x3ba: {  	v5 =	vld [tilespmem:s8+$0x9270]  }
0x3bb: {  	v47 =	vld [tilespmem:s8+$0x9260];
	v0 =	vadd.f32 v1, v0  }
0x3bc: {  	v1 =	vld [tilespmem:s8+$0xA270]  }
0x3bd: {  	v48 =	vld [tilespmem:s8+$0xA200];
	v2 =	vadd.f32 v4, v2;
	v0 =	vadd.f32 v3, v0  }
0x3be: {  	v6 =	vadd.f32 v7, v6;
	v7 =	vadd.f32 v9, v8;
	v3 =	vld [tilespmem:s8+$0xB270]  }
0x3bf: {  	v49 =	vld [tilespmem:s8+$0xA210];
	v9 =	vadd.f32 v11, v10;
	v0 =	vadd.f32 v5, v0  }
0x3c0: {  	v2 =	vadd.f32 v15, v2;
	v6 =	vadd.f32 v16, v6;
	v5 =	vld [tilespmem:s8+$0xC270]  }
0x3c1: {  	v50 =	vld [tilespmem:s8+$0xA220];
	v7 =	vadd.f32 v17, v7;
	v0 =	vadd.f32 v1, v0  }
0x3c2: {  	v8 =	vld [tilespmem:s8+$0x9200];
	v2 =	vadd.f32 v21, v2;
	v6 =	vadd.f32 v22, v6  }
0x3c3: {  	v10 =	vld [tilespmem:s8+$0x9210];
	v7 =	vadd.f32 v23, v7;
	v0 =	vadd.f32 v3, v0  }
0x3c4: {  	v11 =	vld [tilespmem:s8+$0x9220];
	v2 =	vadd.f32 v28, v2;
	v6 =	vadd.f32 v29, v6  }
0x3c5: {  	v55 =	vld [tilespmem:s8+$0xB200];
	v7 =	vadd.f32 v30, v7;
	v0 =	vadd.f32 v5, v0  }
0x3c6: {  	v2 =	vadd.f32 v35, v2;
	v6 =	vadd.f32 v36, v6;
	v3 =	vld [tilespmem:s8+$0x4250]  }
0x3c7: {  	v7 =	vadd.f32 v37, v7;
	v1 =	vld [tilespmem:s8+$0x4240];
	v0 =	vmul.f32 $1.000000010e-01, v0  }
0x3c8: {  	v2 =	vadd.f32 v8, v2;
	v6 =	vadd.f32 v10, v6;
	v5 =	vld [tilespmem:s8+$0x4260]  }
0x3c9: {  	v7 =	vadd.f32 v11, v7;
	[tilespmem:s8+$0x10F0] =	vst v0;
	v0 =	vld [tilespmem:s8+$0x5230]  }
0x3ca: {  	v51 =	vld [tilespmem:s8+$0xA230];
	v2 =	vadd.f32 v48, v2;
	v6 =	vadd.f32 v49, v6  }
0x3cb: {  	v52 =	vld [tilespmem:s8+$0xA240];
	v7 =	vadd.f32 v50, v7;
	v3 =	vadd.f32 v3, v13  }
0x3cc: {  	v53 =	vld [tilespmem:s8+$0xA250];
	v2 =	vadd.f32 v55, v2;
	v1 =	vadd.f32 v1, v12  }
0x3cd: {  	v54 =	vld [tilespmem:s8+$0xA260];
	v5 =	vadd.f32 v5, v14;
	v3 =	vadd.f32 v19, v3  }
0x3ce: {  	v56 =	vld [tilespmem:s8+$0xB210];
	v1 =	vadd.f32 v18, v1;
	v0 =	vadd.f32 v0, v9  }
0x3cf: {  	v57 =	vld [tilespmem:s8+$0xB260];
	v5 =	vadd.f32 v20, v5;
	v3 =	vadd.f32 v26, v3  }
0x3d0: {  	v4 =	vld [tilespmem:s8+$0x8260];
	v1 =	vadd.f32 v25, v1;
	v0 =	vadd.f32 v24, v0  }
0x3d1: {  	v9 =	vld [tilespmem:s8+$0x9240];
	v5 =	vadd.f32 v27, v5;
	v3 =	vadd.f32 v33, v3  }
0x3d2: {  	v58 =	vld [tilespmem:s8+$0xC200];
	v1 =	vadd.f32 v32, v1;
	v0 =	vadd.f32 v31, v0  }
0x3d3: {  	v59 =	vld [tilespmem:s8+$0xC210];
	v5 =	vadd.f32 v34, v5;
	v3 =	vadd.f32 v40, v3  }
0x3d4: {  	v10 =	vld [tilespmem:s8+$0xB230];
	v1 =	vadd.f32 v39, v1;
	v0 =	vadd.f32 v38, v0  }
0x3d5: {  	v4 =	vadd.f32 v4, v5;
	v5 =	vld [tilespmem:s8+$0xB220];
	v3 =	vadd.f32 v46, v3  }
0x3d6: {  	v1 =	vadd.f32 v9, v1;
	v9 =	vld [tilespmem:s8+$0xB250];
	v0 =	vadd.f32 v45, v0  }
0x3d7: {  	v61 =	vld [tilespmem:s8+$0xC220];
	v62 =	vadd.f32 v56, v6;
	v4 =	vadd.f32 v47, v4  }
0x3d8: {  	v11 =	vld [tilespmem:s8+$0xB240];
	v60 =	vadd.f32 v53, v3;
	v0 =	vadd.f32 v51, v0  }
0x3d9: {  	v8 =	vld [tilespmem:s8+$0xC230];
	v1 =	vadd.f32 v52, v1;
	v4 =	vadd.f32 v54, v4  }
0x3da: {  	v63 =	vadd.f32 v5, v7;
	v7 =	vld [tilespmem:s8+$0xC240];
	v6 =	vadd.f32 v10, v0  }
0x3db: {  	v5 =	vld [tilespmem:s8+$0xC250];
	v10 =	vadd.f32 v58, v2;
	v2 =	vadd.f32 v9, v60  }
0x3dc: {  	s10 =	simm.s32 $0x80;
	v0 =	vadd.f32 v57, v4;
	v4 =	vld [tilespmem:s8+$0xC260];
	v9 =	vadd.f32 v59, v62  }
0x3dd: {  	s9 =	simm.s32 $0x400;
	v3 =	vadd.f32 v11, v1;
	v1 =	vld [tilespmem:s10+$0x3270];
	v11 =	vmul.f32 $1.000000010e-01, v10;
	v10 =	vadd.f32 v61, v63  }
.LBB2_10:
0x3de: {  	p0 =	sne.s32 s9, $0x3E00;
	v12 =	vld [tilespmem:s10+$0x4270];
	v9 =	vmul.f32 $1.000000010e-01, v9;
	v6 =	vadd.f32 v8, v6  }
0x3df: {  	v8 =	vld [tilespmem:s10+$0x3200];
	[tilespmem:s8+$0x1080] =	vst v11;
	v10 =	vmul.f32 $1.000000010e-01, v10;
	v3 =	vadd.f32 v7, v3  }
0x3e0: {  	v7 =	vld [tilespmem:s10+$0x5270];
	[tilespmem:s8+$0x1090] =	vst v9;
	v6 =	vmul.f32 $1.000000010e-01, v6;
	v2 =	vadd.f32 v5, v2  }
0x3e1: {  	v5 =	vld [tilespmem:s10+$0x4200];
	[tilespmem:s8+$0x10A0] =	vst v10;
	v3 =	vmul.f32 $1.000000010e-01, v3;
	v0 =	vadd.f32 v4, v0  }
0x3e2: {  	v4 =	vld [tilespmem:s10+$0x6270];
	[tilespmem:s8+$0x10B0] =	vst v6;
	v2 =	vmul.f32 $1.000000010e-01, v2  }
0x3e3: {  	v6 =	vld [tilespmem:s10+$0x3210];
	v1 =	vadd.f32 v12, v1;
	[tilespmem:s8+$0x10C0] =	vst v3;
	v0 =	vmul.f32 $1.000000010e-01, v0  }
0x3e4: {  	v3 =	vld [tilespmem:s10+$0x7270];
	[tilespmem:s8+$0x10D0] =	vst v2  }
0x3e5: {  	v2 =	vld [tilespmem:s10+$0x4210];
	v1 =	vadd.f32 v7, v1;
	[tilespmem:s8+$0x10E0] =	vst v0;
	s8 =	smov.u32 s10  }
0x3e6: {  	v0 =	vadd.f32 v5, v8;
	v5 =	vld [tilespmem:s8+$0x8270]  }
0x3e7: {  	v7 =	vld [tilespmem:s8+$0x3220];
	v1 =	vadd.f32 v4, v1  }
0x3e8: {  	v4 =	vld [tilespmem:s8+$0x9270]  }
0x3e9: {  	v8 =	vld [tilespmem:s8+$0x4220];
	v1 =	vadd.f32 v3, v1  }
0x3ea: {  	v2 =	vadd.f32 v2, v6;
	v3 =	vld [tilespmem:s8+$0xA270]  }
0x3eb: {  	v6 =	vld [tilespmem:s8+$0x3230];
	v1 =	vadd.f32 v5, v1  }
0x3ec: {  	v5 =	vld [tilespmem:s8+$0xB270]  }
0x3ed: {  	v9 =	vld [tilespmem:s8+$0x4230];
	v1 =	vadd.f32 v4, v1  }
0x3ee: {  	v4 =	vadd.f32 v8, v7;
	v7 =	vld [tilespmem:s8+$0xC270]  }
0x3ef: {  	v8 =	vld [tilespmem:s8+$0x3240];
	v1 =	vadd.f32 v3, v1  }
0x3f0: {  	v3 =	vld [tilespmem:s8+$0x4240]  }
0x3f1: {  	v10 =	vld [tilespmem:s8+$0x3250];
	v1 =	vadd.f32 v5, v1  }
0x3f2: {  	v5 =	vadd.f32 v9, v6;
	v6 =	vld [tilespmem:s8+$0x4250]  }
0x3f3: {  	v9 =	vld [tilespmem:s8+$0x3260];
	v1 =	vadd.f32 v7, v1  }
0x3f4: {  	v7 =	vld [tilespmem:s8+$0x4260]  }
0x3f5: {  	v11 =	vld [tilespmem:s8+$0x5200];
	v3 =	vadd.f32 v3, v8;
	v1 =	vmul.f32 $1.000000010e-01, v1  }
0x3f6: {  	v8 =	vld [tilespmem:s8+$0x5210]  }
0x3f7: {  	v12 =	vld [tilespmem:s8+$0x5220];
	v6 =	vadd.f32 v6, v10;
	[tilespmem:s8+$0x10F0] =	vst v1  }
0x3f8: {  	v1 =	vld [tilespmem:s8+$0x5230]  }
0x3f9: {  	v10 =	vld [tilespmem:s8+$0x5240];
	v7 =	vadd.f32 v7, v9  }
0x3fa: {  	v0 =	vadd.f32 v11, v0;
	v9 =	vld [tilespmem:s8+$0x5250]  }
0x3fb: {  	v2 =	vadd.f32 v8, v2;
	v8 =	vld [tilespmem:s8+$0x5260]  }
0x3fc: {  	v11 =	vld [tilespmem:s8+$0x6200];
	v4 =	vadd.f32 v12, v4  }
0x3fd: {  	v12 =	vld [tilespmem:s8+$0x6210];
	v1 =	vadd.f32 v1, v5  }
0x3fe: {  	v5 =	vld [tilespmem:s8+$0x6220];
	v3 =	vadd.f32 v10, v3  }
0x3ff: {  	v10 =	vld [tilespmem:s8+$0x6230];
	v6 =	vadd.f32 v9, v6  }
0x400: {  	v9 =	vld [tilespmem:s8+$0x6240];
	v7 =	vadd.f32 v8, v7  }
0x401: {  	v0 =	vadd.f32 v11, v0;
	v8 =	vld [tilespmem:s8+$0x6250]  }
0x402: {  	v2 =	vadd.f32 v12, v2;
	v11 =	vld [tilespmem:s8+$0x6260]  }
0x403: {  	v12 =	vld [tilespmem:s8+$0x7200];
	v4 =	vadd.f32 v5, v4  }
0x404: {  	v5 =	vld [tilespmem:s8+$0x7210];
	v1 =	vadd.f32 v10, v1  }
0x405: {  	v10 =	vld [tilespmem:s8+$0x7220];
	v3 =	vadd.f32 v9, v3  }
0x406: {  	v9 =	vld [tilespmem:s8+$0x7230];
	v6 =	vadd.f32 v8, v6  }
0x407: {  	v8 =	vld [tilespmem:s8+$0x7240];
	v7 =	vadd.f32 v11, v7  }
0x408: {  	v0 =	vadd.f32 v12, v0;
	v11 =	vld [tilespmem:s8+$0x7250]  }
0x409: {  	v2 =	vadd.f32 v5, v2;
	v5 =	vld [tilespmem:s8+$0x7260]  }
0x40a: {  	v12 =	vld [tilespmem:s8+$0x8200];
	v4 =	vadd.f32 v10, v4  }
0x40b: {  	v10 =	vld [tilespmem:s8+$0x8210];
	v1 =	vadd.f32 v9, v1  }
0x40c: {  	v9 =	vld [tilespmem:s8+$0x8220];
	v3 =	vadd.f32 v8, v3  }
0x40d: {  	v8 =	vld [tilespmem:s8+$0x8230];
	v6 =	vadd.f32 v11, v6  }
0x40e: {  	v11 =	vld [tilespmem:s8+$0x8240];
	v5 =	vadd.f32 v5, v7  }
0x40f: {  	v0 =	vadd.f32 v12, v0;
	v7 =	vld [tilespmem:s8+$0x8250]  }
0x410: {  	v2 =	vadd.f32 v10, v2;
	v10 =	vld [tilespmem:s8+$0x8260]  }
0x411: {  	v12 =	vld [tilespmem:s8+$0x9200];
	v4 =	vadd.f32 v9, v4  }
0x412: {  	v9 =	vld [tilespmem:s8+$0x9210];
	v1 =	vadd.f32 v8, v1  }
0x413: {  	v8 =	vld [tilespmem:s8+$0x9220];
	v3 =	vadd.f32 v11, v3  }
0x414: {  	v11 =	vld [tilespmem:s8+$0x9230];
	v6 =	vadd.f32 v7, v6  }
0x415: {  	v7 =	vld [tilespmem:s8+$0x9240];
	v5 =	vadd.f32 v10, v5  }
0x416: {  	v0 =	vadd.f32 v12, v0;
	v10 =	vld [tilespmem:s8+$0x9250]  }
0x417: {  	v2 =	vadd.f32 v9, v2;
	v9 =	vld [tilespmem:s8+$0x9260]  }
0x418: {  	v12 =	vld [tilespmem:s8+$0xA200];
	v4 =	vadd.f32 v8, v4  }
0x419: {  	v8 =	vld [tilespmem:s8+$0xA210];
	v1 =	vadd.f32 v11, v1  }
0x41a: {  	v11 =	vld [tilespmem:s8+$0xA220];
	v3 =	vadd.f32 v7, v3  }
0x41b: {  	v7 =	vld [tilespmem:s8+$0xA230];
	v6 =	vadd.f32 v10, v6  }
0x41c: {  	v10 =	vld [tilespmem:s8+$0xA240];
	v5 =	vadd.f32 v9, v5  }
0x41d: {  	v0 =	vadd.f32 v12, v0;
	v9 =	vld [tilespmem:s8+$0xA250]  }
0x41e: {  	v2 =	vadd.f32 v8, v2;
	v8 =	vld [tilespmem:s8+$0xA260]  }
0x41f: {  	v12 =	vld [tilespmem:s8+$0xB200];
	v4 =	vadd.f32 v11, v4  }
0x420: {  	v11 =	vld [tilespmem:s8+$0xB210];
	v1 =	vadd.f32 v7, v1  }
0x421: {  	v7 =	vld [tilespmem:s8+$0xB220];
	v3 =	vadd.f32 v10, v3  }
0x422: {  	v10 =	vld [tilespmem:s8+$0xB230];
	v9 =	vadd.f32 v9, v6  }
0x423: {  	v13 =	vld [tilespmem:s8+$0xB240];
	v5 =	vadd.f32 v8, v5  }
0x424: {  	v12 =	vadd.f32 v12, v0;
	v0 =	vld [tilespmem:s8+$0xB250]  }
0x425: {  	v11 =	vadd.f32 v11, v2;
	v14 =	vld [tilespmem:s8+$0xB260]  }
0x426: {  	v15 =	vld [tilespmem:s8+$0xC200];
	v16 =	vadd.f32 v7, v4  }
0x427: {  	v4 =	vld [tilespmem:s8+$0xC210];
	v6 =	vadd.f32 v10, v1  }
0x428: {  	v10 =	vld [tilespmem:s8+$0xC220];
	v3 =	vadd.f32 v13, v3  }
.Ltmp4:
0x429: {  	v8 =	vld [tilespmem:s8+$0xC230];
	v2 =	vadd.f32 v0, v9;
	(pc) =	sbr.rel @p0 .LBB2_10-.Ltmp4, $4  }
0x42a: {  	v7 =	vld [tilespmem:s8+$0xC240];
	v0 =	vadd.f32 v14, v5  }
0x42b: {  	v12 =	vadd.f32 v15, v12;
	v5 =	vld [tilespmem:s8+$0xC250]  }
0x42c: {  	s10 =	sshra.s32 s9, $0x2;
	v9 =	vadd.f32 v4, v11;
	v4 =	vld [tilespmem:s8+$0xC260]  }
0x42d: {  	s9 =	sadd.s32 $0x200, s9;
	v1 =	vld [tilespmem:s10+$0x3270];
	v11 =	vmul.f32 $1.000000010e-01, v12;
	v10 =	vadd.f32 v10, v16  }
0x42e: {  	v12 =	vld [tilespmem:s10+$0x4270];
	v9 =	vmul.f32 $1.000000010e-01, v9;
	v6 =	vadd.f32 v8, v6  }
0x42f: {  	v13 =	vld [tilespmem:s10+$0x3200];
	[tilespmem:s8+$0x1080] =	vst v11;
	v57 =	vmul.f32 $1.000000010e-01, v10;
	v3 =	vadd.f32 v7, v3  }
0x430: {  	v11 =	vld [tilespmem:s10+$0x5270];
	[tilespmem:s8+$0x1090] =	vst v9;
	v6 =	vmul.f32 $1.000000010e-01, v6;
	v2 =	vadd.f32 v5, v2  }
0x431: {  	v9 =	vld [tilespmem:s10+$0x4200];
	[tilespmem:s8+$0x10A0] =	vst v57;
	v3 =	vmul.f32 $1.000000010e-01, v3;
	v0 =	vadd.f32 v4, v0  }
0x432: {  	v58 =	vld [tilespmem:s10+$0x6270];
	[tilespmem:s8+$0x10B0] =	vst v6;
	v2 =	vmul.f32 $1.000000010e-01, v2  }
0x433: {  	v59 =	vld [tilespmem:s10+$0x3210];
	[tilespmem:s8+$0x10C0] =	vst v3;
	v0 =	vmul.f32 $1.000000010e-01, v0  }
0x434: {  	v3 =	vld [tilespmem:s10+$0x7270];
	[tilespmem:s8+$0x10D0] =	vst v2  }
0x435: {  	v2 =	vld [tilespmem:s10+$0x4210];
	[tilespmem:s8+$0x10E0] =	vst v0  }
0x436: {  	v61 =	vld [tilespmem:s10+$0x8270]  }
0x437: {  	v62 =	vld [tilespmem:s10+$0x3220]  }
0x438: {  	v6 =	vld [tilespmem:s10+$0x9270]  }
0x439: {  	v63 =	vld [tilespmem:s10+$0x4220]  }
0x43a: {  	v42 =	vld [tilespmem:s10+$0xA270]  }
0x43b: {  	v8 =	vld [tilespmem:s10+$0x3230]  }
0x43c: {  	v43 =	vld [tilespmem:s10+$0xB270]  }
0x43d: {  	v44 =	vld [tilespmem:s10+$0x4230]  }
0x43e: {  	v45 =	vld [tilespmem:s10+$0xC270]  }
0x43f: {  	v46 =	vld [tilespmem:s10+$0x3240]  }
0x440: {  	v47 =	vld [tilespmem:s10+$0x4240]  }
0x441: {  	v48 =	vld [tilespmem:s10+$0x3250]  }
0x442: {  	v49 =	vld [tilespmem:s10+$0x4250]  }
0x443: {  	v14 =	vld [tilespmem:s10+$0x3260]  }
0x444: {  	v50 =	vld [tilespmem:s10+$0x4260]  }
0x445: {  	v15 =	vld [tilespmem:s10+$0x5200]  }
0x446: {  	v16 =	vld [tilespmem:s10+$0x5210]  }
0x447: {  	v17 =	vld [tilespmem:s10+$0x5220]  }
0x448: {  	v51 =	vld [tilespmem:s10+$0x5230]  }
0x449: {  	v18 =	vld [tilespmem:s10+$0x5240]  }
0x44a: {  	v19 =	vld [tilespmem:s10+$0x5250]  }
0x44b: {  	v20 =	vld [tilespmem:s10+$0x5260]  }
0x44c: {  	v21 =	vld [tilespmem:s10+$0x6200]  }
0x44d: {  	v22 =	vld [tilespmem:s10+$0x6210]  }
0x44e: {  	v23 =	vld [tilespmem:s10+$0x6220]  }
0x44f: {  	v24 =	vld [tilespmem:s10+$0x6230]  }
0x450: {  	v25 =	vld [tilespmem:s10+$0x6240]  }
0x451: {  	v26 =	vld [tilespmem:s10+$0x6250]  }
0x452: {  	v27 =	vld [tilespmem:s10+$0x6260]  }
0x453: {  	v28 =	vld [tilespmem:s10+$0x7200]  }
0x454: {  	v29 =	vld [tilespmem:s10+$0x7210]  }
0x455: {  	v30 =	vld [tilespmem:s10+$0x7220]  }
0x456: {  	v31 =	vld [tilespmem:s10+$0x7230]  }
0x457: {  	v32 =	vld [tilespmem:s10+$0x7240]  }
0x458: {  	v1 =	vadd.f32 v12, v1;
	v33 =	vld [tilespmem:s10+$0x7250]  }
0x459: {  	v34 =	vld [tilespmem:s10+$0x7260]  }
0x45a: {  	v60 =	vadd.f32 v11, v1;
	v35 =	vld [tilespmem:s10+$0x8200]  }
0x45b: {  	v36 =	vld [tilespmem:s10+$0x8210]  }
0x45c: {  	v37 =	vld [tilespmem:s10+$0x8220];
	v0 =	vadd.f32 v58, v60  }
0x45d: {  	v38 =	vld [tilespmem:s10+$0x8230]  }
0x45e: {  	v39 =	vld [tilespmem:s10+$0x8240];
	v0 =	vadd.f32 v3, v0  }
0x45f: {  	v40 =	vld [tilespmem:s10+$0x8250];
	v9 =	vadd.f32 v9, v13;
	v2 =	vadd.f32 v2, v59  }
0x460: {  	v41 =	vld [tilespmem:s10+$0x8260];
	v0 =	vadd.f32 v61, v0;
	v4 =	vadd.f32 v63, v62  }
0x461: {  	v52 =	vld [tilespmem:s10+$0x9200];
	v54 =	vadd.f32 v44, v8;
	v3 =	vadd.f32 v47, v46  }
0x462: {  	v53 =	vld [tilespmem:s10+$0x9210];
	v1 =	vadd.f32 v49, v48;
	v9 =	vadd.f32 v15, v9  }
0x463: {  	v55 =	vld [tilespmem:s10+$0x9220];
	v2 =	vadd.f32 v16, v2;
	v0 =	vadd.f32 v6, v0  }
0x464: {  	v56 =	vld [tilespmem:s10+$0x9230];
	v6 =	vadd.f32 v50, v14;
	v4 =	vadd.f32 v17, v4  }
0x465: {  	v57 =	vld [tilespmem:s10+$0x9240];
	v3 =	vadd.f32 v18, v3;
	v1 =	vadd.f32 v19, v1  }
0x466: {  	v58 =	vld [tilespmem:s10+$0x9250];
	v9 =	vadd.f32 v21, v9;
	v2 =	vadd.f32 v22, v2  }
0x467: {  	v60 =	vld [tilespmem:s10+$0xA200];
	v0 =	vadd.f32 v42, v0;
	v6 =	vadd.f32 v20, v6  }
0x468: {  	v59 =	vld [tilespmem:s10+$0x9260];
	v4 =	vadd.f32 v23, v4;
	v3 =	vadd.f32 v25, v3  }
0x469: {  	v61 =	vld [tilespmem:s10+$0xA210];
	v1 =	vadd.f32 v26, v1;
	v9 =	vadd.f32 v28, v9  }
0x46a: {  	v62 =	vld [tilespmem:s10+$0xA220];
	v2 =	vadd.f32 v29, v2;
	v0 =	vadd.f32 v43, v0  }
0x46b: {  	v63 =	vld [tilespmem:s10+$0xA230];
	v6 =	vadd.f32 v27, v6;
	v4 =	vadd.f32 v30, v4  }
0x46c: {  	v44 =	vld [tilespmem:s10+$0xA260];
	v3 =	vadd.f32 v32, v3;
	v1 =	vadd.f32 v33, v1  }
0x46d: {  	v46 =	vld [tilespmem:s10+$0xB210];
	v9 =	vadd.f32 v35, v9;
	v2 =	vadd.f32 v36, v2  }
0x46e: {  	v47 =	vld [tilespmem:s10+$0xB220];
	v0 =	vadd.f32 v45, v0;
	v6 =	vadd.f32 v34, v6  }
0x46f: {  	v48 =	vld [tilespmem:s10+$0xB230];
	v4 =	vadd.f32 v37, v4;
	v3 =	vadd.f32 v39, v3  }
0x470: {  	v49 =	vld [tilespmem:s10+$0xB240];
	v1 =	vadd.f32 v40, v1;
	v9 =	vadd.f32 v52, v9  }
0x471: {  	v42 =	vld [tilespmem:s10+$0xA240];
	v2 =	vadd.f32 v53, v2;
	v0 =	vmul.f32 $1.000000010e-01, v0;
	v6 =	vadd.f32 v41, v6  }
0x472: {  	v43 =	vld [tilespmem:s10+$0xA250];
	v4 =	vadd.f32 v55, v4;
	v3 =	vadd.f32 v57, v3  }
0x473: {  	v45 =	vld [tilespmem:s10+$0xB200];
	v1 =	vadd.f32 v58, v1;
	[tilespmem:s10+$0x10F0] =	vst v0;
	v0 =	vadd.f32 v51, v54  }
0x474: {  	v50 =	vld [tilespmem:s10+$0xB250];
	v9 =	vadd.f32 v60, v9;
	v2 =	vadd.f32 v61, v2  }
0x475: {  	v52 =	vld [tilespmem:s10+$0xC200];
	v6 =	vadd.f32 v59, v6;
	v0 =	vadd.f32 v24, v0  }
0x476: {  	v53 =	vld [tilespmem:s10+$0xC210];
	v4 =	vadd.f32 v62, v4;
	v3 =	vadd.f32 v42, v3  }
0x477: {  	v57 =	vld [tilespmem:s10+$0xC250];
	v1 =	vadd.f32 v43, v1;
	v0 =	vadd.f32 v31, v0  }
0x478: {  	v51 =	vld [tilespmem:s10+$0xB260];
	v9 =	vadd.f32 v45, v9;
	v2 =	vadd.f32 v46, v2  }
0x479: {  	v54 =	vld [tilespmem:s10+$0xC220];
	v6 =	vadd.f32 v44, v6;
	v0 =	vadd.f32 v38, v0  }
0x47a: {  	v58 =	vld [tilespmem:s10+$0xC260];
	v4 =	vadd.f32 v47, v4;
	v1 =	vadd.f32 v50, v1  }
0x47b: {  	v9 =	vadd.f32 v52, v9;
	v0 =	vadd.f32 v56, v0;
	v56 =	vld [tilespmem:s10+$0xC240]  }
0x47c: {  	v55 =	vld [tilespmem:s10+$0xC230];
	v2 =	vadd.f32 v53, v2;
	v1 =	vadd.f32 v57, v1  }
0x47d: {  	v59 =	vmul.f32 $1.000000010e-01, v9;
	v6 =	vadd.f32 v51, v6;
	v0 =	vadd.f32 v63, v0  }
0x47e: {  	v3 =	vadd.f32 v49, v3;
	v4 =	vadd.f32 v54, v4;
	v2 =	vmul.f32 $1.000000010e-01, v2  }
0x47f: {  	v62 =	vmul.f32 $1.000000010e-01, v1;
	[tilespmem:s10+$0x1080] =	vst v59;
	v61 =	vadd.f32 v58, v6;
	v0 =	vadd.f32 v48, v0  }
0x480: {  	v4 =	vmul.f32 $1.000000010e-01, v4;
	[tilespmem:s10+$0x1090] =	vst v2;
	v3 =	vadd.f32 v56, v3  }
0x481: {  	[tilespmem:s10+$0x10D0] =	vst v62;
	v63 =	vmul.f32 $1.000000010e-01, v61;
	v0 =	vadd.f32 v55, v0  }
0x482: {  	[tilespmem:s10+$0x10A0] =	vst v4;
	v60 =	vmul.f32 $1.000000010e-01, v3  }
0x483: {  	[tilespmem:s10+$0x10E0] =	vst v63;
	v0 =	vmul.f32 $1.000000010e-01, v0  }
0x484: {  	[tilespmem:s10+$0x10C0] =	vst v60  }
0x485: {  	s20 =	rddreg [dreg:$0x8];
	[tilespmem:s10+$0x10B0] =	vst v0  }
0x486: {  	[hbm4b:s20+s2] =	stream.linear.scatter [tilespmem:s26], [sflag:$0x9], $0x1000, $0x38;
	[tilespmem:$0x19200] =	vst v63  }
0x487: {  	_ =	swait.ge [sflag:s13], $0x1000  }
0x488: {  	s9 =	rddreg [dreg:$0xa]  }
0x489: {  	s30 =	rddreg [dreg:$0x9];
	s9 =	sadd.s32 $0x1, s9  }
0x48a: {  	p0 =	sne.s32 s9, s30  }
.Ltmp5:
0x48b: {  	_ = 	snop;
	(pc) =	sbr.rel @p0 .LBB2_1-.Ltmp5, $3  }
0x48c: {  	_ =	sdelay $0x1  }
0x48d: {  	[sflag:s13] =	ssyncset.done $0x0  }
0x48e: {  	[sflag:s13] =	ssyncadd.s32 $0xFFFFF000  }
0x48f: {  	_ =	sfence.sel $0x180000  }
0x490: {  	[bflag:$0x0] =	sbarrier.arrive $0xFFFF  }
0x491: {  	_ =	strace $0x90000047  }
0x492: {  	s0 =	stileid.u32;
	[bflag:$0x2] =	sbarrier.arrive $0xFFFF  }
0x493: {  	p0 =	sne.s32 s0, $0x0;
	s0 =	rddreg [dreg:$0x4]  }
0x494: {  	s0 =	sadd.s32 @!p0 $0x100000, s0  }
0x495: {  	[sflag:s0] =	ssyncadd.tile.s32 @!p0 $0x1;
	_ =	shalt  }
.Lfunc_end2:
_tile_overlayer_lowered:
.L_overlay_start_2:
0x496: {  	(tag) =	ssettag $0x2  }
0x497: {  	s0 =	rddreg [dreg:$0x0];
	s2 =	stileid.u32  }
0x498: {  	s1 =	rddreg [dreg:$0x1];
	p0 =	sne.s32 s2, $0x0  }
0x499: {  	s3 =	rddreg [dreg:$0x2];
	[bflag:$0x3] =	sbarrier.arrive $0xFFFF;
	s2 =	simm.s32 @!p0 $0x1C09  }
0x49a: {  	[timem:s3], [sflag:s2] =	dma.local @!p0 [hbm:s0], s1  }
0x49b: {  	s0 =	simm.s32 @!p0 $0x9  }
0x49c: {  	_ =	swait.ge @!p0 [sflag:s0], s1  }
0x49d: {  	s1 =	ssub.s32 @!p0 $0x0, s1;
	[sflag:s0] =	ssyncset.done @!p0 $0x0  }
0x49e: {  	[sflag:s0] =	ssyncadd.s32 @!p0 s1  }
0x49f: {  	[bflag:$0x3] =	sbarrier.arrive $0xFFFF  }
0x4a0: {  	_ =	shalt  }

</sc_bundles>
